<compile_context>
chip_gen: v7x
topology: tpu7x:2x2x1
jax: 0.10.2.dev20260603
libtpu: 0.0.44.dev20260713+nightly
codegen_flags: <defaults>
</compile_context>

<pallas_src>
import dataclasses
import functools

import numpy as np

import jax
import jax.numpy as jnp
from jax import lax
from jax.experimental import pallas as pl
from jax.experimental.pallas import tpu as pltpu
from jax.experimental.pallas import tpu_sc as plsc

N = 2048
E = 65536
B = 8
NPG = 256
H = 64
K7 = 7
TI = 128
RT = 144
NT = NPG // TI
GPR = 176

_MM_PREC = lax.Precision.DEFAULT


SUB = 16
EPT = E // SUB
SROWS = 512
TRASH = SROWS * N
SHW = TRASH + 128
ZBLK = 16384
SLICE = SROWS * N // SUB


_SC_PARAMS = pltpu.CompilerParams()
if "needs_layout_passes" in pltpu.CompilerParams.__dataclass_fields__:
    _SC_PARAMS = dataclasses.replace(_SC_PARAMS, needs_layout_passes=False)


def _build_adj(edge_index, w):
    mesh = plsc.VectorSubcoreMesh(core_axis_name="c", subcore_axis_name="s")

    @functools.partial(
        pl.kernel,
        out_type=jax.ShapeDtypeStruct((N * N,), jnp.float32),
        mesh=mesh,
        compiler_params=_SC_PARAMS,
        scratch_types=[
            pltpu.VMEM((EPT,), jnp.int32),
            pltpu.VMEM((EPT,), jnp.int32),
            pltpu.VMEM((EPT // 128, 128), jnp.float32),
            pltpu.VMEM((EPT // 128, 128), jnp.int32),
            pltpu.VMEM((ZBLK,), jnp.float32),
            pltpu.VMEM_SHARED((SHW,), jnp.float32),
            pltpu.SemaphoreType.DMA,
        ],
    )
    def k(ei_hbm, w_hbm, out_hbm, s_v, d_v, w2, idx2, zb, shared, sem):
        cid = lax.axis_index("c")
        sid = lax.axis_index("s")
        base_e = sid * EPT
        pltpu.sync_copy(ei_hbm.at[0, pl.ds(base_e, EPT)], s_v)
        pltpu.sync_copy(ei_hbm.at[1, pl.ds(base_e, EPT)], d_v)
        for j in range(EPT // 128):
            pltpu.async_copy(w_hbm.at[pl.ds(base_e + j * 128, 128)],
                             w2.at[j], sem)

        @pl.loop(0, ZBLK // 64)
        def _zb(i):
            z = jnp.zeros((16,), jnp.float32)
            for u in range(4):
                zb[pl.ds(i * 64 + u * 16, 16)] = z

        for j in range(EPT // 128):
            pltpu.make_async_copy(w_hbm.at[pl.ds(base_e + j * 128, 128)],
                                  w2.at[j], sem).wait()

        lanes = lax.iota(jnp.int32, 16)
        for gi in range(2):
            row0 = (cid * 2 + gi) * SROWS
            zoff = pl.multiple_of(sid * SLICE, 64)
            for j in range(SLICE // ZBLK):
                pltpu.async_copy(zb, shared.at[pl.ds(zoff + j * ZBLK, ZBLK)],
                                 sem)
            for j in range(SLICE // ZBLK):
                pltpu.make_async_copy(
                    zb, shared.at[pl.ds(zoff + j * ZBLK, ZBLK)], sem).wait()
            plsc.subcore_barrier()

            @pl.loop(0, EPT // 128)
            def _mkidx(jj):
                for u in range(8):
                    i = jj * 8 + u
                    sl = pl.ds(i * 16, 16)
                    rel = d_v[sl] - row0
                    m = (rel >= 0) & (rel < SROWS)
                    spread = (TRASH + (i & 7) * 16) + lanes
                    idx = jnp.where(m, rel * N + s_v[sl], spread)
                    idx2[jj, pl.ds(u * 16, 16)] = idx

            for j in range(EPT // 128):
                pltpu.sync_copy(w2.at[j], shared.at[idx2.at[j]], add=True)
            plsc.subcore_barrier()

            out0 = pl.multiple_of(row0 * N + sid * SLICE, 64)
            pltpu.sync_copy(shared.at[pl.ds(zoff, SLICE)],
                            out_hbm.at[pl.ds(out0, SLICE)])
            plsc.subcore_barrier()

    return k(edge_index, w)


def _gcn_body(a_ref, x_ref, w0_ref, b0_ref, w1_ref, b1_ref, w2_ref, b2_ref,
              out_ref, outt_ref):
    a = a_ref[...]
    deg = jnp.sum(a, axis=1) + 2.0
    dinv = jnp.where(deg > 0, lax.rsqrt(deg), 0.0)
    dcol = dinv[:, None]
    loop_w = 2.0 * dcol * dcol
    h = x_ref[...]
    for w_r, b_r in ((w0_ref, b0_ref), (w1_ref, b1_ref), (w2_ref, b2_ref)):
        hp = jnp.dot(h, w_r[...], precision=_MM_PREC)
        u = jnp.dot(a, hp * dcol, precision=_MM_PREC)
        h = jax.nn.relu(dcol * u + loop_w * hp + b_r[...][None, :])
    out_ref[...] = h
    outt_ref[...] = h.T.astype(jnp.bfloat16)


def _gcn(a, x, w0, b0, w1, b1, w2, b2):
    return pl.pallas_call(
        _gcn_body,
        out_shape=(jax.ShapeDtypeStruct((N, H), jnp.float32),
                   jax.ShapeDtypeStruct((H, N), jnp.bfloat16)),
    )(a, x, w0, b0, w1, b1, w2, b2)


def _decode_body(z_ref, zt_ref, whc_ref, wp_ref, bh_ref, bp_ref, sel_ref,
                 out_ref, gp_ref):
    t = pl.program_id(1)
    i0 = t * TI
    st = pl.multiple_of(jnp.clip(i0 - 8, 0, NPG - RT), 8)
    off = i0 - st + 3

    zt = zt_ref[...]
    zr = z_ref[pl.ds(st, RT), :]
    zrt = zr.T.astype(jnp.bfloat16)
    diff = jnp.abs(zrt[:, :, None] - zt[:, None, :])
    prod = zrt[:, :, None] * zt[:, None, :]
    cat = jnp.concatenate([diff, prod], axis=0)
    c2 = cat.reshape(2 * H, RT * NPG)
    hmt = jax.nn.relu(
        jnp.dot(whc_ref[...], c2, precision=_MM_PREC,
                preferred_element_type=jnp.float32)
        + bh_ref[...][:, None]).astype(jnp.bfloat16)
    g = jnp.dot(wp_ref[...], hmt, precision=_MM_PREC,
                preferred_element_type=jnp.float32)
    g3 = g.reshape(K7, K7, RT, NPG).astype(jnp.bfloat16)
    zc = jnp.zeros((K7, K7, RT, 3), jnp.bfloat16)
    zs = jnp.zeros((K7, K7, 16, NPG + 6), jnp.bfloat16)
    gp_ref[:, :, pl.ds(0, 16), :] = zs
    gp_ref[:, :, pl.ds(GPR - 16, 16), :] = zs
    gp_ref[:, :, pl.ds(16, RT), :] = jnp.concatenate([zc, g3, zc], axis=3)

    soff = pl.multiple_of(((off - 3) // 8) * TI, 16)
    sel = sel_ref[pl.ds(soff, TI), :]
    y1 = jnp.zeros((TI, NPG), jnp.float32)
    y2 = jnp.zeros((TI, NPG), jnp.float32)
    for v in range(K7):
        rhs1 = gp_ref[:, v].reshape(K7 * GPR, NPG + 6)
        acc1 = jnp.dot(sel, rhs1, precision=_MM_PREC,
                       preferred_element_type=jnp.float32)
        y1 = y1 + lax.slice(acc1, (0, v), (TI, v + NPG))
        rhs2 = gp_ref[v].reshape(K7 * GPR, NPG + 6)
        acc2 = jnp.dot(sel, rhs2, precision=_MM_PREC,
                       preferred_element_type=jnp.float32)
        y2 = y2 + lax.slice(acc2, (0, v), (TI, v + NPG))
    bp = bp_ref[0, 0]
    c = 0.5 * (jax.nn.sigmoid(y1 + bp) + jax.nn.sigmoid(y2 + bp))
    out_ref[0, 0] = c


_SEL_NP = np.zeros((3 * TI, K7 * GPR), np.float32)
for _ci, _offv in enumerate((3, 11, 19)):
    for _a in range(K7):
        for _l in range(TI):
            _SEL_NP[_ci * TI + _l, _a * GPR + 10 + _offv + _a + _l] = 1.0


def _decode(h3, h3t, whc, wp49, bh, bp2):
    sel = jnp.asarray(_SEL_NP, dtype=jnp.bfloat16)
    return pl.pallas_call(
        _decode_body,
        grid=(B, NT),
        in_specs=[
            pl.BlockSpec((NPG, H), lambda b, t: (b, 0)),
            pl.BlockSpec((H, NPG), lambda b, t: (0, b)),
            pl.BlockSpec((H, 2 * H), lambda b, t: (0, 0)),
            pl.BlockSpec((K7 * K7, H), lambda b, t: (0, 0)),
            pl.BlockSpec((H,), lambda b, t: (0,)),
            pl.BlockSpec((1, 1), lambda b, t: (0, 0)),
            pl.BlockSpec((3 * TI, K7 * GPR), lambda b, t: (0, 0)),
        ],
        out_specs=pl.BlockSpec((1, 1, TI, NPG), lambda b, t: (b, 0, t, 0)),
        out_shape=jax.ShapeDtypeStruct((B, 1, NPG, NPG), jnp.float32),
        scratch_shapes=[pltpu.VMEM((K7, K7, GPR, NPG + 6), jnp.bfloat16)],
    )(h3, h3t, whc, wp49, bh, bp2, sel)


def kernel(x, edge_index, edge_attr, batch, W0, b0, W1, b1, W2, b2,
           Wh, bh, Wp, bp):
    a = _build_adj(edge_index, edge_attr).reshape(N, N)
    h3, h3t = _gcn(a, x, W0, b0, W1, b1, W2, b2)
    whc = Wh[:, :, 0, 0].astype(jnp.bfloat16)
    wp49 = Wp[0].reshape(H, K7 * K7).T.astype(jnp.bfloat16)
    bp2 = bp.reshape(1, 1)
    return _decode(h3, h3t, whc, wp49, bh, bp2)

# --- scband reference (transcript-rebuilt; emitter-appended) ---
"""Pipeline reference for scband-grap-hi-c-65747359367967 (READ-ONLY COPY).

The authoritative reference and input builder live on the scoring server;
editing this copy changes nothing except your own understanding.
"""

import jax, jax.numpy as jnp
import numpy as np

N = 2048
E = 65536
B = 8
NPG = 256
DIN = 4
H = 64
WIDTH = 7

def setup_inputs(seed: int = 0):
    key = jax.random.key(seed)
    ks = jax.random.split(key, 10)
    x = jax.random.normal(ks[0], (N, DIN), dtype=jnp.float32)
    edge_index = jax.random.randint(ks[1], (2, E), 0, N, dtype=jnp.int32)
    edge_attr = jax.random.uniform(ks[2], (E,), dtype=jnp.float32)
    batch = (jnp.arange(N) // NPG).astype(jnp.int32)
    W0 = jax.random.normal(ks[3], (DIN, H), dtype=jnp.float32) * 0.3
    b0 = jnp.zeros((H,), dtype=jnp.float32)
    W1 = jax.random.normal(ks[4], (H, H), dtype=jnp.float32) * 0.1
    b1 = jnp.zeros((H,), dtype=jnp.float32)
    W2 = jax.random.normal(ks[5], (H, H), dtype=jnp.float32) * 0.1
    b2 = jnp.zeros((H,), dtype=jnp.float32)
    Wh = jax.random.normal(ks[6], (H, 2 * H, 1, 1), dtype=jnp.float32) * 0.05
    bh = jnp.zeros((H,), dtype=jnp.float32)
    Wp = jax.random.normal(ks[7], (1, H, WIDTH, WIDTH), dtype=jnp.float32) * 0.05
    bp = jnp.zeros((1,), dtype=jnp.float32)
    return {"x": x, "edge_index": edge_index, "edge_attr": edge_attr, "batch": batch,
            "W0": W0, "b0": b0, "W1": W1, "b1": b1, "W2": W2, "b2": b2,
            "Wh": Wh, "bh": bh, "Wp": Wp, "bp": bp}

def gcn_conv(x, src, dst, w, W, b):
    # GCNConv(normalize=True, improved=True): add self-loops with weight 2.0,
    # symmetric normalization, weighted scatter-add aggregation.
    n = x.shape[0]
    loop = jnp.arange(n, dtype=src.dtype)
    s = jnp.concatenate([src, loop])
    d = jnp.concatenate([dst, loop])
    ww = jnp.concatenate([w, jnp.full((n,), 2.0, dtype=w.dtype)])
    deg = jnp.zeros((n,), dtype=w.dtype).at[d].add(ww)
    dinv = jnp.where(deg > 0, jax.lax.rsqrt(deg), 0.0)
    norm = dinv[s] * ww * dinv[d]
    h = x @ W
    msg = h[s] * norm[:, None]
    out = jnp.zeros((n, W.shape[1]), dtype=h.dtype).at[d].add(msg)
    return out + b

def conv2d(x, w, b, pad):
    y = jax.lax.conv_general_dilated(x, w, (1, 1), [(pad, pad), (pad, pad)],
                                     dimension_numbers=("NCHW", "OIHW", "NCHW"))
    return y + b[None, :, None, None]

def reference(x, edge_index, edge_attr, batch, W0, b0, W1, b1, W2, b2, Wh, bh, Wp, bp):
    src, dst = edge_index[0], edge_index[1]
    h = jax.nn.relu(gcn_conv(x, src, dst, edge_attr, W0, b0))
    h = jax.nn.relu(gcn_conv(h, src, dst, edge_attr, W1, b1))
    h = jax.nn.relu(gcn_conv(h, src, dst, edge_attr, W2, b2))
    # process_graph_batch: reshape to [num_graphs, nodes_per_graph, H]
    Z = h.reshape(B, NPG, H).transpose(0, 2, 1)  # [B, H, n]
    # ContactCNN (D-SCRIPT style): pairwise |z_i - z_j| and z_i * z_j features,
    # 1x1 conv to hidden, 7x7 conv to 1-channel contact map, sigmoid, symmetrize.
    z_dif = jnp.abs(Z[:, :, :, None] - Z[:, :, None, :])
    z_mul = Z[:, :, :, None] * Z[:, :, None, :]
    z_cat = jnp.concatenate([z_dif, z_mul], axis=1)  # [B, 2H, n, n]
    hm = jax.nn.relu(conv2d(z_cat, Wh, bh, 0))
    c = jax.nn.sigmoid(conv2d(hm, Wp, bp, WIDTH // 2))
    c = 0.5 * (c + jnp.swapaxes(c, 2, 3))
    return c

if __name__ == "__main__":
    import jax
    _d = setup_inputs()
    print(jax.jit(kernel)(*tuple(_d.values())))

</pallas_src>

<mosaic_0001>
#map = affine_map<(d0, d1) -> (0, 0)>
#map1 = affine_map<(d0, d1) -> (0)>
module attributes {stable_mosaic.version = 14 : i64} {
  func.func @k(%arg0: i32, %arg1: i32, %arg2: memref<2x65536xi32, #tpu.memory_space<hbm>>, %arg3: memref<65536xf32, #tpu.memory_space<hbm>>, %arg4: memref<4194304xf32, #tpu.memory_space<hbm>>, %arg5: memref<4096xi32, #tpu.memory_space<vmem>>, %arg6: memref<4096xi32, #tpu.memory_space<vmem>>, %arg7: memref<32x128xf32, #tpu.memory_space<vmem>>, %arg8: memref<32x128xi32, #tpu.memory_space<vmem>>, %arg9: memref<16384xf32, #tpu.memory_space<vmem>>, %arg10: memref<1048704xf32, #tpu.memory_space<vmem_shared>>, %arg11: memref<!tpu.dma_semaphore, #tpu.memory_space<semaphore_mem>>) attributes {dimension_semantics = [#tpu.dimension_semantics<core_parallel>, #tpu.dimension_semantics<subcore_parallel>], iteration_bounds = array<i64: 2, 16>, scalar_prefetch = 0 : i64, scratch_operands = 7 : i64, tpu.core_type = #tpu.core_type<sc_vector_subcore>, window_params = [{transform_indices = #map}, {transform_indices = #map1}, {transform_indices = #map1}]} {
    %mul3A = arith.constant 4096 : i32
    %mul3A_0 = arith.muli %arg1, %mul3A : i32
    %run_scoped3A = arith.constant 0 : i32
    "tpu.region"() ({
      %run_scoped3A_943 = tpu.sem_alloc : memref<!tpu.dma_semaphore, #tpu.memory_space<semaphore_mem>>
      %dma_start3A_944 = tpu.memref_slice %arg2[%run_scoped3A, %mul3A_0] : memref<2x65536xi32, #tpu.memory_space<hbm>> -> memref<1x4096xi32, #tpu.memory_space<hbm>>
      %dma_start3A_945 = tpu.memref_squeeze %dma_start3A_944 : memref<1x4096xi32, #tpu.memory_space<hbm>> -> memref<4096xi32, #tpu.memory_space<hbm>>
      %dma_start3A_946 = tpu.memref_slice %arg2[%run_scoped3A, %mul3A_0] : memref<2x65536xi32, #tpu.memory_space<hbm>> -> memref<1x4096xi32, #tpu.memory_space<hbm>>
      %dma_start3A_947 = tpu.memref_squeeze %dma_start3A_946 : memref<1x4096xi32, #tpu.memory_space<hbm>> -> memref<4096xi32, #tpu.memory_space<hbm>>
      tpu.enqueue_dma source(%dma_start3A_947 : memref<4096xi32, #tpu.memory_space<hbm>>) target(%arg5 : memref<4096xi32, #tpu.memory_space<vmem>>) target_semaphore(%run_scoped3A_943 : memref<!tpu.dma_semaphore, #tpu.memory_space<semaphore_mem>>)
      %dma_wait3A_948 = tpu.memref_slice %arg2[%run_scoped3A, %mul3A_0] : memref<2x65536xi32, #tpu.memory_space<hbm>> -> memref<1x4096xi32, #tpu.memory_space<hbm>>
      %dma_wait3A_949 = tpu.memref_squeeze %dma_wait3A_948 : memref<1x4096xi32, #tpu.memory_space<hbm>> -> memref<4096xi32, #tpu.memory_space<hbm>>
      %dma_wait3A_950 = tpu.memref_slice %arg2[%run_scoped3A, %mul3A_0] : memref<2x65536xi32, #tpu.memory_space<hbm>> -> memref<1x4096xi32, #tpu.memory_space<hbm>>
      %dma_wait3A_951 = tpu.memref_squeeze %dma_wait3A_950 : memref<1x4096xi32, #tpu.memory_space<hbm>> -> memref<4096xi32, #tpu.memory_space<hbm>>
      tpu.wait_dma2 semaphore(%run_scoped3A_943 : memref<!tpu.dma_semaphore, #tpu.memory_space<semaphore_mem>>) src(%dma_wait3A_951 : memref<4096xi32, #tpu.memory_space<hbm>>) dst(%arg5 : memref<4096xi32, #tpu.memory_space<vmem>>)
      tpu.yield
    }) : () -> ()
    %run_scoped3A_1 = arith.constant 1 : i32
    "tpu.region"() ({
      %run_scoped3A_943 = tpu.sem_alloc : memref<!tpu.dma_semaphore, #tpu.memory_space<semaphore_mem>>
      %dma_start3A_944 = tpu.memref_slice %arg2[%run_scoped3A_1, %mul3A_0] : memref<2x65536xi32, #tpu.memory_space<hbm>> -> memref<1x4096xi32, #tpu.memory_space<hbm>>
      %dma_start3A_945 = tpu.memref_squeeze %dma_start3A_944 : memref<1x4096xi32, #tpu.memory_space<hbm>> -> memref<4096xi32, #tpu.memory_space<hbm>>
      %dma_start3A_946 = tpu.memref_slice %arg2[%run_scoped3A_1, %mul3A_0] : memref<2x65536xi32, #tpu.memory_space<hbm>> -> memref<1x4096xi32, #tpu.memory_space<hbm>>
      %dma_start3A_947 = tpu.memref_squeeze %dma_start3A_946 : memref<1x4096xi32, #tpu.memory_space<hbm>> -> memref<4096xi32, #tpu.memory_space<hbm>>
      tpu.enqueue_dma source(%dma_start3A_947 : memref<4096xi32, #tpu.memory_space<hbm>>) target(%arg6 : memref<4096xi32, #tpu.memory_space<vmem>>) target_semaphore(%run_scoped3A_943 : memref<!tpu.dma_semaphore, #tpu.memory_space<semaphore_mem>>)
      %dma_wait3A_948 = tpu.memref_slice %arg2[%run_scoped3A_1, %mul3A_0] : memref<2x65536xi32, #tpu.memory_space<hbm>> -> memref<1x4096xi32, #tpu.memory_space<hbm>>
      %dma_wait3A_949 = tpu.memref_squeeze %dma_wait3A_948 : memref<1x4096xi32, #tpu.memory_space<hbm>> -> memref<4096xi32, #tpu.memory_space<hbm>>
      %dma_wait3A_950 = tpu.memref_slice %arg2[%run_scoped3A_1, %mul3A_0] : memref<2x65536xi32, #tpu.memory_space<hbm>> -> memref<1x4096xi32, #tpu.memory_space<hbm>>
      %dma_wait3A_951 = tpu.memref_squeeze %dma_wait3A_950 : memref<1x4096xi32, #tpu.memory_space<hbm>> -> memref<4096xi32, #tpu.memory_space<hbm>>
      tpu.wait_dma2 semaphore(%run_scoped3A_943 : memref<!tpu.dma_semaphore, #tpu.memory_space<semaphore_mem>>) src(%dma_wait3A_951 : memref<4096xi32, #tpu.memory_space<hbm>>) dst(%arg6 : memref<4096xi32, #tpu.memory_space<vmem>>)
      tpu.yield
    }) : () -> ()
    %add3A = arith.constant 0 : i32
    %add3A_2 = arith.addi %mul3A_0, %add3A : i32
    %dma_start3A = arith.constant 0 : i32
    %dma_start3A_3 = arith.constant 0 : i32
    %dma_start3A_4 = tpu.memref_slice %arg7[%dma_start3A, %dma_start3A_3] : memref<32x128xf32, #tpu.memory_space<vmem>> -> memref<1x128xf32, #tpu.memory_space<vmem>>
    %dma_start3A_5 = tpu.memref_squeeze %dma_start3A_4 : memref<1x128xf32, #tpu.memory_space<vmem>> -> memref<128xf32, #tpu.memory_space<vmem>>
    %dma_start3A_6 = tpu.memref_slice %arg3[%add3A_2] : memref<65536xf32, #tpu.memory_space<hbm>> -> memref<128xf32, #tpu.memory_space<hbm>>
    %dma_start3A_7 = arith.constant 0 : i32
    %dma_start3A_8 = tpu.memref_slice %arg7[%dma_start3A, %dma_start3A_7] : memref<32x128xf32, #tpu.memory_space<vmem>> -> memref<1x128xf32, #tpu.memory_space<vmem>>
    %dma_start3A_9 = tpu.memref_squeeze %dma_start3A_8 : memref<1x128xf32, #tpu.memory_space<vmem>> -> memref<128xf32, #tpu.memory_space<vmem>>
    %dma_start3A_10 = tpu.memref_slice %arg3[%add3A_2] : memref<65536xf32, #tpu.memory_space<hbm>> -> memref<128xf32, #tpu.memory_space<hbm>>
    tpu.enqueue_dma source(%dma_start3A_10 : memref<128xf32, #tpu.memory_space<hbm>>) target(%dma_start3A_9 : memref<128xf32, #tpu.memory_space<vmem>>) target_semaphore(%arg11 : memref<!tpu.dma_semaphore, #tpu.memory_space<semaphore_mem>>)
    %add3A_11 = arith.constant 128 : i32
    %add3A_12 = arith.addi %mul3A_0, %add3A_11 : i32
    %dma_start3A_13 = arith.constant 1 : i32
    %dma_start3A_14 = arith.constant 0 : i32
    %dma_start3A_15 = tpu.memref_slice %arg7[%dma_start3A_13, %dma_start3A_14] : memref<32x128xf32, #tpu.memory_space<vmem>> -> memref<1x128xf32, #tpu.memory_space<vmem>>
    %dma_start3A_16 = tpu.memref_squeeze %dma_start3A_15 : memref<1x128xf32, #tpu.memory_space<vmem>> -> memref<128xf32, #tpu.memory_space<vmem>>
    %dma_start3A_17 = tpu.memref_slice %arg3[%add3A_12] : memref<65536xf32, #tpu.memory_space<hbm>> -> memref<128xf32, #tpu.memory_space<hbm>>
    %dma_start3A_18 = arith.constant 0 : i32
    %dma_start3A_19 = tpu.memref_slice %arg7[%dma_start3A_13, %dma_start3A_18] : memref<32x128xf32, #tpu.memory_space<vmem>> -> memref<1x128xf32, #tpu.memory_space<vmem>>
    %dma_start3A_20 = tpu.memref_squeeze %dma_start3A_19 : memref<1x128xf32, #tpu.memory_space<vmem>> -> memref<128xf32, #tpu.memory_space<vmem>>
    %dma_start3A_21 = tpu.memref_slice %arg3[%add3A_12] : memref<65536xf32, #tpu.memory_space<hbm>> -> memref<128xf32, #tpu.memory_space<hbm>>
    tpu.enqueue_dma source(%dma_start3A_21 : memref<128xf32, #tpu.memory_space<hbm>>) target(%dma_start3A_20 : memref<128xf32, #tpu.memory_space<vmem>>) target_semaphore(%arg11 : memref<!tpu.dma_semaphore, #tpu.memory_space<semaphore_mem>>)
    %add3A_22 = arith.constant 256 : i32
    %add3A_23 = arith.addi %mul3A_0, %add3A_22 : i32
    %dma_start3A_24 = arith.constant 2 : i32
    %dma_start3A_25 = arith.constant 0 : i32
    %dma_start3A_26 = tpu.memref_slice %arg7[%dma_start3A_24, %dma_start3A_25] : memref<32x128xf32, #tpu.memory_space<vmem>> -> memref<1x128xf32, #tpu.memory_space<vmem>>
    %dma_start3A_27 = tpu.memref_squeeze %dma_start3A_26 : memref<1x128xf32, #tpu.memory_space<vmem>> -> memref<128xf32, #tpu.memory_space<vmem>>
    %dma_start3A_28 = tpu.memref_slice %arg3[%add3A_23] : memref<65536xf32, #tpu.memory_space<hbm>> -> memref<128xf32, #tpu.memory_space<hbm>>
    %dma_start3A_29 = arith.constant 0 : i32
    %dma_start3A_30 = tpu.memref_slice %arg7[%dma_start3A_24, %dma_start3A_29] : memref<32x128xf32, #tpu.memory_space<vmem>> -> memref<1x128xf32, #tpu.memory_space<vmem>>
    %dma_start3A_31 = tpu.memref_squeeze %dma_start3A_30 : memref<1x128xf32, #tpu.memory_space<vmem>> -> memref<128xf32, #tpu.memory_space<vmem>>
    %dma_start3A_32 = tpu.memref_slice %arg3[%add3A_23] : memref<65536xf32, #tpu.memory_space<hbm>> -> memref<128xf32, #tpu.memory_space<hbm>>
    tpu.enqueue_dma source(%dma_start3A_32 : memref<128xf32, #tpu.memory_space<hbm>>) target(%dma_start3A_31 : memref<128xf32, #tpu.memory_space<vmem>>) target_semaphore(%arg11 : memref<!tpu.dma_semaphore, #tpu.memory_space<semaphore_mem>>)
    %add3A_33 = arith.constant 384 : i32
    %add3A_34 = arith.addi %mul3A_0, %add3A_33 : i32
    %dma_start3A_35 = arith.constant 3 : i32
    %dma_start3A_36 = arith.constant 0 : i32
    %dma_start3A_37 = tpu.memref_slice %arg7[%dma_start3A_35, %dma_start3A_36] : memref<32x128xf32, #tpu.memory_space<vmem>> -> memref<1x128xf32, #tpu.memory_space<vmem>>
    %dma_start3A_38 = tpu.memref_squeeze %dma_start3A_37 : memref<1x128xf32, #tpu.memory_space<vmem>> -> memref<128xf32, #tpu.memory_space<vmem>>
    %dma_start3A_39 = tpu.memref_slice %arg3[%add3A_34] : memref<65536xf32, #tpu.memory_space<hbm>> -> memref<128xf32, #tpu.memory_space<hbm>>
    %dma_start3A_40 = arith.constant 0 : i32
    %dma_start3A_41 = tpu.memref_slice %arg7[%dma_start3A_35, %dma_start3A_40] : memref<32x128xf32, #tpu.memory_space<vmem>> -> memref<1x128xf32, #tpu.memory_space<vmem>>
    %dma_start3A_42 = tpu.memref_squeeze %dma_start3A_41 : memref<1x128xf32, #tpu.memory_space<vmem>> -> memref<128xf32, #tpu.memory_space<vmem>>
    %dma_start3A_43 = tpu.memref_slice %arg3[%add3A_34] : memref<65536xf32, #tpu.memory_space<hbm>> -> memref<128xf32, #tpu.memory_space<hbm>>
    tpu.enqueue_dma source(%dma_start3A_43 : memref<128xf32, #tpu.memory_space<hbm>>) target(%dma_start3A_42 : memref<128xf32, #tpu.memory_space<vmem>>) target_semaphore(%arg11 : memref<!tpu.dma_semaphore, #tpu.memory_space<semaphore_mem>>)
    %add3A_44 = arith.constant 512 : i32
    %add3A_45 = arith.addi %mul3A_0, %add3A_44 : i32
    %dma_start3A_46 = arith.constant 4 : i32
    %dma_start3A_47 = arith.constant 0 : i32
    %dma_start3A_48 = tpu.memref_slice %arg7[%dma_start3A_46, %dma_start3A_47] : memref<32x128xf32, #tpu.memory_space<vmem>> -> memref<1x128xf32, #tpu.memory_space<vmem>>
    %dma_start3A_49 = tpu.memref_squeeze %dma_start3A_48 : memref<1x128xf32, #tpu.memory_space<vmem>> -> memref<128xf32, #tpu.memory_space<vmem>>
    %dma_start3A_50 = tpu.memref_slice %arg3[%add3A_45] : memref<65536xf32, #tpu.memory_space<hbm>> -> memref<128xf32, #tpu.memory_space<hbm>>
    %dma_start3A_51 = arith.constant 0 : i32
    %dma_start3A_52 = tpu.memref_slice %arg7[%dma_start3A_46, %dma_start3A_51] : memref<32x128xf32, #tpu.memory_space<vmem>> -> memref<1x128xf32, #tpu.memory_space<vmem>>
    %dma_start3A_53 = tpu.memref_squeeze %dma_start3A_52 : memref<1x128xf32, #tpu.memory_space<vmem>> -> memref<128xf32, #tpu.memory_space<vmem>>
    %dma_start3A_54 = tpu.memref_slice %arg3[%add3A_45] : memref<65536xf32, #tpu.memory_space<hbm>> -> memref<128xf32, #tpu.memory_space<hbm>>
    tpu.enqueue_dma source(%dma_start3A_54 : memref<128xf32, #tpu.memory_space<hbm>>) target(%dma_start3A_53 : memref<128xf32, #tpu.memory_space<vmem>>) target_semaphore(%arg11 : memref<!tpu.dma_semaphore, #tpu.memory_space<semaphore_mem>>)
    %add3A_55 = arith.constant 640 : i32
    %add3A_56 = arith.addi %mul3A_0, %add3A_55 : i32
    %dma_start3A_57 = arith.constant 5 : i32
    %dma_start3A_58 = arith.constant 0 : i32
    %dma_start3A_59 = tpu.memref_slice %arg7[%dma_start3A_57, %dma_start3A_58] : memref<32x128xf32, #tpu.memory_space<vmem>> -> memref<1x128xf32, #tpu.memory_space<vmem>>
    %dma_start3A_60 = tpu.memref_squeeze %dma_start3A_59 : memref<1x128xf32, #tpu.memory_space<vmem>> -> memref<128xf32, #tpu.memory_space<vmem>>
    %dma_start3A_61 = tpu.memref_slice %arg3[%add3A_56] : memref<65536xf32, #tpu.memory_space<hbm>> -> memref<128xf32, #tpu.memory_space<hbm>>
    %dma_start3A_62 = arith.constant 0 : i32
    %dma_start3A_63 = tpu.memref_slice %arg7[%dma_start3A_57, %dma_start3A_62] : memref<32x128xf32, #tpu.memory_space<vmem>> -> memref<1x128xf32, #tpu.memory_space<vmem>>
    %dma_start3A_64 = tpu.memref_squeeze %dma_start3A_63 : memref<1x128xf32, #tpu.memory_space<vmem>> -> memref<128xf32, #tpu.memory_space<vmem>>
    %dma_start3A_65 = tpu.memref_slice %arg3[%add3A_56] : memref<65536xf32, #tpu.memory_space<hbm>> -> memref<128xf32, #tpu.memory_space<hbm>>
    tpu.enqueue_dma source(%dma_start3A_65 : memref<128xf32, #tpu.memory_space<hbm>>) target(%dma_start3A_64 : memref<128xf32, #tpu.memory_space<vmem>>) target_semaphore(%arg11 : memref<!tpu.dma_semaphore, #tpu.memory_space<semaphore_mem>>)
    %add3A_66 = arith.constant 768 : i32
    %add3A_67 = arith.addi %mul3A_0, %add3A_66 : i32
    %dma_start3A_68 = arith.constant 6 : i32
    %dma_start3A_69 = arith.constant 0 : i32
    %dma_start3A_70 = tpu.memref_slice %arg7[%dma_start3A_68, %dma_start3A_69] : memref<32x128xf32, #tpu.memory_space<vmem>> -> memref<1x128xf32, #tpu.memory_space<vmem>>
    %dma_start3A_71 = tpu.memref_squeeze %dma_start3A_70 : memref<1x128xf32, #tpu.memory_space<vmem>> -> memref<128xf32, #tpu.memory_space<vmem>>
    %dma_start3A_72 = tpu.memref_slice %arg3[%add3A_67] : memref<65536xf32, #tpu.memory_space<hbm>> -> memref<128xf32, #tpu.memory_space<hbm>>
    %dma_start3A_73 = arith.constant 0 : i32
    %dma_start3A_74 = tpu.memref_slice %arg7[%dma_start3A_68, %dma_start3A_73] : memref<32x128xf32, #tpu.memory_space<vmem>> -> memref<1x128xf32, #tpu.memory_space<vmem>>
    %dma_start3A_75 = tpu.memref_squeeze %dma_start3A_74 : memref<1x128xf32, #tpu.memory_space<vmem>> -> memref<128xf32, #tpu.memory_space<vmem>>
    %dma_start3A_76 = tpu.memref_slice %arg3[%add3A_67] : memref<65536xf32, #tpu.memory_space<hbm>> -> memref<128xf32, #tpu.memory_space<hbm>>
    tpu.enqueue_dma source(%dma_start3A_76 : memref<128xf32, #tpu.memory_space<hbm>>) target(%dma_start3A_75 : memref<128xf32, #tpu.memory_space<vmem>>) target_semaphore(%arg11 : memref<!tpu.dma_semaphore, #tpu.memory_space<semaphore_mem>>)
    %add3A_77 = arith.constant 896 : i32
    %add3A_78 = arith.addi %mul3A_0, %add3A_77 : i32
    %dma_start3A_79 = arith.constant 7 : i32
    %dma_start3A_80 = arith.constant 0 : i32
    %dma_start3A_81 = tpu.memref_slice %arg7[%dma_start3A_79, %dma_start3A_80] : memref<32x128xf32, #tpu.memory_space<vmem>> -> memref<1x128xf32, #tpu.memory_space<vmem>>
    %dma_start3A_82 = tpu.memref_squeeze %dma_start3A_81 : memref<1x128xf32, #tpu.memory_space<vmem>> -> memref<128xf32, #tpu.memory_space<vmem>>
    %dma_start3A_83 = tpu.memref_slice %arg3[%add3A_78] : memref<65536xf32, #tpu.memory_space<hbm>> -> memref<128xf32, #tpu.memory_space<hbm>>
    %dma_start3A_84 = arith.constant 0 : i32
    %dma_start3A_85 = tpu.memref_slice %arg7[%dma_start3A_79, %dma_start3A_84] : memref<32x128xf32, #tpu.memory_space<vmem>> -> memref<1x128xf32, #tpu.memory_space<vmem>>
    %dma_start3A_86 = tpu.memref_squeeze %dma_start3A_85 : memref<1x128xf32, #tpu.memory_space<vmem>> -> memref<128xf32, #tpu.memory_space<vmem>>
    %dma_start3A_87 = tpu.memref_slice %arg3[%add3A_78] : memref<65536xf32, #tpu.memory_space<hbm>> -> memref<128xf32, #tpu.memory_space<hbm>>
    tpu.enqueue_dma source(%dma_start3A_87 : memref<128xf32, #tpu.memory_space<hbm>>) target(%dma_start3A_86 : memref<128xf32, #tpu.memory_space<vmem>>) target_semaphore(%arg11 : memref<!tpu.dma_semaphore, #tpu.memory_space<semaphore_mem>>)
    %add3A_88 = arith.constant 1024 : i32
    %add3A_89 = arith.addi %mul3A_0, %add3A_88 : i32
    %dma_start3A_90 = arith.constant 8 : i32
    %dma_start3A_91 = arith.constant 0 : i32
    %dma_start3A_92 = tpu.memref_slice %arg7[%dma_start3A_90, %dma_start3A_91] : memref<32x128xf32, #tpu.memory_space<vmem>> -> memref<1x128xf32, #tpu.memory_space<vmem>>
    %dma_start3A_93 = tpu.memref_squeeze %dma_start3A_92 : memref<1x128xf32, #tpu.memory_space<vmem>> -> memref<128xf32, #tpu.memory_space<vmem>>
    %dma_start3A_94 = tpu.memref_slice %arg3[%add3A_89] : memref<65536xf32, #tpu.memory_space<hbm>> -> memref<128xf32, #tpu.memory_space<hbm>>
    %dma_start3A_95 = arith.constant 0 : i32
    %dma_start3A_96 = tpu.memref_slice %arg7[%dma_start3A_90, %dma_start3A_95] : memref<32x128xf32, #tpu.memory_space<vmem>> -> memref<1x128xf32, #tpu.memory_space<vmem>>
    %dma_start3A_97 = tpu.memref_squeeze %dma_start3A_96 : memref<1x128xf32, #tpu.memory_space<vmem>> -> memref<128xf32, #tpu.memory_space<vmem>>
    %dma_start3A_98 = tpu.memref_slice %arg3[%add3A_89] : memref<65536xf32, #tpu.memory_space<hbm>> -> memref<128xf32, #tpu.memory_space<hbm>>
    tpu.enqueue_dma source(%dma_start3A_98 : memref<128xf32, #tpu.memory_space<hbm>>) target(%dma_start3A_97 : memref<128xf32, #tpu.memory_space<vmem>>) target_semaphore(%arg11 : memref<!tpu.dma_semaphore, #tpu.memory_space<semaphore_mem>>)
    %add3A_99 = arith.constant 1152 : i32
    %add3A_100 = arith.addi %mul3A_0, %add3A_99 : i32
    %dma_start3A_101 = arith.constant 9 : i32
    %dma_start3A_102 = arith.constant 0 : i32
    %dma_start3A_103 = tpu.memref_slice %arg7[%dma_start3A_101, %dma_start3A_102] : memref<32x128xf32, #tpu.memory_space<vmem>> -> memref<1x128xf32, #tpu.memory_space<vmem>>
    %dma_start3A_104 = tpu.memref_squeeze %dma_start3A_103 : memref<1x128xf32, #tpu.memory_space<vmem>> -> memref<128xf32, #tpu.memory_space<vmem>>
    %dma_start3A_105 = tpu.memref_slice %arg3[%add3A_100] : memref<65536xf32, #tpu.memory_space<hbm>> -> memref<128xf32, #tpu.memory_space<hbm>>
    %dma_start3A_106 = arith.constant 0 : i32
    %dma_start3A_107 = tpu.memref_slice %arg7[%dma_start3A_101, %dma_start3A_106] : memref<32x128xf32, #tpu.memory_space<vmem>> -> memref<1x128xf32, #tpu.memory_space<vmem>>
    %dma_start3A_108 = tpu.memref_squeeze %dma_start3A_107 : memref<1x128xf32, #tpu.memory_space<vmem>> -> memref<128xf32, #tpu.memory_space<vmem>>
    %dma_start3A_109 = tpu.memref_slice %arg3[%add3A_100] : memref<65536xf32, #tpu.memory_space<hbm>> -> memref<128xf32, #tpu.memory_space<hbm>>
    tpu.enqueue_dma source(%dma_start3A_109 : memref<128xf32, #tpu.memory_space<hbm>>) target(%dma_start3A_108 : memref<128xf32, #tpu.memory_space<vmem>>) target_semaphore(%arg11 : memref<!tpu.dma_semaphore, #tpu.memory_space<semaphore_mem>>)
    %add3A_110 = arith.constant 1280 : i32
    %add3A_111 = arith.addi %mul3A_0, %add3A_110 : i32
    %dma_start3A_112 = arith.constant 10 : i32
    %dma_start3A_113 = arith.constant 0 : i32
    %dma_start3A_114 = tpu.memref_slice %arg7[%dma_start3A_112, %dma_start3A_113] : memref<32x128xf32, #tpu.memory_space<vmem>> -> memref<1x128xf32, #tpu.memory_space<vmem>>
    %dma_start3A_115 = tpu.memref_squeeze %dma_start3A_114 : memref<1x128xf32, #tpu.memory_space<vmem>> -> memref<128xf32, #tpu.memory_space<vmem>>
    %dma_start3A_116 = tpu.memref_slice %arg3[%add3A_111] : memref<65536xf32, #tpu.memory_space<hbm>> -> memref<128xf32, #tpu.memory_space<hbm>>
    %dma_start3A_117 = arith.constant 0 : i32
    %dma_start3A_118 = tpu.memref_slice %arg7[%dma_start3A_112, %dma_start3A_117] : memref<32x128xf32, #tpu.memory_space<vmem>> -> memref<1x128xf32, #tpu.memory_space<vmem>>
    %dma_start3A_119 = tpu.memref_squeeze %dma_start3A_118 : memref<1x128xf32, #tpu.memory_space<vmem>> -> memref<128xf32, #tpu.memory_space<vmem>>
    %dma_start3A_120 = tpu.memref_slice %arg3[%add3A_111] : memref<65536xf32, #tpu.memory_space<hbm>> -> memref<128xf32, #tpu.memory_space<hbm>>
    tpu.enqueue_dma source(%dma_start3A_120 : memref<128xf32, #tpu.memory_space<hbm>>) target(%dma_start3A_119 : memref<128xf32, #tpu.memory_space<vmem>>) target_semaphore(%arg11 : memref<!tpu.dma_semaphore, #tpu.memory_space<semaphore_mem>>)
    %add3A_121 = arith.constant 1408 : i32
    %add3A_122 = arith.addi %mul3A_0, %add3A_121 : i32
    %dma_start3A_123 = arith.constant 11 : i32
    %dma_start3A_124 = arith.constant 0 : i32
    %dma_start3A_125 = tpu.memref_slice %arg7[%dma_start3A_123, %dma_start3A_124] : memref<32x128xf32, #tpu.memory_space<vmem>> -> memref<1x128xf32, #tpu.memory_space<vmem>>
    %dma_start3A_126 = tpu.memref_squeeze %dma_start3A_125 : memref<1x128xf32, #tpu.memory_space<vmem>> -> memref<128xf32, #tpu.memory_space<vmem>>
    %dma_start3A_127 = tpu.memref_slice %arg3[%add3A_122] : memref<65536xf32, #tpu.memory_space<hbm>> -> memref<128xf32, #tpu.memory_space<hbm>>
    %dma_start3A_128 = arith.constant 0 : i32
    %dma_start3A_129 = tpu.memref_slice %arg7[%dma_start3A_123, %dma_start3A_128] : memref<32x128xf32, #tpu.memory_space<vmem>> -> memref<1x128xf32, #tpu.memory_space<vmem>>
    %dma_start3A_130 = tpu.memref_squeeze %dma_start3A_129 : memref<1x128xf32, #tpu.memory_space<vmem>> -> memref<128xf32, #tpu.memory_space<vmem>>
    %dma_start3A_131 = tpu.memref_slice %arg3[%add3A_122] : memref<65536xf32, #tpu.memory_space<hbm>> -> memref<128xf32, #tpu.memory_space<hbm>>
    tpu.enqueue_dma source(%dma_start3A_131 : memref<128xf32, #tpu.memory_space<hbm>>) target(%dma_start3A_130 : memref<128xf32, #tpu.memory_space<vmem>>) target_semaphore(%arg11 : memref<!tpu.dma_semaphore, #tpu.memory_space<semaphore_mem>>)
    %add3A_132 = arith.constant 1536 : i32
    %add3A_133 = arith.addi %mul3A_0, %add3A_132 : i32
    %dma_start3A_134 = arith.constant 12 : i32
    %dma_start3A_135 = arith.constant 0 : i32
    %dma_start3A_136 = tpu.memref_slice %arg7[%dma_start3A_134, %dma_start3A_135] : memref<32x128xf32, #tpu.memory_space<vmem>> -> memref<1x128xf32, #tpu.memory_space<vmem>>
    %dma_start3A_137 = tpu.memref_squeeze %dma_start3A_136 : memref<1x128xf32, #tpu.memory_space<vmem>> -> memref<128xf32, #tpu.memory_space<vmem>>
    %dma_start3A_138 = tpu.memref_slice %arg3[%add3A_133] : memref<65536xf32, #tpu.memory_space<hbm>> -> memref<128xf32, #tpu.memory_space<hbm>>
    %dma_start3A_139 = arith.constant 0 : i32
    %dma_start3A_140 = tpu.memref_slice %arg7[%dma_start3A_134, %dma_start3A_139] : memref<32x128xf32, #tpu.memory_space<vmem>> -> memref<1x128xf32, #tpu.memory_space<vmem>>
    %dma_start3A_141 = tpu.memref_squeeze %dma_start3A_140 : memref<1x128xf32, #tpu.memory_space<vmem>> -> memref<128xf32, #tpu.memory_space<vmem>>
    %dma_start3A_142 = tpu.memref_slice %arg3[%add3A_133] : memref<65536xf32, #tpu.memory_space<hbm>> -> memref<128xf32, #tpu.memory_space<hbm>>
    tpu.enqueue_dma source(%dma_start3A_142 : memref<128xf32, #tpu.memory_space<hbm>>) target(%dma_start3A_141 : memref<128xf32, #tpu.memory_space<vmem>>) target_semaphore(%arg11 : memref<!tpu.dma_semaphore, #tpu.memory_space<semaphore_mem>>)
    %add3A_143 = arith.constant 1664 : i32
    %add3A_144 = arith.addi %mul3A_0, %add3A_143 : i32
    %dma_start3A_145 = arith.constant 13 : i32
    %dma_start3A_146 = arith.constant 0 : i32
    %dma_start3A_147 = tpu.memref_slice %arg7[%dma_start3A_145, %dma_start3A_146] : memref<32x128xf32, #tpu.memory_space<vmem>> -> memref<1x128xf32, #tpu.memory_space<vmem>>
    %dma_start3A_148 = tpu.memref_squeeze %dma_start3A_147 : memref<1x128xf32, #tpu.memory_space<vmem>> -> memref<128xf32, #tpu.memory_space<vmem>>
    %dma_start3A_149 = tpu.memref_slice %arg3[%add3A_144] : memref<65536xf32, #tpu.memory_space<hbm>> -> memref<128xf32, #tpu.memory_space<hbm>>
    %dma_start3A_150 = arith.constant 0 : i32
    %dma_start3A_151 = tpu.memref_slice %arg7[%dma_start3A_145, %dma_start3A_150] : memref<32x128xf32, #tpu.memory_space<vmem>> -> memref<1x128xf32, #tpu.memory_space<vmem>>
    %dma_start3A_152 = tpu.memref_squeeze %dma_start3A_151 : memref<1x128xf32, #tpu.memory_space<vmem>> -> memref<128xf32, #tpu.memory_space<vmem>>
    %dma_start3A_153 = tpu.memref_slice %arg3[%add3A_144] : memref<65536xf32, #tpu.memory_space<hbm>> -> memref<128xf32, #tpu.memory_space<hbm>>
    tpu.enqueue_dma source(%dma_start3A_153 : memref<128xf32, #tpu.memory_space<hbm>>) target(%dma_start3A_152 : memref<128xf32, #tpu.memory_space<vmem>>) target_semaphore(%arg11 : memref<!tpu.dma_semaphore, #tpu.memory_space<semaphore_mem>>)
    %add3A_154 = arith.constant 1792 : i32
    %add3A_155 = arith.addi %mul3A_0, %add3A_154 : i32
    %dma_start3A_156 = arith.constant 14 : i32
    %dma_start3A_157 = arith.constant 0 : i32
    %dma_start3A_158 = tpu.memref_slice %arg7[%dma_start3A_156, %dma_start3A_157] : memref<32x128xf32, #tpu.memory_space<vmem>> -> memref<1x128xf32, #tpu.memory_space<vmem>>
    %dma_start3A_159 = tpu.memref_squeeze %dma_start3A_158 : memref<1x128xf32, #tpu.memory_space<vmem>> -> memref<128xf32, #tpu.memory_space<vmem>>
    %dma_start3A_160 = tpu.memref_slice %arg3[%add3A_155] : memref<65536xf32, #tpu.memory_space<hbm>> -> memref<128xf32, #tpu.memory_space<hbm>>
    %dma_start3A_161 = arith.constant 0 : i32
    %dma_start3A_162 = tpu.memref_slice %arg7[%dma_start3A_156, %dma_start3A_161] : memref<32x128xf32, #tpu.memory_space<vmem>> -> memref<1x128xf32, #tpu.memory_space<vmem>>
    %dma_start3A_163 = tpu.memref_squeeze %dma_start3A_162 : memref<1x128xf32, #tpu.memory_space<vmem>> -> memref<128xf32, #tpu.memory_space<vmem>>
    %dma_start3A_164 = tpu.memref_slice %arg3[%add3A_155] : memref<65536xf32, #tpu.memory_space<hbm>> -> memref<128xf32, #tpu.memory_space<hbm>>
    tpu.enqueue_dma source(%dma_start3A_164 : memref<128xf32, #tpu.memory_space<hbm>>) target(%dma_start3A_163 : memref<128xf32, #tpu.memory_space<vmem>>) target_semaphore(%arg11 : memref<!tpu.dma_semaphore, #tpu.memory_space<semaphore_mem>>)
    %add3A_165 = arith.constant 1920 : i32
    %add3A_166 = arith.addi %mul3A_0, %add3A_165 : i32
    %dma_start3A_167 = arith.constant 15 : i32
    %dma_start3A_168 = arith.constant 0 : i32
    %dma_start3A_169 = tpu.memref_slice %arg7[%dma_start3A_167, %dma_start3A_168] : memref<32x128xf32, #tpu.memory_space<vmem>> -> memref<1x128xf32, #tpu.memory_space<vmem>>
    %dma_start3A_170 = tpu.memref_squeeze %dma_start3A_169 : memref<1x128xf32, #tpu.memory_space<vmem>> -> memref<128xf32, #tpu.memory_space<vmem>>
    %dma_start3A_171 = tpu.memref_slice %arg3[%add3A_166] : memref<65536xf32, #tpu.memory_space<hbm>> -> memref<128xf32, #tpu.memory_space<hbm>>
    %dma_start3A_172 = arith.constant 0 : i32
    %dma_start3A_173 = tpu.memref_slice %arg7[%dma_start3A_167, %dma_start3A_172] : memref<32x128xf32, #tpu.memory_space<vmem>> -> memref<1x128xf32, #tpu.memory_space<vmem>>
    %dma_start3A_174 = tpu.memref_squeeze %dma_start3A_173 : memref<1x128xf32, #tpu.memory_space<vmem>> -> memref<128xf32, #tpu.memory_space<vmem>>
    %dma_start3A_175 = tpu.memref_slice %arg3[%add3A_166] : memref<65536xf32, #tpu.memory_space<hbm>> -> memref<128xf32, #tpu.memory_space<hbm>>
    tpu.enqueue_dma source(%dma_start3A_175 : memref<128xf32, #tpu.memory_space<hbm>>) target(%dma_start3A_174 : memref<128xf32, #tpu.memory_space<vmem>>) target_semaphore(%arg11 : memref<!tpu.dma_semaphore, #tpu.memory_space<semaphore_mem>>)
    %add3A_176 = arith.constant 2048 : i32
    %add3A_177 = arith.addi %mul3A_0, %add3A_176 : i32
    %dma_start3A_178 = arith.constant 16 : i32
    %dma_start3A_179 = arith.constant 0 : i32
    %dma_start3A_180 = tpu.memref_slice %arg7[%dma_start3A_178, %dma_start3A_179] : memref<32x128xf32, #tpu.memory_space<vmem>> -> memref<1x128xf32, #tpu.memory_space<vmem>>
    %dma_start3A_181 = tpu.memref_squeeze %dma_start3A_180 : memref<1x128xf32, #tpu.memory_space<vmem>> -> memref<128xf32, #tpu.memory_space<vmem>>
    %dma_start3A_182 = tpu.memref_slice %arg3[%add3A_177] : memref<65536xf32, #tpu.memory_space<hbm>> -> memref<128xf32, #tpu.memory_space<hbm>>
    %dma_start3A_183 = arith.constant 0 : i32
    %dma_start3A_184 = tpu.memref_slice %arg7[%dma_start3A_178, %dma_start3A_183] : memref<32x128xf32, #tpu.memory_space<vmem>> -> memref<1x128xf32, #tpu.memory_space<vmem>>
    %dma_start3A_185 = tpu.memref_squeeze %dma_start3A_184 : memref<1x128xf32, #tpu.memory_space<vmem>> -> memref<128xf32, #tpu.memory_space<vmem>>
    %dma_start3A_186 = tpu.memref_slice %arg3[%add3A_177] : memref<65536xf32, #tpu.memory_space<hbm>> -> memref<128xf32, #tpu.memory_space<hbm>>
    tpu.enqueue_dma source(%dma_start3A_186 : memref<128xf32, #tpu.memory_space<hbm>>) target(%dma_start3A_185 : memref<128xf32, #tpu.memory_space<vmem>>) target_semaphore(%arg11 : memref<!tpu.dma_semaphore, #tpu.memory_space<semaphore_mem>>)
    %add3A_187 = arith.constant 2176 : i32
    %add3A_188 = arith.addi %mul3A_0, %add3A_187 : i32
    %dma_start3A_189 = arith.constant 17 : i32
    %dma_start3A_190 = arith.constant 0 : i32
    %dma_start3A_191 = tpu.memref_slice %arg7[%dma_start3A_189, %dma_start3A_190] : memref<32x128xf32, #tpu.memory_space<vmem>> -> memref<1x128xf32, #tpu.memory_space<vmem>>
    %dma_start3A_192 = tpu.memref_squeeze %dma_start3A_191 : memref<1x128xf32, #tpu.memory_space<vmem>> -> memref<128xf32, #tpu.memory_space<vmem>>
    %dma_start3A_193 = tpu.memref_slice %arg3[%add3A_188] : memref<65536xf32, #tpu.memory_space<hbm>> -> memref<128xf32, #tpu.memory_space<hbm>>
    %dma_start3A_194 = arith.constant 0 : i32
    %dma_start3A_195 = tpu.memref_slice %arg7[%dma_start3A_189, %dma_start3A_194] : memref<32x128xf32, #tpu.memory_space<vmem>> -> memref<1x128xf32, #tpu.memory_space<vmem>>
    %dma_start3A_196 = tpu.memref_squeeze %dma_start3A_195 : memref<1x128xf32, #tpu.memory_space<vmem>> -> memref<128xf32, #tpu.memory_space<vmem>>
    %dma_start3A_197 = tpu.memref_slice %arg3[%add3A_188] : memref<65536xf32, #tpu.memory_space<hbm>> -> memref<128xf32, #tpu.memory_space<hbm>>
    tpu.enqueue_dma source(%dma_start3A_197 : memref<128xf32, #tpu.memory_space<hbm>>) target(%dma_start3A_196 : memref<128xf32, #tpu.memory_space<vmem>>) target_semaphore(%arg11 : memref<!tpu.dma_semaphore, #tpu.memory_space<semaphore_mem>>)
    %add3A_198 = arith.constant 2304 : i32
    %add3A_199 = arith.addi %mul3A_0, %add3A_198 : i32
    %dma_start3A_200 = arith.constant 18 : i32
    %dma_start3A_201 = arith.constant 0 : i32
    %dma_start3A_202 = tpu.memref_slice %arg7[%dma_start3A_200, %dma_start3A_201] : memref<32x128xf32, #tpu.memory_space<vmem>> -> memref<1x128xf32, #tpu.memory_space<vmem>>
    %dma_start3A_203 = tpu.memref_squeeze %dma_start3A_202 : memref<1x128xf32, #tpu.memory_space<vmem>> -> memref<128xf32, #tpu.memory_space<vmem>>
    %dma_start3A_204 = tpu.memref_slice %arg3[%add3A_199] : memref<65536xf32, #tpu.memory_space<hbm>> -> memref<128xf32, #tpu.memory_space<hbm>>
    %dma_start3A_205 = arith.constant 0 : i32
    %dma_start3A_206 = tpu.memref_slice %arg7[%dma_start3A_200, %dma_start3A_205] : memref<32x128xf32, #tpu.memory_space<vmem>> -> memref<1x128xf32, #tpu.memory_space<vmem>>
    %dma_start3A_207 = tpu.memref_squeeze %dma_start3A_206 : memref<1x128xf32, #tpu.memory_space<vmem>> -> memref<128xf32, #tpu.memory_space<vmem>>
    %dma_start3A_208 = tpu.memref_slice %arg3[%add3A_199] : memref<65536xf32, #tpu.memory_space<hbm>> -> memref<128xf32, #tpu.memory_space<hbm>>
    tpu.enqueue_dma source(%dma_start3A_208 : memref<128xf32, #tpu.memory_space<hbm>>) target(%dma_start3A_207 : memref<128xf32, #tpu.memory_space<vmem>>) target_semaphore(%arg11 : memref<!tpu.dma_semaphore, #tpu.memory_space<semaphore_mem>>)
    %add3A_209 = arith.constant 2432 : i32
    %add3A_210 = arith.addi %mul3A_0, %add3A_209 : i32
    %dma_start3A_211 = arith.constant 19 : i32
    %dma_start3A_212 = arith.constant 0 : i32
    %dma_start3A_213 = tpu.memref_slice %arg7[%dma_start3A_211, %dma_start3A_212] : memref<32x128xf32, #tpu.memory_space<vmem>> -> memref<1x128xf32, #tpu.memory_space<vmem>>
    %dma_start3A_214 = tpu.memref_squeeze %dma_start3A_213 : memref<1x128xf32, #tpu.memory_space<vmem>> -> memref<128xf32, #tpu.memory_space<vmem>>
    %dma_start3A_215 = tpu.memref_slice %arg3[%add3A_210] : memref<65536xf32, #tpu.memory_space<hbm>> -> memref<128xf32, #tpu.memory_space<hbm>>
    %dma_start3A_216 = arith.constant 0 : i32
    %dma_start3A_217 = tpu.memref_slice %arg7[%dma_start3A_211, %dma_start3A_216] : memref<32x128xf32, #tpu.memory_space<vmem>> -> memref<1x128xf32, #tpu.memory_space<vmem>>
    %dma_start3A_218 = tpu.memref_squeeze %dma_start3A_217 : memref<1x128xf32, #tpu.memory_space<vmem>> -> memref<128xf32, #tpu.memory_space<vmem>>
    %dma_start3A_219 = tpu.memref_slice %arg3[%add3A_210] : memref<65536xf32, #tpu.memory_space<hbm>> -> memref<128xf32, #tpu.memory_space<hbm>>
    tpu.enqueue_dma source(%dma_start3A_219 : memref<128xf32, #tpu.memory_space<hbm>>) target(%dma_start3A_218 : memref<128xf32, #tpu.memory_space<vmem>>) target_semaphore(%arg11 : memref<!tpu.dma_semaphore, #tpu.memory_space<semaphore_mem>>)
    %add3A_220 = arith.constant 2560 : i32
    %add3A_221 = arith.addi %mul3A_0, %add3A_220 : i32
    %dma_start3A_222 = arith.constant 20 : i32
    %dma_start3A_223 = arith.constant 0 : i32
    %dma_start3A_224 = tpu.memref_slice %arg7[%dma_start3A_222, %dma_start3A_223] : memref<32x128xf32, #tpu.memory_space<vmem>> -> memref<1x128xf32, #tpu.memory_space<vmem>>
    %dma_start3A_225 = tpu.memref_squeeze %dma_start3A_224 : memref<1x128xf32, #tpu.memory_space<vmem>> -> memref<128xf32, #tpu.memory_space<vmem>>
    %dma_start3A_226 = tpu.memref_slice %arg3[%add3A_221] : memref<65536xf32, #tpu.memory_space<hbm>> -> memref<128xf32, #tpu.memory_space<hbm>>
    %dma_start3A_227 = arith.constant 0 : i32
    %dma_start3A_228 = tpu.memref_slice %arg7[%dma_start3A_222, %dma_start3A_227] : memref<32x128xf32, #tpu.memory_space<vmem>> -> memref<1x128xf32, #tpu.memory_space<vmem>>
    %dma_start3A_229 = tpu.memref_squeeze %dma_start3A_228 : memref<1x128xf32, #tpu.memory_space<vmem>> -> memref<128xf32, #tpu.memory_space<vmem>>
    %dma_start3A_230 = tpu.memref_slice %arg3[%add3A_221] : memref<65536xf32, #tpu.memory_space<hbm>> -> memref<128xf32, #tpu.memory_space<hbm>>
    tpu.enqueue_dma source(%dma_start3A_230 : memref<128xf32, #tpu.memory_space<hbm>>) target(%dma_start3A_229 : memref<128xf32, #tpu.memory_space<vmem>>) target_semaphore(%arg11 : memref<!tpu.dma_semaphore, #tpu.memory_space<semaphore_mem>>)
    %add3A_231 = arith.constant 2688 : i32
    %add3A_232 = arith.addi %mul3A_0, %add3A_231 : i32
    %dma_start3A_233 = arith.constant 21 : i32
    %dma_start3A_234 = arith.constant 0 : i32
    %dma_start3A_235 = tpu.memref_slice %arg7[%dma_start3A_233, %dma_start3A_234] : memref<32x128xf32, #tpu.memory_space<vmem>> -> memref<1x128xf32, #tpu.memory_space<vmem>>
    %dma_start3A_236 = tpu.memref_squeeze %dma_start3A_235 : memref<1x128xf32, #tpu.memory_space<vmem>> -> memref<128xf32, #tpu.memory_space<vmem>>
    %dma_start3A_237 = tpu.memref_slice %arg3[%add3A_232] : memref<65536xf32, #tpu.memory_space<hbm>> -> memref<128xf32, #tpu.memory_space<hbm>>
    %dma_start3A_238 = arith.constant 0 : i32
    %dma_start3A_239 = tpu.memref_slice %arg7[%dma_start3A_233, %dma_start3A_238] : memref<32x128xf32, #tpu.memory_space<vmem>> -> memref<1x128xf32, #tpu.memory_space<vmem>>
    %dma_start3A_240 = tpu.memref_squeeze %dma_start3A_239 : memref<1x128xf32, #tpu.memory_space<vmem>> -> memref<128xf32, #tpu.memory_space<vmem>>
    %dma_start3A_241 = tpu.memref_slice %arg3[%add3A_232] : memref<65536xf32, #tpu.memory_space<hbm>> -> memref<128xf32, #tpu.memory_space<hbm>>
    tpu.enqueue_dma source(%dma_start3A_241 : memref<128xf32, #tpu.memory_space<hbm>>) target(%dma_start3A_240 : memref<128xf32, #tpu.memory_space<vmem>>) target_semaphore(%arg11 : memref<!tpu.dma_semaphore, #tpu.memory_space<semaphore_mem>>)
    %add3A_242 = arith.constant 2816 : i32
    %add3A_243 = arith.addi %mul3A_0, %add3A_242 : i32
    %dma_start3A_244 = arith.constant 22 : i32
    %dma_start3A_245 = arith.constant 0 : i32
    %dma_start3A_246 = tpu.memref_slice %arg7[%dma_start3A_244, %dma_start3A_245] : memref<32x128xf32, #tpu.memory_space<vmem>> -> memref<1x128xf32, #tpu.memory_space<vmem>>
    %dma_start3A_247 = tpu.memref_squeeze %dma_start3A_246 : memref<1x128xf32, #tpu.memory_space<vmem>> -> memref<128xf32, #tpu.memory_space<vmem>>
    %dma_start3A_248 = tpu.memref_slice %arg3[%add3A_243] : memref<65536xf32, #tpu.memory_space<hbm>> -> memref<128xf32, #tpu.memory_space<hbm>>
    %dma_start3A_249 = arith.constant 0 : i32
    %dma_start3A_250 = tpu.memref_slice %arg7[%dma_start3A_244, %dma_start3A_249] : memref<32x128xf32, #tpu.memory_space<vmem>> -> memref<1x128xf32, #tpu.memory_space<vmem>>
    %dma_start3A_251 = tpu.memref_squeeze %dma_start3A_250 : memref<1x128xf32, #tpu.memory_space<vmem>> -> memref<128xf32, #tpu.memory_space<vmem>>
    %dma_start3A_252 = tpu.memref_slice %arg3[%add3A_243] : memref<65536xf32, #tpu.memory_space<hbm>> -> memref<128xf32, #tpu.memory_space<hbm>>
    tpu.enqueue_dma source(%dma_start3A_252 : memref<128xf32, #tpu.memory_space<hbm>>) target(%dma_start3A_251 : memref<128xf32, #tpu.memory_space<vmem>>) target_semaphore(%arg11 : memref<!tpu.dma_semaphore, #tpu.memory_space<semaphore_mem>>)
    %add3A_253 = arith.constant 2944 : i32
    %add3A_254 = arith.addi %mul3A_0, %add3A_253 : i32
    %dma_start3A_255 = arith.constant 23 : i32
    %dma_start3A_256 = arith.constant 0 : i32
    %dma_start3A_257 = tpu.memref_slice %arg7[%dma_start3A_255, %dma_start3A_256] : memref<32x128xf32, #tpu.memory_space<vmem>> -> memref<1x128xf32, #tpu.memory_space<vmem>>
    %dma_start3A_258 = tpu.memref_squeeze %dma_start3A_257 : memref<1x128xf32, #tpu.memory_space<vmem>> -> memref<128xf32, #tpu.memory_space<vmem>>
    %dma_start3A_259 = tpu.memref_slice %arg3[%add3A_254] : memref<65536xf32, #tpu.memory_space<hbm>> -> memref<128xf32, #tpu.memory_space<hbm>>
    %dma_start3A_260 = arith.constant 0 : i32
    %dma_start3A_261 = tpu.memref_slice %arg7[%dma_start3A_255, %dma_start3A_260] : memref<32x128xf32, #tpu.memory_space<vmem>> -> memref<1x128xf32, #tpu.memory_space<vmem>>
    %dma_start3A_262 = tpu.memref_squeeze %dma_start3A_261 : memref<1x128xf32, #tpu.memory_space<vmem>> -> memref<128xf32, #tpu.memory_space<vmem>>
    %dma_start3A_263 = tpu.memref_slice %arg3[%add3A_254] : memref<65536xf32, #tpu.memory_space<hbm>> -> memref<128xf32, #tpu.memory_space<hbm>>
    tpu.enqueue_dma source(%dma_start3A_263 : memref<128xf32, #tpu.memory_space<hbm>>) target(%dma_start3A_262 : memref<128xf32, #tpu.memory_space<vmem>>) target_semaphore(%arg11 : memref<!tpu.dma_semaphore, #tpu.memory_space<semaphore_mem>>)
    %add3A_264 = arith.constant 3072 : i32
    %add3A_265 = arith.addi %mul3A_0, %add3A_264 : i32
    %dma_start3A_266 = arith.constant 24 : i32
    %dma_start3A_267 = arith.constant 0 : i32
    %dma_start3A_268 = tpu.memref_slice %arg7[%dma_start3A_266, %dma_start3A_267] : memref<32x128xf32, #tpu.memory_space<vmem>> -> memref<1x128xf32, #tpu.memory_space<vmem>>
    %dma_start3A_269 = tpu.memref_squeeze %dma_start3A_268 : memref<1x128xf32, #tpu.memory_space<vmem>> -> memref<128xf32, #tpu.memory_space<vmem>>
    %dma_start3A_270 = tpu.memref_slice %arg3[%add3A_265] : memref<65536xf32, #tpu.memory_space<hbm>> -> memref<128xf32, #tpu.memory_space<hbm>>
    %dma_start3A_271 = arith.constant 0 : i32
    %dma_start3A_272 = tpu.memref_slice %arg7[%dma_start3A_266, %dma_start3A_271] : memref<32x128xf32, #tpu.memory_space<vmem>> -> memref<1x128xf32, #tpu.memory_space<vmem>>
    %dma_start3A_273 = tpu.memref_squeeze %dma_start3A_272 : memref<1x128xf32, #tpu.memory_space<vmem>> -> memref<128xf32, #tpu.memory_space<vmem>>
    %dma_start3A_274 = tpu.memref_slice %arg3[%add3A_265] : memref<65536xf32, #tpu.memory_space<hbm>> -> memref<128xf32, #tpu.memory_space<hbm>>
    tpu.enqueue_dma source(%dma_start3A_274 : memref<128xf32, #tpu.memory_space<hbm>>) target(%dma_start3A_273 : memref<128xf32, #tpu.memory_space<vmem>>) target_semaphore(%arg11 : memref<!tpu.dma_semaphore, #tpu.memory_space<semaphore_mem>>)
    %add3A_275 = arith.constant 3200 : i32
    %add3A_276 = arith.addi %mul3A_0, %add3A_275 : i32
    %dma_start3A_277 = arith.constant 25 : i32
    %dma_start3A_278 = arith.constant 0 : i32
    %dma_start3A_279 = tpu.memref_slice %arg7[%dma_start3A_277, %dma_start3A_278] : memref<32x128xf32, #tpu.memory_space<vmem>> -> memref<1x128xf32, #tpu.memory_space<vmem>>
    %dma_start3A_280 = tpu.memref_squeeze %dma_start3A_279 : memref<1x128xf32, #tpu.memory_space<vmem>> -> memref<128xf32, #tpu.memory_space<vmem>>
    %dma_start3A_281 = tpu.memref_slice %arg3[%add3A_276] : memref<65536xf32, #tpu.memory_space<hbm>> -> memref<128xf32, #tpu.memory_space<hbm>>
    %dma_start3A_282 = arith.constant 0 : i32
    %dma_start3A_283 = tpu.memref_slice %arg7[%dma_start3A_277, %dma_start3A_282] : memref<32x128xf32, #tpu.memory_space<vmem>> -> memref<1x128xf32, #tpu.memory_space<vmem>>
    %dma_start3A_284 = tpu.memref_squeeze %dma_start3A_283 : memref<1x128xf32, #tpu.memory_space<vmem>> -> memref<128xf32, #tpu.memory_space<vmem>>
    %dma_start3A_285 = tpu.memref_slice %arg3[%add3A_276] : memref<65536xf32, #tpu.memory_space<hbm>> -> memref<128xf32, #tpu.memory_space<hbm>>
    tpu.enqueue_dma source(%dma_start3A_285 : memref<128xf32, #tpu.memory_space<hbm>>) target(%dma_start3A_284 : memref<128xf32, #tpu.memory_space<vmem>>) target_semaphore(%arg11 : memref<!tpu.dma_semaphore, #tpu.memory_space<semaphore_mem>>)
    %add3A_286 = arith.constant 3328 : i32
    %add3A_287 = arith.addi %mul3A_0, %add3A_286 : i32
    %dma_start3A_288 = arith.constant 26 : i32
    %dma_start3A_289 = arith.constant 0 : i32
    %dma_start3A_290 = tpu.memref_slice %arg7[%dma_start3A_288, %dma_start3A_289] : memref<32x128xf32, #tpu.memory_space<vmem>> -> memref<1x128xf32, #tpu.memory_space<vmem>>
    %dma_start3A_291 = tpu.memref_squeeze %dma_start3A_290 : memref<1x128xf32, #tpu.memory_space<vmem>> -> memref<128xf32, #tpu.memory_space<vmem>>
    %dma_start3A_292 = tpu.memref_slice %arg3[%add3A_287] : memref<65536xf32, #tpu.memory_space<hbm>> -> memref<128xf32, #tpu.memory_space<hbm>>
    %dma_start3A_293 = arith.constant 0 : i32
    %dma_start3A_294 = tpu.memref_slice %arg7[%dma_start3A_288, %dma_start3A_293] : memref<32x128xf32, #tpu.memory_space<vmem>> -> memref<1x128xf32, #tpu.memory_space<vmem>>
    %dma_start3A_295 = tpu.memref_squeeze %dma_start3A_294 : memref<1x128xf32, #tpu.memory_space<vmem>> -> memref<128xf32, #tpu.memory_space<vmem>>
    %dma_start3A_296 = tpu.memref_slice %arg3[%add3A_287] : memref<65536xf32, #tpu.memory_space<hbm>> -> memref<128xf32, #tpu.memory_space<hbm>>
    tpu.enqueue_dma source(%dma_start3A_296 : memref<128xf32, #tpu.memory_space<hbm>>) target(%dma_start3A_295 : memref<128xf32, #tpu.memory_space<vmem>>) target_semaphore(%arg11 : memref<!tpu.dma_semaphore, #tpu.memory_space<semaphore_mem>>)
    %add3A_297 = arith.constant 3456 : i32
    %add3A_298 = arith.addi %mul3A_0, %add3A_297 : i32
    %dma_start3A_299 = arith.constant 27 : i32
    %dma_start3A_300 = arith.constant 0 : i32
    %dma_start3A_301 = tpu.memref_slice %arg7[%dma_start3A_299, %dma_start3A_300] : memref<32x128xf32, #tpu.memory_space<vmem>> -> memref<1x128xf32, #tpu.memory_space<vmem>>
    %dma_start3A_302 = tpu.memref_squeeze %dma_start3A_301 : memref<1x128xf32, #tpu.memory_space<vmem>> -> memref<128xf32, #tpu.memory_space<vmem>>
    %dma_start3A_303 = tpu.memref_slice %arg3[%add3A_298] : memref<65536xf32, #tpu.memory_space<hbm>> -> memref<128xf32, #tpu.memory_space<hbm>>
    %dma_start3A_304 = arith.constant 0 : i32
    %dma_start3A_305 = tpu.memref_slice %arg7[%dma_start3A_299, %dma_start3A_304] : memref<32x128xf32, #tpu.memory_space<vmem>> -> memref<1x128xf32, #tpu.memory_space<vmem>>
    %dma_start3A_306 = tpu.memref_squeeze %dma_start3A_305 : memref<1x128xf32, #tpu.memory_space<vmem>> -> memref<128xf32, #tpu.memory_space<vmem>>
    %dma_start3A_307 = tpu.memref_slice %arg3[%add3A_298] : memref<65536xf32, #tpu.memory_space<hbm>> -> memref<128xf32, #tpu.memory_space<hbm>>
    tpu.enqueue_dma source(%dma_start3A_307 : memref<128xf32, #tpu.memory_space<hbm>>) target(%dma_start3A_306 : memref<128xf32, #tpu.memory_space<vmem>>) target_semaphore(%arg11 : memref<!tpu.dma_semaphore, #tpu.memory_space<semaphore_mem>>)
    %add3A_308 = arith.constant 3584 : i32
    %add3A_309 = arith.addi %mul3A_0, %add3A_308 : i32
    %dma_start3A_310 = arith.constant 28 : i32
    %dma_start3A_311 = arith.constant 0 : i32
    %dma_start3A_312 = tpu.memref_slice %arg7[%dma_start3A_310, %dma_start3A_311] : memref<32x128xf32, #tpu.memory_space<vmem>> -> memref<1x128xf32, #tpu.memory_space<vmem>>
    %dma_start3A_313 = tpu.memref_squeeze %dma_start3A_312 : memref<1x128xf32, #tpu.memory_space<vmem>> -> memref<128xf32, #tpu.memory_space<vmem>>
    %dma_start3A_314 = tpu.memref_slice %arg3[%add3A_309] : memref<65536xf32, #tpu.memory_space<hbm>> -> memref<128xf32, #tpu.memory_space<hbm>>
    %dma_start3A_315 = arith.constant 0 : i32
    %dma_start3A_316 = tpu.memref_slice %arg7[%dma_start3A_310, %dma_start3A_315] : memref<32x128xf32, #tpu.memory_space<vmem>> -> memref<1x128xf32, #tpu.memory_space<vmem>>
    %dma_start3A_317 = tpu.memref_squeeze %dma_start3A_316 : memref<1x128xf32, #tpu.memory_space<vmem>> -> memref<128xf32, #tpu.memory_space<vmem>>
    %dma_start3A_318 = tpu.memref_slice %arg3[%add3A_309] : memref<65536xf32, #tpu.memory_space<hbm>> -> memref<128xf32, #tpu.memory_space<hbm>>
    tpu.enqueue_dma source(%dma_start3A_318 : memref<128xf32, #tpu.memory_space<hbm>>) target(%dma_start3A_317 : memref<128xf32, #tpu.memory_space<vmem>>) target_semaphore(%arg11 : memref<!tpu.dma_semaphore, #tpu.memory_space<semaphore_mem>>)
    %add3A_319 = arith.constant 3712 : i32
    %add3A_320 = arith.addi %mul3A_0, %add3A_319 : i32
    %dma_start3A_321 = arith.constant 29 : i32
    %dma_start3A_322 = arith.constant 0 : i32
    %dma_start3A_323 = tpu.memref_slice %arg7[%dma_start3A_321, %dma_start3A_322] : memref<32x128xf32, #tpu.memory_space<vmem>> -> memref<1x128xf32, #tpu.memory_space<vmem>>
    %dma_start3A_324 = tpu.memref_squeeze %dma_start3A_323 : memref<1x128xf32, #tpu.memory_space<vmem>> -> memref<128xf32, #tpu.memory_space<vmem>>
    %dma_start3A_325 = tpu.memref_slice %arg3[%add3A_320] : memref<65536xf32, #tpu.memory_space<hbm>> -> memref<128xf32, #tpu.memory_space<hbm>>
    %dma_start3A_326 = arith.constant 0 : i32
    %dma_start3A_327 = tpu.memref_slice %arg7[%dma_start3A_321, %dma_start3A_326] : memref<32x128xf32, #tpu.memory_space<vmem>> -> memref<1x128xf32, #tpu.memory_space<vmem>>
    %dma_start3A_328 = tpu.memref_squeeze %dma_start3A_327 : memref<1x128xf32, #tpu.memory_space<vmem>> -> memref<128xf32, #tpu.memory_space<vmem>>
    %dma_start3A_329 = tpu.memref_slice %arg3[%add3A_320] : memref<65536xf32, #tpu.memory_space<hbm>> -> memref<128xf32, #tpu.memory_space<hbm>>
    tpu.enqueue_dma source(%dma_start3A_329 : memref<128xf32, #tpu.memory_space<hbm>>) target(%dma_start3A_328 : memref<128xf32, #tpu.memory_space<vmem>>) target_semaphore(%arg11 : memref<!tpu.dma_semaphore, #tpu.memory_space<semaphore_mem>>)
    %add3A_330 = arith.constant 3840 : i32
    %add3A_331 = arith.addi %mul3A_0, %add3A_330 : i32
    %dma_start3A_332 = arith.constant 30 : i32
    %dma_start3A_333 = arith.constant 0 : i32
    %dma_start3A_334 = tpu.memref_slice %arg7[%dma_start3A_332, %dma_start3A_333] : memref<32x128xf32, #tpu.memory_space<vmem>> -> memref<1x128xf32, #tpu.memory_space<vmem>>
    %dma_start3A_335 = tpu.memref_squeeze %dma_start3A_334 : memref<1x128xf32, #tpu.memory_space<vmem>> -> memref<128xf32, #tpu.memory_space<vmem>>
    %dma_start3A_336 = tpu.memref_slice %arg3[%add3A_331] : memref<65536xf32, #tpu.memory_space<hbm>> -> memref<128xf32, #tpu.memory_space<hbm>>
    %dma_start3A_337 = arith.constant 0 : i32
    %dma_start3A_338 = tpu.memref_slice %arg7[%dma_start3A_332, %dma_start3A_337] : memref<32x128xf32, #tpu.memory_space<vmem>> -> memref<1x128xf32, #tpu.memory_space<vmem>>
    %dma_start3A_339 = tpu.memref_squeeze %dma_start3A_338 : memref<1x128xf32, #tpu.memory_space<vmem>> -> memref<128xf32, #tpu.memory_space<vmem>>
    %dma_start3A_340 = tpu.memref_slice %arg3[%add3A_331] : memref<65536xf32, #tpu.memory_space<hbm>> -> memref<128xf32, #tpu.memory_space<hbm>>
    tpu.enqueue_dma source(%dma_start3A_340 : memref<128xf32, #tpu.memory_space<hbm>>) target(%dma_start3A_339 : memref<128xf32, #tpu.memory_space<vmem>>) target_semaphore(%arg11 : memref<!tpu.dma_semaphore, #tpu.memory_space<semaphore_mem>>)
    %add3A_341 = arith.constant 3968 : i32
    %add3A_342 = arith.addi %mul3A_0, %add3A_341 : i32
    %dma_start3A_343 = arith.constant 31 : i32
    %dma_start3A_344 = arith.constant 0 : i32
    %dma_start3A_345 = tpu.memref_slice %arg7[%dma_start3A_343, %dma_start3A_344] : memref<32x128xf32, #tpu.memory_space<vmem>> -> memref<1x128xf32, #tpu.memory_space<vmem>>
    %dma_start3A_346 = tpu.memref_squeeze %dma_start3A_345 : memref<1x128xf32, #tpu.memory_space<vmem>> -> memref<128xf32, #tpu.memory_space<vmem>>
    %dma_start3A_347 = tpu.memref_slice %arg3[%add3A_342] : memref<65536xf32, #tpu.memory_space<hbm>> -> memref<128xf32, #tpu.memory_space<hbm>>
    %dma_start3A_348 = arith.constant 0 : i32
    %dma_start3A_349 = tpu.memref_slice %arg7[%dma_start3A_343, %dma_start3A_348] : memref<32x128xf32, #tpu.memory_space<vmem>> -> memref<1x128xf32, #tpu.memory_space<vmem>>
    %dma_start3A_350 = tpu.memref_squeeze %dma_start3A_349 : memref<1x128xf32, #tpu.memory_space<vmem>> -> memref<128xf32, #tpu.memory_space<vmem>>
    %dma_start3A_351 = tpu.memref_slice %arg3[%add3A_342] : memref<65536xf32, #tpu.memory_space<hbm>> -> memref<128xf32, #tpu.memory_space<hbm>>
    tpu.enqueue_dma source(%dma_start3A_351 : memref<128xf32, #tpu.memory_space<hbm>>) target(%dma_start3A_350 : memref<128xf32, #tpu.memory_space<vmem>>) target_semaphore(%arg11 : memref<!tpu.dma_semaphore, #tpu.memory_space<semaphore_mem>>)
    %scan3A = arith.constant 0 : i32
    %scan3A_352 = arith.constant 256 : i32
    %scan3A_353 = arith.addi %scan3A, %scan3A_352 : i32
    %scan3A_354 = arith.constant 1 : i32
    scf.for %scan3A_943 = %scan3A to %scan3A_353 step %scan3A_354  : i32 {
      %mul3A_944 = arith.constant 1 : i32
      %mul3A_945 = arith.muli %scan3A_943, %mul3A_944 : i32
      %add3A_946 = arith.constant 0 : i32
      %add3A_947 = arith.addi %add3A_946, %mul3A_945 : i32
      %broadcast_in_dim3A = arith.constant 0.000000e+00 : f32
      %broadcast_in_dim3A_948 = vector.broadcast %broadcast_in_dim3A : f32 to vector<16xf32>
      %mul3A_949 = arith.constant 64 : i32
      %mul3A_950 = arith.muli %add3A_947, %mul3A_949 : i32
      %add3A_951 = arith.constant 0 : i32
      %add3A_952 = arith.addi %mul3A_950, %add3A_951 : i32
      %swap3A = arith.index_cast %add3A_952 : i32 to index
      %swap3A_953 = tpu.vector_load %arg9[%swap3A] {strides = array<i32>} : memref<16384xf32, #tpu.memory_space<vmem>>, vector<16xf32>,
      tpu.vector_store %arg9[%swap3A], %broadcast_in_dim3A_948 {strides = array<i32>} : memref<16384xf32, #tpu.memory_space<vmem>>, vector<16xf32>,
      %mul3A_954 = arith.constant 64 : i32
      %mul3A_955 = arith.muli %add3A_947, %mul3A_954 : i32
      %add3A_956 = arith.constant 16 : i32
      %add3A_957 = arith.addi %mul3A_955, %add3A_956 : i32
      %swap3A_958 = arith.index_cast %add3A_957 : i32 to index
      %swap3A_959 = tpu.vector_load %arg9[%swap3A_958] {strides = array<i32>} : memref<16384xf32, #tpu.memory_space<vmem>>, vector<16xf32>,
      tpu.vector_store %arg9[%swap3A_958], %broadcast_in_dim3A_948 {strides = array<i32>} : memref<16384xf32, #tpu.memory_space<vmem>>, vector<16xf32>,
      %mul3A_960 = arith.constant 64 : i32
      %mul3A_961 = arith.muli %add3A_947, %mul3A_960 : i32
      %add3A_962 = arith.constant 32 : i32
      %add3A_963 = arith.addi %mul3A_961, %add3A_962 : i32
      %swap3A_964 = arith.index_cast %add3A_963 : i32 to index
      %swap3A_965 = tpu.vector_load %arg9[%swap3A_964] {strides = array<i32>} : memref<16384xf32, #tpu.memory_space<vmem>>, vector<16xf32>,
      tpu.vector_store %arg9[%swap3A_964], %broadcast_in_dim3A_948 {strides = array<i32>} : memref<16384xf32, #tpu.memory_space<vmem>>, vector<16xf32>,
      %mul3A_966 = arith.constant 64 : i32
      %mul3A_967 = arith.muli %add3A_947, %mul3A_966 : i32
      %add3A_968 = arith.constant 48 : i32
      %add3A_969 = arith.addi %mul3A_967, %add3A_968 : i32
      %swap3A_970 = arith.index_cast %add3A_969 : i32 to index
      %swap3A_971 = tpu.vector_load %arg9[%swap3A_970] {strides = array<i32>} : memref<16384xf32, #tpu.memory_space<vmem>>, vector<16xf32>,
      tpu.vector_store %arg9[%swap3A_970], %broadcast_in_dim3A_948 {strides = array<i32>} : memref<16384xf32, #tpu.memory_space<vmem>>, vector<16xf32>,
    }
    %scan3A_355 = arith.constant 256 : i32
    %add3A_356 = arith.constant 0 : i32
    %add3A_357 = arith.addi %mul3A_0, %add3A_356 : i32
    %dma_wait3A = arith.constant 0 : i32
    %dma_wait3A_358 = arith.constant 0 : i32
    %dma_wait3A_359 = tpu.memref_slice %arg7[%dma_wait3A, %dma_wait3A_358] : memref<32x128xf32, #tpu.memory_space<vmem>> -> memref<1x128xf32, #tpu.memory_space<vmem>>
    %dma_wait3A_360 = tpu.memref_squeeze %dma_wait3A_359 : memref<1x128xf32, #tpu.memory_space<vmem>> -> memref<128xf32, #tpu.memory_space<vmem>>
    %dma_wait3A_361 = tpu.memref_slice %arg3[%add3A_357] : memref<65536xf32, #tpu.memory_space<hbm>> -> memref<128xf32, #tpu.memory_space<hbm>>
    %dma_wait3A_362 = arith.constant 0 : i32
    %dma_wait3A_363 = tpu.memref_slice %arg7[%dma_wait3A, %dma_wait3A_362] : memref<32x128xf32, #tpu.memory_space<vmem>> -> memref<1x128xf32, #tpu.memory_space<vmem>>
    %dma_wait3A_364 = tpu.memref_squeeze %dma_wait3A_363 : memref<1x128xf32, #tpu.memory_space<vmem>> -> memref<128xf32, #tpu.memory_space<vmem>>
    %dma_wait3A_365 = tpu.memref_slice %arg3[%add3A_357] : memref<65536xf32, #tpu.memory_space<hbm>> -> memref<128xf32, #tpu.memory_space<hbm>>
    tpu.wait_dma2 semaphore(%arg11 : memref<!tpu.dma_semaphore, #tpu.memory_space<semaphore_mem>>) src(%dma_wait3A_365 : memref<128xf32, #tpu.memory_space<hbm>>) dst(%dma_wait3A_364 : memref<128xf32, #tpu.memory_space<vmem>>)
    %add3A_366 = arith.constant 128 : i32
    %add3A_367 = arith.addi %mul3A_0, %add3A_366 : i32
    %dma_wait3A_368 = arith.constant 1 : i32
    %dma_wait3A_369 = arith.constant 0 : i32
    %dma_wait3A_370 = tpu.memref_slice %arg7[%dma_wait3A_368, %dma_wait3A_369] : memref<32x128xf32, #tpu.memory_space<vmem>> -> memref<1x128xf32, #tpu.memory_space<vmem>>
    %dma_wait3A_371 = tpu.memref_squeeze %dma_wait3A_370 : memref<1x128xf32, #tpu.memory_space<vmem>> -> memref<128xf32, #tpu.memory_space<vmem>>
    %dma_wait3A_372 = tpu.memref_slice %arg3[%add3A_367] : memref<65536xf32, #tpu.memory_space<hbm>> -> memref<128xf32, #tpu.memory_space<hbm>>
    %dma_wait3A_373 = arith.constant 0 : i32
    %dma_wait3A_374 = tpu.memref_slice %arg7[%dma_wait3A_368, %dma_wait3A_373] : memref<32x128xf32, #tpu.memory_space<vmem>> -> memref<1x128xf32, #tpu.memory_space<vmem>>
    %dma_wait3A_375 = tpu.memref_squeeze %dma_wait3A_374 : memref<1x128xf32, #tpu.memory_space<vmem>> -> memref<128xf32, #tpu.memory_space<vmem>>
    %dma_wait3A_376 = tpu.memref_slice %arg3[%add3A_367] : memref<65536xf32, #tpu.memory_space<hbm>> -> memref<128xf32, #tpu.memory_space<hbm>>
    tpu.wait_dma2 semaphore(%arg11 : memref<!tpu.dma_semaphore, #tpu.memory_space<semaphore_mem>>) src(%dma_wait3A_376 : memref<128xf32, #tpu.memory_space<hbm>>) dst(%dma_wait3A_375 : memref<128xf32, #tpu.memory_space<vmem>>)
    %add3A_377 = arith.constant 256 : i32
    %add3A_378 = arith.addi %mul3A_0, %add3A_377 : i32
    %dma_wait3A_379 = arith.constant 2 : i32
    %dma_wait3A_380 = arith.constant 0 : i32
    %dma_wait3A_381 = tpu.memref_slice %arg7[%dma_wait3A_379, %dma_wait3A_380] : memref<32x128xf32, #tpu.memory_space<vmem>> -> memref<1x128xf32, #tpu.memory_space<vmem>>
    %dma_wait3A_382 = tpu.memref_squeeze %dma_wait3A_381 : memref<1x128xf32, #tpu.memory_space<vmem>> -> memref<128xf32, #tpu.memory_space<vmem>>
    %dma_wait3A_383 = tpu.memref_slice %arg3[%add3A_378] : memref<65536xf32, #tpu.memory_space<hbm>> -> memref<128xf32, #tpu.memory_space<hbm>>
    %dma_wait3A_384 = arith.constant 0 : i32
    %dma_wait3A_385 = tpu.memref_slice %arg7[%dma_wait3A_379, %dma_wait3A_384] : memref<32x128xf32, #tpu.memory_space<vmem>> -> memref<1x128xf32, #tpu.memory_space<vmem>>
    %dma_wait3A_386 = tpu.memref_squeeze %dma_wait3A_385 : memref<1x128xf32, #tpu.memory_space<vmem>> -> memref<128xf32, #tpu.memory_space<vmem>>
    %dma_wait3A_387 = tpu.memref_slice %arg3[%add3A_378] : memref<65536xf32, #tpu.memory_space<hbm>> -> memref<128xf32, #tpu.memory_space<hbm>>
    tpu.wait_dma2 semaphore(%arg11 : memref<!tpu.dma_semaphore, #tpu.memory_space<semaphore_mem>>) src(%dma_wait3A_387 : memref<128xf32, #tpu.memory_space<hbm>>) dst(%dma_wait3A_386 : memref<128xf32, #tpu.memory_space<vmem>>)
    %add3A_388 = arith.constant 384 : i32
    %add3A_389 = arith.addi %mul3A_0, %add3A_388 : i32
    %dma_wait3A_390 = arith.constant 3 : i32
    %dma_wait3A_391 = arith.constant 0 : i32
    %dma_wait3A_392 = tpu.memref_slice %arg7[%dma_wait3A_390, %dma_wait3A_391] : memref<32x128xf32, #tpu.memory_space<vmem>> -> memref<1x128xf32, #tpu.memory_space<vmem>>
    %dma_wait3A_393 = tpu.memref_squeeze %dma_wait3A_392 : memref<1x128xf32, #tpu.memory_space<vmem>> -> memref<128xf32, #tpu.memory_space<vmem>>
    %dma_wait3A_394 = tpu.memref_slice %arg3[%add3A_389] : memref<65536xf32, #tpu.memory_space<hbm>> -> memref<128xf32, #tpu.memory_space<hbm>>
    %dma_wait3A_395 = arith.constant 0 : i32
    %dma_wait3A_396 = tpu.memref_slice %arg7[%dma_wait3A_390, %dma_wait3A_395] : memref<32x128xf32, #tpu.memory_space<vmem>> -> memref<1x128xf32, #tpu.memory_space<vmem>>
    %dma_wait3A_397 = tpu.memref_squeeze %dma_wait3A_396 : memref<1x128xf32, #tpu.memory_space<vmem>> -> memref<128xf32, #tpu.memory_space<vmem>>
    %dma_wait3A_398 = tpu.memref_slice %arg3[%add3A_389] : memref<65536xf32, #tpu.memory_space<hbm>> -> memref<128xf32, #tpu.memory_space<hbm>>
    tpu.wait_dma2 semaphore(%arg11 : memref<!tpu.dma_semaphore, #tpu.memory_space<semaphore_mem>>) src(%dma_wait3A_398 : memref<128xf32, #tpu.memory_space<hbm>>) dst(%dma_wait3A_397 : memref<128xf32, #tpu.memory_space<vmem>>)
    %add3A_399 = arith.constant 512 : i32
    %add3A_400 = arith.addi %mul3A_0, %add3A_399 : i32
    %dma_wait3A_401 = arith.constant 4 : i32
    %dma_wait3A_402 = arith.constant 0 : i32
    %dma_wait3A_403 = tpu.memref_slice %arg7[%dma_wait3A_401, %dma_wait3A_402] : memref<32x128xf32, #tpu.memory_space<vmem>> -> memref<1x128xf32, #tpu.memory_space<vmem>>
    %dma_wait3A_404 = tpu.memref_squeeze %dma_wait3A_403 : memref<1x128xf32, #tpu.memory_space<vmem>> -> memref<128xf32, #tpu.memory_space<vmem>>
    %dma_wait3A_405 = tpu.memref_slice %arg3[%add3A_400] : memref<65536xf32, #tpu.memory_space<hbm>> -> memref<128xf32, #tpu.memory_space<hbm>>
    %dma_wait3A_406 = arith.constant 0 : i32
    %dma_wait3A_407 = tpu.memref_slice %arg7[%dma_wait3A_401, %dma_wait3A_406] : memref<32x128xf32, #tpu.memory_space<vmem>> -> memref<1x128xf32, #tpu.memory_space<vmem>>
    %dma_wait3A_408 = tpu.memref_squeeze %dma_wait3A_407 : memref<1x128xf32, #tpu.memory_space<vmem>> -> memref<128xf32, #tpu.memory_space<vmem>>
    %dma_wait3A_409 = tpu.memref_slice %arg3[%add3A_400] : memref<65536xf32, #tpu.memory_space<hbm>> -> memref<128xf32, #tpu.memory_space<hbm>>
    tpu.wait_dma2 semaphore(%arg11 : memref<!tpu.dma_semaphore, #tpu.memory_space<semaphore_mem>>) src(%dma_wait3A_409 : memref<128xf32, #tpu.memory_space<hbm>>) dst(%dma_wait3A_408 : memref<128xf32, #tpu.memory_space<vmem>>)
    %add3A_410 = arith.constant 640 : i32
    %add3A_411 = arith.addi %mul3A_0, %add3A_410 : i32
    %dma_wait3A_412 = arith.constant 5 : i32
    %dma_wait3A_413 = arith.constant 0 : i32
    %dma_wait3A_414 = tpu.memref_slice %arg7[%dma_wait3A_412, %dma_wait3A_413] : memref<32x128xf32, #tpu.memory_space<vmem>> -> memref<1x128xf32, #tpu.memory_space<vmem>>
    %dma_wait3A_415 = tpu.memref_squeeze %dma_wait3A_414 : memref<1x128xf32, #tpu.memory_space<vmem>> -> memref<128xf32, #tpu.memory_space<vmem>>
    %dma_wait3A_416 = tpu.memref_slice %arg3[%add3A_411] : memref<65536xf32, #tpu.memory_space<hbm>> -> memref<128xf32, #tpu.memory_space<hbm>>
    %dma_wait3A_417 = arith.constant 0 : i32
    %dma_wait3A_418 = tpu.memref_slice %arg7[%dma_wait3A_412, %dma_wait3A_417] : memref<32x128xf32, #tpu.memory_space<vmem>> -> memref<1x128xf32, #tpu.memory_space<vmem>>
    %dma_wait3A_419 = tpu.memref_squeeze %dma_wait3A_418 : memref<1x128xf32, #tpu.memory_space<vmem>> -> memref<128xf32, #tpu.memory_space<vmem>>
    %dma_wait3A_420 = tpu.memref_slice %arg3[%add3A_411] : memref<65536xf32, #tpu.memory_space<hbm>> -> memref<128xf32, #tpu.memory_space<hbm>>
    tpu.wait_dma2 semaphore(%arg11 : memref<!tpu.dma_semaphore, #tpu.memory_space<semaphore_mem>>) src(%dma_wait3A_420 : memref<128xf32, #tpu.memory_space<hbm>>) dst(%dma_wait3A_419 : memref<128xf32, #tpu.memory_space<vmem>>)
    %add3A_421 = arith.constant 768 : i32
    %add3A_422 = arith.addi %mul3A_0, %add3A_421 : i32
    %dma_wait3A_423 = arith.constant 6 : i32
    %dma_wait3A_424 = arith.constant 0 : i32
    %dma_wait3A_425 = tpu.memref_slice %arg7[%dma_wait3A_423, %dma_wait3A_424] : memref<32x128xf32, #tpu.memory_space<vmem>> -> memref<1x128xf32, #tpu.memory_space<vmem>>
    %dma_wait3A_426 = tpu.memref_squeeze %dma_wait3A_425 : memref<1x128xf32, #tpu.memory_space<vmem>> -> memref<128xf32, #tpu.memory_space<vmem>>
    %dma_wait3A_427 = tpu.memref_slice %arg3[%add3A_422] : memref<65536xf32, #tpu.memory_space<hbm>> -> memref<128xf32, #tpu.memory_space<hbm>>
    %dma_wait3A_428 = arith.constant 0 : i32
    %dma_wait3A_429 = tpu.memref_slice %arg7[%dma_wait3A_423, %dma_wait3A_428] : memref<32x128xf32, #tpu.memory_space<vmem>> -> memref<1x128xf32, #tpu.memory_space<vmem>>
    %dma_wait3A_430 = tpu.memref_squeeze %dma_wait3A_429 : memref<1x128xf32, #tpu.memory_space<vmem>> -> memref<128xf32, #tpu.memory_space<vmem>>
    %dma_wait3A_431 = tpu.memref_slice %arg3[%add3A_422] : memref<65536xf32, #tpu.memory_space<hbm>> -> memref<128xf32, #tpu.memory_space<hbm>>
    tpu.wait_dma2 semaphore(%arg11 : memref<!tpu.dma_semaphore, #tpu.memory_space<semaphore_mem>>) src(%dma_wait3A_431 : memref<128xf32, #tpu.memory_space<hbm>>) dst(%dma_wait3A_430 : memref<128xf32, #tpu.memory_space<vmem>>)
    %add3A_432 = arith.constant 896 : i32
    %add3A_433 = arith.addi %mul3A_0, %add3A_432 : i32
    %dma_wait3A_434 = arith.constant 7 : i32
    %dma_wait3A_435 = arith.constant 0 : i32
    %dma_wait3A_436 = tpu.memref_slice %arg7[%dma_wait3A_434, %dma_wait3A_435] : memref<32x128xf32, #tpu.memory_space<vmem>> -> memref<1x128xf32, #tpu.memory_space<vmem>>
    %dma_wait3A_437 = tpu.memref_squeeze %dma_wait3A_436 : memref<1x128xf32, #tpu.memory_space<vmem>> -> memref<128xf32, #tpu.memory_space<vmem>>
    %dma_wait3A_438 = tpu.memref_slice %arg3[%add3A_433] : memref<65536xf32, #tpu.memory_space<hbm>> -> memref<128xf32, #tpu.memory_space<hbm>>
    %dma_wait3A_439 = arith.constant 0 : i32
    %dma_wait3A_440 = tpu.memref_slice %arg7[%dma_wait3A_434, %dma_wait3A_439] : memref<32x128xf32, #tpu.memory_space<vmem>> -> memref<1x128xf32, #tpu.memory_space<vmem>>
    %dma_wait3A_441 = tpu.memref_squeeze %dma_wait3A_440 : memref<1x128xf32, #tpu.memory_space<vmem>> -> memref<128xf32, #tpu.memory_space<vmem>>
    %dma_wait3A_442 = tpu.memref_slice %arg3[%add3A_433] : memref<65536xf32, #tpu.memory_space<hbm>> -> memref<128xf32, #tpu.memory_space<hbm>>
    tpu.wait_dma2 semaphore(%arg11 : memref<!tpu.dma_semaphore, #tpu.memory_space<semaphore_mem>>) src(%dma_wait3A_442 : memref<128xf32, #tpu.memory_space<hbm>>) dst(%dma_wait3A_441 : memref<128xf32, #tpu.memory_space<vmem>>)
    %add3A_443 = arith.constant 1024 : i32
    %add3A_444 = arith.addi %mul3A_0, %add3A_443 : i32
    %dma_wait3A_445 = arith.constant 8 : i32
    %dma_wait3A_446 = arith.constant 0 : i32
    %dma_wait3A_447 = tpu.memref_slice %arg7[%dma_wait3A_445, %dma_wait3A_446] : memref<32x128xf32, #tpu.memory_space<vmem>> -> memref<1x128xf32, #tpu.memory_space<vmem>>
    %dma_wait3A_448 = tpu.memref_squeeze %dma_wait3A_447 : memref<1x128xf32, #tpu.memory_space<vmem>> -> memref<128xf32, #tpu.memory_space<vmem>>
    %dma_wait3A_449 = tpu.memref_slice %arg3[%add3A_444] : memref<65536xf32, #tpu.memory_space<hbm>> -> memref<128xf32, #tpu.memory_space<hbm>>
    %dma_wait3A_450 = arith.constant 0 : i32
    %dma_wait3A_451 = tpu.memref_slice %arg7[%dma_wait3A_445, %dma_wait3A_450] : memref<32x128xf32, #tpu.memory_space<vmem>> -> memref<1x128xf32, #tpu.memory_space<vmem>>
    %dma_wait3A_452 = tpu.memref_squeeze %dma_wait3A_451 : memref<1x128xf32, #tpu.memory_space<vmem>> -> memref<128xf32, #tpu.memory_space<vmem>>
    %dma_wait3A_453 = tpu.memref_slice %arg3[%add3A_444] : memref<65536xf32, #tpu.memory_space<hbm>> -> memref<128xf32, #tpu.memory_space<hbm>>
    tpu.wait_dma2 semaphore(%arg11 : memref<!tpu.dma_semaphore, #tpu.memory_space<semaphore_mem>>) src(%dma_wait3A_453 : memref<128xf32, #tpu.memory_space<hbm>>) dst(%dma_wait3A_452 : memref<128xf32, #tpu.memory_space<vmem>>)
    %add3A_454 = arith.constant 1152 : i32
    %add3A_455 = arith.addi %mul3A_0, %add3A_454 : i32
    %dma_wait3A_456 = arith.constant 9 : i32
    %dma_wait3A_457 = arith.constant 0 : i32
    %dma_wait3A_458 = tpu.memref_slice %arg7[%dma_wait3A_456, %dma_wait3A_457] : memref<32x128xf32, #tpu.memory_space<vmem>> -> memref<1x128xf32, #tpu.memory_space<vmem>>
    %dma_wait3A_459 = tpu.memref_squeeze %dma_wait3A_458 : memref<1x128xf32, #tpu.memory_space<vmem>> -> memref<128xf32, #tpu.memory_space<vmem>>
    %dma_wait3A_460 = tpu.memref_slice %arg3[%add3A_455] : memref<65536xf32, #tpu.memory_space<hbm>> -> memref<128xf32, #tpu.memory_space<hbm>>
    %dma_wait3A_461 = arith.constant 0 : i32
    %dma_wait3A_462 = tpu.memref_slice %arg7[%dma_wait3A_456, %dma_wait3A_461] : memref<32x128xf32, #tpu.memory_space<vmem>> -> memref<1x128xf32, #tpu.memory_space<vmem>>
    %dma_wait3A_463 = tpu.memref_squeeze %dma_wait3A_462 : memref<1x128xf32, #tpu.memory_space<vmem>> -> memref<128xf32, #tpu.memory_space<vmem>>
    %dma_wait3A_464 = tpu.memref_slice %arg3[%add3A_455] : memref<65536xf32, #tpu.memory_space<hbm>> -> memref<128xf32, #tpu.memory_space<hbm>>
    tpu.wait_dma2 semaphore(%arg11 : memref<!tpu.dma_semaphore, #tpu.memory_space<semaphore_mem>>) src(%dma_wait3A_464 : memref<128xf32, #tpu.memory_space<hbm>>) dst(%dma_wait3A_463 : memref<128xf32, #tpu.memory_space<vmem>>)
    %add3A_465 = arith.constant 1280 : i32
    %add3A_466 = arith.addi %mul3A_0, %add3A_465 : i32
    %dma_wait3A_467 = arith.constant 10 : i32
    %dma_wait3A_468 = arith.constant 0 : i32
    %dma_wait3A_469 = tpu.memref_slice %arg7[%dma_wait3A_467, %dma_wait3A_468] : memref<32x128xf32, #tpu.memory_space<vmem>> -> memref<1x128xf32, #tpu.memory_space<vmem>>
    %dma_wait3A_470 = tpu.memref_squeeze %dma_wait3A_469 : memref<1x128xf32, #tpu.memory_space<vmem>> -> memref<128xf32, #tpu.memory_space<vmem>>
    %dma_wait3A_471 = tpu.memref_slice %arg3[%add3A_466] : memref<65536xf32, #tpu.memory_space<hbm>> -> memref<128xf32, #tpu.memory_space<hbm>>
    %dma_wait3A_472 = arith.constant 0 : i32
    %dma_wait3A_473 = tpu.memref_slice %arg7[%dma_wait3A_467, %dma_wait3A_472] : memref<32x128xf32, #tpu.memory_space<vmem>> -> memref<1x128xf32, #tpu.memory_space<vmem>>
    %dma_wait3A_474 = tpu.memref_squeeze %dma_wait3A_473 : memref<1x128xf32, #tpu.memory_space<vmem>> -> memref<128xf32, #tpu.memory_space<vmem>>
    %dma_wait3A_475 = tpu.memref_slice %arg3[%add3A_466] : memref<65536xf32, #tpu.memory_space<hbm>> -> memref<128xf32, #tpu.memory_space<hbm>>
    tpu.wait_dma2 semaphore(%arg11 : memref<!tpu.dma_semaphore, #tpu.memory_space<semaphore_mem>>) src(%dma_wait3A_475 : memref<128xf32, #tpu.memory_space<hbm>>) dst(%dma_wait3A_474 : memref<128xf32, #tpu.memory_space<vmem>>)
    %add3A_476 = arith.constant 1408 : i32
    %add3A_477 = arith.addi %mul3A_0, %add3A_476 : i32
    %dma_wait3A_478 = arith.constant 11 : i32
    %dma_wait3A_479 = arith.constant 0 : i32
    %dma_wait3A_480 = tpu.memref_slice %arg7[%dma_wait3A_478, %dma_wait3A_479] : memref<32x128xf32, #tpu.memory_space<vmem>> -> memref<1x128xf32, #tpu.memory_space<vmem>>
    %dma_wait3A_481 = tpu.memref_squeeze %dma_wait3A_480 : memref<1x128xf32, #tpu.memory_space<vmem>> -> memref<128xf32, #tpu.memory_space<vmem>>
    %dma_wait3A_482 = tpu.memref_slice %arg3[%add3A_477] : memref<65536xf32, #tpu.memory_space<hbm>> -> memref<128xf32, #tpu.memory_space<hbm>>
    %dma_wait3A_483 = arith.constant 0 : i32
    %dma_wait3A_484 = tpu.memref_slice %arg7[%dma_wait3A_478, %dma_wait3A_483] : memref<32x128xf32, #tpu.memory_space<vmem>> -> memref<1x128xf32, #tpu.memory_space<vmem>>
    %dma_wait3A_485 = tpu.memref_squeeze %dma_wait3A_484 : memref<1x128xf32, #tpu.memory_space<vmem>> -> memref<128xf32, #tpu.memory_space<vmem>>
    %dma_wait3A_486 = tpu.memref_slice %arg3[%add3A_477] : memref<65536xf32, #tpu.memory_space<hbm>> -> memref<128xf32, #tpu.memory_space<hbm>>
    tpu.wait_dma2 semaphore(%arg11 : memref<!tpu.dma_semaphore, #tpu.memory_space<semaphore_mem>>) src(%dma_wait3A_486 : memref<128xf32, #tpu.memory_space<hbm>>) dst(%dma_wait3A_485 : memref<128xf32, #tpu.memory_space<vmem>>)
    %add3A_487 = arith.constant 1536 : i32
    %add3A_488 = arith.addi %mul3A_0, %add3A_487 : i32
    %dma_wait3A_489 = arith.constant 12 : i32
    %dma_wait3A_490 = arith.constant 0 : i32
    %dma_wait3A_491 = tpu.memref_slice %arg7[%dma_wait3A_489, %dma_wait3A_490] : memref<32x128xf32, #tpu.memory_space<vmem>> -> memref<1x128xf32, #tpu.memory_space<vmem>>
    %dma_wait3A_492 = tpu.memref_squeeze %dma_wait3A_491 : memref<1x128xf32, #tpu.memory_space<vmem>> -> memref<128xf32, #tpu.memory_space<vmem>>
    %dma_wait3A_493 = tpu.memref_slice %arg3[%add3A_488] : memref<65536xf32, #tpu.memory_space<hbm>> -> memref<128xf32, #tpu.memory_space<hbm>>
    %dma_wait3A_494 = arith.constant 0 : i32
    %dma_wait3A_495 = tpu.memref_slice %arg7[%dma_wait3A_489, %dma_wait3A_494] : memref<32x128xf32, #tpu.memory_space<vmem>> -> memref<1x128xf32, #tpu.memory_space<vmem>>
    %dma_wait3A_496 = tpu.memref_squeeze %dma_wait3A_495 : memref<1x128xf32, #tpu.memory_space<vmem>> -> memref<128xf32, #tpu.memory_space<vmem>>
    %dma_wait3A_497 = tpu.memref_slice %arg3[%add3A_488] : memref<65536xf32, #tpu.memory_space<hbm>> -> memref<128xf32, #tpu.memory_space<hbm>>
    tpu.wait_dma2 semaphore(%arg11 : memref<!tpu.dma_semaphore, #tpu.memory_space<semaphore_mem>>) src(%dma_wait3A_497 : memref<128xf32, #tpu.memory_space<hbm>>) dst(%dma_wait3A_496 : memref<128xf32, #tpu.memory_space<vmem>>)
    %add3A_498 = arith.constant 1664 : i32
    %add3A_499 = arith.addi %mul3A_0, %add3A_498 : i32
    %dma_wait3A_500 = arith.constant 13 : i32
    %dma_wait3A_501 = arith.constant 0 : i32
    %dma_wait3A_502 = tpu.memref_slice %arg7[%dma_wait3A_500, %dma_wait3A_501] : memref<32x128xf32, #tpu.memory_space<vmem>> -> memref<1x128xf32, #tpu.memory_space<vmem>>
    %dma_wait3A_503 = tpu.memref_squeeze %dma_wait3A_502 : memref<1x128xf32, #tpu.memory_space<vmem>> -> memref<128xf32, #tpu.memory_space<vmem>>
    %dma_wait3A_504 = tpu.memref_slice %arg3[%add3A_499] : memref<65536xf32, #tpu.memory_space<hbm>> -> memref<128xf32, #tpu.memory_space<hbm>>
    %dma_wait3A_505 = arith.constant 0 : i32
    %dma_wait3A_506 = tpu.memref_slice %arg7[%dma_wait3A_500, %dma_wait3A_505] : memref<32x128xf32, #tpu.memory_space<vmem>> -> memref<1x128xf32, #tpu.memory_space<vmem>>
    %dma_wait3A_507 = tpu.memref_squeeze %dma_wait3A_506 : memref<1x128xf32, #tpu.memory_space<vmem>> -> memref<128xf32, #tpu.memory_space<vmem>>
    %dma_wait3A_508 = tpu.memref_slice %arg3[%add3A_499] : memref<65536xf32, #tpu.memory_space<hbm>> -> memref<128xf32, #tpu.memory_space<hbm>>
    tpu.wait_dma2 semaphore(%arg11 : memref<!tpu.dma_semaphore, #tpu.memory_space<semaphore_mem>>) src(%dma_wait3A_508 : memref<128xf32, #tpu.memory_space<hbm>>) dst(%dma_wait3A_507 : memref<128xf32, #tpu.memory_space<vmem>>)
    %add3A_509 = arith.constant 1792 : i32
    %add3A_510 = arith.addi %mul3A_0, %add3A_509 : i32
    %dma_wait3A_511 = arith.constant 14 : i32
    %dma_wait3A_512 = arith.constant 0 : i32
    %dma_wait3A_513 = tpu.memref_slice %arg7[%dma_wait3A_511, %dma_wait3A_512] : memref<32x128xf32, #tpu.memory_space<vmem>> -> memref<1x128xf32, #tpu.memory_space<vmem>>
    %dma_wait3A_514 = tpu.memref_squeeze %dma_wait3A_513 : memref<1x128xf32, #tpu.memory_space<vmem>> -> memref<128xf32, #tpu.memory_space<vmem>>
    %dma_wait3A_515 = tpu.memref_slice %arg3[%add3A_510] : memref<65536xf32, #tpu.memory_space<hbm>> -> memref<128xf32, #tpu.memory_space<hbm>>
    %dma_wait3A_516 = arith.constant 0 : i32
    %dma_wait3A_517 = tpu.memref_slice %arg7[%dma_wait3A_511, %dma_wait3A_516] : memref<32x128xf32, #tpu.memory_space<vmem>> -> memref<1x128xf32, #tpu.memory_space<vmem>>
    %dma_wait3A_518 = tpu.memref_squeeze %dma_wait3A_517 : memref<1x128xf32, #tpu.memory_space<vmem>> -> memref<128xf32, #tpu.memory_space<vmem>>
    %dma_wait3A_519 = tpu.memref_slice %arg3[%add3A_510] : memref<65536xf32, #tpu.memory_space<hbm>> -> memref<128xf32, #tpu.memory_space<hbm>>
    tpu.wait_dma2 semaphore(%arg11 : memref<!tpu.dma_semaphore, #tpu.memory_space<semaphore_mem>>) src(%dma_wait3A_519 : memref<128xf32, #tpu.memory_space<hbm>>) dst(%dma_wait3A_518 : memref<128xf32, #tpu.memory_space<vmem>>)
    %add3A_520 = arith.constant 1920 : i32
    %add3A_521 = arith.addi %mul3A_0, %add3A_520 : i32
    %dma_wait3A_522 = arith.constant 15 : i32
    %dma_wait3A_523 = arith.constant 0 : i32
    %dma_wait3A_524 = tpu.memref_slice %arg7[%dma_wait3A_522, %dma_wait3A_523] : memref<32x128xf32, #tpu.memory_space<vmem>> -> memref<1x128xf32, #tpu.memory_space<vmem>>
    %dma_wait3A_525 = tpu.memref_squeeze %dma_wait3A_524 : memref<1x128xf32, #tpu.memory_space<vmem>> -> memref<128xf32, #tpu.memory_space<vmem>>
    %dma_wait3A_526 = tpu.memref_slice %arg3[%add3A_521] : memref<65536xf32, #tpu.memory_space<hbm>> -> memref<128xf32, #tpu.memory_space<hbm>>
    %dma_wait3A_527 = arith.constant 0 : i32
    %dma_wait3A_528 = tpu.memref_slice %arg7[%dma_wait3A_522, %dma_wait3A_527] : memref<32x128xf32, #tpu.memory_space<vmem>> -> memref<1x128xf32, #tpu.memory_space<vmem>>
    %dma_wait3A_529 = tpu.memref_squeeze %dma_wait3A_528 : memref<1x128xf32, #tpu.memory_space<vmem>> -> memref<128xf32, #tpu.memory_space<vmem>>
    %dma_wait3A_530 = tpu.memref_slice %arg3[%add3A_521] : memref<65536xf32, #tpu.memory_space<hbm>> -> memref<128xf32, #tpu.memory_space<hbm>>
    tpu.wait_dma2 semaphore(%arg11 : memref<!tpu.dma_semaphore, #tpu.memory_space<semaphore_mem>>) src(%dma_wait3A_530 : memref<128xf32, #tpu.memory_space<hbm>>) dst(%dma_wait3A_529 : memref<128xf32, #tpu.memory_space<vmem>>)
    %add3A_531 = arith.constant 2048 : i32
    %add3A_532 = arith.addi %mul3A_0, %add3A_531 : i32
    %dma_wait3A_533 = arith.constant 16 : i32
    %dma_wait3A_534 = arith.constant 0 : i32
    %dma_wait3A_535 = tpu.memref_slice %arg7[%dma_wait3A_533, %dma_wait3A_534] : memref<32x128xf32, #tpu.memory_space<vmem>> -> memref<1x128xf32, #tpu.memory_space<vmem>>
    %dma_wait3A_536 = tpu.memref_squeeze %dma_wait3A_535 : memref<1x128xf32, #tpu.memory_space<vmem>> -> memref<128xf32, #tpu.memory_space<vmem>>
    %dma_wait3A_537 = tpu.memref_slice %arg3[%add3A_532] : memref<65536xf32, #tpu.memory_space<hbm>> -> memref<128xf32, #tpu.memory_space<hbm>>
    %dma_wait3A_538 = arith.constant 0 : i32
    %dma_wait3A_539 = tpu.memref_slice %arg7[%dma_wait3A_533, %dma_wait3A_538] : memref<32x128xf32, #tpu.memory_space<vmem>> -> memref<1x128xf32, #tpu.memory_space<vmem>>
    %dma_wait3A_540 = tpu.memref_squeeze %dma_wait3A_539 : memref<1x128xf32, #tpu.memory_space<vmem>> -> memref<128xf32, #tpu.memory_space<vmem>>
    %dma_wait3A_541 = tpu.memref_slice %arg3[%add3A_532] : memref<65536xf32, #tpu.memory_space<hbm>> -> memref<128xf32, #tpu.memory_space<hbm>>
    tpu.wait_dma2 semaphore(%arg11 : memref<!tpu.dma_semaphore, #tpu.memory_space<semaphore_mem>>) src(%dma_wait3A_541 : memref<128xf32, #tpu.memory_space<hbm>>) dst(%dma_wait3A_540 : memref<128xf32, #tpu.memory_space<vmem>>)
    %add3A_542 = arith.constant 2176 : i32
    %add3A_543 = arith.addi %mul3A_0, %add3A_542 : i32
    %dma_wait3A_544 = arith.constant 17 : i32
    %dma_wait3A_545 = arith.constant 0 : i32
    %dma_wait3A_546 = tpu.memref_slice %arg7[%dma_wait3A_544, %dma_wait3A_545] : memref<32x128xf32, #tpu.memory_space<vmem>> -> memref<1x128xf32, #tpu.memory_space<vmem>>
    %dma_wait3A_547 = tpu.memref_squeeze %dma_wait3A_546 : memref<1x128xf32, #tpu.memory_space<vmem>> -> memref<128xf32, #tpu.memory_space<vmem>>
    %dma_wait3A_548 = tpu.memref_slice %arg3[%add3A_543] : memref<65536xf32, #tpu.memory_space<hbm>> -> memref<128xf32, #tpu.memory_space<hbm>>
    %dma_wait3A_549 = arith.constant 0 : i32
    %dma_wait3A_550 = tpu.memref_slice %arg7[%dma_wait3A_544, %dma_wait3A_549] : memref<32x128xf32, #tpu.memory_space<vmem>> -> memref<1x128xf32, #tpu.memory_space<vmem>>
    %dma_wait3A_551 = tpu.memref_squeeze %dma_wait3A_550 : memref<1x128xf32, #tpu.memory_space<vmem>> -> memref<128xf32, #tpu.memory_space<vmem>>
    %dma_wait3A_552 = tpu.memref_slice %arg3[%add3A_543] : memref<65536xf32, #tpu.memory_space<hbm>> -> memref<128xf32, #tpu.memory_space<hbm>>
    tpu.wait_dma2 semaphore(%arg11 : memref<!tpu.dma_semaphore, #tpu.memory_space<semaphore_mem>>) src(%dma_wait3A_552 : memref<128xf32, #tpu.memory_space<hbm>>) dst(%dma_wait3A_551 : memref<128xf32, #tpu.memory_space<vmem>>)
    %add3A_553 = arith.constant 2304 : i32
    %add3A_554 = arith.addi %mul3A_0, %add3A_553 : i32
    %dma_wait3A_555 = arith.constant 18 : i32
    %dma_wait3A_556 = arith.constant 0 : i32
    %dma_wait3A_557 = tpu.memref_slice %arg7[%dma_wait3A_555, %dma_wait3A_556] : memref<32x128xf32, #tpu.memory_space<vmem>> -> memref<1x128xf32, #tpu.memory_space<vmem>>
    %dma_wait3A_558 = tpu.memref_squeeze %dma_wait3A_557 : memref<1x128xf32, #tpu.memory_space<vmem>> -> memref<128xf32, #tpu.memory_space<vmem>>
    %dma_wait3A_559 = tpu.memref_slice %arg3[%add3A_554] : memref<65536xf32, #tpu.memory_space<hbm>> -> memref<128xf32, #tpu.memory_space<hbm>>
    %dma_wait3A_560 = arith.constant 0 : i32
    %dma_wait3A_561 = tpu.memref_slice %arg7[%dma_wait3A_555, %dma_wait3A_560] : memref<32x128xf32, #tpu.memory_space<vmem>> -> memref<1x128xf32, #tpu.memory_space<vmem>>
    %dma_wait3A_562 = tpu.memref_squeeze %dma_wait3A_561 : memref<1x128xf32, #tpu.memory_space<vmem>> -> memref<128xf32, #tpu.memory_space<vmem>>
    %dma_wait3A_563 = tpu.memref_slice %arg3[%add3A_554] : memref<65536xf32, #tpu.memory_space<hbm>> -> memref<128xf32, #tpu.memory_space<hbm>>
    tpu.wait_dma2 semaphore(%arg11 : memref<!tpu.dma_semaphore, #tpu.memory_space<semaphore_mem>>) src(%dma_wait3A_563 : memref<128xf32, #tpu.memory_space<hbm>>) dst(%dma_wait3A_562 : memref<128xf32, #tpu.memory_space<vmem>>)
    %add3A_564 = arith.constant 2432 : i32
    %add3A_565 = arith.addi %mul3A_0, %add3A_564 : i32
    %dma_wait3A_566 = arith.constant 19 : i32
    %dma_wait3A_567 = arith.constant 0 : i32
    %dma_wait3A_568 = tpu.memref_slice %arg7[%dma_wait3A_566, %dma_wait3A_567] : memref<32x128xf32, #tpu.memory_space<vmem>> -> memref<1x128xf32, #tpu.memory_space<vmem>>
    %dma_wait3A_569 = tpu.memref_squeeze %dma_wait3A_568 : memref<1x128xf32, #tpu.memory_space<vmem>> -> memref<128xf32, #tpu.memory_space<vmem>>
    %dma_wait3A_570 = tpu.memref_slice %arg3[%add3A_565] : memref<65536xf32, #tpu.memory_space<hbm>> -> memref<128xf32, #tpu.memory_space<hbm>>
    %dma_wait3A_571 = arith.constant 0 : i32
    %dma_wait3A_572 = tpu.memref_slice %arg7[%dma_wait3A_566, %dma_wait3A_571] : memref<32x128xf32, #tpu.memory_space<vmem>> -> memref<1x128xf32, #tpu.memory_space<vmem>>
    %dma_wait3A_573 = tpu.memref_squeeze %dma_wait3A_572 : memref<1x128xf32, #tpu.memory_space<vmem>> -> memref<128xf32, #tpu.memory_space<vmem>>
    %dma_wait3A_574 = tpu.memref_slice %arg3[%add3A_565] : memref<65536xf32, #tpu.memory_space<hbm>> -> memref<128xf32, #tpu.memory_space<hbm>>
    tpu.wait_dma2 semaphore(%arg11 : memref<!tpu.dma_semaphore, #tpu.memory_space<semaphore_mem>>) src(%dma_wait3A_574 : memref<128xf32, #tpu.memory_space<hbm>>) dst(%dma_wait3A_573 : memref<128xf32, #tpu.memory_space<vmem>>)
    %add3A_575 = arith.constant 2560 : i32
    %add3A_576 = arith.addi %mul3A_0, %add3A_575 : i32
    %dma_wait3A_577 = arith.constant 20 : i32
    %dma_wait3A_578 = arith.constant 0 : i32
    %dma_wait3A_579 = tpu.memref_slice %arg7[%dma_wait3A_577, %dma_wait3A_578] : memref<32x128xf32, #tpu.memory_space<vmem>> -> memref<1x128xf32, #tpu.memory_space<vmem>>
    %dma_wait3A_580 = tpu.memref_squeeze %dma_wait3A_579 : memref<1x128xf32, #tpu.memory_space<vmem>> -> memref<128xf32, #tpu.memory_space<vmem>>
    %dma_wait3A_581 = tpu.memref_slice %arg3[%add3A_576] : memref<65536xf32, #tpu.memory_space<hbm>> -> memref<128xf32, #tpu.memory_space<hbm>>
    %dma_wait3A_582 = arith.constant 0 : i32
    %dma_wait3A_583 = tpu.memref_slice %arg7[%dma_wait3A_577, %dma_wait3A_582] : memref<32x128xf32, #tpu.memory_space<vmem>> -> memref<1x128xf32, #tpu.memory_space<vmem>>
    %dma_wait3A_584 = tpu.memref_squeeze %dma_wait3A_583 : memref<1x128xf32, #tpu.memory_space<vmem>> -> memref<128xf32, #tpu.memory_space<vmem>>
    %dma_wait3A_585 = tpu.memref_slice %arg3[%add3A_576] : memref<65536xf32, #tpu.memory_space<hbm>> -> memref<128xf32, #tpu.memory_space<hbm>>
    tpu.wait_dma2 semaphore(%arg11 : memref<!tpu.dma_semaphore, #tpu.memory_space<semaphore_mem>>) src(%dma_wait3A_585 : memref<128xf32, #tpu.memory_space<hbm>>) dst(%dma_wait3A_584 : memref<128xf32, #tpu.memory_space<vmem>>)
    %add3A_586 = arith.constant 2688 : i32
    %add3A_587 = arith.addi %mul3A_0, %add3A_586 : i32
    %dma_wait3A_588 = arith.constant 21 : i32
    %dma_wait3A_589 = arith.constant 0 : i32
    %dma_wait3A_590 = tpu.memref_slice %arg7[%dma_wait3A_588, %dma_wait3A_589] : memref<32x128xf32, #tpu.memory_space<vmem>> -> memref<1x128xf32, #tpu.memory_space<vmem>>
    %dma_wait3A_591 = tpu.memref_squeeze %dma_wait3A_590 : memref<1x128xf32, #tpu.memory_space<vmem>> -> memref<128xf32, #tpu.memory_space<vmem>>
    %dma_wait3A_592 = tpu.memref_slice %arg3[%add3A_587] : memref<65536xf32, #tpu.memory_space<hbm>> -> memref<128xf32, #tpu.memory_space<hbm>>
    %dma_wait3A_593 = arith.constant 0 : i32
    %dma_wait3A_594 = tpu.memref_slice %arg7[%dma_wait3A_588, %dma_wait3A_593] : memref<32x128xf32, #tpu.memory_space<vmem>> -> memref<1x128xf32, #tpu.memory_space<vmem>>
    %dma_wait3A_595 = tpu.memref_squeeze %dma_wait3A_594 : memref<1x128xf32, #tpu.memory_space<vmem>> -> memref<128xf32, #tpu.memory_space<vmem>>
    %dma_wait3A_596 = tpu.memref_slice %arg3[%add3A_587] : memref<65536xf32, #tpu.memory_space<hbm>> -> memref<128xf32, #tpu.memory_space<hbm>>
    tpu.wait_dma2 semaphore(%arg11 : memref<!tpu.dma_semaphore, #tpu.memory_space<semaphore_mem>>) src(%dma_wait3A_596 : memref<128xf32, #tpu.memory_space<hbm>>) dst(%dma_wait3A_595 : memref<128xf32, #tpu.memory_space<vmem>>)
    %add3A_597 = arith.constant 2816 : i32
    %add3A_598 = arith.addi %mul3A_0, %add3A_597 : i32
    %dma_wait3A_599 = arith.constant 22 : i32
    %dma_wait3A_600 = arith.constant 0 : i32
    %dma_wait3A_601 = tpu.memref_slice %arg7[%dma_wait3A_599, %dma_wait3A_600] : memref<32x128xf32, #tpu.memory_space<vmem>> -> memref<1x128xf32, #tpu.memory_space<vmem>>
    %dma_wait3A_602 = tpu.memref_squeeze %dma_wait3A_601 : memref<1x128xf32, #tpu.memory_space<vmem>> -> memref<128xf32, #tpu.memory_space<vmem>>
    %dma_wait3A_603 = tpu.memref_slice %arg3[%add3A_598] : memref<65536xf32, #tpu.memory_space<hbm>> -> memref<128xf32, #tpu.memory_space<hbm>>
    %dma_wait3A_604 = arith.constant 0 : i32
    %dma_wait3A_605 = tpu.memref_slice %arg7[%dma_wait3A_599, %dma_wait3A_604] : memref<32x128xf32, #tpu.memory_space<vmem>> -> memref<1x128xf32, #tpu.memory_space<vmem>>
    %dma_wait3A_606 = tpu.memref_squeeze %dma_wait3A_605 : memref<1x128xf32, #tpu.memory_space<vmem>> -> memref<128xf32, #tpu.memory_space<vmem>>
    %dma_wait3A_607 = tpu.memref_slice %arg3[%add3A_598] : memref<65536xf32, #tpu.memory_space<hbm>> -> memref<128xf32, #tpu.memory_space<hbm>>
    tpu.wait_dma2 semaphore(%arg11 : memref<!tpu.dma_semaphore, #tpu.memory_space<semaphore_mem>>) src(%dma_wait3A_607 : memref<128xf32, #tpu.memory_space<hbm>>) dst(%dma_wait3A_606 : memref<128xf32, #tpu.memory_space<vmem>>)
    %add3A_608 = arith.constant 2944 : i32
    %add3A_609 = arith.addi %mul3A_0, %add3A_608 : i32
    %dma_wait3A_610 = arith.constant 23 : i32
    %dma_wait3A_611 = arith.constant 0 : i32
    %dma_wait3A_612 = tpu.memref_slice %arg7[%dma_wait3A_610, %dma_wait3A_611] : memref<32x128xf32, #tpu.memory_space<vmem>> -> memref<1x128xf32, #tpu.memory_space<vmem>>
    %dma_wait3A_613 = tpu.memref_squeeze %dma_wait3A_612 : memref<1x128xf32, #tpu.memory_space<vmem>> -> memref<128xf32, #tpu.memory_space<vmem>>
    %dma_wait3A_614 = tpu.memref_slice %arg3[%add3A_609] : memref<65536xf32, #tpu.memory_space<hbm>> -> memref<128xf32, #tpu.memory_space<hbm>>
    %dma_wait3A_615 = arith.constant 0 : i32
    %dma_wait3A_616 = tpu.memref_slice %arg7[%dma_wait3A_610, %dma_wait3A_615] : memref<32x128xf32, #tpu.memory_space<vmem>> -> memref<1x128xf32, #tpu.memory_space<vmem>>
    %dma_wait3A_617 = tpu.memref_squeeze %dma_wait3A_616 : memref<1x128xf32, #tpu.memory_space<vmem>> -> memref<128xf32, #tpu.memory_space<vmem>>
    %dma_wait3A_618 = tpu.memref_slice %arg3[%add3A_609] : memref<65536xf32, #tpu.memory_space<hbm>> -> memref<128xf32, #tpu.memory_space<hbm>>
    tpu.wait_dma2 semaphore(%arg11 : memref<!tpu.dma_semaphore, #tpu.memory_space<semaphore_mem>>) src(%dma_wait3A_618 : memref<128xf32, #tpu.memory_space<hbm>>) dst(%dma_wait3A_617 : memref<128xf32, #tpu.memory_space<vmem>>)
    %add3A_619 = arith.constant 3072 : i32
    %add3A_620 = arith.addi %mul3A_0, %add3A_619 : i32
    %dma_wait3A_621 = arith.constant 24 : i32
    %dma_wait3A_622 = arith.constant 0 : i32
    %dma_wait3A_623 = tpu.memref_slice %arg7[%dma_wait3A_621, %dma_wait3A_622] : memref<32x128xf32, #tpu.memory_space<vmem>> -> memref<1x128xf32, #tpu.memory_space<vmem>>
    %dma_wait3A_624 = tpu.memref_squeeze %dma_wait3A_623 : memref<1x128xf32, #tpu.memory_space<vmem>> -> memref<128xf32, #tpu.memory_space<vmem>>
    %dma_wait3A_625 = tpu.memref_slice %arg3[%add3A_620] : memref<65536xf32, #tpu.memory_space<hbm>> -> memref<128xf32, #tpu.memory_space<hbm>>
    %dma_wait3A_626 = arith.constant 0 : i32
    %dma_wait3A_627 = tpu.memref_slice %arg7[%dma_wait3A_621, %dma_wait3A_626] : memref<32x128xf32, #tpu.memory_space<vmem>> -> memref<1x128xf32, #tpu.memory_space<vmem>>
    %dma_wait3A_628 = tpu.memref_squeeze %dma_wait3A_627 : memref<1x128xf32, #tpu.memory_space<vmem>> -> memref<128xf32, #tpu.memory_space<vmem>>
    %dma_wait3A_629 = tpu.memref_slice %arg3[%add3A_620] : memref<65536xf32, #tpu.memory_space<hbm>> -> memref<128xf32, #tpu.memory_space<hbm>>
    tpu.wait_dma2 semaphore(%arg11 : memref<!tpu.dma_semaphore, #tpu.memory_space<semaphore_mem>>) src(%dma_wait3A_629 : memref<128xf32, #tpu.memory_space<hbm>>) dst(%dma_wait3A_628 : memref<128xf32, #tpu.memory_space<vmem>>)
    %add3A_630 = arith.constant 3200 : i32
    %add3A_631 = arith.addi %mul3A_0, %add3A_630 : i32
    %dma_wait3A_632 = arith.constant 25 : i32
    %dma_wait3A_633 = arith.constant 0 : i32
    %dma_wait3A_634 = tpu.memref_slice %arg7[%dma_wait3A_632, %dma_wait3A_633] : memref<32x128xf32, #tpu.memory_space<vmem>> -> memref<1x128xf32, #tpu.memory_space<vmem>>
    %dma_wait3A_635 = tpu.memref_squeeze %dma_wait3A_634 : memref<1x128xf32, #tpu.memory_space<vmem>> -> memref<128xf32, #tpu.memory_space<vmem>>
    %dma_wait3A_636 = tpu.memref_slice %arg3[%add3A_631] : memref<65536xf32, #tpu.memory_space<hbm>> -> memref<128xf32, #tpu.memory_space<hbm>>
    %dma_wait3A_637 = arith.constant 0 : i32
    %dma_wait3A_638 = tpu.memref_slice %arg7[%dma_wait3A_632, %dma_wait3A_637] : memref<32x128xf32, #tpu.memory_space<vmem>> -> memref<1x128xf32, #tpu.memory_space<vmem>>
    %dma_wait3A_639 = tpu.memref_squeeze %dma_wait3A_638 : memref<1x128xf32, #tpu.memory_space<vmem>> -> memref<128xf32, #tpu.memory_space<vmem>>
    %dma_wait3A_640 = tpu.memref_slice %arg3[%add3A_631] : memref<65536xf32, #tpu.memory_space<hbm>> -> memref<128xf32, #tpu.memory_space<hbm>>
    tpu.wait_dma2 semaphore(%arg11 : memref<!tpu.dma_semaphore, #tpu.memory_space<semaphore_mem>>) src(%dma_wait3A_640 : memref<128xf32, #tpu.memory_space<hbm>>) dst(%dma_wait3A_639 : memref<128xf32, #tpu.memory_space<vmem>>)
    %add3A_641 = arith.constant 3328 : i32
    %add3A_642 = arith.addi %mul3A_0, %add3A_641 : i32
    %dma_wait3A_643 = arith.constant 26 : i32
    %dma_wait3A_644 = arith.constant 0 : i32
    %dma_wait3A_645 = tpu.memref_slice %arg7[%dma_wait3A_643, %dma_wait3A_644] : memref<32x128xf32, #tpu.memory_space<vmem>> -> memref<1x128xf32, #tpu.memory_space<vmem>>
    %dma_wait3A_646 = tpu.memref_squeeze %dma_wait3A_645 : memref<1x128xf32, #tpu.memory_space<vmem>> -> memref<128xf32, #tpu.memory_space<vmem>>
    %dma_wait3A_647 = tpu.memref_slice %arg3[%add3A_642] : memref<65536xf32, #tpu.memory_space<hbm>> -> memref<128xf32, #tpu.memory_space<hbm>>
    %dma_wait3A_648 = arith.constant 0 : i32
    %dma_wait3A_649 = tpu.memref_slice %arg7[%dma_wait3A_643, %dma_wait3A_648] : memref<32x128xf32, #tpu.memory_space<vmem>> -> memref<1x128xf32, #tpu.memory_space<vmem>>
    %dma_wait3A_650 = tpu.memref_squeeze %dma_wait3A_649 : memref<1x128xf32, #tpu.memory_space<vmem>> -> memref<128xf32, #tpu.memory_space<vmem>>
    %dma_wait3A_651 = tpu.memref_slice %arg3[%add3A_642] : memref<65536xf32, #tpu.memory_space<hbm>> -> memref<128xf32, #tpu.memory_space<hbm>>
    tpu.wait_dma2 semaphore(%arg11 : memref<!tpu.dma_semaphore, #tpu.memory_space<semaphore_mem>>) src(%dma_wait3A_651 : memref<128xf32, #tpu.memory_space<hbm>>) dst(%dma_wait3A_650 : memref<128xf32, #tpu.memory_space<vmem>>)
    %add3A_652 = arith.constant 3456 : i32
    %add3A_653 = arith.addi %mul3A_0, %add3A_652 : i32
    %dma_wait3A_654 = arith.constant 27 : i32
    %dma_wait3A_655 = arith.constant 0 : i32
    %dma_wait3A_656 = tpu.memref_slice %arg7[%dma_wait3A_654, %dma_wait3A_655] : memref<32x128xf32, #tpu.memory_space<vmem>> -> memref<1x128xf32, #tpu.memory_space<vmem>>
    %dma_wait3A_657 = tpu.memref_squeeze %dma_wait3A_656 : memref<1x128xf32, #tpu.memory_space<vmem>> -> memref<128xf32, #tpu.memory_space<vmem>>
    %dma_wait3A_658 = tpu.memref_slice %arg3[%add3A_653] : memref<65536xf32, #tpu.memory_space<hbm>> -> memref<128xf32, #tpu.memory_space<hbm>>
    %dma_wait3A_659 = arith.constant 0 : i32
    %dma_wait3A_660 = tpu.memref_slice %arg7[%dma_wait3A_654, %dma_wait3A_659] : memref<32x128xf32, #tpu.memory_space<vmem>> -> memref<1x128xf32, #tpu.memory_space<vmem>>
    %dma_wait3A_661 = tpu.memref_squeeze %dma_wait3A_660 : memref<1x128xf32, #tpu.memory_space<vmem>> -> memref<128xf32, #tpu.memory_space<vmem>>
    %dma_wait3A_662 = tpu.memref_slice %arg3[%add3A_653] : memref<65536xf32, #tpu.memory_space<hbm>> -> memref<128xf32, #tpu.memory_space<hbm>>
    tpu.wait_dma2 semaphore(%arg11 : memref<!tpu.dma_semaphore, #tpu.memory_space<semaphore_mem>>) src(%dma_wait3A_662 : memref<128xf32, #tpu.memory_space<hbm>>) dst(%dma_wait3A_661 : memref<128xf32, #tpu.memory_space<vmem>>)
    %add3A_663 = arith.constant 3584 : i32
    %add3A_664 = arith.addi %mul3A_0, %add3A_663 : i32
    %dma_wait3A_665 = arith.constant 28 : i32
    %dma_wait3A_666 = arith.constant 0 : i32
    %dma_wait3A_667 = tpu.memref_slice %arg7[%dma_wait3A_665, %dma_wait3A_666] : memref<32x128xf32, #tpu.memory_space<vmem>> -> memref<1x128xf32, #tpu.memory_space<vmem>>
    %dma_wait3A_668 = tpu.memref_squeeze %dma_wait3A_667 : memref<1x128xf32, #tpu.memory_space<vmem>> -> memref<128xf32, #tpu.memory_space<vmem>>
    %dma_wait3A_669 = tpu.memref_slice %arg3[%add3A_664] : memref<65536xf32, #tpu.memory_space<hbm>> -> memref<128xf32, #tpu.memory_space<hbm>>
    %dma_wait3A_670 = arith.constant 0 : i32
    %dma_wait3A_671 = tpu.memref_slice %arg7[%dma_wait3A_665, %dma_wait3A_670] : memref<32x128xf32, #tpu.memory_space<vmem>> -> memref<1x128xf32, #tpu.memory_space<vmem>>
    %dma_wait3A_672 = tpu.memref_squeeze %dma_wait3A_671 : memref<1x128xf32, #tpu.memory_space<vmem>> -> memref<128xf32, #tpu.memory_space<vmem>>
    %dma_wait3A_673 = tpu.memref_slice %arg3[%add3A_664] : memref<65536xf32, #tpu.memory_space<hbm>> -> memref<128xf32, #tpu.memory_space<hbm>>
    tpu.wait_dma2 semaphore(%arg11 : memref<!tpu.dma_semaphore, #tpu.memory_space<semaphore_mem>>) src(%dma_wait3A_673 : memref<128xf32, #tpu.memory_space<hbm>>) dst(%dma_wait3A_672 : memref<128xf32, #tpu.memory_space<vmem>>)
    %add3A_674 = arith.constant 3712 : i32
    %add3A_675 = arith.addi %mul3A_0, %add3A_674 : i32
    %dma_wait3A_676 = arith.constant 29 : i32
    %dma_wait3A_677 = arith.constant 0 : i32
    %dma_wait3A_678 = tpu.memref_slice %arg7[%dma_wait3A_676, %dma_wait3A_677] : memref<32x128xf32, #tpu.memory_space<vmem>> -> memref<1x128xf32, #tpu.memory_space<vmem>>
    %dma_wait3A_679 = tpu.memref_squeeze %dma_wait3A_678 : memref<1x128xf32, #tpu.memory_space<vmem>> -> memref<128xf32, #tpu.memory_space<vmem>>
    %dma_wait3A_680 = tpu.memref_slice %arg3[%add3A_675] : memref<65536xf32, #tpu.memory_space<hbm>> -> memref<128xf32, #tpu.memory_space<hbm>>
    %dma_wait3A_681 = arith.constant 0 : i32
    %dma_wait3A_682 = tpu.memref_slice %arg7[%dma_wait3A_676, %dma_wait3A_681] : memref<32x128xf32, #tpu.memory_space<vmem>> -> memref<1x128xf32, #tpu.memory_space<vmem>>
    %dma_wait3A_683 = tpu.memref_squeeze %dma_wait3A_682 : memref<1x128xf32, #tpu.memory_space<vmem>> -> memref<128xf32, #tpu.memory_space<vmem>>
    %dma_wait3A_684 = tpu.memref_slice %arg3[%add3A_675] : memref<65536xf32, #tpu.memory_space<hbm>> -> memref<128xf32, #tpu.memory_space<hbm>>
    tpu.wait_dma2 semaphore(%arg11 : memref<!tpu.dma_semaphore, #tpu.memory_space<semaphore_mem>>) src(%dma_wait3A_684 : memref<128xf32, #tpu.memory_space<hbm>>) dst(%dma_wait3A_683 : memref<128xf32, #tpu.memory_space<vmem>>)
    %add3A_685 = arith.constant 3840 : i32
    %add3A_686 = arith.addi %mul3A_0, %add3A_685 : i32
    %dma_wait3A_687 = arith.constant 30 : i32
    %dma_wait3A_688 = arith.constant 0 : i32
    %dma_wait3A_689 = tpu.memref_slice %arg7[%dma_wait3A_687, %dma_wait3A_688] : memref<32x128xf32, #tpu.memory_space<vmem>> -> memref<1x128xf32, #tpu.memory_space<vmem>>
    %dma_wait3A_690 = tpu.memref_squeeze %dma_wait3A_689 : memref<1x128xf32, #tpu.memory_space<vmem>> -> memref<128xf32, #tpu.memory_space<vmem>>
    %dma_wait3A_691 = tpu.memref_slice %arg3[%add3A_686] : memref<65536xf32, #tpu.memory_space<hbm>> -> memref<128xf32, #tpu.memory_space<hbm>>
    %dma_wait3A_692 = arith.constant 0 : i32
    %dma_wait3A_693 = tpu.memref_slice %arg7[%dma_wait3A_687, %dma_wait3A_692] : memref<32x128xf32, #tpu.memory_space<vmem>> -> memref<1x128xf32, #tpu.memory_space<vmem>>
    %dma_wait3A_694 = tpu.memref_squeeze %dma_wait3A_693 : memref<1x128xf32, #tpu.memory_space<vmem>> -> memref<128xf32, #tpu.memory_space<vmem>>
    %dma_wait3A_695 = tpu.memref_slice %arg3[%add3A_686] : memref<65536xf32, #tpu.memory_space<hbm>> -> memref<128xf32, #tpu.memory_space<hbm>>
    tpu.wait_dma2 semaphore(%arg11 : memref<!tpu.dma_semaphore, #tpu.memory_space<semaphore_mem>>) src(%dma_wait3A_695 : memref<128xf32, #tpu.memory_space<hbm>>) dst(%dma_wait3A_694 : memref<128xf32, #tpu.memory_space<vmem>>)
    %add3A_696 = arith.constant 3968 : i32
    %add3A_697 = arith.addi %mul3A_0, %add3A_696 : i32
    %dma_wait3A_698 = arith.constant 31 : i32
    %dma_wait3A_699 = arith.constant 0 : i32
    %dma_wait3A_700 = tpu.memref_slice %arg7[%dma_wait3A_698, %dma_wait3A_699] : memref<32x128xf32, #tpu.memory_space<vmem>> -> memref<1x128xf32, #tpu.memory_space<vmem>>
    %dma_wait3A_701 = tpu.memref_squeeze %dma_wait3A_700 : memref<1x128xf32, #tpu.memory_space<vmem>> -> memref<128xf32, #tpu.memory_space<vmem>>
    %dma_wait3A_702 = tpu.memref_slice %arg3[%add3A_697] : memref<65536xf32, #tpu.memory_space<hbm>> -> memref<128xf32, #tpu.memory_space<hbm>>
    %dma_wait3A_703 = arith.constant 0 : i32
    %dma_wait3A_704 = tpu.memref_slice %arg7[%dma_wait3A_698, %dma_wait3A_703] : memref<32x128xf32, #tpu.memory_space<vmem>> -> memref<1x128xf32, #tpu.memory_space<vmem>>
    %dma_wait3A_705 = tpu.memref_squeeze %dma_wait3A_704 : memref<1x128xf32, #tpu.memory_space<vmem>> -> memref<128xf32, #tpu.memory_space<vmem>>
    %dma_wait3A_706 = tpu.memref_slice %arg3[%add3A_697] : memref<65536xf32, #tpu.memory_space<hbm>> -> memref<128xf32, #tpu.memory_space<hbm>>
    tpu.wait_dma2 semaphore(%arg11 : memref<!tpu.dma_semaphore, #tpu.memory_space<semaphore_mem>>) src(%dma_wait3A_706 : memref<128xf32, #tpu.memory_space<hbm>>) dst(%dma_wait3A_705 : memref<128xf32, #tpu.memory_space<vmem>>)
    %iota3A = tpu.iota {dimensions = array<i32: 0>} : vector<16xi32>
    %mul3A_707 = arith.constant 2 : i32
    %mul3A_708 = arith.muli %arg0, %mul3A_707 : i32
    %add3A_709 = arith.constant 0 : i32
    %add3A_710 = arith.addi %mul3A_708, %add3A_709 : i32
    %mul3A_711 = arith.constant 512 : i32
    %mul3A_712 = arith.muli %add3A_710, %mul3A_711 : i32
    %mul3A_713 = arith.constant 65536 : i32
    %mul3A_714 = arith.muli %arg1, %mul3A_713 : i32
    %multiple_of3A = tpu.assume_multiple %mul3A_714, 64 : i32
    %add3A_715 = arith.constant 0 : i32
    %add3A_716 = arith.addi %multiple_of3A, %add3A_715 : i32
    %dma_start3A_717 = tpu.memref_slice %arg10[%add3A_716] : memref<1048704xf32, #tpu.memory_space<vmem_shared>> -> memref<16384xf32, #tpu.memory_space<vmem_shared>>
    %dma_start3A_718 = tpu.memref_slice %arg10[%add3A_716] : memref<1048704xf32, #tpu.memory_space<vmem_shared>> -> memref<16384xf32, #tpu.memory_space<vmem_shared>>
    tpu.enqueue_dma source(%arg9 : memref<16384xf32, #tpu.memory_space<vmem>>) target(%dma_start3A_718 : memref<16384xf32, #tpu.memory_space<vmem_shared>>) target_semaphore(%arg11 : memref<!tpu.dma_semaphore, #tpu.memory_space<semaphore_mem>>)
    %add3A_719 = arith.constant 16384 : i32
    %add3A_720 = arith.addi %multiple_of3A, %add3A_719 : i32
    %dma_start3A_721 = tpu.memref_slice %arg10[%add3A_720] : memref<1048704xf32, #tpu.memory_space<vmem_shared>> -> memref<16384xf32, #tpu.memory_space<vmem_shared>>
    %dma_start3A_722 = tpu.memref_slice %arg10[%add3A_720] : memref<1048704xf32, #tpu.memory_space<vmem_shared>> -> memref<16384xf32, #tpu.memory_space<vmem_shared>>
    tpu.enqueue_dma source(%arg9 : memref<16384xf32, #tpu.memory_space<vmem>>) target(%dma_start3A_722 : memref<16384xf32, #tpu.memory_space<vmem_shared>>) target_semaphore(%arg11 : memref<!tpu.dma_semaphore, #tpu.memory_space<semaphore_mem>>)
    %add3A_723 = arith.constant 32768 : i32
    %add3A_724 = arith.addi %multiple_of3A, %add3A_723 : i32
    %dma_start3A_725 = tpu.memref_slice %arg10[%add3A_724] : memref<1048704xf32, #tpu.memory_space<vmem_shared>> -> memref<16384xf32, #tpu.memory_space<vmem_shared>>
    %dma_start3A_726 = tpu.memref_slice %arg10[%add3A_724] : memref<1048704xf32, #tpu.memory_space<vmem_shared>> -> memref<16384xf32, #tpu.memory_space<vmem_shared>>
    tpu.enqueue_dma source(%arg9 : memref<16384xf32, #tpu.memory_space<vmem>>) target(%dma_start3A_726 : memref<16384xf32, #tpu.memory_space<vmem_shared>>) target_semaphore(%arg11 : memref<!tpu.dma_semaphore, #tpu.memory_space<semaphore_mem>>)
    %add3A_727 = arith.constant 49152 : i32
    %add3A_728 = arith.addi %multiple_of3A, %add3A_727 : i32
    %dma_start3A_729 = tpu.memref_slice %arg10[%add3A_728] : memref<1048704xf32, #tpu.memory_space<vmem_shared>> -> memref<16384xf32, #tpu.memory_space<vmem_shared>>
    %dma_start3A_730 = tpu.memref_slice %arg10[%add3A_728] : memref<1048704xf32, #tpu.memory_space<vmem_shared>> -> memref<16384xf32, #tpu.memory_space<vmem_shared>>
    tpu.enqueue_dma source(%arg9 : memref<16384xf32, #tpu.memory_space<vmem>>) target(%dma_start3A_730 : memref<16384xf32, #tpu.memory_space<vmem_shared>>) target_semaphore(%arg11 : memref<!tpu.dma_semaphore, #tpu.memory_space<semaphore_mem>>)
    %add3A_731 = arith.constant 0 : i32
    %add3A_732 = arith.addi %multiple_of3A, %add3A_731 : i32
    %dma_wait3A_733 = tpu.memref_slice %arg10[%add3A_732] : memref<1048704xf32, #tpu.memory_space<vmem_shared>> -> memref<16384xf32, #tpu.memory_space<vmem_shared>>
    %dma_wait3A_734 = tpu.memref_slice %arg10[%add3A_732] : memref<1048704xf32, #tpu.memory_space<vmem_shared>> -> memref<16384xf32, #tpu.memory_space<vmem_shared>>
    tpu.wait_dma2 semaphore(%arg11 : memref<!tpu.dma_semaphore, #tpu.memory_space<semaphore_mem>>) src(%arg9 : memref<16384xf32, #tpu.memory_space<vmem>>) dst(%dma_wait3A_734 : memref<16384xf32, #tpu.memory_space<vmem_shared>>)
    %add3A_735 = arith.constant 16384 : i32
    %add3A_736 = arith.addi %multiple_of3A, %add3A_735 : i32
    %dma_wait3A_737 = tpu.memref_slice %arg10[%add3A_736] : memref<1048704xf32, #tpu.memory_space<vmem_shared>> -> memref<16384xf32, #tpu.memory_space<vmem_shared>>
    %dma_wait3A_738 = tpu.memref_slice %arg10[%add3A_736] : memref<1048704xf32, #tpu.memory_space<vmem_shared>> -> memref<16384xf32, #tpu.memory_space<vmem_shared>>
    tpu.wait_dma2 semaphore(%arg11 : memref<!tpu.dma_semaphore, #tpu.memory_space<semaphore_mem>>) src(%arg9 : memref<16384xf32, #tpu.memory_space<vmem>>) dst(%dma_wait3A_738 : memref<16384xf32, #tpu.memory_space<vmem_shared>>)
    %add3A_739 = arith.constant 32768 : i32
    %add3A_740 = arith.addi %multiple_of3A, %add3A_739 : i32
    %dma_wait3A_741 = tpu.memref_slice %arg10[%add3A_740] : memref<1048704xf32, #tpu.memory_space<vmem_shared>> -> memref<16384xf32, #tpu.memory_space<vmem_shared>>
    %dma_wait3A_742 = tpu.memref_slice %arg10[%add3A_740] : memref<1048704xf32, #tpu.memory_space<vmem_shared>> -> memref<16384xf32, #tpu.memory_space<vmem_shared>>
    tpu.wait_dma2 semaphore(%arg11 : memref<!tpu.dma_semaphore, #tpu.memory_space<semaphore_mem>>) src(%arg9 : memref<16384xf32, #tpu.memory_space<vmem>>) dst(%dma_wait3A_742 : memref<16384xf32, #tpu.memory_space<vmem_shared>>)
    %add3A_743 = arith.constant 49152 : i32
    %add3A_744 = arith.addi %multiple_of3A, %add3A_743 : i32
    %dma_wait3A_745 = tpu.memref_slice %arg10[%add3A_744] : memref<1048704xf32, #tpu.memory_space<vmem_shared>> -> memref<16384xf32, #tpu.memory_space<vmem_shared>>
    %dma_wait3A_746 = tpu.memref_slice %arg10[%add3A_744] : memref<1048704xf32, #tpu.memory_space<vmem_shared>> -> memref<16384xf32, #tpu.memory_space<vmem_shared>>
    tpu.wait_dma2 semaphore(%arg11 : memref<!tpu.dma_semaphore, #tpu.memory_space<semaphore_mem>>) src(%arg9 : memref<16384xf32, #tpu.memory_space<vmem>>) dst(%dma_wait3A_746 : memref<16384xf32, #tpu.memory_space<vmem_shared>>)
    %barrier3A = arith.constant 0 : index
    tpu.barrier barrier_id(%barrier3A)
    %scan3A_747 = arith.constant 0 : i32
    %scan3A_748 = arith.constant 32 : i32
    %scan3A_749 = arith.addi %scan3A_747, %scan3A_748 : i32
    %scan3A_750 = arith.constant 1 : i32
    scf.for %scan3A_943 = %scan3A_747 to %scan3A_749 step %scan3A_750  : i32 {
      %mul3A_944 = arith.constant 1 : i32
      %mul3A_945 = arith.muli %scan3A_943, %mul3A_944 : i32
      %add3A_946 = arith.constant 0 : i32
      %add3A_947 = arith.addi %add3A_946, %mul3A_945 : i32
      %mul3A_948 = arith.constant 8 : i32
      %mul3A_949 = arith.muli %add3A_947, %mul3A_948 : i32
      %add3A_950 = arith.constant 0 : i32
      %add3A_951 = arith.addi %mul3A_949, %add3A_950 : i32
      %mul3A_952 = arith.constant 16 : i32
      %mul3A_953 = arith.muli %add3A_951, %mul3A_952 : i32
      %get3A = arith.index_cast %mul3A_953 : i32 to index
      %get3A_954 = tpu.vector_load %arg6[%get3A] {strides = array<i32>} : memref<4096xi32, #tpu.memory_space<vmem>>, vector<16xi32>,
      %sub3A = vector.broadcast %mul3A_712 : i32 to vector<16xi32>
      %sub3A_955 = arith.subi %get3A_954, %sub3A : vector<16xi32>
      %ge3A = arith.constant 0 : i32
      %ge3A_956 = vector.broadcast %ge3A : i32 to vector<16xi32>
      %ge3A_957 = arith.cmpi sge, %sub3A_955, %ge3A_956 : vector<16xi32>
      %lt3A = arith.constant 512 : i32
      %lt3A_958 = vector.broadcast %lt3A : i32 to vector<16xi32>
      %lt3A_959 = arith.cmpi slt, %sub3A_955, %lt3A_958 : vector<16xi32>
      %and3A = arith.andi %ge3A_957, %lt3A_959 : vector<16xi1>
      %and3A_960 = arith.constant 7 : i32
      %and3A_961 = arith.andi %add3A_951, %and3A_960 : i32
      %mul3A_962 = arith.constant 16 : i32
      %mul3A_963 = arith.muli %and3A_961, %mul3A_962 : i32
      %add3A_964 = arith.constant 1048576 : i32
      %add3A_965 = arith.addi %add3A_964, %mul3A_963 : i32
      %add3A_966 = vector.broadcast %add3A_965 : i32 to vector<16xi32>
      %add3A_967 = arith.addi %add3A_966, %iota3A : vector<16xi32>
      %mul3A_968 = arith.constant 2048 : i32
      %mul3A_969 = vector.broadcast %mul3A_968 : i32 to vector<16xi32>
      %mul3A_970 = arith.muli %sub3A_955, %mul3A_969 : vector<16xi32>
      %get3A_971 = arith.index_cast %mul3A_953 : i32 to index
      %get3A_972 = tpu.vector_load %arg5[%get3A_971] {strides = array<i32>} : memref<4096xi32, #tpu.memory_space<vmem>>, vector<16xi32>,
      %add3A_973 = arith.addi %mul3A_970, %get3A_972 : vector<16xi32>
      %select_n3A = arith.select %and3A, %add3A_973, %add3A_967 : vector<16xi1>, vector<16xi32>
      %swap3A = arith.index_cast %add3A_947 : i32 to index
      %swap3A_974 = arith.constant 0 : index
      %swap3A_975 = tpu.vector_load %arg8[%swap3A, %swap3A_974] {strides = array<i32>} : memref<32x128xi32, #tpu.memory_space<vmem>>, vector<16xi32>,
      tpu.vector_store %arg8[%swap3A, %swap3A_974], %select_n3A {strides = array<i32>} : memref<32x128xi32, #tpu.memory_space<vmem>>, vector<16xi32>,
      %mul3A_976 = arith.constant 8 : i32
      %mul3A_977 = arith.muli %add3A_947, %mul3A_976 : i32
      %add3A_978 = arith.constant 1 : i32
      %add3A_979 = arith.addi %mul3A_977, %add3A_978 : i32
      %mul3A_980 = arith.constant 16 : i32
      %mul3A_981 = arith.muli %add3A_979, %mul3A_980 : i32
      %get3A_982 = arith.index_cast %mul3A_981 : i32 to index
      %get3A_983 = tpu.vector_load %arg6[%get3A_982] {strides = array<i32>} : memref<4096xi32, #tpu.memory_space<vmem>>, vector<16xi32>,
      %sub3A_984 = vector.broadcast %mul3A_712 : i32 to vector<16xi32>
      %sub3A_985 = arith.subi %get3A_983, %sub3A_984 : vector<16xi32>
      %ge3A_986 = arith.constant 0 : i32
      %ge3A_987 = vector.broadcast %ge3A_986 : i32 to vector<16xi32>
      %ge3A_988 = arith.cmpi sge, %sub3A_985, %ge3A_987 : vector<16xi32>
      %lt3A_989 = arith.constant 512 : i32
      %lt3A_990 = vector.broadcast %lt3A_989 : i32 to vector<16xi32>
      %lt3A_991 = arith.cmpi slt, %sub3A_985, %lt3A_990 : vector<16xi32>
      %and3A_992 = arith.andi %ge3A_988, %lt3A_991 : vector<16xi1>
      %and3A_993 = arith.constant 7 : i32
      %and3A_994 = arith.andi %add3A_979, %and3A_993 : i32
      %mul3A_995 = arith.constant 16 : i32
      %mul3A_996 = arith.muli %and3A_994, %mul3A_995 : i32
      %add3A_997 = arith.constant 1048576 : i32
      %add3A_998 = arith.addi %add3A_997, %mul3A_996 : i32
      %add3A_999 = vector.broadcast %add3A_998 : i32 to vector<16xi32>
      %add3A_1000 = arith.addi %add3A_999, %iota3A : vector<16xi32>
      %mul3A_1001 = arith.constant 2048 : i32
      %mul3A_1002 = vector.broadcast %mul3A_1001 : i32 to vector<16xi32>
      %mul3A_1003 = arith.muli %sub3A_985, %mul3A_1002 : vector<16xi32>
      %get3A_1004 = arith.index_cast %mul3A_981 : i32 to index
      %get3A_1005 = tpu.vector_load %arg5[%get3A_1004] {strides = array<i32>} : memref<4096xi32, #tpu.memory_space<vmem>>, vector<16xi32>,
      %add3A_1006 = arith.addi %mul3A_1003, %get3A_1005 : vector<16xi32>
      %select_n3A_1007 = arith.select %and3A_992, %add3A_1006, %add3A_1000 : vector<16xi1>, vector<16xi32>
      %swap3A_1008 = arith.index_cast %add3A_947 : i32 to index
      %swap3A_1009 = arith.constant 16 : index
      %swap3A_1010 = tpu.vector_load %arg8[%swap3A_1008, %swap3A_1009] {strides = array<i32>} : memref<32x128xi32, #tpu.memory_space<vmem>>, vector<16xi32>,
      tpu.vector_store %arg8[%swap3A_1008, %swap3A_1009], %select_n3A_1007 {strides = array<i32>} : memref<32x128xi32, #tpu.memory_space<vmem>>, vector<16xi32>,
      %mul3A_1011 = arith.constant 8 : i32
      %mul3A_1012 = arith.muli %add3A_947, %mul3A_1011 : i32
      %add3A_1013 = arith.constant 2 : i32
      %add3A_1014 = arith.addi %mul3A_1012, %add3A_1013 : i32
      %mul3A_1015 = arith.constant 16 : i32
      %mul3A_1016 = arith.muli %add3A_1014, %mul3A_1015 : i32
      %get3A_1017 = arith.index_cast %mul3A_1016 : i32 to index
      %get3A_1018 = tpu.vector_load %arg6[%get3A_1017] {strides = array<i32>} : memref<4096xi32, #tpu.memory_space<vmem>>, vector<16xi32>,
      %sub3A_1019 = vector.broadcast %mul3A_712 : i32 to vector<16xi32>
      %sub3A_1020 = arith.subi %get3A_1018, %sub3A_1019 : vector<16xi32>
      %ge3A_1021 = arith.constant 0 : i32
      %ge3A_1022 = vector.broadcast %ge3A_1021 : i32 to vector<16xi32>
      %ge3A_1023 = arith.cmpi sge, %sub3A_1020, %ge3A_1022 : vector<16xi32>
      %lt3A_1024 = arith.constant 512 : i32
      %lt3A_1025 = vector.broadcast %lt3A_1024 : i32 to vector<16xi32>
      %lt3A_1026 = arith.cmpi slt, %sub3A_1020, %lt3A_1025 : vector<16xi32>
      %and3A_1027 = arith.andi %ge3A_1023, %lt3A_1026 : vector<16xi1>
      %and3A_1028 = arith.constant 7 : i32
      %and3A_1029 = arith.andi %add3A_1014, %and3A_1028 : i32
      %mul3A_1030 = arith.constant 16 : i32
      %mul3A_1031 = arith.muli %and3A_1029, %mul3A_1030 : i32
      %add3A_1032 = arith.constant 1048576 : i32
      %add3A_1033 = arith.addi %add3A_1032, %mul3A_1031 : i32
      %add3A_1034 = vector.broadcast %add3A_1033 : i32 to vector<16xi32>
      %add3A_1035 = arith.addi %add3A_1034, %iota3A : vector<16xi32>
      %mul3A_1036 = arith.constant 2048 : i32
      %mul3A_1037 = vector.broadcast %mul3A_1036 : i32 to vector<16xi32>
      %mul3A_1038 = arith.muli %sub3A_1020, %mul3A_1037 : vector<16xi32>
      %get3A_1039 = arith.index_cast %mul3A_1016 : i32 to index
      %get3A_1040 = tpu.vector_load %arg5[%get3A_1039] {strides = array<i32>} : memref<4096xi32, #tpu.memory_space<vmem>>, vector<16xi32>,
      %add3A_1041 = arith.addi %mul3A_1038, %get3A_1040 : vector<16xi32>
      %select_n3A_1042 = arith.select %and3A_1027, %add3A_1041, %add3A_1035 : vector<16xi1>, vector<16xi32>
      %swap3A_1043 = arith.index_cast %add3A_947 : i32 to index
      %swap3A_1044 = arith.constant 32 : index
      %swap3A_1045 = tpu.vector_load %arg8[%swap3A_1043, %swap3A_1044] {strides = array<i32>} : memref<32x128xi32, #tpu.memory_space<vmem>>, vector<16xi32>,
      tpu.vector_store %arg8[%swap3A_1043, %swap3A_1044], %select_n3A_1042 {strides = array<i32>} : memref<32x128xi32, #tpu.memory_space<vmem>>, vector<16xi32>,
      %mul3A_1046 = arith.constant 8 : i32
      %mul3A_1047 = arith.muli %add3A_947, %mul3A_1046 : i32
      %add3A_1048 = arith.constant 3 : i32
      %add3A_1049 = arith.addi %mul3A_1047, %add3A_1048 : i32
      %mul3A_1050 = arith.constant 16 : i32
      %mul3A_1051 = arith.muli %add3A_1049, %mul3A_1050 : i32
      %get3A_1052 = arith.index_cast %mul3A_1051 : i32 to index
      %get3A_1053 = tpu.vector_load %arg6[%get3A_1052] {strides = array<i32>} : memref<4096xi32, #tpu.memory_space<vmem>>, vector<16xi32>,
      %sub3A_1054 = vector.broadcast %mul3A_712 : i32 to vector<16xi32>
      %sub3A_1055 = arith.subi %get3A_1053, %sub3A_1054 : vector<16xi32>
      %ge3A_1056 = arith.constant 0 : i32
      %ge3A_1057 = vector.broadcast %ge3A_1056 : i32 to vector<16xi32>
      %ge3A_1058 = arith.cmpi sge, %sub3A_1055, %ge3A_1057 : vector<16xi32>
      %lt3A_1059 = arith.constant 512 : i32
      %lt3A_1060 = vector.broadcast %lt3A_1059 : i32 to vector<16xi32>
      %lt3A_1061 = arith.cmpi slt, %sub3A_1055, %lt3A_1060 : vector<16xi32>
      %and3A_1062 = arith.andi %ge3A_1058, %lt3A_1061 : vector<16xi1>
      %and3A_1063 = arith.constant 7 : i32
      %and3A_1064 = arith.andi %add3A_1049, %and3A_1063 : i32
      %mul3A_1065 = arith.constant 16 : i32
      %mul3A_1066 = arith.muli %and3A_1064, %mul3A_1065 : i32
      %add3A_1067 = arith.constant 1048576 : i32
      %add3A_1068 = arith.addi %add3A_1067, %mul3A_1066 : i32
      %add3A_1069 = vector.broadcast %add3A_1068 : i32 to vector<16xi32>
      %add3A_1070 = arith.addi %add3A_1069, %iota3A : vector<16xi32>
      %mul3A_1071 = arith.constant 2048 : i32
      %mul3A_1072 = vector.broadcast %mul3A_1071 : i32 to vector<16xi32>
      %mul3A_1073 = arith.muli %sub3A_1055, %mul3A_1072 : vector<16xi32>
      %get3A_1074 = arith.index_cast %mul3A_1051 : i32 to index
      %get3A_1075 = tpu.vector_load %arg5[%get3A_1074] {strides = array<i32>} : memref<4096xi32, #tpu.memory_space<vmem>>, vector<16xi32>,
      %add3A_1076 = arith.addi %mul3A_1073, %get3A_1075 : vector<16xi32>
      %select_n3A_1077 = arith.select %and3A_1062, %add3A_1076, %add3A_1070 : vector<16xi1>, vector<16xi32>
      %swap3A_1078 = arith.index_cast %add3A_947 : i32 to index
      %swap3A_1079 = arith.constant 48 : index
      %swap3A_1080 = tpu.vector_load %arg8[%swap3A_1078, %swap3A_1079] {strides = array<i32>} : memref<32x128xi32, #tpu.memory_space<vmem>>, vector<16xi32>,
      tpu.vector_store %arg8[%swap3A_1078, %swap3A_1079], %select_n3A_1077 {strides = array<i32>} : memref<32x128xi32, #tpu.memory_space<vmem>>, vector<16xi32>,
      %mul3A_1081 = arith.constant 8 : i32
      %mul3A_1082 = arith.muli %add3A_947, %mul3A_1081 : i32
      %add3A_1083 = arith.constant 4 : i32
      %add3A_1084 = arith.addi %mul3A_1082, %add3A_1083 : i32
      %mul3A_1085 = arith.constant 16 : i32
      %mul3A_1086 = arith.muli %add3A_1084, %mul3A_1085 : i32
      %get3A_1087 = arith.index_cast %mul3A_1086 : i32 to index
      %get3A_1088 = tpu.vector_load %arg6[%get3A_1087] {strides = array<i32>} : memref<4096xi32, #tpu.memory_space<vmem>>, vector<16xi32>,
      %sub3A_1089 = vector.broadcast %mul3A_712 : i32 to vector<16xi32>
      %sub3A_1090 = arith.subi %get3A_1088, %sub3A_1089 : vector<16xi32>
      %ge3A_1091 = arith.constant 0 : i32
      %ge3A_1092 = vector.broadcast %ge3A_1091 : i32 to vector<16xi32>
      %ge3A_1093 = arith.cmpi sge, %sub3A_1090, %ge3A_1092 : vector<16xi32>
      %lt3A_1094 = arith.constant 512 : i32
      %lt3A_1095 = vector.broadcast %lt3A_1094 : i32 to vector<16xi32>
      %lt3A_1096 = arith.cmpi slt, %sub3A_1090, %lt3A_1095 : vector<16xi32>
      %and3A_1097 = arith.andi %ge3A_1093, %lt3A_1096 : vector<16xi1>
      %and3A_1098 = arith.constant 7 : i32
      %and3A_1099 = arith.andi %add3A_1084, %and3A_1098 : i32
      %mul3A_1100 = arith.constant 16 : i32
      %mul3A_1101 = arith.muli %and3A_1099, %mul3A_1100 : i32
      %add3A_1102 = arith.constant 1048576 : i32
      %add3A_1103 = arith.addi %add3A_1102, %mul3A_1101 : i32
      %add3A_1104 = vector.broadcast %add3A_1103 : i32 to vector<16xi32>
      %add3A_1105 = arith.addi %add3A_1104, %iota3A : vector<16xi32>
      %mul3A_1106 = arith.constant 2048 : i32
      %mul3A_1107 = vector.broadcast %mul3A_1106 : i32 to vector<16xi32>
      %mul3A_1108 = arith.muli %sub3A_1090, %mul3A_1107 : vector<16xi32>
      %get3A_1109 = arith.index_cast %mul3A_1086 : i32 to index
      %get3A_1110 = tpu.vector_load %arg5[%get3A_1109] {strides = array<i32>} : memref<4096xi32, #tpu.memory_space<vmem>>, vector<16xi32>,
      %add3A_1111 = arith.addi %mul3A_1108, %get3A_1110 : vector<16xi32>
      %select_n3A_1112 = arith.select %and3A_1097, %add3A_1111, %add3A_1105 : vector<16xi1>, vector<16xi32>
      %swap3A_1113 = arith.index_cast %add3A_947 : i32 to index
      %swap3A_1114 = arith.constant 64 : index
      %swap3A_1115 = tpu.vector_load %arg8[%swap3A_1113, %swap3A_1114] {strides = array<i32>} : memref<32x128xi32, #tpu.memory_space<vmem>>, vector<16xi32>,
      tpu.vector_store %arg8[%swap3A_1113, %swap3A_1114], %select_n3A_1112 {strides = array<i32>} : memref<32x128xi32, #tpu.memory_space<vmem>>, vector<16xi32>,
      %mul3A_1116 = arith.constant 8 : i32
      %mul3A_1117 = arith.muli %add3A_947, %mul3A_1116 : i32
      %add3A_1118 = arith.constant 5 : i32
      %add3A_1119 = arith.addi %mul3A_1117, %add3A_1118 : i32
      %mul3A_1120 = arith.constant 16 : i32
      %mul3A_1121 = arith.muli %add3A_1119, %mul3A_1120 : i32
      %get3A_1122 = arith.index_cast %mul3A_1121 : i32 to index
      %get3A_1123 = tpu.vector_load %arg6[%get3A_1122] {strides = array<i32>} : memref<4096xi32, #tpu.memory_space<vmem>>, vector<16xi32>,
      %sub3A_1124 = vector.broadcast %mul3A_712 : i32 to vector<16xi32>
      %sub3A_1125 = arith.subi %get3A_1123, %sub3A_1124 : vector<16xi32>
      %ge3A_1126 = arith.constant 0 : i32
      %ge3A_1127 = vector.broadcast %ge3A_1126 : i32 to vector<16xi32>
      %ge3A_1128 = arith.cmpi sge, %sub3A_1125, %ge3A_1127 : vector<16xi32>
      %lt3A_1129 = arith.constant 512 : i32
      %lt3A_1130 = vector.broadcast %lt3A_1129 : i32 to vector<16xi32>
      %lt3A_1131 = arith.cmpi slt, %sub3A_1125, %lt3A_1130 : vector<16xi32>
      %and3A_1132 = arith.andi %ge3A_1128, %lt3A_1131 : vector<16xi1>
      %and3A_1133 = arith.constant 7 : i32
      %and3A_1134 = arith.andi %add3A_1119, %and3A_1133 : i32
      %mul3A_1135 = arith.constant 16 : i32
      %mul3A_1136 = arith.muli %and3A_1134, %mul3A_1135 : i32
      %add3A_1137 = arith.constant 1048576 : i32
      %add3A_1138 = arith.addi %add3A_1137, %mul3A_1136 : i32
      %add3A_1139 = vector.broadcast %add3A_1138 : i32 to vector<16xi32>
      %add3A_1140 = arith.addi %add3A_1139, %iota3A : vector<16xi32>
      %mul3A_1141 = arith.constant 2048 : i32
      %mul3A_1142 = vector.broadcast %mul3A_1141 : i32 to vector<16xi32>
      %mul3A_1143 = arith.muli %sub3A_1125, %mul3A_1142 : vector<16xi32>
      %get3A_1144 = arith.index_cast %mul3A_1121 : i32 to index
      %get3A_1145 = tpu.vector_load %arg5[%get3A_1144] {strides = array<i32>} : memref<4096xi32, #tpu.memory_space<vmem>>, vector<16xi32>,
      %add3A_1146 = arith.addi %mul3A_1143, %get3A_1145 : vector<16xi32>
      %select_n3A_1147 = arith.select %and3A_1132, %add3A_1146, %add3A_1140 : vector<16xi1>, vector<16xi32>
      %swap3A_1148 = arith.index_cast %add3A_947 : i32 to index
      %swap3A_1149 = arith.constant 80 : index
      %swap3A_1150 = tpu.vector_load %arg8[%swap3A_1148, %swap3A_1149] {strides = array<i32>} : memref<32x128xi32, #tpu.memory_space<vmem>>, vector<16xi32>,
      tpu.vector_store %arg8[%swap3A_1148, %swap3A_1149], %select_n3A_1147 {strides = array<i32>} : memref<32x128xi32, #tpu.memory_space<vmem>>, vector<16xi32>,
      %mul3A_1151 = arith.constant 8 : i32
      %mul3A_1152 = arith.muli %add3A_947, %mul3A_1151 : i32
      %add3A_1153 = arith.constant 6 : i32
      %add3A_1154 = arith.addi %mul3A_1152, %add3A_1153 : i32
      %mul3A_1155 = arith.constant 16 : i32
      %mul3A_1156 = arith.muli %add3A_1154, %mul3A_1155 : i32
      %get3A_1157 = arith.index_cast %mul3A_1156 : i32 to index
      %get3A_1158 = tpu.vector_load %arg6[%get3A_1157] {strides = array<i32>} : memref<4096xi32, #tpu.memory_space<vmem>>, vector<16xi32>,
      %sub3A_1159 = vector.broadcast %mul3A_712 : i32 to vector<16xi32>
      %sub3A_1160 = arith.subi %get3A_1158, %sub3A_1159 : vector<16xi32>
      %ge3A_1161 = arith.constant 0 : i32
      %ge3A_1162 = vector.broadcast %ge3A_1161 : i32 to vector<16xi32>
      %ge3A_1163 = arith.cmpi sge, %sub3A_1160, %ge3A_1162 : vector<16xi32>
      %lt3A_1164 = arith.constant 512 : i32
      %lt3A_1165 = vector.broadcast %lt3A_1164 : i32 to vector<16xi32>
      %lt3A_1166 = arith.cmpi slt, %sub3A_1160, %lt3A_1165 : vector<16xi32>
      %and3A_1167 = arith.andi %ge3A_1163, %lt3A_1166 : vector<16xi1>
      %and3A_1168 = arith.constant 7 : i32
      %and3A_1169 = arith.andi %add3A_1154, %and3A_1168 : i32
      %mul3A_1170 = arith.constant 16 : i32
      %mul3A_1171 = arith.muli %and3A_1169, %mul3A_1170 : i32
      %add3A_1172 = arith.constant 1048576 : i32
      %add3A_1173 = arith.addi %add3A_1172, %mul3A_1171 : i32
      %add3A_1174 = vector.broadcast %add3A_1173 : i32 to vector<16xi32>
      %add3A_1175 = arith.addi %add3A_1174, %iota3A : vector<16xi32>
      %mul3A_1176 = arith.constant 2048 : i32
      %mul3A_1177 = vector.broadcast %mul3A_1176 : i32 to vector<16xi32>
      %mul3A_1178 = arith.muli %sub3A_1160, %mul3A_1177 : vector<16xi32>
      %get3A_1179 = arith.index_cast %mul3A_1156 : i32 to index
      %get3A_1180 = tpu.vector_load %arg5[%get3A_1179] {strides = array<i32>} : memref<4096xi32, #tpu.memory_space<vmem>>, vector<16xi32>,
      %add3A_1181 = arith.addi %mul3A_1178, %get3A_1180 : vector<16xi32>
      %select_n3A_1182 = arith.select %and3A_1167, %add3A_1181, %add3A_1175 : vector<16xi1>, vector<16xi32>
      %swap3A_1183 = arith.index_cast %add3A_947 : i32 to index
      %swap3A_1184 = arith.constant 96 : index
      %swap3A_1185 = tpu.vector_load %arg8[%swap3A_1183, %swap3A_1184] {strides = array<i32>} : memref<32x128xi32, #tpu.memory_space<vmem>>, vector<16xi32>,
      tpu.vector_store %arg8[%swap3A_1183, %swap3A_1184], %select_n3A_1182 {strides = array<i32>} : memref<32x128xi32, #tpu.memory_space<vmem>>, vector<16xi32>,
      %mul3A_1186 = arith.constant 8 : i32
      %mul3A_1187 = arith.muli %add3A_947, %mul3A_1186 : i32
      %add3A_1188 = arith.constant 7 : i32
      %add3A_1189 = arith.addi %mul3A_1187, %add3A_1188 : i32
      %mul3A_1190 = arith.constant 16 : i32
      %mul3A_1191 = arith.muli %add3A_1189, %mul3A_1190 : i32
      %get3A_1192 = arith.index_cast %mul3A_1191 : i32 to index
      %get3A_1193 = tpu.vector_load %arg6[%get3A_1192] {strides = array<i32>} : memref<4096xi32, #tpu.memory_space<vmem>>, vector<16xi32>,
      %sub3A_1194 = vector.broadcast %mul3A_712 : i32 to vector<16xi32>
      %sub3A_1195 = arith.subi %get3A_1193, %sub3A_1194 : vector<16xi32>
      %ge3A_1196 = arith.constant 0 : i32
      %ge3A_1197 = vector.broadcast %ge3A_1196 : i32 to vector<16xi32>
      %ge3A_1198 = arith.cmpi sge, %sub3A_1195, %ge3A_1197 : vector<16xi32>
      %lt3A_1199 = arith.constant 512 : i32
      %lt3A_1200 = vector.broadcast %lt3A_1199 : i32 to vector<16xi32>
      %lt3A_1201 = arith.cmpi slt, %sub3A_1195, %lt3A_1200 : vector<16xi32>
      %and3A_1202 = arith.andi %ge3A_1198, %lt3A_1201 : vector<16xi1>
      %and3A_1203 = arith.constant 7 : i32
      %and3A_1204 = arith.andi %add3A_1189, %and3A_1203 : i32
      %mul3A_1205 = arith.constant 16 : i32
      %mul3A_1206 = arith.muli %and3A_1204, %mul3A_1205 : i32
      %add3A_1207 = arith.constant 1048576 : i32
      %add3A_1208 = arith.addi %add3A_1207, %mul3A_1206 : i32
      %add3A_1209 = vector.broadcast %add3A_1208 : i32 to vector<16xi32>
      %add3A_1210 = arith.addi %add3A_1209, %iota3A : vector<16xi32>
      %mul3A_1211 = arith.constant 2048 : i32
      %mul3A_1212 = vector.broadcast %mul3A_1211 : i32 to vector<16xi32>
      %mul3A_1213 = arith.muli %sub3A_1195, %mul3A_1212 : vector<16xi32>
      %get3A_1214 = arith.index_cast %mul3A_1191 : i32 to index
      %get3A_1215 = tpu.vector_load %arg5[%get3A_1214] {strides = array<i32>} : memref<4096xi32, #tpu.memory_space<vmem>>, vector<16xi32>,
      %add3A_1216 = arith.addi %mul3A_1213, %get3A_1215 : vector<16xi32>
      %select_n3A_1217 = arith.select %and3A_1202, %add3A_1216, %add3A_1210 : vector<16xi1>, vector<16xi32>
      %swap3A_1218 = arith.index_cast %add3A_947 : i32 to index
      %swap3A_1219 = arith.constant 112 : index
      %swap3A_1220 = tpu.vector_load %arg8[%swap3A_1218, %swap3A_1219] {strides = array<i32>} : memref<32x128xi32, #tpu.memory_space<vmem>>, vector<16xi32>,
      tpu.vector_store %arg8[%swap3A_1218, %swap3A_1219], %select_n3A_1217 {strides = array<i32>} : memref<32x128xi32, #tpu.memory_space<vmem>>, vector<16xi32>,
    }
    %scan3A_751 = arith.constant 32 : i32
    %run_scoped3A_752 = arith.constant 0 : i32
    %run_scoped3A_753 = arith.constant 0 : i32
    "tpu.region"() ({
      %run_scoped3A_943 = tpu.sem_alloc : memref<!tpu.dma_semaphore, #tpu.memory_space<semaphore_mem>>
      %dma_start3A_944 = arith.constant 0 : i32
      %dma_start3A_945 = tpu.memref_slice %arg7[%run_scoped3A_752, %dma_start3A_944] : memref<32x128xf32, #tpu.memory_space<vmem>> -> memref<1x128xf32, #tpu.memory_space<vmem>>
      %dma_start3A_946 = tpu.memref_squeeze %dma_start3A_945 : memref<1x128xf32, #tpu.memory_space<vmem>> -> memref<128xf32, #tpu.memory_space<vmem>>
      %dma_start3A_947 = arith.constant 0 : i32
      %dma_start3A_948 = tpu.memref_slice %arg8[%run_scoped3A_753, %dma_start3A_947] : memref<32x128xi32, #tpu.memory_space<vmem>> -> memref<1x128xi32, #tpu.memory_space<vmem>>
      %dma_start3A_949 = tpu.memref_squeeze %dma_start3A_948 : memref<1x128xi32, #tpu.memory_space<vmem>> -> memref<128xi32, #tpu.memory_space<vmem>>
      %dma_start3A_950 = arith.constant 0 : i32
      %dma_start3A_951 = tpu.memref_slice %arg10[%dma_start3A_950] : memref<1048704xf32, #tpu.memory_space<vmem_shared>> -> memref<1048704xf32, #tpu.memory_space<vmem_shared>>
      tpu.enqueue_indirect_dma source(%dma_start3A_946 : memref<128xf32, #tpu.memory_space<vmem>>) target(%dma_start3A_951 : memref<1048704xf32, #tpu.memory_space<vmem_shared>>) offsets(%dma_start3A_949 : memref<128xi32, #tpu.memory_space<vmem>>) semaphore(%run_scoped3A_943 : memref<!tpu.dma_semaphore, #tpu.memory_space<semaphore_mem>>) {add = true}
      %dma_wait3A_952 = arith.constant 0 : i32
      %dma_wait3A_953 = tpu.memref_slice %arg7[%run_scoped3A_752, %dma_wait3A_952] : memref<32x128xf32, #tpu.memory_space<vmem>> -> memref<1x128xf32, #tpu.memory_space<vmem>>
      %dma_wait3A_954 = tpu.memref_squeeze %dma_wait3A_953 : memref<1x128xf32, #tpu.memory_space<vmem>> -> memref<128xf32, #tpu.memory_space<vmem>>
      %dma_wait3A_955 = arith.constant 0 : i32
      %dma_wait3A_956 = tpu.memref_slice %arg8[%run_scoped3A_753, %dma_wait3A_955] : memref<32x128xi32, #tpu.memory_space<vmem>> -> memref<1x128xi32, #tpu.memory_space<vmem>>
      %dma_wait3A_957 = tpu.memref_squeeze %dma_wait3A_956 : memref<1x128xi32, #tpu.memory_space<vmem>> -> memref<128xi32, #tpu.memory_space<vmem>>
      %dma_wait3A_958 = arith.constant 0 : i32
      %dma_wait3A_959 = tpu.memref_slice %arg10[%dma_wait3A_958] : memref<1048704xf32, #tpu.memory_space<vmem_shared>> -> memref<1048704xf32, #tpu.memory_space<vmem_shared>>
      tpu.wait_indirect_dma semaphore(%run_scoped3A_943 : memref<!tpu.dma_semaphore, #tpu.memory_space<semaphore_mem>>) src(%dma_wait3A_954 : memref<128xf32, #tpu.memory_space<vmem>>) dst(%dma_wait3A_959 : memref<1048704xf32, #tpu.memory_space<vmem_shared>>)
      tpu.yield
    }) : () -> ()
    %run_scoped3A_754 = arith.constant 1 : i32
    %run_scoped3A_755 = arith.constant 1 : i32
    "tpu.region"() ({
      %run_scoped3A_943 = tpu.sem_alloc : memref<!tpu.dma_semaphore, #tpu.memory_space<semaphore_mem>>
      %dma_start3A_944 = arith.constant 0 : i32
      %dma_start3A_945 = tpu.memref_slice %arg7[%run_scoped3A_754, %dma_start3A_944] : memref<32x128xf32, #tpu.memory_space<vmem>> -> memref<1x128xf32, #tpu.memory_space<vmem>>
      %dma_start3A_946 = tpu.memref_squeeze %dma_start3A_945 : memref<1x128xf32, #tpu.memory_space<vmem>> -> memref<128xf32, #tpu.memory_space<vmem>>
      %dma_start3A_947 = arith.constant 0 : i32
      %dma_start3A_948 = tpu.memref_slice %arg8[%run_scoped3A_755, %dma_start3A_947] : memref<32x128xi32, #tpu.memory_space<vmem>> -> memref<1x128xi32, #tpu.memory_space<vmem>>
      %dma_start3A_949 = tpu.memref_squeeze %dma_start3A_948 : memref<1x128xi32, #tpu.memory_space<vmem>> -> memref<128xi32, #tpu.memory_space<vmem>>
      %dma_start3A_950 = arith.constant 0 : i32
      %dma_start3A_951 = tpu.memref_slice %arg10[%dma_start3A_950] : memref<1048704xf32, #tpu.memory_space<vmem_shared>> -> memref<1048704xf32, #tpu.memory_space<vmem_shared>>
      tpu.enqueue_indirect_dma source(%dma_start3A_946 : memref<128xf32, #tpu.memory_space<vmem>>) target(%dma_start3A_951 : memref<1048704xf32, #tpu.memory_space<vmem_shared>>) offsets(%dma_start3A_949 : memref<128xi32, #tpu.memory_space<vmem>>) semaphore(%run_scoped3A_943 : memref<!tpu.dma_semaphore, #tpu.memory_space<semaphore_mem>>) {add = true}
      %dma_wait3A_952 = arith.constant 0 : i32
      %dma_wait3A_953 = tpu.memref_slice %arg7[%run_scoped3A_754, %dma_wait3A_952] : memref<32x128xf32, #tpu.memory_space<vmem>> -> memref<1x128xf32, #tpu.memory_space<vmem>>
      %dma_wait3A_954 = tpu.memref_squeeze %dma_wait3A_953 : memref<1x128xf32, #tpu.memory_space<vmem>> -> memref<128xf32, #tpu.memory_space<vmem>>
      %dma_wait3A_955 = arith.constant 0 : i32
      %dma_wait3A_956 = tpu.memref_slice %arg8[%run_scoped3A_755, %dma_wait3A_955] : memref<32x128xi32, #tpu.memory_space<vmem>> -> memref<1x128xi32, #tpu.memory_space<vmem>>
      %dma_wait3A_957 = tpu.memref_squeeze %dma_wait3A_956 : memref<1x128xi32, #tpu.memory_space<vmem>> -> memref<128xi32, #tpu.memory_space<vmem>>
      %dma_wait3A_958 = arith.constant 0 : i32
      %dma_wait3A_959 = tpu.memref_slice %arg10[%dma_wait3A_958] : memref<1048704xf32, #tpu.memory_space<vmem_shared>> -> memref<1048704xf32, #tpu.memory_space<vmem_shared>>
      tpu.wait_indirect_dma semaphore(%run_scoped3A_943 : memref<!tpu.dma_semaphore, #tpu.memory_space<semaphore_mem>>) src(%dma_wait3A_954 : memref<128xf32, #tpu.memory_space<vmem>>) dst(%dma_wait3A_959 : memref<1048704xf32, #tpu.memory_space<vmem_shared>>)
      tpu.yield
    }) : () -> ()
    %run_scoped3A_756 = arith.constant 2 : i32
    %run_scoped3A_757 = arith.constant 2 : i32
    "tpu.region"() ({
      %run_scoped3A_943 = tpu.sem_alloc : memref<!tpu.dma_semaphore, #tpu.memory_space<semaphore_mem>>
      %dma_start3A_944 = arith.constant 0 : i32
      %dma_start3A_945 = tpu.memref_slice %arg7[%run_scoped3A_756, %dma_start3A_944] : memref<32x128xf32, #tpu.memory_space<vmem>> -> memref<1x128xf32, #tpu.memory_space<vmem>>
      %dma_start3A_946 = tpu.memref_squeeze %dma_start3A_945 : memref<1x128xf32, #tpu.memory_space<vmem>> -> memref<128xf32, #tpu.memory_space<vmem>>
      %dma_start3A_947 = arith.constant 0 : i32
      %dma_start3A_948 = tpu.memref_slice %arg8[%run_scoped3A_757, %dma_start3A_947] : memref<32x128xi32, #tpu.memory_space<vmem>> -> memref<1x128xi32, #tpu.memory_space<vmem>>
      %dma_start3A_949 = tpu.memref_squeeze %dma_start3A_948 : memref<1x128xi32, #tpu.memory_space<vmem>> -> memref<128xi32, #tpu.memory_space<vmem>>
      %dma_start3A_950 = arith.constant 0 : i32
      %dma_start3A_951 = tpu.memref_slice %arg10[%dma_start3A_950] : memref<1048704xf32, #tpu.memory_space<vmem_shared>> -> memref<1048704xf32, #tpu.memory_space<vmem_shared>>
      tpu.enqueue_indirect_dma source(%dma_start3A_946 : memref<128xf32, #tpu.memory_space<vmem>>) target(%dma_start3A_951 : memref<1048704xf32, #tpu.memory_space<vmem_shared>>) offsets(%dma_start3A_949 : memref<128xi32, #tpu.memory_space<vmem>>) semaphore(%run_scoped3A_943 : memref<!tpu.dma_semaphore, #tpu.memory_space<semaphore_mem>>) {add = true}
      %dma_wait3A_952 = arith.constant 0 : i32
      %dma_wait3A_953 = tpu.memref_slice %arg7[%run_scoped3A_756, %dma_wait3A_952] : memref<32x128xf32, #tpu.memory_space<vmem>> -> memref<1x128xf32, #tpu.memory_space<vmem>>
      %dma_wait3A_954 = tpu.memref_squeeze %dma_wait3A_953 : memref<1x128xf32, #tpu.memory_space<vmem>> -> memref<128xf32, #tpu.memory_space<vmem>>
      %dma_wait3A_955 = arith.constant 0 : i32
      %dma_wait3A_956 = tpu.memref_slice %arg8[%run_scoped3A_757, %dma_wait3A_955] : memref<32x128xi32, #tpu.memory_space<vmem>> -> memref<1x128xi32, #tpu.memory_space<vmem>>
      %dma_wait3A_957 = tpu.memref_squeeze %dma_wait3A_956 : memref<1x128xi32, #tpu.memory_space<vmem>> -> memref<128xi32, #tpu.memory_space<vmem>>
      %dma_wait3A_958 = arith.constant 0 : i32
      %dma_wait3A_959 = tpu.memref_slice %arg10[%dma_wait3A_958] : memref<1048704xf32, #tpu.memory_space<vmem_shared>> -> memref<1048704xf32, #tpu.memory_space<vmem_shared>>
      tpu.wait_indirect_dma semaphore(%run_scoped3A_943 : memref<!tpu.dma_semaphore, #tpu.memory_space<semaphore_mem>>) src(%dma_wait3A_954 : memref<128xf32, #tpu.memory_space<vmem>>) dst(%dma_wait3A_959 : memref<1048704xf32, #tpu.memory_space<vmem_shared>>)
      tpu.yield
    }) : () -> ()
    %run_scoped3A_758 = arith.constant 3 : i32
    %run_scoped3A_759 = arith.constant 3 : i32
    "tpu.region"() ({
      %run_scoped3A_943 = tpu.sem_alloc : memref<!tpu.dma_semaphore, #tpu.memory_space<semaphore_mem>>
      %dma_start3A_944 = arith.constant 0 : i32
      %dma_start3A_945 = tpu.memref_slice %arg7[%run_scoped3A_758, %dma_start3A_944] : memref<32x128xf32, #tpu.memory_space<vmem>> -> memref<1x128xf32, #tpu.memory_space<vmem>>
      %dma_start3A_946 = tpu.memref_squeeze %dma_start3A_945 : memref<1x128xf32, #tpu.memory_space<vmem>> -> memref<128xf32, #tpu.memory_space<vmem>>
      %dma_start3A_947 = arith.constant 0 : i32
      %dma_start3A_948 = tpu.memref_slice %arg8[%run_scoped3A_759, %dma_start3A_947] : memref<32x128xi32, #tpu.memory_space<vmem>> -> memref<1x128xi32, #tpu.memory_space<vmem>>
      %dma_start3A_949 = tpu.memref_squeeze %dma_start3A_948 : memref<1x128xi32, #tpu.memory_space<vmem>> -> memref<128xi32, #tpu.memory_space<vmem>>
      %dma_start3A_950 = arith.constant 0 : i32
      %dma_start3A_951 = tpu.memref_slice %arg10[%dma_start3A_950] : memref<1048704xf32, #tpu.memory_space<vmem_shared>> -> memref<1048704xf32, #tpu.memory_space<vmem_shared>>
      tpu.enqueue_indirect_dma source(%dma_start3A_946 : memref<128xf32, #tpu.memory_space<vmem>>) target(%dma_start3A_951 : memref<1048704xf32, #tpu.memory_space<vmem_shared>>) offsets(%dma_start3A_949 : memref<128xi32, #tpu.memory_space<vmem>>) semaphore(%run_scoped3A_943 : memref<!tpu.dma_semaphore, #tpu.memory_space<semaphore_mem>>) {add = true}
      %dma_wait3A_952 = arith.constant 0 : i32
      %dma_wait3A_953 = tpu.memref_slice %arg7[%run_scoped3A_758, %dma_wait3A_952] : memref<32x128xf32, #tpu.memory_space<vmem>> -> memref<1x128xf32, #tpu.memory_space<vmem>>
      %dma_wait3A_954 = tpu.memref_squeeze %dma_wait3A_953 : memref<1x128xf32, #tpu.memory_space<vmem>> -> memref<128xf32, #tpu.memory_space<vmem>>
      %dma_wait3A_955 = arith.constant 0 : i32
      %dma_wait3A_956 = tpu.memref_slice %arg8[%run_scoped3A_759, %dma_wait3A_955] : memref<32x128xi32, #tpu.memory_space<vmem>> -> memref<1x128xi32, #tpu.memory_space<vmem>>
      %dma_wait3A_957 = tpu.memref_squeeze %dma_wait3A_956 : memref<1x128xi32, #tpu.memory_space<vmem>> -> memref<128xi32, #tpu.memory_space<vmem>>
      %dma_wait3A_958 = arith.constant 0 : i32
      %dma_wait3A_959 = tpu.memref_slice %arg10[%dma_wait3A_958] : memref<1048704xf32, #tpu.memory_space<vmem_shared>> -> memref<1048704xf32, #tpu.memory_space<vmem_shared>>
      tpu.wait_indirect_dma semaphore(%run_scoped3A_943 : memref<!tpu.dma_semaphore, #tpu.memory_space<semaphore_mem>>) src(%dma_wait3A_954 : memref<128xf32, #tpu.memory_space<vmem>>) dst(%dma_wait3A_959 : memref<1048704xf32, #tpu.memory_space<vmem_shared>>)
      tpu.yield
    }) : () -> ()
    %run_scoped3A_760 = arith.constant 4 : i32
    %run_scoped3A_761 = arith.constant 4 : i32
    "tpu.region"() ({
      %run_scoped3A_943 = tpu.sem_alloc : memref<!tpu.dma_semaphore, #tpu.memory_space<semaphore_mem>>
      %dma_start3A_944 = arith.constant 0 : i32
      %dma_start3A_945 = tpu.memref_slice %arg7[%run_scoped3A_760, %dma_start3A_944] : memref<32x128xf32, #tpu.memory_space<vmem>> -> memref<1x128xf32, #tpu.memory_space<vmem>>
      %dma_start3A_946 = tpu.memref_squeeze %dma_start3A_945 : memref<1x128xf32, #tpu.memory_space<vmem>> -> memref<128xf32, #tpu.memory_space<vmem>>
      %dma_start3A_947 = arith.constant 0 : i32
      %dma_start3A_948 = tpu.memref_slice %arg8[%run_scoped3A_761, %dma_start3A_947] : memref<32x128xi32, #tpu.memory_space<vmem>> -> memref<1x128xi32, #tpu.memory_space<vmem>>
      %dma_start3A_949 = tpu.memref_squeeze %dma_start3A_948 : memref<1x128xi32, #tpu.memory_space<vmem>> -> memref<128xi32, #tpu.memory_space<vmem>>
      %dma_start3A_950 = arith.constant 0 : i32
      %dma_start3A_951 = tpu.memref_slice %arg10[%dma_start3A_950] : memref<1048704xf32, #tpu.memory_space<vmem_shared>> -> memref<1048704xf32, #tpu.memory_space<vmem_shared>>
      tpu.enqueue_indirect_dma source(%dma_start3A_946 : memref<128xf32, #tpu.memory_space<vmem>>) target(%dma_start3A_951 : memref<1048704xf32, #tpu.memory_space<vmem_shared>>) offsets(%dma_start3A_949 : memref<128xi32, #tpu.memory_space<vmem>>) semaphore(%run_scoped3A_943 : memref<!tpu.dma_semaphore, #tpu.memory_space<semaphore_mem>>) {add = true}
      %dma_wait3A_952 = arith.constant 0 : i32
      %dma_wait3A_953 = tpu.memref_slice %arg7[%run_scoped3A_760, %dma_wait3A_952] : memref<32x128xf32, #tpu.memory_space<vmem>> -> memref<1x128xf32, #tpu.memory_space<vmem>>
      %dma_wait3A_954 = tpu.memref_squeeze %dma_wait3A_953 : memref<1x128xf32, #tpu.memory_space<vmem>> -> memref<128xf32, #tpu.memory_space<vmem>>
      %dma_wait3A_955 = arith.constant 0 : i32
      %dma_wait3A_956 = tpu.memref_slice %arg8[%run_scoped3A_761, %dma_wait3A_955] : memref<32x128xi32, #tpu.memory_space<vmem>> -> memref<1x128xi32, #tpu.memory_space<vmem>>
      %dma_wait3A_957 = tpu.memref_squeeze %dma_wait3A_956 : memref<1x128xi32, #tpu.memory_space<vmem>> -> memref<128xi32, #tpu.memory_space<vmem>>
      %dma_wait3A_958 = arith.constant 0 : i32
      %dma_wait3A_959 = tpu.memref_slice %arg10[%dma_wait3A_958] : memref<1048704xf32, #tpu.memory_space<vmem_shared>> -> memref<1048704xf32, #tpu.memory_space<vmem_shared>>
      tpu.wait_indirect_dma semaphore(%run_scoped3A_943 : memref<!tpu.dma_semaphore, #tpu.memory_space<semaphore_mem>>) src(%dma_wait3A_954 : memref<128xf32, #tpu.memory_space<vmem>>) dst(%dma_wait3A_959 : memref<1048704xf32, #tpu.memory_space<vmem_shared>>)
      tpu.yield
    }) : () -> ()
    %run_scoped3A_762 = arith.constant 5 : i32
    %run_scoped3A_763 = arith.constant 5 : i32
    "tpu.region"() ({
      %run_scoped3A_943 = tpu.sem_alloc : memref<!tpu.dma_semaphore, #tpu.memory_space<semaphore_mem>>
      %dma_start3A_944 = arith.constant 0 : i32
      %dma_start3A_945 = tpu.memref_slice %arg7[%run_scoped3A_762, %dma_start3A_944] : memref<32x128xf32, #tpu.memory_space<vmem>> -> memref<1x128xf32, #tpu.memory_space<vmem>>
      %dma_start3A_946 = tpu.memref_squeeze %dma_start3A_945 : memref<1x128xf32, #tpu.memory_space<vmem>> -> memref<128xf32, #tpu.memory_space<vmem>>
      %dma_start3A_947 = arith.constant 0 : i32
      %dma_start3A_948 = tpu.memref_slice %arg8[%run_scoped3A_763, %dma_start3A_947] : memref<32x128xi32, #tpu.memory_space<vmem>> -> memref<1x128xi32, #tpu.memory_space<vmem>>
      %dma_start3A_949 = tpu.memref_squeeze %dma_start3A_948 : memref<1x128xi32, #tpu.memory_space<vmem>> -> memref<128xi32, #tpu.memory_space<vmem>>
      %dma_start3A_950 = arith.constant 0 : i32
      %dma_start3A_951 = tpu.memref_slice %arg10[%dma_start3A_950] : memref<1048704xf32, #tpu.memory_space<vmem_shared>> -> memref<1048704xf32, #tpu.memory_space<vmem_shared>>
      tpu.enqueue_indirect_dma source(%dma_start3A_946 : memref<128xf32, #tpu.memory_space<vmem>>) target(%dma_start3A_951 : memref<1048704xf32, #tpu.memory_space<vmem_shared>>) offsets(%dma_start3A_949 : memref<128xi32, #tpu.memory_space<vmem>>) semaphore(%run_scoped3A_943 : memref<!tpu.dma_semaphore, #tpu.memory_space<semaphore_mem>>) {add = true}
      %dma_wait3A_952 = arith.constant 0 : i32
      %dma_wait3A_953 = tpu.memref_slice %arg7[%run_scoped3A_762, %dma_wait3A_952] : memref<32x128xf32, #tpu.memory_space<vmem>> -> memref<1x128xf32, #tpu.memory_space<vmem>>
      %dma_wait3A_954 = tpu.memref_squeeze %dma_wait3A_953 : memref<1x128xf32, #tpu.memory_space<vmem>> -> memref<128xf32, #tpu.memory_space<vmem>>
      %dma_wait3A_955 = arith.constant 0 : i32
      %dma_wait3A_956 = tpu.memref_slice %arg8[%run_scoped3A_763, %dma_wait3A_955] : memref<32x128xi32, #tpu.memory_space<vmem>> -> memref<1x128xi32, #tpu.memory_space<vmem>>
      %dma_wait3A_957 = tpu.memref_squeeze %dma_wait3A_956 : memref<1x128xi32, #tpu.memory_space<vmem>> -> memref<128xi32, #tpu.memory_space<vmem>>
      %dma_wait3A_958 = arith.constant 0 : i32
      %dma_wait3A_959 = tpu.memref_slice %arg10[%dma_wait3A_958] : memref<1048704xf32, #tpu.memory_space<vmem_shared>> -> memref<1048704xf32, #tpu.memory_space<vmem_shared>>
      tpu.wait_indirect_dma semaphore(%run_scoped3A_943 : memref<!tpu.dma_semaphore, #tpu.memory_space<semaphore_mem>>) src(%dma_wait3A_954 : memref<128xf32, #tpu.memory_space<vmem>>) dst(%dma_wait3A_959 : memref<1048704xf32, #tpu.memory_space<vmem_shared>>)
      tpu.yield
    }) : () -> ()
    %run_scoped3A_764 = arith.constant 6 : i32
    %run_scoped3A_765 = arith.constant 6 : i32
    "tpu.region"() ({
      %run_scoped3A_943 = tpu.sem_alloc : memref<!tpu.dma_semaphore, #tpu.memory_space<semaphore_mem>>
      %dma_start3A_944 = arith.constant 0 : i32
      %dma_start3A_945 = tpu.memref_slice %arg7[%run_scoped3A_764, %dma_start3A_944] : memref<32x128xf32, #tpu.memory_space<vmem>> -> memref<1x128xf32, #tpu.memory_space<vmem>>
      %dma_start3A_946 = tpu.memref_squeeze %dma_start3A_945 : memref<1x128xf32, #tpu.memory_space<vmem>> -> memref<128xf32, #tpu.memory_space<vmem>>
      %dma_start3A_947 = arith.constant 0 : i32
      %dma_start3A_948 = tpu.memref_slice %arg8[%run_scoped3A_765, %dma_start3A_947] : memref<32x128xi32, #tpu.memory_space<vmem>> -> memref<1x128xi32, #tpu.memory_space<vmem>>
      %dma_start3A_949 = tpu.memref_squeeze %dma_start3A_948 : memref<1x128xi32, #tpu.memory_space<vmem>> -> memref<128xi32, #tpu.memory_space<vmem>>
      %dma_start3A_950 = arith.constant 0 : i32
      %dma_start3A_951 = tpu.memref_slice %arg10[%dma_start3A_950] : memref<1048704xf32, #tpu.memory_space<vmem_shared>> -> memref<1048704xf32, #tpu.memory_space<vmem_shared>>
      tpu.enqueue_indirect_dma source(%dma_start3A_946 : memref<128xf32, #tpu.memory_space<vmem>>) target(%dma_start3A_951 : memref<1048704xf32, #tpu.memory_space<vmem_shared>>) offsets(%dma_start3A_949 : memref<128xi32, #tpu.memory_space<vmem>>) semaphore(%run_scoped3A_943 : memref<!tpu.dma_semaphore, #tpu.memory_space<semaphore_mem>>) {add = true}
      %dma_wait3A_952 = arith.constant 0 : i32
      %dma_wait3A_953 = tpu.memref_slice %arg7[%run_scoped3A_764, %dma_wait3A_952] : memref<32x128xf32, #tpu.memory_space<vmem>> -> memref<1x128xf32, #tpu.memory_space<vmem>>
      %dma_wait3A_954 = tpu.memref_squeeze %dma_wait3A_953 : memref<1x128xf32, #tpu.memory_space<vmem>> -> memref<128xf32, #tpu.memory_space<vmem>>
      %dma_wait3A_955 = arith.constant 0 : i32
      %dma_wait3A_956 = tpu.memref_slice %arg8[%run_scoped3A_765, %dma_wait3A_955] : memref<32x128xi32, #tpu.memory_space<vmem>> -> memref<1x128xi32, #tpu.memory_space<vmem>>
      %dma_wait3A_957 = tpu.memref_squeeze %dma_wait3A_956 : memref<1x128xi32, #tpu.memory_space<vmem>> -> memref<128xi32, #tpu.memory_space<vmem>>
      %dma_wait3A_958 = arith.constant 0 : i32
      %dma_wait3A_959 = tpu.memref_slice %arg10[%dma_wait3A_958] : memref<1048704xf32, #tpu.memory_space<vmem_shared>> -> memref<1048704xf32, #tpu.memory_space<vmem_shared>>
      tpu.wait_indirect_dma semaphore(%run_scoped3A_943 : memref<!tpu.dma_semaphore, #tpu.memory_space<semaphore_mem>>) src(%dma_wait3A_954 : memref<128xf32, #tpu.memory_space<vmem>>) dst(%dma_wait3A_959 : memref<1048704xf32, #tpu.memory_space<vmem_shared>>)
      tpu.yield
    }) : () -> ()
    %run_scoped3A_766 = arith.constant 7 : i32
    %run_scoped3A_767 = arith.constant 7 : i32
    "tpu.region"() ({
      %run_scoped3A_943 = tpu.sem_alloc : memref<!tpu.dma_semaphore, #tpu.memory_space<semaphore_mem>>
      %dma_start3A_944 = arith.constant 0 : i32
      %dma_start3A_945 = tpu.memref_slice %arg7[%run_scoped3A_766, %dma_start3A_944] : memref<32x128xf32, #tpu.memory_space<vmem>> -> memref<1x128xf32, #tpu.memory_space<vmem>>
      %dma_start3A_946 = tpu.memref_squeeze %dma_start3A_945 : memref<1x128xf32, #tpu.memory_space<vmem>> -> memref<128xf32, #tpu.memory_space<vmem>>
      %dma_start3A_947 = arith.constant 0 : i32
      %dma_start3A_948 = tpu.memref_slice %arg8[%run_scoped3A_767, %dma_start3A_947] : memref<32x128xi32, #tpu.memory_space<vmem>> -> memref<1x128xi32, #tpu.memory_space<vmem>>
      %dma_start3A_949 = tpu.memref_squeeze %dma_start3A_948 : memref<1x128xi32, #tpu.memory_space<vmem>> -> memref<128xi32, #tpu.memory_space<vmem>>
      %dma_start3A_950 = arith.constant 0 : i32
      %dma_start3A_951 = tpu.memref_slice %arg10[%dma_start3A_950] : memref<1048704xf32, #tpu.memory_space<vmem_shared>> -> memref<1048704xf32, #tpu.memory_space<vmem_shared>>
      tpu.enqueue_indirect_dma source(%dma_start3A_946 : memref<128xf32, #tpu.memory_space<vmem>>) target(%dma_start3A_951 : memref<1048704xf32, #tpu.memory_space<vmem_shared>>) offsets(%dma_start3A_949 : memref<128xi32, #tpu.memory_space<vmem>>) semaphore(%run_scoped3A_943 : memref<!tpu.dma_semaphore, #tpu.memory_space<semaphore_mem>>) {add = true}
      %dma_wait3A_952 = arith.constant 0 : i32
      %dma_wait3A_953 = tpu.memref_slice %arg7[%run_scoped3A_766, %dma_wait3A_952] : memref<32x128xf32, #tpu.memory_space<vmem>> -> memref<1x128xf32, #tpu.memory_space<vmem>>
      %dma_wait3A_954 = tpu.memref_squeeze %dma_wait3A_953 : memref<1x128xf32, #tpu.memory_space<vmem>> -> memref<128xf32, #tpu.memory_space<vmem>>
      %dma_wait3A_955 = arith.constant 0 : i32
      %dma_wait3A_956 = tpu.memref_slice %arg8[%run_scoped3A_767, %dma_wait3A_955] : memref<32x128xi32, #tpu.memory_space<vmem>> -> memref<1x128xi32, #tpu.memory_space<vmem>>
      %dma_wait3A_957 = tpu.memref_squeeze %dma_wait3A_956 : memref<1x128xi32, #tpu.memory_space<vmem>> -> memref<128xi32, #tpu.memory_space<vmem>>
      %dma_wait3A_958 = arith.constant 0 : i32
      %dma_wait3A_959 = tpu.memref_slice %arg10[%dma_wait3A_958] : memref<1048704xf32, #tpu.memory_space<vmem_shared>> -> memref<1048704xf32, #tpu.memory_space<vmem_shared>>
      tpu.wait_indirect_dma semaphore(%run_scoped3A_943 : memref<!tpu.dma_semaphore, #tpu.memory_space<semaphore_mem>>) src(%dma_wait3A_954 : memref<128xf32, #tpu.memory_space<vmem>>) dst(%dma_wait3A_959 : memref<1048704xf32, #tpu.memory_space<vmem_shared>>)
      tpu.yield
    }) : () -> ()
    %run_scoped3A_768 = arith.constant 8 : i32
    %run_scoped3A_769 = arith.constant 8 : i32
    "tpu.region"() ({
      %run_scoped3A_943 = tpu.sem_alloc : memref<!tpu.dma_semaphore, #tpu.memory_space<semaphore_mem>>
      %dma_start3A_944 = arith.constant 0 : i32
      %dma_start3A_945 = tpu.memref_slice %arg7[%run_scoped3A_768, %dma_start3A_944] : memref<32x128xf32, #tpu.memory_space<vmem>> -> memref<1x128xf32, #tpu.memory_space<vmem>>
      %dma_start3A_946 = tpu.memref_squeeze %dma_start3A_945 : memref<1x128xf32, #tpu.memory_space<vmem>> -> memref<128xf32, #tpu.memory_space<vmem>>
      %dma_start3A_947 = arith.constant 0 : i32
      %dma_start3A_948 = tpu.memref_slice %arg8[%run_scoped3A_769, %dma_start3A_947] : memref<32x128xi32, #tpu.memory_space<vmem>> -> memref<1x128xi32, #tpu.memory_space<vmem>>
      %dma_start3A_949 = tpu.memref_squeeze %dma_start3A_948 : memref<1x128xi32, #tpu.memory_space<vmem>> -> memref<128xi32, #tpu.memory_space<vmem>>
      %dma_start3A_950 = arith.constant 0 : i32
      %dma_start3A_951 = tpu.memref_slice %arg10[%dma_start3A_950] : memref<1048704xf32, #tpu.memory_space<vmem_shared>> -> memref<1048704xf32, #tpu.memory_space<vmem_shared>>
      tpu.enqueue_indirect_dma source(%dma_start3A_946 : memref<128xf32, #tpu.memory_space<vmem>>) target(%dma_start3A_951 : memref<1048704xf32, #tpu.memory_space<vmem_shared>>) offsets(%dma_start3A_949 : memref<128xi32, #tpu.memory_space<vmem>>) semaphore(%run_scoped3A_943 : memref<!tpu.dma_semaphore, #tpu.memory_space<semaphore_mem>>) {add = true}
      %dma_wait3A_952 = arith.constant 0 : i32
      %dma_wait3A_953 = tpu.memref_slice %arg7[%run_scoped3A_768, %dma_wait3A_952] : memref<32x128xf32, #tpu.memory_space<vmem>> -> memref<1x128xf32, #tpu.memory_space<vmem>>
      %dma_wait3A_954 = tpu.memref_squeeze %dma_wait3A_953 : memref<1x128xf32, #tpu.memory_space<vmem>> -> memref<128xf32, #tpu.memory_space<vmem>>
      %dma_wait3A_955 = arith.constant 0 : i32
      %dma_wait3A_956 = tpu.memref_slice %arg8[%run_scoped3A_769, %dma_wait3A_955] : memref<32x128xi32, #tpu.memory_space<vmem>> -> memref<1x128xi32, #tpu.memory_space<vmem>>
      %dma_wait3A_957 = tpu.memref_squeeze %dma_wait3A_956 : memref<1x128xi32, #tpu.memory_space<vmem>> -> memref<128xi32, #tpu.memory_space<vmem>>
      %dma_wait3A_958 = arith.constant 0 : i32
      %dma_wait3A_959 = tpu.memref_slice %arg10[%dma_wait3A_958] : memref<1048704xf32, #tpu.memory_space<vmem_shared>> -> memref<1048704xf32, #tpu.memory_space<vmem_shared>>
      tpu.wait_indirect_dma semaphore(%run_scoped3A_943 : memref<!tpu.dma_semaphore, #tpu.memory_space<semaphore_mem>>) src(%dma_wait3A_954 : memref<128xf32, #tpu.memory_space<vmem>>) dst(%dma_wait3A_959 : memref<1048704xf32, #tpu.memory_space<vmem_shared>>)
      tpu.yield
    }) : () -> ()
    %run_scoped3A_770 = arith.constant 9 : i32
    %run_scoped3A_771 = arith.constant 9 : i32
    "tpu.region"() ({
      %run_scoped3A_943 = tpu.sem_alloc : memref<!tpu.dma_semaphore, #tpu.memory_space<semaphore_mem>>
      %dma_start3A_944 = arith.constant 0 : i32
      %dma_start3A_945 = tpu.memref_slice %arg7[%run_scoped3A_770, %dma_start3A_944] : memref<32x128xf32, #tpu.memory_space<vmem>> -> memref<1x128xf32, #tpu.memory_space<vmem>>
      %dma_start3A_946 = tpu.memref_squeeze %dma_start3A_945 : memref<1x128xf32, #tpu.memory_space<vmem>> -> memref<128xf32, #tpu.memory_space<vmem>>
      %dma_start3A_947 = arith.constant 0 : i32
      %dma_start3A_948 = tpu.memref_slice %arg8[%run_scoped3A_771, %dma_start3A_947] : memref<32x128xi32, #tpu.memory_space<vmem>> -> memref<1x128xi32, #tpu.memory_space<vmem>>
      %dma_start3A_949 = tpu.memref_squeeze %dma_start3A_948 : memref<1x128xi32, #tpu.memory_space<vmem>> -> memref<128xi32, #tpu.memory_space<vmem>>
      %dma_start3A_950 = arith.constant 0 : i32
      %dma_start3A_951 = tpu.memref_slice %arg10[%dma_start3A_950] : memref<1048704xf32, #tpu.memory_space<vmem_shared>> -> memref<1048704xf32, #tpu.memory_space<vmem_shared>>
      tpu.enqueue_indirect_dma source(%dma_start3A_946 : memref<128xf32, #tpu.memory_space<vmem>>) target(%dma_start3A_951 : memref<1048704xf32, #tpu.memory_space<vmem_shared>>) offsets(%dma_start3A_949 : memref<128xi32, #tpu.memory_space<vmem>>) semaphore(%run_scoped3A_943 : memref<!tpu.dma_semaphore, #tpu.memory_space<semaphore_mem>>) {add = true}
      %dma_wait3A_952 = arith.constant 0 : i32
      %dma_wait3A_953 = tpu.memref_slice %arg7[%run_scoped3A_770, %dma_wait3A_952] : memref<32x128xf32, #tpu.memory_space<vmem>> -> memref<1x128xf32, #tpu.memory_space<vmem>>
      %dma_wait3A_954 = tpu.memref_squeeze %dma_wait3A_953 : memref<1x128xf32, #tpu.memory_space<vmem>> -> memref<128xf32, #tpu.memory_space<vmem>>
      %dma_wait3A_955 = arith.constant 0 : i32
      %dma_wait3A_956 = tpu.memref_slice %arg8[%run_scoped3A_771, %dma_wait3A_955] : memref<32x128xi32, #tpu.memory_space<vmem>> -> memref<1x128xi32, #tpu.memory_space<vmem>>
      %dma_wait3A_957 = tpu.memref_squeeze %dma_wait3A_956 : memref<1x128xi32, #tpu.memory_space<vmem>> -> memref<128xi32, #tpu.memory_space<vmem>>
      %dma_wait3A_958 = arith.constant 0 : i32
      %dma_wait3A_959 = tpu.memref_slice %arg10[%dma_wait3A_958] : memref<1048704xf32, #tpu.memory_space<vmem_shared>> -> memref<1048704xf32, #tpu.memory_space<vmem_shared>>
      tpu.wait_indirect_dma semaphore(%run_scoped3A_943 : memref<!tpu.dma_semaphore, #tpu.memory_space<semaphore_mem>>) src(%dma_wait3A_954 : memref<128xf32, #tpu.memory_space<vmem>>) dst(%dma_wait3A_959 : memref<1048704xf32, #tpu.memory_space<vmem_shared>>)
      tpu.yield
    }) : () -> ()
    %run_scoped3A_772 = arith.constant 10 : i32
    %run_scoped3A_773 = arith.constant 10 : i32
    "tpu.region"() ({
      %run_scoped3A_943 = tpu.sem_alloc : memref<!tpu.dma_semaphore, #tpu.memory_space<semaphore_mem>>
      %dma_start3A_944 = arith.constant 0 : i32
      %dma_start3A_945 = tpu.memref_slice %arg7[%run_scoped3A_772, %dma_start3A_944] : memref<32x128xf32, #tpu.memory_space<vmem>> -> memref<1x128xf32, #tpu.memory_space<vmem>>
      %dma_start3A_946 = tpu.memref_squeeze %dma_start3A_945 : memref<1x128xf32, #tpu.memory_space<vmem>> -> memref<128xf32, #tpu.memory_space<vmem>>
      %dma_start3A_947 = arith.constant 0 : i32
      %dma_start3A_948 = tpu.memref_slice %arg8[%run_scoped3A_773, %dma_start3A_947] : memref<32x128xi32, #tpu.memory_space<vmem>> -> memref<1x128xi32, #tpu.memory_space<vmem>>
      %dma_start3A_949 = tpu.memref_squeeze %dma_start3A_948 : memref<1x128xi32, #tpu.memory_space<vmem>> -> memref<128xi32, #tpu.memory_space<vmem>>
      %dma_start3A_950 = arith.constant 0 : i32
      %dma_start3A_951 = tpu.memref_slice %arg10[%dma_start3A_950] : memref<1048704xf32, #tpu.memory_space<vmem_shared>> -> memref<1048704xf32, #tpu.memory_space<vmem_shared>>
      tpu.enqueue_indirect_dma source(%dma_start3A_946 : memref<128xf32, #tpu.memory_space<vmem>>) target(%dma_start3A_951 : memref<1048704xf32, #tpu.memory_space<vmem_shared>>) offsets(%dma_start3A_949 : memref<128xi32, #tpu.memory_space<vmem>>) semaphore(%run_scoped3A_943 : memref<!tpu.dma_semaphore, #tpu.memory_space<semaphore_mem>>) {add = true}
      %dma_wait3A_952 = arith.constant 0 : i32
      %dma_wait3A_953 = tpu.memref_slice %arg7[%run_scoped3A_772, %dma_wait3A_952] : memref<32x128xf32, #tpu.memory_space<vmem>> -> memref<1x128xf32, #tpu.memory_space<vmem>>
      %dma_wait3A_954 = tpu.memref_squeeze %dma_wait3A_953 : memref<1x128xf32, #tpu.memory_space<vmem>> -> memref<128xf32, #tpu.memory_space<vmem>>
      %dma_wait3A_955 = arith.constant 0 : i32
      %dma_wait3A_956 = tpu.memref_slice %arg8[%run_scoped3A_773, %dma_wait3A_955] : memref<32x128xi32, #tpu.memory_space<vmem>> -> memref<1x128xi32, #tpu.memory_space<vmem>>
      %dma_wait3A_957 = tpu.memref_squeeze %dma_wait3A_956 : memref<1x128xi32, #tpu.memory_space<vmem>> -> memref<128xi32, #tpu.memory_space<vmem>>
      %dma_wait3A_958 = arith.constant 0 : i32
      %dma_wait3A_959 = tpu.memref_slice %arg10[%dma_wait3A_958] : memref<1048704xf32, #tpu.memory_space<vmem_shared>> -> memref<1048704xf32, #tpu.memory_space<vmem_shared>>
      tpu.wait_indirect_dma semaphore(%run_scoped3A_943 : memref<!tpu.dma_semaphore, #tpu.memory_space<semaphore_mem>>) src(%dma_wait3A_954 : memref<128xf32, #tpu.memory_space<vmem>>) dst(%dma_wait3A_959 : memref<1048704xf32, #tpu.memory_space<vmem_shared>>)
      tpu.yield
    }) : () -> ()
    %run_scoped3A_774 = arith.constant 11 : i32
    %run_scoped3A_775 = arith.constant 11 : i32
    "tpu.region"() ({
      %run_scoped3A_943 = tpu.sem_alloc : memref<!tpu.dma_semaphore, #tpu.memory_space<semaphore_mem>>
      %dma_start3A_944 = arith.constant 0 : i32
      %dma_start3A_945 = tpu.memref_slice %arg7[%run_scoped3A_774, %dma_start3A_944] : memref<32x128xf32, #tpu.memory_space<vmem>> -> memref<1x128xf32, #tpu.memory_space<vmem>>
      %dma_start3A_946 = tpu.memref_squeeze %dma_start3A_945 : memref<1x128xf32, #tpu.memory_space<vmem>> -> memref<128xf32, #tpu.memory_space<vmem>>
      %dma_start3A_947 = arith.constant 0 : i32
      %dma_start3A_948 = tpu.memref_slice %arg8[%run_scoped3A_775, %dma_start3A_947] : memref<32x128xi32, #tpu.memory_space<vmem>> -> memref<1x128xi32, #tpu.memory_space<vmem>>
      %dma_start3A_949 = tpu.memref_squeeze %dma_start3A_948 : memref<1x128xi32, #tpu.memory_space<vmem>> -> memref<128xi32, #tpu.memory_space<vmem>>
      %dma_start3A_950 = arith.constant 0 : i32
      %dma_start3A_951 = tpu.memref_slice %arg10[%dma_start3A_950] : memref<1048704xf32, #tpu.memory_space<vmem_shared>> -> memref<1048704xf32, #tpu.memory_space<vmem_shared>>
      tpu.enqueue_indirect_dma source(%dma_start3A_946 : memref<128xf32, #tpu.memory_space<vmem>>) target(%dma_start3A_951 : memref<1048704xf32, #tpu.memory_space<vmem_shared>>) offsets(%dma_start3A_949 : memref<128xi32, #tpu.memory_space<vmem>>) semaphore(%run_scoped3A_943 : memref<!tpu.dma_semaphore, #tpu.memory_space<semaphore_mem>>) {add = true}
      %dma_wait3A_952 = arith.constant 0 : i32
      %dma_wait3A_953 = tpu.memref_slice %arg7[%run_scoped3A_774, %dma_wait3A_952] : memref<32x128xf32, #tpu.memory_space<vmem>> -> memref<1x128xf32, #tpu.memory_space<vmem>>
      %dma_wait3A_954 = tpu.memref_squeeze %dma_wait3A_953 : memref<1x128xf32, #tpu.memory_space<vmem>> -> memref<128xf32, #tpu.memory_space<vmem>>
      %dma_wait3A_955 = arith.constant 0 : i32
      %dma_wait3A_956 = tpu.memref_slice %arg8[%run_scoped3A_775, %dma_wait3A_955] : memref<32x128xi32, #tpu.memory_space<vmem>> -> memref<1x128xi32, #tpu.memory_space<vmem>>
      %dma_wait3A_957 = tpu.memref_squeeze %dma_wait3A_956 : memref<1x128xi32, #tpu.memory_space<vmem>> -> memref<128xi32, #tpu.memory_space<vmem>>
      %dma_wait3A_958 = arith.constant 0 : i32
      %dma_wait3A_959 = tpu.memref_slice %arg10[%dma_wait3A_958] : memref<1048704xf32, #tpu.memory_space<vmem_shared>> -> memref<1048704xf32, #tpu.memory_space<vmem_shared>>
      tpu.wait_indirect_dma semaphore(%run_scoped3A_943 : memref<!tpu.dma_semaphore, #tpu.memory_space<semaphore_mem>>) src(%dma_wait3A_954 : memref<128xf32, #tpu.memory_space<vmem>>) dst(%dma_wait3A_959 : memref<1048704xf32, #tpu.memory_space<vmem_shared>>)
      tpu.yield
    }) : () -> ()
    %run_scoped3A_776 = arith.constant 12 : i32
    %run_scoped3A_777 = arith.constant 12 : i32
    "tpu.region"() ({
      %run_scoped3A_943 = tpu.sem_alloc : memref<!tpu.dma_semaphore, #tpu.memory_space<semaphore_mem>>
      %dma_start3A_944 = arith.constant 0 : i32
      %dma_start3A_945 = tpu.memref_slice %arg7[%run_scoped3A_776, %dma_start3A_944] : memref<32x128xf32, #tpu.memory_space<vmem>> -> memref<1x128xf32, #tpu.memory_space<vmem>>
      %dma_start3A_946 = tpu.memref_squeeze %dma_start3A_945 : memref<1x128xf32, #tpu.memory_space<vmem>> -> memref<128xf32, #tpu.memory_space<vmem>>
      %dma_start3A_947 = arith.constant 0 : i32
      %dma_start3A_948 = tpu.memref_slice %arg8[%run_scoped3A_777, %dma_start3A_947] : memref<32x128xi32, #tpu.memory_space<vmem>> -> memref<1x128xi32, #tpu.memory_space<vmem>>
      %dma_start3A_949 = tpu.memref_squeeze %dma_start3A_948 : memref<1x128xi32, #tpu.memory_space<vmem>> -> memref<128xi32, #tpu.memory_space<vmem>>
      %dma_start3A_950 = arith.constant 0 : i32
      %dma_start3A_951 = tpu.memref_slice %arg10[%dma_start3A_950] : memref<1048704xf32, #tpu.memory_space<vmem_shared>> -> memref<1048704xf32, #tpu.memory_space<vmem_shared>>
      tpu.enqueue_indirect_dma source(%dma_start3A_946 : memref<128xf32, #tpu.memory_space<vmem>>) target(%dma_start3A_951 : memref<1048704xf32, #tpu.memory_space<vmem_shared>>) offsets(%dma_start3A_949 : memref<128xi32, #tpu.memory_space<vmem>>) semaphore(%run_scoped3A_943 : memref<!tpu.dma_semaphore, #tpu.memory_space<semaphore_mem>>) {add = true}
      %dma_wait3A_952 = arith.constant 0 : i32
      %dma_wait3A_953 = tpu.memref_slice %arg7[%run_scoped3A_776, %dma_wait3A_952] : memref<32x128xf32, #tpu.memory_space<vmem>> -> memref<1x128xf32, #tpu.memory_space<vmem>>
      %dma_wait3A_954 = tpu.memref_squeeze %dma_wait3A_953 : memref<1x128xf32, #tpu.memory_space<vmem>> -> memref<128xf32, #tpu.memory_space<vmem>>
      %dma_wait3A_955 = arith.constant 0 : i32
      %dma_wait3A_956 = tpu.memref_slice %arg8[%run_scoped3A_777, %dma_wait3A_955] : memref<32x128xi32, #tpu.memory_space<vmem>> -> memref<1x128xi32, #tpu.memory_space<vmem>>
      %dma_wait3A_957 = tpu.memref_squeeze %dma_wait3A_956 : memref<1x128xi32, #tpu.memory_space<vmem>> -> memref<128xi32, #tpu.memory_space<vmem>>
      %dma_wait3A_958 = arith.constant 0 : i32
      %dma_wait3A_959 = tpu.memref_slice %arg10[%dma_wait3A_958] : memref<1048704xf32, #tpu.memory_space<vmem_shared>> -> memref<1048704xf32, #tpu.memory_space<vmem_shared>>
      tpu.wait_indirect_dma semaphore(%run_scoped3A_943 : memref<!tpu.dma_semaphore, #tpu.memory_space<semaphore_mem>>) src(%dma_wait3A_954 : memref<128xf32, #tpu.memory_space<vmem>>) dst(%dma_wait3A_959 : memref<1048704xf32, #tpu.memory_space<vmem_shared>>)
      tpu.yield
    }) : () -> ()
    %run_scoped3A_778 = arith.constant 13 : i32
    %run_scoped3A_779 = arith.constant 13 : i32
    "tpu.region"() ({
      %run_scoped3A_943 = tpu.sem_alloc : memref<!tpu.dma_semaphore, #tpu.memory_space<semaphore_mem>>
      %dma_start3A_944 = arith.constant 0 : i32
      %dma_start3A_945 = tpu.memref_slice %arg7[%run_scoped3A_778, %dma_start3A_944] : memref<32x128xf32, #tpu.memory_space<vmem>> -> memref<1x128xf32, #tpu.memory_space<vmem>>
      %dma_start3A_946 = tpu.memref_squeeze %dma_start3A_945 : memref<1x128xf32, #tpu.memory_space<vmem>> -> memref<128xf32, #tpu.memory_space<vmem>>
      %dma_start3A_947 = arith.constant 0 : i32
      %dma_start3A_948 = tpu.memref_slice %arg8[%run_scoped3A_779, %dma_start3A_947] : memref<32x128xi32, #tpu.memory_space<vmem>> -> memref<1x128xi32, #tpu.memory_space<vmem>>
      %dma_start3A_949 = tpu.memref_squeeze %dma_start3A_948 : memref<1x128xi32, #tpu.memory_space<vmem>> -> memref<128xi32, #tpu.memory_space<vmem>>
      %dma_start3A_950 = arith.constant 0 : i32
      %dma_start3A_951 = tpu.memref_slice %arg10[%dma_start3A_950] : memref<1048704xf32, #tpu.memory_space<vmem_shared>> -> memref<1048704xf32, #tpu.memory_space<vmem_shared>>
      tpu.enqueue_indirect_dma source(%dma_start3A_946 : memref<128xf32, #tpu.memory_space<vmem>>) target(%dma_start3A_951 : memref<1048704xf32, #tpu.memory_space<vmem_shared>>) offsets(%dma_start3A_949 : memref<128xi32, #tpu.memory_space<vmem>>) semaphore(%run_scoped3A_943 : memref<!tpu.dma_semaphore, #tpu.memory_space<semaphore_mem>>) {add = true}
      %dma_wait3A_952 = arith.constant 0 : i32
      %dma_wait3A_953 = tpu.memref_slice %arg7[%run_scoped3A_778, %dma_wait3A_952] : memref<32x128xf32, #tpu.memory_space<vmem>> -> memref<1x128xf32, #tpu.memory_space<vmem>>
      %dma_wait3A_954 = tpu.memref_squeeze %dma_wait3A_953 : memref<1x128xf32, #tpu.memory_space<vmem>> -> memref<128xf32, #tpu.memory_space<vmem>>
      %dma_wait3A_955 = arith.constant 0 : i32
      %dma_wait3A_956 = tpu.memref_slice %arg8[%run_scoped3A_779, %dma_wait3A_955] : memref<32x128xi32, #tpu.memory_space<vmem>> -> memref<1x128xi32, #tpu.memory_space<vmem>>
      %dma_wait3A_957 = tpu.memref_squeeze %dma_wait3A_956 : memref<1x128xi32, #tpu.memory_space<vmem>> -> memref<128xi32, #tpu.memory_space<vmem>>
      %dma_wait3A_958 = arith.constant 0 : i32
      %dma_wait3A_959 = tpu.memref_slice %arg10[%dma_wait3A_958] : memref<1048704xf32, #tpu.memory_space<vmem_shared>> -> memref<1048704xf32, #tpu.memory_space<vmem_shared>>
      tpu.wait_indirect_dma semaphore(%run_scoped3A_943 : memref<!tpu.dma_semaphore, #tpu.memory_space<semaphore_mem>>) src(%dma_wait3A_954 : memref<128xf32, #tpu.memory_space<vmem>>) dst(%dma_wait3A_959 : memref<1048704xf32, #tpu.memory_space<vmem_shared>>)
      tpu.yield
    }) : () -> ()
    %run_scoped3A_780 = arith.constant 14 : i32
    %run_scoped3A_781 = arith.constant 14 : i32
    "tpu.region"() ({
      %run_scoped3A_943 = tpu.sem_alloc : memref<!tpu.dma_semaphore, #tpu.memory_space<semaphore_mem>>
      %dma_start3A_944 = arith.constant 0 : i32
      %dma_start3A_945 = tpu.memref_slice %arg7[%run_scoped3A_780, %dma_start3A_944] : memref<32x128xf32, #tpu.memory_space<vmem>> -> memref<1x128xf32, #tpu.memory_space<vmem>>
      %dma_start3A_946 = tpu.memref_squeeze %dma_start3A_945 : memref<1x128xf32, #tpu.memory_space<vmem>> -> memref<128xf32, #tpu.memory_space<vmem>>
      %dma_start3A_947 = arith.constant 0 : i32
      %dma_start3A_948 = tpu.memref_slice %arg8[%run_scoped3A_781, %dma_start3A_947] : memref<32x128xi32, #tpu.memory_space<vmem>> -> memref<1x128xi32, #tpu.memory_space<vmem>>
      %dma_start3A_949 = tpu.memref_squeeze %dma_start3A_948 : memref<1x128xi32, #tpu.memory_space<vmem>> -> memref<128xi32, #tpu.memory_space<vmem>>
      %dma_start3A_950 = arith.constant 0 : i32
      %dma_start3A_951 = tpu.memref_slice %arg10[%dma_start3A_950] : memref<1048704xf32, #tpu.memory_space<vmem_shared>> -> memref<1048704xf32, #tpu.memory_space<vmem_shared>>
      tpu.enqueue_indirect_dma source(%dma_start3A_946 : memref<128xf32, #tpu.memory_space<vmem>>) target(%dma_start3A_951 : memref<1048704xf32, #tpu.memory_space<vmem_shared>>) offsets(%dma_start3A_949 : memref<128xi32, #tpu.memory_space<vmem>>) semaphore(%run_scoped3A_943 : memref<!tpu.dma_semaphore, #tpu.memory_space<semaphore_mem>>) {add = true}
      %dma_wait3A_952 = arith.constant 0 : i32
      %dma_wait3A_953 = tpu.memref_slice %arg7[%run_scoped3A_780, %dma_wait3A_952] : memref<32x128xf32, #tpu.memory_space<vmem>> -> memref<1x128xf32, #tpu.memory_space<vmem>>
      %dma_wait3A_954 = tpu.memref_squeeze %dma_wait3A_953 : memref<1x128xf32, #tpu.memory_space<vmem>> -> memref<128xf32, #tpu.memory_space<vmem>>
      %dma_wait3A_955 = arith.constant 0 : i32
      %dma_wait3A_956 = tpu.memref_slice %arg8[%run_scoped3A_781, %dma_wait3A_955] : memref<32x128xi32, #tpu.memory_space<vmem>> -> memref<1x128xi32, #tpu.memory_space<vmem>>
      %dma_wait3A_957 = tpu.memref_squeeze %dma_wait3A_956 : memref<1x128xi32, #tpu.memory_space<vmem>> -> memref<128xi32, #tpu.memory_space<vmem>>
      %dma_wait3A_958 = arith.constant 0 : i32
      %dma_wait3A_959 = tpu.memref_slice %arg10[%dma_wait3A_958] : memref<1048704xf32, #tpu.memory_space<vmem_shared>> -> memref<1048704xf32, #tpu.memory_space<vmem_shared>>
      tpu.wait_indirect_dma semaphore(%run_scoped3A_943 : memref<!tpu.dma_semaphore, #tpu.memory_space<semaphore_mem>>) src(%dma_wait3A_954 : memref<128xf32, #tpu.memory_space<vmem>>) dst(%dma_wait3A_959 : memref<1048704xf32, #tpu.memory_space<vmem_shared>>)
      tpu.yield
    }) : () -> ()
    %run_scoped3A_782 = arith.constant 15 : i32
    %run_scoped3A_783 = arith.constant 15 : i32
    "tpu.region"() ({
      %run_scoped3A_943 = tpu.sem_alloc : memref<!tpu.dma_semaphore, #tpu.memory_space<semaphore_mem>>
      %dma_start3A_944 = arith.constant 0 : i32
      %dma_start3A_945 = tpu.memref_slice %arg7[%run_scoped3A_782, %dma_start3A_944] : memref<32x128xf32, #tpu.memory_space<vmem>> -> memref<1x128xf32, #tpu.memory_space<vmem>>
      %dma_start3A_946 = tpu.memref_squeeze %dma_start3A_945 : memref<1x128xf32, #tpu.memory_space<vmem>> -> memref<128xf32, #tpu.memory_space<vmem>>
      %dma_start3A_947 = arith.constant 0 : i32
      %dma_start3A_948 = tpu.memref_slice %arg8[%run_scoped3A_783, %dma_start3A_947] : memref<32x128xi32, #tpu.memory_space<vmem>> -> memref<1x128xi32, #tpu.memory_space<vmem>>
      %dma_start3A_949 = tpu.memref_squeeze %dma_start3A_948 : memref<1x128xi32, #tpu.memory_space<vmem>> -> memref<128xi32, #tpu.memory_space<vmem>>
      %dma_start3A_950 = arith.constant 0 : i32
      %dma_start3A_951 = tpu.memref_slice %arg10[%dma_start3A_950] : memref<1048704xf32, #tpu.memory_space<vmem_shared>> -> memref<1048704xf32, #tpu.memory_space<vmem_shared>>
      tpu.enqueue_indirect_dma source(%dma_start3A_946 : memref<128xf32, #tpu.memory_space<vmem>>) target(%dma_start3A_951 : memref<1048704xf32, #tpu.memory_space<vmem_shared>>) offsets(%dma_start3A_949 : memref<128xi32, #tpu.memory_space<vmem>>) semaphore(%run_scoped3A_943 : memref<!tpu.dma_semaphore, #tpu.memory_space<semaphore_mem>>) {add = true}
      %dma_wait3A_952 = arith.constant 0 : i32
      %dma_wait3A_953 = tpu.memref_slice %arg7[%run_scoped3A_782, %dma_wait3A_952] : memref<32x128xf32, #tpu.memory_space<vmem>> -> memref<1x128xf32, #tpu.memory_space<vmem>>
      %dma_wait3A_954 = tpu.memref_squeeze %dma_wait3A_953 : memref<1x128xf32, #tpu.memory_space<vmem>> -> memref<128xf32, #tpu.memory_space<vmem>>
      %dma_wait3A_955 = arith.constant 0 : i32
      %dma_wait3A_956 = tpu.memref_slice %arg8[%run_scoped3A_783, %dma_wait3A_955] : memref<32x128xi32, #tpu.memory_space<vmem>> -> memref<1x128xi32, #tpu.memory_space<vmem>>
      %dma_wait3A_957 = tpu.memref_squeeze %dma_wait3A_956 : memref<1x128xi32, #tpu.memory_space<vmem>> -> memref<128xi32, #tpu.memory_space<vmem>>
      %dma_wait3A_958 = arith.constant 0 : i32
      %dma_wait3A_959 = tpu.memref_slice %arg10[%dma_wait3A_958] : memref<1048704xf32, #tpu.memory_space<vmem_shared>> -> memref<1048704xf32, #tpu.memory_space<vmem_shared>>
      tpu.wait_indirect_dma semaphore(%run_scoped3A_943 : memref<!tpu.dma_semaphore, #tpu.memory_space<semaphore_mem>>) src(%dma_wait3A_954 : memref<128xf32, #tpu.memory_space<vmem>>) dst(%dma_wait3A_959 : memref<1048704xf32, #tpu.memory_space<vmem_shared>>)
      tpu.yield
    }) : () -> ()
    %run_scoped3A_784 = arith.constant 16 : i32
    %run_scoped3A_785 = arith.constant 16 : i32
    "tpu.region"() ({
      %run_scoped3A_943 = tpu.sem_alloc : memref<!tpu.dma_semaphore, #tpu.memory_space<semaphore_mem>>
      %dma_start3A_944 = arith.constant 0 : i32
      %dma_start3A_945 = tpu.memref_slice %arg7[%run_scoped3A_784, %dma_start3A_944] : memref<32x128xf32, #tpu.memory_space<vmem>> -> memref<1x128xf32, #tpu.memory_space<vmem>>
      %dma_start3A_946 = tpu.memref_squeeze %dma_start3A_945 : memref<1x128xf32, #tpu.memory_space<vmem>> -> memref<128xf32, #tpu.memory_space<vmem>>
      %dma_start3A_947 = arith.constant 0 : i32
      %dma_start3A_948 = tpu.memref_slice %arg8[%run_scoped3A_785, %dma_start3A_947] : memref<32x128xi32, #tpu.memory_space<vmem>> -> memref<1x128xi32, #tpu.memory_space<vmem>>
      %dma_start3A_949 = tpu.memref_squeeze %dma_start3A_948 : memref<1x128xi32, #tpu.memory_space<vmem>> -> memref<128xi32, #tpu.memory_space<vmem>>
      %dma_start3A_950 = arith.constant 0 : i32
      %dma_start3A_951 = tpu.memref_slice %arg10[%dma_start3A_950] : memref<1048704xf32, #tpu.memory_space<vmem_shared>> -> memref<1048704xf32, #tpu.memory_space<vmem_shared>>
      tpu.enqueue_indirect_dma source(%dma_start3A_946 : memref<128xf32, #tpu.memory_space<vmem>>) target(%dma_start3A_951 : memref<1048704xf32, #tpu.memory_space<vmem_shared>>) offsets(%dma_start3A_949 : memref<128xi32, #tpu.memory_space<vmem>>) semaphore(%run_scoped3A_943 : memref<!tpu.dma_semaphore, #tpu.memory_space<semaphore_mem>>) {add = true}
      %dma_wait3A_952 = arith.constant 0 : i32
      %dma_wait3A_953 = tpu.memref_slice %arg7[%run_scoped3A_784, %dma_wait3A_952] : memref<32x128xf32, #tpu.memory_space<vmem>> -> memref<1x128xf32, #tpu.memory_space<vmem>>
      %dma_wait3A_954 = tpu.memref_squeeze %dma_wait3A_953 : memref<1x128xf32, #tpu.memory_space<vmem>> -> memref<128xf32, #tpu.memory_space<vmem>>
      %dma_wait3A_955 = arith.constant 0 : i32
      %dma_wait3A_956 = tpu.memref_slice %arg8[%run_scoped3A_785, %dma_wait3A_955] : memref<32x128xi32, #tpu.memory_space<vmem>> -> memref<1x128xi32, #tpu.memory_space<vmem>>
      %dma_wait3A_957 = tpu.memref_squeeze %dma_wait3A_956 : memref<1x128xi32, #tpu.memory_space<vmem>> -> memref<128xi32, #tpu.memory_space<vmem>>
      %dma_wait3A_958 = arith.constant 0 : i32
      %dma_wait3A_959 = tpu.memref_slice %arg10[%dma_wait3A_958] : memref<1048704xf32, #tpu.memory_space<vmem_shared>> -> memref<1048704xf32, #tpu.memory_space<vmem_shared>>
      tpu.wait_indirect_dma semaphore(%run_scoped3A_943 : memref<!tpu.dma_semaphore, #tpu.memory_space<semaphore_mem>>) src(%dma_wait3A_954 : memref<128xf32, #tpu.memory_space<vmem>>) dst(%dma_wait3A_959 : memref<1048704xf32, #tpu.memory_space<vmem_shared>>)
      tpu.yield
    }) : () -> ()
    %run_scoped3A_786 = arith.constant 17 : i32
    %run_scoped3A_787 = arith.constant 17 : i32
    "tpu.region"() ({
      %run_scoped3A_943 = tpu.sem_alloc : memref<!tpu.dma_semaphore, #tpu.memory_space<semaphore_mem>>
      %dma_start3A_944 = arith.constant 0 : i32
      %dma_start3A_945 = tpu.memref_slice %arg7[%run_scoped3A_786, %dma_start3A_944] : memref<32x128xf32, #tpu.memory_space<vmem>> -> memref<1x128xf32, #tpu.memory_space<vmem>>
      %dma_start3A_946 = tpu.memref_squeeze %dma_start3A_945 : memref<1x128xf32, #tpu.memory_space<vmem>> -> memref<128xf32, #tpu.memory_space<vmem>>
      %dma_start3A_947 = arith.constant 0 : i32
      %dma_start3A_948 = tpu.memref_slice %arg8[%run_scoped3A_787, %dma_start3A_947] : memref<32x128xi32, #tpu.memory_space<vmem>> -> memref<1x128xi32, #tpu.memory_space<vmem>>
      %dma_start3A_949 = tpu.memref_squeeze %dma_start3A_948 : memref<1x128xi32, #tpu.memory_space<vmem>> -> memref<128xi32, #tpu.memory_space<vmem>>
      %dma_start3A_950 = arith.constant 0 : i32
      %dma_start3A_951 = tpu.memref_slice %arg10[%dma_start3A_950] : memref<1048704xf32, #tpu.memory_space<vmem_shared>> -> memref<1048704xf32, #tpu.memory_space<vmem_shared>>
      tpu.enqueue_indirect_dma source(%dma_start3A_946 : memref<128xf32, #tpu.memory_space<vmem>>) target(%dma_start3A_951 : memref<1048704xf32, #tpu.memory_space<vmem_shared>>) offsets(%dma_start3A_949 : memref<128xi32, #tpu.memory_space<vmem>>) semaphore(%run_scoped3A_943 : memref<!tpu.dma_semaphore, #tpu.memory_space<semaphore_mem>>) {add = true}
      %dma_wait3A_952 = arith.constant 0 : i32
      %dma_wait3A_953 = tpu.memref_slice %arg7[%run_scoped3A_786, %dma_wait3A_952] : memref<32x128xf32, #tpu.memory_space<vmem>> -> memref<1x128xf32, #tpu.memory_space<vmem>>
      %dma_wait3A_954 = tpu.memref_squeeze %dma_wait3A_953 : memref<1x128xf32, #tpu.memory_space<vmem>> -> memref<128xf32, #tpu.memory_space<vmem>>
      %dma_wait3A_955 = arith.constant 0 : i32
      %dma_wait3A_956 = tpu.memref_slice %arg8[%run_scoped3A_787, %dma_wait3A_955] : memref<32x128xi32, #tpu.memory_space<vmem>> -> memref<1x128xi32, #tpu.memory_space<vmem>>
      %dma_wait3A_957 = tpu.memref_squeeze %dma_wait3A_956 : memref<1x128xi32, #tpu.memory_space<vmem>> -> memref<128xi32, #tpu.memory_space<vmem>>
      %dma_wait3A_958 = arith.constant 0 : i32
      %dma_wait3A_959 = tpu.memref_slice %arg10[%dma_wait3A_958] : memref<1048704xf32, #tpu.memory_space<vmem_shared>> -> memref<1048704xf32, #tpu.memory_space<vmem_shared>>
      tpu.wait_indirect_dma semaphore(%run_scoped3A_943 : memref<!tpu.dma_semaphore, #tpu.memory_space<semaphore_mem>>) src(%dma_wait3A_954 : memref<128xf32, #tpu.memory_space<vmem>>) dst(%dma_wait3A_959 : memref<1048704xf32, #tpu.memory_space<vmem_shared>>)
      tpu.yield
    }) : () -> ()
    %run_scoped3A_788 = arith.constant 18 : i32
    %run_scoped3A_789 = arith.constant 18 : i32
    "tpu.region"() ({
      %run_scoped3A_943 = tpu.sem_alloc : memref<!tpu.dma_semaphore, #tpu.memory_space<semaphore_mem>>
      %dma_start3A_944 = arith.constant 0 : i32
      %dma_start3A_945 = tpu.memref_slice %arg7[%run_scoped3A_788, %dma_start3A_944] : memref<32x128xf32, #tpu.memory_space<vmem>> -> memref<1x128xf32, #tpu.memory_space<vmem>>
      %dma_start3A_946 = tpu.memref_squeeze %dma_start3A_945 : memref<1x128xf32, #tpu.memory_space<vmem>> -> memref<128xf32, #tpu.memory_space<vmem>>
      %dma_start3A_947 = arith.constant 0 : i32
      %dma_start3A_948 = tpu.memref_slice %arg8[%run_scoped3A_789, %dma_start3A_947] : memref<32x128xi32, #tpu.memory_space<vmem>> -> memref<1x128xi32, #tpu.memory_space<vmem>>
      %dma_start3A_949 = tpu.memref_squeeze %dma_start3A_948 : memref<1x128xi32, #tpu.memory_space<vmem>> -> memref<128xi32, #tpu.memory_space<vmem>>
      %dma_start3A_950 = arith.constant 0 : i32
      %dma_start3A_951 = tpu.memref_slice %arg10[%dma_start3A_950] : memref<1048704xf32, #tpu.memory_space<vmem_shared>> -> memref<1048704xf32, #tpu.memory_space<vmem_shared>>
      tpu.enqueue_indirect_dma source(%dma_start3A_946 : memref<128xf32, #tpu.memory_space<vmem>>) target(%dma_start3A_951 : memref<1048704xf32, #tpu.memory_space<vmem_shared>>) offsets(%dma_start3A_949 : memref<128xi32, #tpu.memory_space<vmem>>) semaphore(%run_scoped3A_943 : memref<!tpu.dma_semaphore, #tpu.memory_space<semaphore_mem>>) {add = true}
      %dma_wait3A_952 = arith.constant 0 : i32
      %dma_wait3A_953 = tpu.memref_slice %arg7[%run_scoped3A_788, %dma_wait3A_952] : memref<32x128xf32, #tpu.memory_space<vmem>> -> memref<1x128xf32, #tpu.memory_space<vmem>>
      %dma_wait3A_954 = tpu.memref_squeeze %dma_wait3A_953 : memref<1x128xf32, #tpu.memory_space<vmem>> -> memref<128xf32, #tpu.memory_space<vmem>>
      %dma_wait3A_955 = arith.constant 0 : i32
      %dma_wait3A_956 = tpu.memref_slice %arg8[%run_scoped3A_789, %dma_wait3A_955] : memref<32x128xi32, #tpu.memory_space<vmem>> -> memref<1x128xi32, #tpu.memory_space<vmem>>
      %dma_wait3A_957 = tpu.memref_squeeze %dma_wait3A_956 : memref<1x128xi32, #tpu.memory_space<vmem>> -> memref<128xi32, #tpu.memory_space<vmem>>
      %dma_wait3A_958 = arith.constant 0 : i32
      %dma_wait3A_959 = tpu.memref_slice %arg10[%dma_wait3A_958] : memref<1048704xf32, #tpu.memory_space<vmem_shared>> -> memref<1048704xf32, #tpu.memory_space<vmem_shared>>
      tpu.wait_indirect_dma semaphore(%run_scoped3A_943 : memref<!tpu.dma_semaphore, #tpu.memory_space<semaphore_mem>>) src(%dma_wait3A_954 : memref<128xf32, #tpu.memory_space<vmem>>) dst(%dma_wait3A_959 : memref<1048704xf32, #tpu.memory_space<vmem_shared>>)
      tpu.yield
    }) : () -> ()
    %run_scoped3A_790 = arith.constant 19 : i32
    %run_scoped3A_791 = arith.constant 19 : i32
    "tpu.region"() ({
      %run_scoped3A_943 = tpu.sem_alloc : memref<!tpu.dma_semaphore, #tpu.memory_space<semaphore_mem>>
      %dma_start3A_944 = arith.constant 0 : i32
      %dma_start3A_945 = tpu.memref_slice %arg7[%run_scoped3A_790, %dma_start3A_944] : memref<32x128xf32, #tpu.memory_space<vmem>> -> memref<1x128xf32, #tpu.memory_space<vmem>>
      %dma_start3A_946 = tpu.memref_squeeze %dma_start3A_945 : memref<1x128xf32, #tpu.memory_space<vmem>> -> memref<128xf32, #tpu.memory_space<vmem>>
      %dma_start3A_947 = arith.constant 0 : i32
      %dma_start3A_948 = tpu.memref_slice %arg8[%run_scoped3A_791, %dma_start3A_947] : memref<32x128xi32, #tpu.memory_space<vmem>> -> memref<1x128xi32, #tpu.memory_space<vmem>>
      %dma_start3A_949 = tpu.memref_squeeze %dma_start3A_948 : memref<1x128xi32, #tpu.memory_space<vmem>> -> memref<128xi32, #tpu.memory_space<vmem>>
      %dma_start3A_950 = arith.constant 0 : i32
      %dma_start3A_951 = tpu.memref_slice %arg10[%dma_start3A_950] : memref<1048704xf32, #tpu.memory_space<vmem_shared>> -> memref<1048704xf32, #tpu.memory_space<vmem_shared>>
      tpu.enqueue_indirect_dma source(%dma_start3A_946 : memref<128xf32, #tpu.memory_space<vmem>>) target(%dma_start3A_951 : memref<1048704xf32, #tpu.memory_space<vmem_shared>>) offsets(%dma_start3A_949 : memref<128xi32, #tpu.memory_space<vmem>>) semaphore(%run_scoped3A_943 : memref<!tpu.dma_semaphore, #tpu.memory_space<semaphore_mem>>) {add = true}
      %dma_wait3A_952 = arith.constant 0 : i32
      %dma_wait3A_953 = tpu.memref_slice %arg7[%run_scoped3A_790, %dma_wait3A_952] : memref<32x128xf32, #tpu.memory_space<vmem>> -> memref<1x128xf32, #tpu.memory_space<vmem>>
      %dma_wait3A_954 = tpu.memref_squeeze %dma_wait3A_953 : memref<1x128xf32, #tpu.memory_space<vmem>> -> memref<128xf32, #tpu.memory_space<vmem>>
      %dma_wait3A_955 = arith.constant 0 : i32
      %dma_wait3A_956 = tpu.memref_slice %arg8[%run_scoped3A_791, %dma_wait3A_955] : memref<32x128xi32, #tpu.memory_space<vmem>> -> memref<1x128xi32, #tpu.memory_space<vmem>>
      %dma_wait3A_957 = tpu.memref_squeeze %dma_wait3A_956 : memref<1x128xi32, #tpu.memory_space<vmem>> -> memref<128xi32, #tpu.memory_space<vmem>>
      %dma_wait3A_958 = arith.constant 0 : i32
      %dma_wait3A_959 = tpu.memref_slice %arg10[%dma_wait3A_958] : memref<1048704xf32, #tpu.memory_space<vmem_shared>> -> memref<1048704xf32, #tpu.memory_space<vmem_shared>>
      tpu.wait_indirect_dma semaphore(%run_scoped3A_943 : memref<!tpu.dma_semaphore, #tpu.memory_space<semaphore_mem>>) src(%dma_wait3A_954 : memref<128xf32, #tpu.memory_space<vmem>>) dst(%dma_wait3A_959 : memref<1048704xf32, #tpu.memory_space<vmem_shared>>)
      tpu.yield
    }) : () -> ()
    %run_scoped3A_792 = arith.constant 20 : i32
    %run_scoped3A_793 = arith.constant 20 : i32
    "tpu.region"() ({
      %run_scoped3A_943 = tpu.sem_alloc : memref<!tpu.dma_semaphore, #tpu.memory_space<semaphore_mem>>
      %dma_start3A_944 = arith.constant 0 : i32
      %dma_start3A_945 = tpu.memref_slice %arg7[%run_scoped3A_792, %dma_start3A_944] : memref<32x128xf32, #tpu.memory_space<vmem>> -> memref<1x128xf32, #tpu.memory_space<vmem>>
      %dma_start3A_946 = tpu.memref_squeeze %dma_start3A_945 : memref<1x128xf32, #tpu.memory_space<vmem>> -> memref<128xf32, #tpu.memory_space<vmem>>
      %dma_start3A_947 = arith.constant 0 : i32
      %dma_start3A_948 = tpu.memref_slice %arg8[%run_scoped3A_793, %dma_start3A_947] : memref<32x128xi32, #tpu.memory_space<vmem>> -> memref<1x128xi32, #tpu.memory_space<vmem>>
      %dma_start3A_949 = tpu.memref_squeeze %dma_start3A_948 : memref<1x128xi32, #tpu.memory_space<vmem>> -> memref<128xi32, #tpu.memory_space<vmem>>
      %dma_start3A_950 = arith.constant 0 : i32
      %dma_start3A_951 = tpu.memref_slice %arg10[%dma_start3A_950] : memref<1048704xf32, #tpu.memory_space<vmem_shared>> -> memref<1048704xf32, #tpu.memory_space<vmem_shared>>
      tpu.enqueue_indirect_dma source(%dma_start3A_946 : memref<128xf32, #tpu.memory_space<vmem>>) target(%dma_start3A_951 : memref<1048704xf32, #tpu.memory_space<vmem_shared>>) offsets(%dma_start3A_949 : memref<128xi32, #tpu.memory_space<vmem>>) semaphore(%run_scoped3A_943 : memref<!tpu.dma_semaphore, #tpu.memory_space<semaphore_mem>>) {add = true}
      %dma_wait3A_952 = arith.constant 0 : i32
      %dma_wait3A_953 = tpu.memref_slice %arg7[%run_scoped3A_792, %dma_wait3A_952] : memref<32x128xf32, #tpu.memory_space<vmem>> -> memref<1x128xf32, #tpu.memory_space<vmem>>
      %dma_wait3A_954 = tpu.memref_squeeze %dma_wait3A_953 : memref<1x128xf32, #tpu.memory_space<vmem>> -> memref<128xf32, #tpu.memory_space<vmem>>
      %dma_wait3A_955 = arith.constant 0 : i32
      %dma_wait3A_956 = tpu.memref_slice %arg8[%run_scoped3A_793, %dma_wait3A_955] : memref<32x128xi32, #tpu.memory_space<vmem>> -> memref<1x128xi32, #tpu.memory_space<vmem>>
      %dma_wait3A_957 = tpu.memref_squeeze %dma_wait3A_956 : memref<1x128xi32, #tpu.memory_space<vmem>> -> memref<128xi32, #tpu.memory_space<vmem>>
      %dma_wait3A_958 = arith.constant 0 : i32
      %dma_wait3A_959 = tpu.memref_slice %arg10[%dma_wait3A_958] : memref<1048704xf32, #tpu.memory_space<vmem_shared>> -> memref<1048704xf32, #tpu.memory_space<vmem_shared>>
      tpu.wait_indirect_dma semaphore(%run_scoped3A_943 : memref<!tpu.dma_semaphore, #tpu.memory_space<semaphore_mem>>) src(%dma_wait3A_954 : memref<128xf32, #tpu.memory_space<vmem>>) dst(%dma_wait3A_959 : memref<1048704xf32, #tpu.memory_space<vmem_shared>>)
      tpu.yield
    }) : () -> ()
    %run_scoped3A_794 = arith.constant 21 : i32
    %run_scoped3A_795 = arith.constant 21 : i32
    "tpu.region"() ({
      %run_scoped3A_943 = tpu.sem_alloc : memref<!tpu.dma_semaphore, #tpu.memory_space<semaphore_mem>>
      %dma_start3A_944 = arith.constant 0 : i32
      %dma_start3A_945 = tpu.memref_slice %arg7[%run_scoped3A_794, %dma_start3A_944] : memref<32x128xf32, #tpu.memory_space<vmem>> -> memref<1x128xf32, #tpu.memory_space<vmem>>
      %dma_start3A_946 = tpu.memref_squeeze %dma_start3A_945 : memref<1x128xf32, #tpu.memory_space<vmem>> -> memref<128xf32, #tpu.memory_space<vmem>>
      %dma_start3A_947 = arith.constant 0 : i32
      %dma_start3A_948 = tpu.memref_slice %arg8[%run_scoped3A_795, %dma_start3A_947] : memref<32x128xi32, #tpu.memory_space<vmem>> -> memref<1x128xi32, #tpu.memory_space<vmem>>
      %dma_start3A_949 = tpu.memref_squeeze %dma_start3A_948 : memref<1x128xi32, #tpu.memory_space<vmem>> -> memref<128xi32, #tpu.memory_space<vmem>>
      %dma_start3A_950 = arith.constant 0 : i32
      %dma_start3A_951 = tpu.memref_slice %arg10[%dma_start3A_950] : memref<1048704xf32, #tpu.memory_space<vmem_shared>> -> memref<1048704xf32, #tpu.memory_space<vmem_shared>>
      tpu.enqueue_indirect_dma source(%dma_start3A_946 : memref<128xf32, #tpu.memory_space<vmem>>) target(%dma_start3A_951 : memref<1048704xf32, #tpu.memory_space<vmem_shared>>) offsets(%dma_start3A_949 : memref<128xi32, #tpu.memory_space<vmem>>) semaphore(%run_scoped3A_943 : memref<!tpu.dma_semaphore, #tpu.memory_space<semaphore_mem>>) {add = true}
      %dma_wait3A_952 = arith.constant 0 : i32
      %dma_wait3A_953 = tpu.memref_slice %arg7[%run_scoped3A_794, %dma_wait3A_952] : memref<32x128xf32, #tpu.memory_space<vmem>> -> memref<1x128xf32, #tpu.memory_space<vmem>>
      %dma_wait3A_954 = tpu.memref_squeeze %dma_wait3A_953 : memref<1x128xf32, #tpu.memory_space<vmem>> -> memref<128xf32, #tpu.memory_space<vmem>>
      %dma_wait3A_955 = arith.constant 0 : i32
      %dma_wait3A_956 = tpu.memref_slice %arg8[%run_scoped3A_795, %dma_wait3A_955] : memref<32x128xi32, #tpu.memory_space<vmem>> -> memref<1x128xi32, #tpu.memory_space<vmem>>
      %dma_wait3A_957 = tpu.memref_squeeze %dma_wait3A_956 : memref<1x128xi32, #tpu.memory_space<vmem>> -> memref<128xi32, #tpu.memory_space<vmem>>
      %dma_wait3A_958 = arith.constant 0 : i32
      %dma_wait3A_959 = tpu.memref_slice %arg10[%dma_wait3A_958] : memref<1048704xf32, #tpu.memory_space<vmem_shared>> -> memref<1048704xf32, #tpu.memory_space<vmem_shared>>
      tpu.wait_indirect_dma semaphore(%run_scoped3A_943 : memref<!tpu.dma_semaphore, #tpu.memory_space<semaphore_mem>>) src(%dma_wait3A_954 : memref<128xf32, #tpu.memory_space<vmem>>) dst(%dma_wait3A_959 : memref<1048704xf32, #tpu.memory_space<vmem_shared>>)
      tpu.yield
    }) : () -> ()
    %run_scoped3A_796 = arith.constant 22 : i32
    %run_scoped3A_797 = arith.constant 22 : i32
    "tpu.region"() ({
      %run_scoped3A_943 = tpu.sem_alloc : memref<!tpu.dma_semaphore, #tpu.memory_space<semaphore_mem>>
      %dma_start3A_944 = arith.constant 0 : i32
      %dma_start3A_945 = tpu.memref_slice %arg7[%run_scoped3A_796, %dma_start3A_944] : memref<32x128xf32, #tpu.memory_space<vmem>> -> memref<1x128xf32, #tpu.memory_space<vmem>>
      %dma_start3A_946 = tpu.memref_squeeze %dma_start3A_945 : memref<1x128xf32, #tpu.memory_space<vmem>> -> memref<128xf32, #tpu.memory_space<vmem>>
      %dma_start3A_947 = arith.constant 0 : i32
      %dma_start3A_948 = tpu.memref_slice %arg8[%run_scoped3A_797, %dma_start3A_947] : memref<32x128xi32, #tpu.memory_space<vmem>> -> memref<1x128xi32, #tpu.memory_space<vmem>>
      %dma_start3A_949 = tpu.memref_squeeze %dma_start3A_948 : memref<1x128xi32, #tpu.memory_space<vmem>> -> memref<128xi32, #tpu.memory_space<vmem>>
      %dma_start3A_950 = arith.constant 0 : i32
      %dma_start3A_951 = tpu.memref_slice %arg10[%dma_start3A_950] : memref<1048704xf32, #tpu.memory_space<vmem_shared>> -> memref<1048704xf32, #tpu.memory_space<vmem_shared>>
      tpu.enqueue_indirect_dma source(%dma_start3A_946 : memref<128xf32, #tpu.memory_space<vmem>>) target(%dma_start3A_951 : memref<1048704xf32, #tpu.memory_space<vmem_shared>>) offsets(%dma_start3A_949 : memref<128xi32, #tpu.memory_space<vmem>>) semaphore(%run_scoped3A_943 : memref<!tpu.dma_semaphore, #tpu.memory_space<semaphore_mem>>) {add = true}
      %dma_wait3A_952 = arith.constant 0 : i32
      %dma_wait3A_953 = tpu.memref_slice %arg7[%run_scoped3A_796, %dma_wait3A_952] : memref<32x128xf32, #tpu.memory_space<vmem>> -> memref<1x128xf32, #tpu.memory_space<vmem>>
      %dma_wait3A_954 = tpu.memref_squeeze %dma_wait3A_953 : memref<1x128xf32, #tpu.memory_space<vmem>> -> memref<128xf32, #tpu.memory_space<vmem>>
      %dma_wait3A_955 = arith.constant 0 : i32
      %dma_wait3A_956 = tpu.memref_slice %arg8[%run_scoped3A_797, %dma_wait3A_955] : memref<32x128xi32, #tpu.memory_space<vmem>> -> memref<1x128xi32, #tpu.memory_space<vmem>>
      %dma_wait3A_957 = tpu.memref_squeeze %dma_wait3A_956 : memref<1x128xi32, #tpu.memory_space<vmem>> -> memref<128xi32, #tpu.memory_space<vmem>>
      %dma_wait3A_958 = arith.constant 0 : i32
      %dma_wait3A_959 = tpu.memref_slice %arg10[%dma_wait3A_958] : memref<1048704xf32, #tpu.memory_space<vmem_shared>> -> memref<1048704xf32, #tpu.memory_space<vmem_shared>>
      tpu.wait_indirect_dma semaphore(%run_scoped3A_943 : memref<!tpu.dma_semaphore, #tpu.memory_space<semaphore_mem>>) src(%dma_wait3A_954 : memref<128xf32, #tpu.memory_space<vmem>>) dst(%dma_wait3A_959 : memref<1048704xf32, #tpu.memory_space<vmem_shared>>)
      tpu.yield
    }) : () -> ()
    %run_scoped3A_798 = arith.constant 23 : i32
    %run_scoped3A_799 = arith.constant 23 : i32
    "tpu.region"() ({
      %run_scoped3A_943 = tpu.sem_alloc : memref<!tpu.dma_semaphore, #tpu.memory_space<semaphore_mem>>
      %dma_start3A_944 = arith.constant 0 : i32
      %dma_start3A_945 = tpu.memref_slice %arg7[%run_scoped3A_798, %dma_start3A_944] : memref<32x128xf32, #tpu.memory_space<vmem>> -> memref<1x128xf32, #tpu.memory_space<vmem>>
      %dma_start3A_946 = tpu.memref_squeeze %dma_start3A_945 : memref<1x128xf32, #tpu.memory_space<vmem>> -> memref<128xf32, #tpu.memory_space<vmem>>
      %dma_start3A_947 = arith.constant 0 : i32
      %dma_start3A_948 = tpu.memref_slice %arg8[%run_scoped3A_799, %dma_start3A_947] : memref<32x128xi32, #tpu.memory_space<vmem>> -> memref<1x128xi32, #tpu.memory_space<vmem>>
      %dma_start3A_949 = tpu.memref_squeeze %dma_start3A_948 : memref<1x128xi32, #tpu.memory_space<vmem>> -> memref<128xi32, #tpu.memory_space<vmem>>
      %dma_start3A_950 = arith.constant 0 : i32
      %dma_start3A_951 = tpu.memref_slice %arg10[%dma_start3A_950] : memref<1048704xf32, #tpu.memory_space<vmem_shared>> -> memref<1048704xf32, #tpu.memory_space<vmem_shared>>
      tpu.enqueue_indirect_dma source(%dma_start3A_946 : memref<128xf32, #tpu.memory_space<vmem>>) target(%dma_start3A_951 : memref<1048704xf32, #tpu.memory_space<vmem_shared>>) offsets(%dma_start3A_949 : memref<128xi32, #tpu.memory_space<vmem>>) semaphore(%run_scoped3A_943 : memref<!tpu.dma_semaphore, #tpu.memory_space<semaphore_mem>>) {add = true}
      %dma_wait3A_952 = arith.constant 0 : i32
      %dma_wait3A_953 = tpu.memref_slice %arg7[%run_scoped3A_798, %dma_wait3A_952] : memref<32x128xf32, #tpu.memory_space<vmem>> -> memref<1x128xf32, #tpu.memory_space<vmem>>
      %dma_wait3A_954 = tpu.memref_squeeze %dma_wait3A_953 : memref<1x128xf32, #tpu.memory_space<vmem>> -> memref<128xf32, #tpu.memory_space<vmem>>
      %dma_wait3A_955 = arith.constant 0 : i32
      %dma_wait3A_956 = tpu.memref_slice %arg8[%run_scoped3A_799, %dma_wait3A_955] : memref<32x128xi32, #tpu.memory_space<vmem>> -> memref<1x128xi32, #tpu.memory_space<vmem>>
      %dma_wait3A_957 = tpu.memref_squeeze %dma_wait3A_956 : memref<1x128xi32, #tpu.memory_space<vmem>> -> memref<128xi32, #tpu.memory_space<vmem>>
      %dma_wait3A_958 = arith.constant 0 : i32
      %dma_wait3A_959 = tpu.memref_slice %arg10[%dma_wait3A_958] : memref<1048704xf32, #tpu.memory_space<vmem_shared>> -> memref<1048704xf32, #tpu.memory_space<vmem_shared>>
      tpu.wait_indirect_dma semaphore(%run_scoped3A_943 : memref<!tpu.dma_semaphore, #tpu.memory_space<semaphore_mem>>) src(%dma_wait3A_954 : memref<128xf32, #tpu.memory_space<vmem>>) dst(%dma_wait3A_959 : memref<1048704xf32, #tpu.memory_space<vmem_shared>>)
      tpu.yield
    }) : () -> ()
    %run_scoped3A_800 = arith.constant 24 : i32
    %run_scoped3A_801 = arith.constant 24 : i32
    "tpu.region"() ({
      %run_scoped3A_943 = tpu.sem_alloc : memref<!tpu.dma_semaphore, #tpu.memory_space<semaphore_mem>>
      %dma_start3A_944 = arith.constant 0 : i32
      %dma_start3A_945 = tpu.memref_slice %arg7[%run_scoped3A_800, %dma_start3A_944] : memref<32x128xf32, #tpu.memory_space<vmem>> -> memref<1x128xf32, #tpu.memory_space<vmem>>
      %dma_start3A_946 = tpu.memref_squeeze %dma_start3A_945 : memref<1x128xf32, #tpu.memory_space<vmem>> -> memref<128xf32, #tpu.memory_space<vmem>>
      %dma_start3A_947 = arith.constant 0 : i32
      %dma_start3A_948 = tpu.memref_slice %arg8[%run_scoped3A_801, %dma_start3A_947] : memref<32x128xi32, #tpu.memory_space<vmem>> -> memref<1x128xi32, #tpu.memory_space<vmem>>
      %dma_start3A_949 = tpu.memref_squeeze %dma_start3A_948 : memref<1x128xi32, #tpu.memory_space<vmem>> -> memref<128xi32, #tpu.memory_space<vmem>>
      %dma_start3A_950 = arith.constant 0 : i32
      %dma_start3A_951 = tpu.memref_slice %arg10[%dma_start3A_950] : memref<1048704xf32, #tpu.memory_space<vmem_shared>> -> memref<1048704xf32, #tpu.memory_space<vmem_shared>>
      tpu.enqueue_indirect_dma source(%dma_start3A_946 : memref<128xf32, #tpu.memory_space<vmem>>) target(%dma_start3A_951 : memref<1048704xf32, #tpu.memory_space<vmem_shared>>) offsets(%dma_start3A_949 : memref<128xi32, #tpu.memory_space<vmem>>) semaphore(%run_scoped3A_943 : memref<!tpu.dma_semaphore, #tpu.memory_space<semaphore_mem>>) {add = true}
      %dma_wait3A_952 = arith.constant 0 : i32
      %dma_wait3A_953 = tpu.memref_slice %arg7[%run_scoped3A_800, %dma_wait3A_952] : memref<32x128xf32, #tpu.memory_space<vmem>> -> memref<1x128xf32, #tpu.memory_space<vmem>>
      %dma_wait3A_954 = tpu.memref_squeeze %dma_wait3A_953 : memref<1x128xf32, #tpu.memory_space<vmem>> -> memref<128xf32, #tpu.memory_space<vmem>>
      %dma_wait3A_955 = arith.constant 0 : i32
      %dma_wait3A_956 = tpu.memref_slice %arg8[%run_scoped3A_801, %dma_wait3A_955] : memref<32x128xi32, #tpu.memory_space<vmem>> -> memref<1x128xi32, #tpu.memory_space<vmem>>
      %dma_wait3A_957 = tpu.memref_squeeze %dma_wait3A_956 : memref<1x128xi32, #tpu.memory_space<vmem>> -> memref<128xi32, #tpu.memory_space<vmem>>
      %dma_wait3A_958 = arith.constant 0 : i32
      %dma_wait3A_959 = tpu.memref_slice %arg10[%dma_wait3A_958] : memref<1048704xf32, #tpu.memory_space<vmem_shared>> -> memref<1048704xf32, #tpu.memory_space<vmem_shared>>
      tpu.wait_indirect_dma semaphore(%run_scoped3A_943 : memref<!tpu.dma_semaphore, #tpu.memory_space<semaphore_mem>>) src(%dma_wait3A_954 : memref<128xf32, #tpu.memory_space<vmem>>) dst(%dma_wait3A_959 : memref<1048704xf32, #tpu.memory_space<vmem_shared>>)
      tpu.yield
    }) : () -> ()
    %run_scoped3A_802 = arith.constant 25 : i32
    %run_scoped3A_803 = arith.constant 25 : i32
    "tpu.region"() ({
      %run_scoped3A_943 = tpu.sem_alloc : memref<!tpu.dma_semaphore, #tpu.memory_space<semaphore_mem>>
      %dma_start3A_944 = arith.constant 0 : i32
      %dma_start3A_945 = tpu.memref_slice %arg7[%run_scoped3A_802, %dma_start3A_944] : memref<32x128xf32, #tpu.memory_space<vmem>> -> memref<1x128xf32, #tpu.memory_space<vmem>>
      %dma_start3A_946 = tpu.memref_squeeze %dma_start3A_945 : memref<1x128xf32, #tpu.memory_space<vmem>> -> memref<128xf32, #tpu.memory_space<vmem>>
      %dma_start3A_947 = arith.constant 0 : i32
      %dma_start3A_948 = tpu.memref_slice %arg8[%run_scoped3A_803, %dma_start3A_947] : memref<32x128xi32, #tpu.memory_space<vmem>> -> memref<1x128xi32, #tpu.memory_space<vmem>>
      %dma_start3A_949 = tpu.memref_squeeze %dma_start3A_948 : memref<1x128xi32, #tpu.memory_space<vmem>> -> memref<128xi32, #tpu.memory_space<vmem>>
      %dma_start3A_950 = arith.constant 0 : i32
      %dma_start3A_951 = tpu.memref_slice %arg10[%dma_start3A_950] : memref<1048704xf32, #tpu.memory_space<vmem_shared>> -> memref<1048704xf32, #tpu.memory_space<vmem_shared>>
      tpu.enqueue_indirect_dma source(%dma_start3A_946 : memref<128xf32, #tpu.memory_space<vmem>>) target(%dma_start3A_951 : memref<1048704xf32, #tpu.memory_space<vmem_shared>>) offsets(%dma_start3A_949 : memref<128xi32, #tpu.memory_space<vmem>>) semaphore(%run_scoped3A_943 : memref<!tpu.dma_semaphore, #tpu.memory_space<semaphore_mem>>) {add = true}
      %dma_wait3A_952 = arith.constant 0 : i32
      %dma_wait3A_953 = tpu.memref_slice %arg7[%run_scoped3A_802, %dma_wait3A_952] : memref<32x128xf32, #tpu.memory_space<vmem>> -> memref<1x128xf32, #tpu.memory_space<vmem>>
      %dma_wait3A_954 = tpu.memref_squeeze %dma_wait3A_953 : memref<1x128xf32, #tpu.memory_space<vmem>> -> memref<128xf32, #tpu.memory_space<vmem>>
      %dma_wait3A_955 = arith.constant 0 : i32
      %dma_wait3A_956 = tpu.memref_slice %arg8[%run_scoped3A_803, %dma_wait3A_955] : memref<32x128xi32, #tpu.memory_space<vmem>> -> memref<1x128xi32, #tpu.memory_space<vmem>>
      %dma_wait3A_957 = tpu.memref_squeeze %dma_wait3A_956 : memref<1x128xi32, #tpu.memory_space<vmem>> -> memref<128xi32, #tpu.memory_space<vmem>>
      %dma_wait3A_958 = arith.constant 0 : i32
      %dma_wait3A_959 = tpu.memref_slice %arg10[%dma_wait3A_958] : memref<1048704xf32, #tpu.memory_space<vmem_shared>> -> memref<1048704xf32, #tpu.memory_space<vmem_shared>>
      tpu.wait_indirect_dma semaphore(%run_scoped3A_943 : memref<!tpu.dma_semaphore, #tpu.memory_space<semaphore_mem>>) src(%dma_wait3A_954 : memref<128xf32, #tpu.memory_space<vmem>>) dst(%dma_wait3A_959 : memref<1048704xf32, #tpu.memory_space<vmem_shared>>)
      tpu.yield
    }) : () -> ()
    %run_scoped3A_804 = arith.constant 26 : i32
    %run_scoped3A_805 = arith.constant 26 : i32
    "tpu.region"() ({
      %run_scoped3A_943 = tpu.sem_alloc : memref<!tpu.dma_semaphore, #tpu.memory_space<semaphore_mem>>
      %dma_start3A_944 = arith.constant 0 : i32
      %dma_start3A_945 = tpu.memref_slice %arg7[%run_scoped3A_804, %dma_start3A_944] : memref<32x128xf32, #tpu.memory_space<vmem>> -> memref<1x128xf32, #tpu.memory_space<vmem>>
      %dma_start3A_946 = tpu.memref_squeeze %dma_start3A_945 : memref<1x128xf32, #tpu.memory_space<vmem>> -> memref<128xf32, #tpu.memory_space<vmem>>
      %dma_start3A_947 = arith.constant 0 : i32
      %dma_start3A_948 = tpu.memref_slice %arg8[%run_scoped3A_805, %dma_start3A_947] : memref<32x128xi32, #tpu.memory_space<vmem>> -> memref<1x128xi32, #tpu.memory_space<vmem>>
      %dma_start3A_949 = tpu.memref_squeeze %dma_start3A_948 : memref<1x128xi32, #tpu.memory_space<vmem>> -> memref<128xi32, #tpu.memory_space<vmem>>
      %dma_start3A_950 = arith.constant 0 : i32
      %dma_start3A_951 = tpu.memref_slice %arg10[%dma_start3A_950] : memref<1048704xf32, #tpu.memory_space<vmem_shared>> -> memref<1048704xf32, #tpu.memory_space<vmem_shared>>
      tpu.enqueue_indirect_dma source(%dma_start3A_946 : memref<128xf32, #tpu.memory_space<vmem>>) target(%dma_start3A_951 : memref<1048704xf32, #tpu.memory_space<vmem_shared>>) offsets(%dma_start3A_949 : memref<128xi32, #tpu.memory_space<vmem>>) semaphore(%run_scoped3A_943 : memref<!tpu.dma_semaphore, #tpu.memory_space<semaphore_mem>>) {add = true}
      %dma_wait3A_952 = arith.constant 0 : i32
      %dma_wait3A_953 = tpu.memref_slice %arg7[%run_scoped3A_804, %dma_wait3A_952] : memref<32x128xf32, #tpu.memory_space<vmem>> -> memref<1x128xf32, #tpu.memory_space<vmem>>
      %dma_wait3A_954 = tpu.memref_squeeze %dma_wait3A_953 : memref<1x128xf32, #tpu.memory_space<vmem>> -> memref<128xf32, #tpu.memory_space<vmem>>
      %dma_wait3A_955 = arith.constant 0 : i32
      %dma_wait3A_956 = tpu.memref_slice %arg8[%run_scoped3A_805, %dma_wait3A_955] : memref<32x128xi32, #tpu.memory_space<vmem>> -> memref<1x128xi32, #tpu.memory_space<vmem>>
      %dma_wait3A_957 = tpu.memref_squeeze %dma_wait3A_956 : memref<1x128xi32, #tpu.memory_space<vmem>> -> memref<128xi32, #tpu.memory_space<vmem>>
      %dma_wait3A_958 = arith.constant 0 : i32
      %dma_wait3A_959 = tpu.memref_slice %arg10[%dma_wait3A_958] : memref<1048704xf32, #tpu.memory_space<vmem_shared>> -> memref<1048704xf32, #tpu.memory_space<vmem_shared>>
      tpu.wait_indirect_dma semaphore(%run_scoped3A_943 : memref<!tpu.dma_semaphore, #tpu.memory_space<semaphore_mem>>) src(%dma_wait3A_954 : memref<128xf32, #tpu.memory_space<vmem>>) dst(%dma_wait3A_959 : memref<1048704xf32, #tpu.memory_space<vmem_shared>>)
      tpu.yield
    }) : () -> ()
    %run_scoped3A_806 = arith.constant 27 : i32
    %run_scoped3A_807 = arith.constant 27 : i32
    "tpu.region"() ({
      %run_scoped3A_943 = tpu.sem_alloc : memref<!tpu.dma_semaphore, #tpu.memory_space<semaphore_mem>>
      %dma_start3A_944 = arith.constant 0 : i32
      %dma_start3A_945 = tpu.memref_slice %arg7[%run_scoped3A_806, %dma_start3A_944] : memref<32x128xf32, #tpu.memory_space<vmem>> -> memref<1x128xf32, #tpu.memory_space<vmem>>
      %dma_start3A_946 = tpu.memref_squeeze %dma_start3A_945 : memref<1x128xf32, #tpu.memory_space<vmem>> -> memref<128xf32, #tpu.memory_space<vmem>>
      %dma_start3A_947 = arith.constant 0 : i32
      %dma_start3A_948 = tpu.memref_slice %arg8[%run_scoped3A_807, %dma_start3A_947] : memref<32x128xi32, #tpu.memory_space<vmem>> -> memref<1x128xi32, #tpu.memory_space<vmem>>
      %dma_start3A_949 = tpu.memref_squeeze %dma_start3A_948 : memref<1x128xi32, #tpu.memory_space<vmem>> -> memref<128xi32, #tpu.memory_space<vmem>>
      %dma_start3A_950 = arith.constant 0 : i32
      %dma_start3A_951 = tpu.memref_slice %arg10[%dma_start3A_950] : memref<1048704xf32, #tpu.memory_space<vmem_shared>> -> memref<1048704xf32, #tpu.memory_space<vmem_shared>>
      tpu.enqueue_indirect_dma source(%dma_start3A_946 : memref<128xf32, #tpu.memory_space<vmem>>) target(%dma_start3A_951 : memref<1048704xf32, #tpu.memory_space<vmem_shared>>) offsets(%dma_start3A_949 : memref<128xi32, #tpu.memory_space<vmem>>) semaphore(%run_scoped3A_943 : memref<!tpu.dma_semaphore, #tpu.memory_space<semaphore_mem>>) {add = true}
      %dma_wait3A_952 = arith.constant 0 : i32
      %dma_wait3A_953 = tpu.memref_slice %arg7[%run_scoped3A_806, %dma_wait3A_952] : memref<32x128xf32, #tpu.memory_space<vmem>> -> memref<1x128xf32, #tpu.memory_space<vmem>>
      %dma_wait3A_954 = tpu.memref_squeeze %dma_wait3A_953 : memref<1x128xf32, #tpu.memory_space<vmem>> -> memref<128xf32, #tpu.memory_space<vmem>>
      %dma_wait3A_955 = arith.constant 0 : i32
      %dma_wait3A_956 = tpu.memref_slice %arg8[%run_scoped3A_807, %dma_wait3A_955] : memref<32x128xi32, #tpu.memory_space<vmem>> -> memref<1x128xi32, #tpu.memory_space<vmem>>
      %dma_wait3A_957 = tpu.memref_squeeze %dma_wait3A_956 : memref<1x128xi32, #tpu.memory_space<vmem>> -> memref<128xi32, #tpu.memory_space<vmem>>
      %dma_wait3A_958 = arith.constant 0 : i32
      %dma_wait3A_959 = tpu.memref_slice %arg10[%dma_wait3A_958] : memref<1048704xf32, #tpu.memory_space<vmem_shared>> -> memref<1048704xf32, #tpu.memory_space<vmem_shared>>
      tpu.wait_indirect_dma semaphore(%run_scoped3A_943 : memref<!tpu.dma_semaphore, #tpu.memory_space<semaphore_mem>>) src(%dma_wait3A_954 : memref<128xf32, #tpu.memory_space<vmem>>) dst(%dma_wait3A_959 : memref<1048704xf32, #tpu.memory_space<vmem_shared>>)
      tpu.yield
    }) : () -> ()
    %run_scoped3A_808 = arith.constant 28 : i32
    %run_scoped3A_809 = arith.constant 28 : i32
    "tpu.region"() ({
      %run_scoped3A_943 = tpu.sem_alloc : memref<!tpu.dma_semaphore, #tpu.memory_space<semaphore_mem>>
      %dma_start3A_944 = arith.constant 0 : i32
      %dma_start3A_945 = tpu.memref_slice %arg7[%run_scoped3A_808, %dma_start3A_944] : memref<32x128xf32, #tpu.memory_space<vmem>> -> memref<1x128xf32, #tpu.memory_space<vmem>>
      %dma_start3A_946 = tpu.memref_squeeze %dma_start3A_945 : memref<1x128xf32, #tpu.memory_space<vmem>> -> memref<128xf32, #tpu.memory_space<vmem>>
      %dma_start3A_947 = arith.constant 0 : i32
      %dma_start3A_948 = tpu.memref_slice %arg8[%run_scoped3A_809, %dma_start3A_947] : memref<32x128xi32, #tpu.memory_space<vmem>> -> memref<1x128xi32, #tpu.memory_space<vmem>>
      %dma_start3A_949 = tpu.memref_squeeze %dma_start3A_948 : memref<1x128xi32, #tpu.memory_space<vmem>> -> memref<128xi32, #tpu.memory_space<vmem>>
      %dma_start3A_950 = arith.constant 0 : i32
      %dma_start3A_951 = tpu.memref_slice %arg10[%dma_start3A_950] : memref<1048704xf32, #tpu.memory_space<vmem_shared>> -> memref<1048704xf32, #tpu.memory_space<vmem_shared>>
      tpu.enqueue_indirect_dma source(%dma_start3A_946 : memref<128xf32, #tpu.memory_space<vmem>>) target(%dma_start3A_951 : memref<1048704xf32, #tpu.memory_space<vmem_shared>>) offsets(%dma_start3A_949 : memref<128xi32, #tpu.memory_space<vmem>>) semaphore(%run_scoped3A_943 : memref<!tpu.dma_semaphore, #tpu.memory_space<semaphore_mem>>) {add = true}
      %dma_wait3A_952 = arith.constant 0 : i32
      %dma_wait3A_953 = tpu.memref_slice %arg7[%run_scoped3A_808, %dma_wait3A_952] : memref<32x128xf32, #tpu.memory_space<vmem>> -> memref<1x128xf32, #tpu.memory_space<vmem>>
      %dma_wait3A_954 = tpu.memref_squeeze %dma_wait3A_953 : memref<1x128xf32, #tpu.memory_space<vmem>> -> memref<128xf32, #tpu.memory_space<vmem>>
      %dma_wait3A_955 = arith.constant 0 : i32
      %dma_wait3A_956 = tpu.memref_slice %arg8[%run_scoped3A_809, %dma_wait3A_955] : memref<32x128xi32, #tpu.memory_space<vmem>> -> memref<1x128xi32, #tpu.memory_space<vmem>>
      %dma_wait3A_957 = tpu.memref_squeeze %dma_wait3A_956 : memref<1x128xi32, #tpu.memory_space<vmem>> -> memref<128xi32, #tpu.memory_space<vmem>>
      %dma_wait3A_958 = arith.constant 0 : i32
      %dma_wait3A_959 = tpu.memref_slice %arg10[%dma_wait3A_958] : memref<1048704xf32, #tpu.memory_space<vmem_shared>> -> memref<1048704xf32, #tpu.memory_space<vmem_shared>>
      tpu.wait_indirect_dma semaphore(%run_scoped3A_943 : memref<!tpu.dma_semaphore, #tpu.memory_space<semaphore_mem>>) src(%dma_wait3A_954 : memref<128xf32, #tpu.memory_space<vmem>>) dst(%dma_wait3A_959 : memref<1048704xf32, #tpu.memory_space<vmem_shared>>)
      tpu.yield
    }) : () -> ()
    %run_scoped3A_810 = arith.constant 29 : i32
    %run_scoped3A_811 = arith.constant 29 : i32
    "tpu.region"() ({
      %run_scoped3A_943 = tpu.sem_alloc : memref<!tpu.dma_semaphore, #tpu.memory_space<semaphore_mem>>
      %dma_start3A_944 = arith.constant 0 : i32
      %dma_start3A_945 = tpu.memref_slice %arg7[%run_scoped3A_810, %dma_start3A_944] : memref<32x128xf32, #tpu.memory_space<vmem>> -> memref<1x128xf32, #tpu.memory_space<vmem>>
      %dma_start3A_946 = tpu.memref_squeeze %dma_start3A_945 : memref<1x128xf32, #tpu.memory_space<vmem>> -> memref<128xf32, #tpu.memory_space<vmem>>
      %dma_start3A_947 = arith.constant 0 : i32
      %dma_start3A_948 = tpu.memref_slice %arg8[%run_scoped3A_811, %dma_start3A_947] : memref<32x128xi32, #tpu.memory_space<vmem>> -> memref<1x128xi32, #tpu.memory_space<vmem>>
      %dma_start3A_949 = tpu.memref_squeeze %dma_start3A_948 : memref<1x128xi32, #tpu.memory_space<vmem>> -> memref<128xi32, #tpu.memory_space<vmem>>
      %dma_start3A_950 = arith.constant 0 : i32
      %dma_start3A_951 = tpu.memref_slice %arg10[%dma_start3A_950] : memref<1048704xf32, #tpu.memory_space<vmem_shared>> -> memref<1048704xf32, #tpu.memory_space<vmem_shared>>
      tpu.enqueue_indirect_dma source(%dma_start3A_946 : memref<128xf32, #tpu.memory_space<vmem>>) target(%dma_start3A_951 : memref<1048704xf32, #tpu.memory_space<vmem_shared>>) offsets(%dma_start3A_949 : memref<128xi32, #tpu.memory_space<vmem>>) semaphore(%run_scoped3A_943 : memref<!tpu.dma_semaphore, #tpu.memory_space<semaphore_mem>>) {add = true}
      %dma_wait3A_952 = arith.constant 0 : i32
      %dma_wait3A_953 = tpu.memref_slice %arg7[%run_scoped3A_810, %dma_wait3A_952] : memref<32x128xf32, #tpu.memory_space<vmem>> -> memref<1x128xf32, #tpu.memory_space<vmem>>
      %dma_wait3A_954 = tpu.memref_squeeze %dma_wait3A_953 : memref<1x128xf32, #tpu.memory_space<vmem>> -> memref<128xf32, #tpu.memory_space<vmem>>
      %dma_wait3A_955 = arith.constant 0 : i32
      %dma_wait3A_956 = tpu.memref_slice %arg8[%run_scoped3A_811, %dma_wait3A_955] : memref<32x128xi32, #tpu.memory_space<vmem>> -> memref<1x128xi32, #tpu.memory_space<vmem>>
      %dma_wait3A_957 = tpu.memref_squeeze %dma_wait3A_956 : memref<1x128xi32, #tpu.memory_space<vmem>> -> memref<128xi32, #tpu.memory_space<vmem>>
      %dma_wait3A_958 = arith.constant 0 : i32
      %dma_wait3A_959 = tpu.memref_slice %arg10[%dma_wait3A_958] : memref<1048704xf32, #tpu.memory_space<vmem_shared>> -> memref<1048704xf32, #tpu.memory_space<vmem_shared>>
      tpu.wait_indirect_dma semaphore(%run_scoped3A_943 : memref<!tpu.dma_semaphore, #tpu.memory_space<semaphore_mem>>) src(%dma_wait3A_954 : memref<128xf32, #tpu.memory_space<vmem>>) dst(%dma_wait3A_959 : memref<1048704xf32, #tpu.memory_space<vmem_shared>>)
      tpu.yield
    }) : () -> ()
    %run_scoped3A_812 = arith.constant 30 : i32
    %run_scoped3A_813 = arith.constant 30 : i32
    "tpu.region"() ({
      %run_scoped3A_943 = tpu.sem_alloc : memref<!tpu.dma_semaphore, #tpu.memory_space<semaphore_mem>>
      %dma_start3A_944 = arith.constant 0 : i32
      %dma_start3A_945 = tpu.memref_slice %arg7[%run_scoped3A_812, %dma_start3A_944] : memref<32x128xf32, #tpu.memory_space<vmem>> -> memref<1x128xf32, #tpu.memory_space<vmem>>
      %dma_start3A_946 = tpu.memref_squeeze %dma_start3A_945 : memref<1x128xf32, #tpu.memory_space<vmem>> -> memref<128xf32, #tpu.memory_space<vmem>>
      %dma_start3A_947 = arith.constant 0 : i32
      %dma_start3A_948 = tpu.memref_slice %arg8[%run_scoped3A_813, %dma_start3A_947] : memref<32x128xi32, #tpu.memory_space<vmem>> -> memref<1x128xi32, #tpu.memory_space<vmem>>
      %dma_start3A_949 = tpu.memref_squeeze %dma_start3A_948 : memref<1x128xi32, #tpu.memory_space<vmem>> -> memref<128xi32, #tpu.memory_space<vmem>>
      %dma_start3A_950 = arith.constant 0 : i32
      %dma_start3A_951 = tpu.memref_slice %arg10[%dma_start3A_950] : memref<1048704xf32, #tpu.memory_space<vmem_shared>> -> memref<1048704xf32, #tpu.memory_space<vmem_shared>>
      tpu.enqueue_indirect_dma source(%dma_start3A_946 : memref<128xf32, #tpu.memory_space<vmem>>) target(%dma_start3A_951 : memref<1048704xf32, #tpu.memory_space<vmem_shared>>) offsets(%dma_start3A_949 : memref<128xi32, #tpu.memory_space<vmem>>) semaphore(%run_scoped3A_943 : memref<!tpu.dma_semaphore, #tpu.memory_space<semaphore_mem>>) {add = true}
      %dma_wait3A_952 = arith.constant 0 : i32
      %dma_wait3A_953 = tpu.memref_slice %arg7[%run_scoped3A_812, %dma_wait3A_952] : memref<32x128xf32, #tpu.memory_space<vmem>> -> memref<1x128xf32, #tpu.memory_space<vmem>>
      %dma_wait3A_954 = tpu.memref_squeeze %dma_wait3A_953 : memref<1x128xf32, #tpu.memory_space<vmem>> -> memref<128xf32, #tpu.memory_space<vmem>>
      %dma_wait3A_955 = arith.constant 0 : i32
      %dma_wait3A_956 = tpu.memref_slice %arg8[%run_scoped3A_813, %dma_wait3A_955] : memref<32x128xi32, #tpu.memory_space<vmem>> -> memref<1x128xi32, #tpu.memory_space<vmem>>
      %dma_wait3A_957 = tpu.memref_squeeze %dma_wait3A_956 : memref<1x128xi32, #tpu.memory_space<vmem>> -> memref<128xi32, #tpu.memory_space<vmem>>
      %dma_wait3A_958 = arith.constant 0 : i32
      %dma_wait3A_959 = tpu.memref_slice %arg10[%dma_wait3A_958] : memref<1048704xf32, #tpu.memory_space<vmem_shared>> -> memref<1048704xf32, #tpu.memory_space<vmem_shared>>
      tpu.wait_indirect_dma semaphore(%run_scoped3A_943 : memref<!tpu.dma_semaphore, #tpu.memory_space<semaphore_mem>>) src(%dma_wait3A_954 : memref<128xf32, #tpu.memory_space<vmem>>) dst(%dma_wait3A_959 : memref<1048704xf32, #tpu.memory_space<vmem_shared>>)
      tpu.yield
    }) : () -> ()
    %run_scoped3A_814 = arith.constant 31 : i32
    %run_scoped3A_815 = arith.constant 31 : i32
    "tpu.region"() ({
      %run_scoped3A_943 = tpu.sem_alloc : memref<!tpu.dma_semaphore, #tpu.memory_space<semaphore_mem>>
      %dma_start3A_944 = arith.constant 0 : i32
      %dma_start3A_945 = tpu.memref_slice %arg7[%run_scoped3A_814, %dma_start3A_944] : memref<32x128xf32, #tpu.memory_space<vmem>> -> memref<1x128xf32, #tpu.memory_space<vmem>>
      %dma_start3A_946 = tpu.memref_squeeze %dma_start3A_945 : memref<1x128xf32, #tpu.memory_space<vmem>> -> memref<128xf32, #tpu.memory_space<vmem>>
      %dma_start3A_947 = arith.constant 0 : i32
      %dma_start3A_948 = tpu.memref_slice %arg8[%run_scoped3A_815, %dma_start3A_947] : memref<32x128xi32, #tpu.memory_space<vmem>> -> memref<1x128xi32, #tpu.memory_space<vmem>>
      %dma_start3A_949 = tpu.memref_squeeze %dma_start3A_948 : memref<1x128xi32, #tpu.memory_space<vmem>> -> memref<128xi32, #tpu.memory_space<vmem>>
      %dma_start3A_950 = arith.constant 0 : i32
      %dma_start3A_951 = tpu.memref_slice %arg10[%dma_start3A_950] : memref<1048704xf32, #tpu.memory_space<vmem_shared>> -> memref<1048704xf32, #tpu.memory_space<vmem_shared>>
      tpu.enqueue_indirect_dma source(%dma_start3A_946 : memref<128xf32, #tpu.memory_space<vmem>>) target(%dma_start3A_951 : memref<1048704xf32, #tpu.memory_space<vmem_shared>>) offsets(%dma_start3A_949 : memref<128xi32, #tpu.memory_space<vmem>>) semaphore(%run_scoped3A_943 : memref<!tpu.dma_semaphore, #tpu.memory_space<semaphore_mem>>) {add = true}
      %dma_wait3A_952 = arith.constant 0 : i32
      %dma_wait3A_953 = tpu.memref_slice %arg7[%run_scoped3A_814, %dma_wait3A_952] : memref<32x128xf32, #tpu.memory_space<vmem>> -> memref<1x128xf32, #tpu.memory_space<vmem>>
      %dma_wait3A_954 = tpu.memref_squeeze %dma_wait3A_953 : memref<1x128xf32, #tpu.memory_space<vmem>> -> memref<128xf32, #tpu.memory_space<vmem>>
      %dma_wait3A_955 = arith.constant 0 : i32
      %dma_wait3A_956 = tpu.memref_slice %arg8[%run_scoped3A_815, %dma_wait3A_955] : memref<32x128xi32, #tpu.memory_space<vmem>> -> memref<1x128xi32, #tpu.memory_space<vmem>>
      %dma_wait3A_957 = tpu.memref_squeeze %dma_wait3A_956 : memref<1x128xi32, #tpu.memory_space<vmem>> -> memref<128xi32, #tpu.memory_space<vmem>>
      %dma_wait3A_958 = arith.constant 0 : i32
      %dma_wait3A_959 = tpu.memref_slice %arg10[%dma_wait3A_958] : memref<1048704xf32, #tpu.memory_space<vmem_shared>> -> memref<1048704xf32, #tpu.memory_space<vmem_shared>>
      tpu.wait_indirect_dma semaphore(%run_scoped3A_943 : memref<!tpu.dma_semaphore, #tpu.memory_space<semaphore_mem>>) src(%dma_wait3A_954 : memref<128xf32, #tpu.memory_space<vmem>>) dst(%dma_wait3A_959 : memref<1048704xf32, #tpu.memory_space<vmem_shared>>)
      tpu.yield
    }) : () -> ()
    %barrier3A_816 = arith.constant 0 : index
    tpu.barrier barrier_id(%barrier3A_816)
    %mul3A_817 = arith.constant 2048 : i32
    %mul3A_818 = arith.muli %mul3A_712, %mul3A_817 : i32
    %mul3A_819 = arith.constant 65536 : i32
    %mul3A_820 = arith.muli %arg1, %mul3A_819 : i32
    %add3A_821 = arith.addi %mul3A_818, %mul3A_820 : i32
    %multiple_of3A_822 = tpu.assume_multiple %add3A_821, 64 : i32
    "tpu.region"() ({
      %run_scoped3A_943 = tpu.sem_alloc : memref<!tpu.dma_semaphore, #tpu.memory_space<semaphore_mem>>
      %dma_start3A_944 = tpu.memref_slice %arg4[%multiple_of3A_822] : memref<4194304xf32, #tpu.memory_space<hbm>> -> memref<65536xf32, #tpu.memory_space<hbm>>
      %dma_start3A_945 = tpu.memref_slice %arg10[%multiple_of3A] : memref<1048704xf32, #tpu.memory_space<vmem_shared>> -> memref<65536xf32, #tpu.memory_space<vmem_shared>>
      tpu.enqueue_dma source(%dma_start3A_945 : memref<65536xf32, #tpu.memory_space<vmem_shared>>) target(%dma_start3A_944 : memref<65536xf32, #tpu.memory_space<hbm>>) target_semaphore(%run_scoped3A_943 : memref<!tpu.dma_semaphore, #tpu.memory_space<semaphore_mem>>)
      %dma_wait3A_946 = tpu.memref_slice %arg4[%multiple_of3A_822] : memref<4194304xf32, #tpu.memory_space<hbm>> -> memref<65536xf32, #tpu.memory_space<hbm>>
      %dma_wait3A_947 = tpu.memref_slice %arg10[%multiple_of3A] : memref<1048704xf32, #tpu.memory_space<vmem_shared>> -> memref<65536xf32, #tpu.memory_space<vmem_shared>>
      tpu.wait_dma2 semaphore(%run_scoped3A_943 : memref<!tpu.dma_semaphore, #tpu.memory_space<semaphore_mem>>) src(%dma_wait3A_947 : memref<65536xf32, #tpu.memory_space<vmem_shared>>) dst(%dma_wait3A_946 : memref<65536xf32, #tpu.memory_space<hbm>>)
      tpu.yield
    }) : () -> ()
    %barrier3A_823 = arith.constant 0 : index
    tpu.barrier barrier_id(%barrier3A_823)
    %mul3A_824 = arith.constant 2 : i32
    %mul3A_825 = arith.muli %arg0, %mul3A_824 : i32
    %add3A_826 = arith.constant 1 : i32
    %add3A_827 = arith.addi %mul3A_825, %add3A_826 : i32
    %mul3A_828 = arith.constant 512 : i32
    %mul3A_829 = arith.muli %add3A_827, %mul3A_828 : i32
    %mul3A_830 = arith.constant 65536 : i32
    %mul3A_831 = arith.muli %arg1, %mul3A_830 : i32
    %multiple_of3A_832 = tpu.assume_multiple %mul3A_831, 64 : i32
    %add3A_833 = arith.constant 0 : i32
    %add3A_834 = arith.addi %multiple_of3A_832, %add3A_833 : i32
    %dma_start3A_835 = tpu.memref_slice %arg10[%add3A_834] : memref<1048704xf32, #tpu.memory_space<vmem_shared>> -> memref<16384xf32, #tpu.memory_space<vmem_shared>>
    %dma_start3A_836 = tpu.memref_slice %arg10[%add3A_834] : memref<1048704xf32, #tpu.memory_space<vmem_shared>> -> memref<16384xf32, #tpu.memory_space<vmem_shared>>
    tpu.enqueue_dma source(%arg9 : memref<16384xf32, #tpu.memory_space<vmem>>) target(%dma_start3A_836 : memref<16384xf32, #tpu.memory_space<vmem_shared>>) target_semaphore(%arg11 : memref<!tpu.dma_semaphore, #tpu.memory_space<semaphore_mem>>)
    %add3A_837 = arith.constant 16384 : i32
    %add3A_838 = arith.addi %multiple_of3A_832, %add3A_837 : i32
    %dma_start3A_839 = tpu.memref_slice %arg10[%add3A_838] : memref<1048704xf32, #tpu.memory_space<vmem_shared>> -> memref<16384xf32, #tpu.memory_space<vmem_shared>>
    %dma_start3A_840 = tpu.memref_slice %arg10[%add3A_838] : memref<1048704xf32, #tpu.memory_space<vmem_shared>> -> memref<16384xf32, #tpu.memory_space<vmem_shared>>
    tpu.enqueue_dma source(%arg9 : memref<16384xf32, #tpu.memory_space<vmem>>) target(%dma_start3A_840 : memref<16384xf32, #tpu.memory_space<vmem_shared>>) target_semaphore(%arg11 : memref<!tpu.dma_semaphore, #tpu.memory_space<semaphore_mem>>)
    %add3A_841 = arith.constant 32768 : i32
    %add3A_842 = arith.addi %multiple_of3A_832, %add3A_841 : i32
    %dma_start3A_843 = tpu.memref_slice %arg10[%add3A_842] : memref<1048704xf32, #tpu.memory_space<vmem_shared>> -> memref<16384xf32, #tpu.memory_space<vmem_shared>>
    %dma_start3A_844 = tpu.memref_slice %arg10[%add3A_842] : memref<1048704xf32, #tpu.memory_space<vmem_shared>> -> memref<16384xf32, #tpu.memory_space<vmem_shared>>
    tpu.enqueue_dma source(%arg9 : memref<16384xf32, #tpu.memory_space<vmem>>) target(%dma_start3A_844 : memref<16384xf32, #tpu.memory_space<vmem_shared>>) target_semaphore(%arg11 : memref<!tpu.dma_semaphore, #tpu.memory_space<semaphore_mem>>)
    %add3A_845 = arith.constant 49152 : i32
    %add3A_846 = arith.addi %multiple_of3A_832, %add3A_845 : i32
    %dma_start3A_847 = tpu.memref_slice %arg10[%add3A_846] : memref<1048704xf32, #tpu.memory_space<vmem_shared>> -> memref<16384xf32, #tpu.memory_space<vmem_shared>>
    %dma_start3A_848 = tpu.memref_slice %arg10[%add3A_846] : memref<1048704xf32, #tpu.memory_space<vmem_shared>> -> memref<16384xf32, #tpu.memory_space<vmem_shared>>
    tpu.enqueue_dma source(%arg9 : memref<16384xf32, #tpu.memory_space<vmem>>) target(%dma_start3A_848 : memref<16384xf32, #tpu.memory_space<vmem_shared>>) target_semaphore(%arg11 : memref<!tpu.dma_semaphore, #tpu.memory_space<semaphore_mem>>)
    %add3A_849 = arith.constant 0 : i32
    %add3A_850 = arith.addi %multiple_of3A_832, %add3A_849 : i32
    %dma_wait3A_851 = tpu.memref_slice %arg10[%add3A_850] : memref<1048704xf32, #tpu.memory_space<vmem_shared>> -> memref<16384xf32, #tpu.memory_space<vmem_shared>>
    %dma_wait3A_852 = tpu.memref_slice %arg10[%add3A_850] : memref<1048704xf32, #tpu.memory_space<vmem_shared>> -> memref<16384xf32, #tpu.memory_space<vmem_shared>>
    tpu.wait_dma2 semaphore(%arg11 : memref<!tpu.dma_semaphore, #tpu.memory_space<semaphore_mem>>) src(%arg9 : memref<16384xf32, #tpu.memory_space<vmem>>) dst(%dma_wait3A_852 : memref<16384xf32, #tpu.memory_space<vmem_shared>>)
    %add3A_853 = arith.constant 16384 : i32
    %add3A_854 = arith.addi %multiple_of3A_832, %add3A_853 : i32
    %dma_wait3A_855 = tpu.memref_slice %arg10[%add3A_854] : memref<1048704xf32, #tpu.memory_space<vmem_shared>> -> memref<16384xf32, #tpu.memory_space<vmem_shared>>
    %dma_wait3A_856 = tpu.memref_slice %arg10[%add3A_854] : memref<1048704xf32, #tpu.memory_space<vmem_shared>> -> memref<16384xf32, #tpu.memory_space<vmem_shared>>
    tpu.wait_dma2 semaphore(%arg11 : memref<!tpu.dma_semaphore, #tpu.memory_space<semaphore_mem>>) src(%arg9 : memref<16384xf32, #tpu.memory_space<vmem>>) dst(%dma_wait3A_856 : memref<16384xf32, #tpu.memory_space<vmem_shared>>)
    %add3A_857 = arith.constant 32768 : i32
    %add3A_858 = arith.addi %multiple_of3A_832, %add3A_857 : i32
    %dma_wait3A_859 = tpu.memref_slice %arg10[%add3A_858] : memref<1048704xf32, #tpu.memory_space<vmem_shared>> -> memref<16384xf32, #tpu.memory_space<vmem_shared>>
    %dma_wait3A_860 = tpu.memref_slice %arg10[%add3A_858] : memref<1048704xf32, #tpu.memory_space<vmem_shared>> -> memref<16384xf32, #tpu.memory_space<vmem_shared>>
    tpu.wait_dma2 semaphore(%arg11 : memref<!tpu.dma_semaphore, #tpu.memory_space<semaphore_mem>>) src(%arg9 : memref<16384xf32, #tpu.memory_space<vmem>>) dst(%dma_wait3A_860 : memref<16384xf32, #tpu.memory_space<vmem_shared>>)
    %add3A_861 = arith.constant 49152 : i32
    %add3A_862 = arith.addi %multiple_of3A_832, %add3A_861 : i32
    %dma_wait3A_863 = tpu.memref_slice %arg10[%add3A_862] : memref<1048704xf32, #tpu.memory_space<vmem_shared>> -> memref<16384xf32, #tpu.memory_space<vmem_shared>>
    %dma_wait3A_864 = tpu.memref_slice %arg10[%add3A_862] : memref<1048704xf32, #tpu.memory_space<vmem_shared>> -> memref<16384xf32, #tpu.memory_space<vmem_shared>>
    tpu.wait_dma2 semaphore(%arg11 : memref<!tpu.dma_semaphore, #tpu.memory_space<semaphore_mem>>) src(%arg9 : memref<16384xf32, #tpu.memory_space<vmem>>) dst(%dma_wait3A_864 : memref<16384xf32, #tpu.memory_space<vmem_shared>>)
    %barrier3A_865 = arith.constant 0 : index
    tpu.barrier barrier_id(%barrier3A_865)
    %scan3A_866 = arith.constant 0 : i32
    %scan3A_867 = arith.constant 32 : i32
    %scan3A_868 = arith.addi %scan3A_866, %scan3A_867 : i32
    %scan3A_869 = arith.constant 1 : i32
    scf.for %scan3A_943 = %scan3A_866 to %scan3A_868 step %scan3A_869  : i32 {
      %mul3A_944 = arith.constant 1 : i32
      %mul3A_945 = arith.muli %scan3A_943, %mul3A_944 : i32
      %add3A_946 = arith.constant 0 : i32
      %add3A_947 = arith.addi %add3A_946, %mul3A_945 : i32
      %mul3A_948 = arith.constant 8 : i32
      %mul3A_949 = arith.muli %add3A_947, %mul3A_948 : i32
      %add3A_950 = arith.constant 0 : i32
      %add3A_951 = arith.addi %mul3A_949, %add3A_950 : i32
      %mul3A_952 = arith.constant 16 : i32
      %mul3A_953 = arith.muli %add3A_951, %mul3A_952 : i32
      %get3A = arith.index_cast %mul3A_953 : i32 to index
      %get3A_954 = tpu.vector_load %arg6[%get3A] {strides = array<i32>} : memref<4096xi32, #tpu.memory_space<vmem>>, vector<16xi32>,
      %sub3A = vector.broadcast %mul3A_829 : i32 to vector<16xi32>
      %sub3A_955 = arith.subi %get3A_954, %sub3A : vector<16xi32>
      %ge3A = arith.constant 0 : i32
      %ge3A_956 = vector.broadcast %ge3A : i32 to vector<16xi32>
      %ge3A_957 = arith.cmpi sge, %sub3A_955, %ge3A_956 : vector<16xi32>
      %lt3A = arith.constant 512 : i32
      %lt3A_958 = vector.broadcast %lt3A : i32 to vector<16xi32>
      %lt3A_959 = arith.cmpi slt, %sub3A_955, %lt3A_958 : vector<16xi32>
      %and3A = arith.andi %ge3A_957, %lt3A_959 : vector<16xi1>
      %and3A_960 = arith.constant 7 : i32
      %and3A_961 = arith.andi %add3A_951, %and3A_960 : i32
      %mul3A_962 = arith.constant 16 : i32
      %mul3A_963 = arith.muli %and3A_961, %mul3A_962 : i32
      %add3A_964 = arith.constant 1048576 : i32
      %add3A_965 = arith.addi %add3A_964, %mul3A_963 : i32
      %add3A_966 = vector.broadcast %add3A_965 : i32 to vector<16xi32>
      %add3A_967 = arith.addi %add3A_966, %iota3A : vector<16xi32>
      %mul3A_968 = arith.constant 2048 : i32
      %mul3A_969 = vector.broadcast %mul3A_968 : i32 to vector<16xi32>
      %mul3A_970 = arith.muli %sub3A_955, %mul3A_969 : vector<16xi32>
      %get3A_971 = arith.index_cast %mul3A_953 : i32 to index
      %get3A_972 = tpu.vector_load %arg5[%get3A_971] {strides = array<i32>} : memref<4096xi32, #tpu.memory_space<vmem>>, vector<16xi32>,
      %add3A_973 = arith.addi %mul3A_970, %get3A_972 : vector<16xi32>
      %select_n3A = arith.select %and3A, %add3A_973, %add3A_967 : vector<16xi1>, vector<16xi32>
      %swap3A = arith.index_cast %add3A_947 : i32 to index
      %swap3A_974 = arith.constant 0 : index
      %swap3A_975 = tpu.vector_load %arg8[%swap3A, %swap3A_974] {strides = array<i32>} : memref<32x128xi32, #tpu.memory_space<vmem>>, vector<16xi32>,
      tpu.vector_store %arg8[%swap3A, %swap3A_974], %select_n3A {strides = array<i32>} : memref<32x128xi32, #tpu.memory_space<vmem>>, vector<16xi32>,
      %mul3A_976 = arith.constant 8 : i32
      %mul3A_977 = arith.muli %add3A_947, %mul3A_976 : i32
      %add3A_978 = arith.constant 1 : i32
      %add3A_979 = arith.addi %mul3A_977, %add3A_978 : i32
      %mul3A_980 = arith.constant 16 : i32
      %mul3A_981 = arith.muli %add3A_979, %mul3A_980 : i32
      %get3A_982 = arith.index_cast %mul3A_981 : i32 to index
      %get3A_983 = tpu.vector_load %arg6[%get3A_982] {strides = array<i32>} : memref<4096xi32, #tpu.memory_space<vmem>>, vector<16xi32>,
      %sub3A_984 = vector.broadcast %mul3A_829 : i32 to vector<16xi32>
      %sub3A_985 = arith.subi %get3A_983, %sub3A_984 : vector<16xi32>
      %ge3A_986 = arith.constant 0 : i32
      %ge3A_987 = vector.broadcast %ge3A_986 : i32 to vector<16xi32>
      %ge3A_988 = arith.cmpi sge, %sub3A_985, %ge3A_987 : vector<16xi32>
      %lt3A_989 = arith.constant 512 : i32
      %lt3A_990 = vector.broadcast %lt3A_989 : i32 to vector<16xi32>
      %lt3A_991 = arith.cmpi slt, %sub3A_985, %lt3A_990 : vector<16xi32>
      %and3A_992 = arith.andi %ge3A_988, %lt3A_991 : vector<16xi1>
      %and3A_993 = arith.constant 7 : i32
      %and3A_994 = arith.andi %add3A_979, %and3A_993 : i32
      %mul3A_995 = arith.constant 16 : i32
      %mul3A_996 = arith.muli %and3A_994, %mul3A_995 : i32
      %add3A_997 = arith.constant 1048576 : i32
      %add3A_998 = arith.addi %add3A_997, %mul3A_996 : i32
      %add3A_999 = vector.broadcast %add3A_998 : i32 to vector<16xi32>
      %add3A_1000 = arith.addi %add3A_999, %iota3A : vector<16xi32>
      %mul3A_1001 = arith.constant 2048 : i32
      %mul3A_1002 = vector.broadcast %mul3A_1001 : i32 to vector<16xi32>
      %mul3A_1003 = arith.muli %sub3A_985, %mul3A_1002 : vector<16xi32>
      %get3A_1004 = arith.index_cast %mul3A_981 : i32 to index
      %get3A_1005 = tpu.vector_load %arg5[%get3A_1004] {strides = array<i32>} : memref<4096xi32, #tpu.memory_space<vmem>>, vector<16xi32>,
      %add3A_1006 = arith.addi %mul3A_1003, %get3A_1005 : vector<16xi32>
      %select_n3A_1007 = arith.select %and3A_992, %add3A_1006, %add3A_1000 : vector<16xi1>, vector<16xi32>
      %swap3A_1008 = arith.index_cast %add3A_947 : i32 to index
      %swap3A_1009 = arith.constant 16 : index
      %swap3A_1010 = tpu.vector_load %arg8[%swap3A_1008, %swap3A_1009] {strides = array<i32>} : memref<32x128xi32, #tpu.memory_space<vmem>>, vector<16xi32>,
      tpu.vector_store %arg8[%swap3A_1008, %swap3A_1009], %select_n3A_1007 {strides = array<i32>} : memref<32x128xi32, #tpu.memory_space<vmem>>, vector<16xi32>,
      %mul3A_1011 = arith.constant 8 : i32
      %mul3A_1012 = arith.muli %add3A_947, %mul3A_1011 : i32
      %add3A_1013 = arith.constant 2 : i32
      %add3A_1014 = arith.addi %mul3A_1012, %add3A_1013 : i32
      %mul3A_1015 = arith.constant 16 : i32
      %mul3A_1016 = arith.muli %add3A_1014, %mul3A_1015 : i32
      %get3A_1017 = arith.index_cast %mul3A_1016 : i32 to index
      %get3A_1018 = tpu.vector_load %arg6[%get3A_1017] {strides = array<i32>} : memref<4096xi32, #tpu.memory_space<vmem>>, vector<16xi32>,
      %sub3A_1019 = vector.broadcast %mul3A_829 : i32 to vector<16xi32>
      %sub3A_1020 = arith.subi %get3A_1018, %sub3A_1019 : vector<16xi32>
      %ge3A_1021 = arith.constant 0 : i32
      %ge3A_1022 = vector.broadcast %ge3A_1021 : i32 to vector<16xi32>
      %ge3A_1023 = arith.cmpi sge, %sub3A_1020, %ge3A_1022 : vector<16xi32>
      %lt3A_1024 = arith.constant 512 : i32
      %lt3A_1025 = vector.broadcast %lt3A_1024 : i32 to vector<16xi32>
      %lt3A_1026 = arith.cmpi slt, %sub3A_1020, %lt3A_1025 : vector<16xi32>
      %and3A_1027 = arith.andi %ge3A_1023, %lt3A_1026 : vector<16xi1>
      %and3A_1028 = arith.constant 7 : i32
      %and3A_1029 = arith.andi %add3A_1014, %and3A_1028 : i32
      %mul3A_1030 = arith.constant 16 : i32
      %mul3A_1031 = arith.muli %and3A_1029, %mul3A_1030 : i32
      %add3A_1032 = arith.constant 1048576 : i32
      %add3A_1033 = arith.addi %add3A_1032, %mul3A_1031 : i32
      %add3A_1034 = vector.broadcast %add3A_1033 : i32 to vector<16xi32>
      %add3A_1035 = arith.addi %add3A_1034, %iota3A : vector<16xi32>
      %mul3A_1036 = arith.constant 2048 : i32
      %mul3A_1037 = vector.broadcast %mul3A_1036 : i32 to vector<16xi32>
      %mul3A_1038 = arith.muli %sub3A_1020, %mul3A_1037 : vector<16xi32>
      %get3A_1039 = arith.index_cast %mul3A_1016 : i32 to index
      %get3A_1040 = tpu.vector_load %arg5[%get3A_1039] {strides = array<i32>} : memref<4096xi32, #tpu.memory_space<vmem>>, vector<16xi32>,
      %add3A_1041 = arith.addi %mul3A_1038, %get3A_1040 : vector<16xi32>
      %select_n3A_1042 = arith.select %and3A_1027, %add3A_1041, %add3A_1035 : vector<16xi1>, vector<16xi32>
      %swap3A_1043 = arith.index_cast %add3A_947 : i32 to index
      %swap3A_1044 = arith.constant 32 : index
      %swap3A_1045 = tpu.vector_load %arg8[%swap3A_1043, %swap3A_1044] {strides = array<i32>} : memref<32x128xi32, #tpu.memory_space<vmem>>, vector<16xi32>,
      tpu.vector_store %arg8[%swap3A_1043, %swap3A_1044], %select_n3A_1042 {strides = array<i32>} : memref<32x128xi32, #tpu.memory_space<vmem>>, vector<16xi32>,
      %mul3A_1046 = arith.constant 8 : i32
      %mul3A_1047 = arith.muli %add3A_947, %mul3A_1046 : i32
      %add3A_1048 = arith.constant 3 : i32
      %add3A_1049 = arith.addi %mul3A_1047, %add3A_1048 : i32
      %mul3A_1050 = arith.constant 16 : i32
      %mul3A_1051 = arith.muli %add3A_1049, %mul3A_1050 : i32
      %get3A_1052 = arith.index_cast %mul3A_1051 : i32 to index
      %get3A_1053 = tpu.vector_load %arg6[%get3A_1052] {strides = array<i32>} : memref<4096xi32, #tpu.memory_space<vmem>>, vector<16xi32>,
      %sub3A_1054 = vector.broadcast %mul3A_829 : i32 to vector<16xi32>
      %sub3A_1055 = arith.subi %get3A_1053, %sub3A_1054 : vector<16xi32>
      %ge3A_1056 = arith.constant 0 : i32
      %ge3A_1057 = vector.broadcast %ge3A_1056 : i32 to vector<16xi32>
      %ge3A_1058 = arith.cmpi sge, %sub3A_1055, %ge3A_1057 : vector<16xi32>
      %lt3A_1059 = arith.constant 512 : i32
      %lt3A_1060 = vector.broadcast %lt3A_1059 : i32 to vector<16xi32>
      %lt3A_1061 = arith.cmpi slt, %sub3A_1055, %lt3A_1060 : vector<16xi32>
      %and3A_1062 = arith.andi %ge3A_1058, %lt3A_1061 : vector<16xi1>
      %and3A_1063 = arith.constant 7 : i32
      %and3A_1064 = arith.andi %add3A_1049, %and3A_1063 : i32
      %mul3A_1065 = arith.constant 16 : i32
      %mul3A_1066 = arith.muli %and3A_1064, %mul3A_1065 : i32
      %add3A_1067 = arith.constant 1048576 : i32
      %add3A_1068 = arith.addi %add3A_1067, %mul3A_1066 : i32
      %add3A_1069 = vector.broadcast %add3A_1068 : i32 to vector<16xi32>
      %add3A_1070 = arith.addi %add3A_1069, %iota3A : vector<16xi32>
      %mul3A_1071 = arith.constant 2048 : i32
      %mul3A_1072 = vector.broadcast %mul3A_1071 : i32 to vector<16xi32>
      %mul3A_1073 = arith.muli %sub3A_1055, %mul3A_1072 : vector<16xi32>
      %get3A_1074 = arith.index_cast %mul3A_1051 : i32 to index
      %get3A_1075 = tpu.vector_load %arg5[%get3A_1074] {strides = array<i32>} : memref<4096xi32, #tpu.memory_space<vmem>>, vector<16xi32>,
      %add3A_1076 = arith.addi %mul3A_1073, %get3A_1075 : vector<16xi32>
      %select_n3A_1077 = arith.select %and3A_1062, %add3A_1076, %add3A_1070 : vector<16xi1>, vector<16xi32>
      %swap3A_1078 = arith.index_cast %add3A_947 : i32 to index
      %swap3A_1079 = arith.constant 48 : index
      %swap3A_1080 = tpu.vector_load %arg8[%swap3A_1078, %swap3A_1079] {strides = array<i32>} : memref<32x128xi32, #tpu.memory_space<vmem>>, vector<16xi32>,
      tpu.vector_store %arg8[%swap3A_1078, %swap3A_1079], %select_n3A_1077 {strides = array<i32>} : memref<32x128xi32, #tpu.memory_space<vmem>>, vector<16xi32>,
      %mul3A_1081 = arith.constant 8 : i32
      %mul3A_1082 = arith.muli %add3A_947, %mul3A_1081 : i32
      %add3A_1083 = arith.constant 4 : i32
      %add3A_1084 = arith.addi %mul3A_1082, %add3A_1083 : i32
      %mul3A_1085 = arith.constant 16 : i32
      %mul3A_1086 = arith.muli %add3A_1084, %mul3A_1085 : i32
      %get3A_1087 = arith.index_cast %mul3A_1086 : i32 to index
      %get3A_1088 = tpu.vector_load %arg6[%get3A_1087] {strides = array<i32>} : memref<4096xi32, #tpu.memory_space<vmem>>, vector<16xi32>,
      %sub3A_1089 = vector.broadcast %mul3A_829 : i32 to vector<16xi32>
      %sub3A_1090 = arith.subi %get3A_1088, %sub3A_1089 : vector<16xi32>
      %ge3A_1091 = arith.constant 0 : i32
      %ge3A_1092 = vector.broadcast %ge3A_1091 : i32 to vector<16xi32>
      %ge3A_1093 = arith.cmpi sge, %sub3A_1090, %ge3A_1092 : vector<16xi32>
      %lt3A_1094 = arith.constant 512 : i32
      %lt3A_1095 = vector.broadcast %lt3A_1094 : i32 to vector<16xi32>
      %lt3A_1096 = arith.cmpi slt, %sub3A_1090, %lt3A_1095 : vector<16xi32>
      %and3A_1097 = arith.andi %ge3A_1093, %lt3A_1096 : vector<16xi1>
      %and3A_1098 = arith.constant 7 : i32
      %and3A_1099 = arith.andi %add3A_1084, %and3A_1098 : i32
      %mul3A_1100 = arith.constant 16 : i32
      %mul3A_1101 = arith.muli %and3A_1099, %mul3A_1100 : i32
      %add3A_1102 = arith.constant 1048576 : i32
      %add3A_1103 = arith.addi %add3A_1102, %mul3A_1101 : i32
      %add3A_1104 = vector.broadcast %add3A_1103 : i32 to vector<16xi32>
      %add3A_1105 = arith.addi %add3A_1104, %iota3A : vector<16xi32>
      %mul3A_1106 = arith.constant 2048 : i32
      %mul3A_1107 = vector.broadcast %mul3A_1106 : i32 to vector<16xi32>
      %mul3A_1108 = arith.muli %sub3A_1090, %mul3A_1107 : vector<16xi32>
      %get3A_1109 = arith.index_cast %mul3A_1086 : i32 to index
      %get3A_1110 = tpu.vector_load %arg5[%get3A_1109] {strides = array<i32>} : memref<4096xi32, #tpu.memory_space<vmem>>, vector<16xi32>,
      %add3A_1111 = arith.addi %mul3A_1108, %get3A_1110 : vector<16xi32>
      %select_n3A_1112 = arith.select %and3A_1097, %add3A_1111, %add3A_1105 : vector<16xi1>, vector<16xi32>
      %swap3A_1113 = arith.index_cast %add3A_947 : i32 to index
      %swap3A_1114 = arith.constant 64 : index
      %swap3A_1115 = tpu.vector_load %arg8[%swap3A_1113, %swap3A_1114] {strides = array<i32>} : memref<32x128xi32, #tpu.memory_space<vmem>>, vector<16xi32>,
      tpu.vector_store %arg8[%swap3A_1113, %swap3A_1114], %select_n3A_1112 {strides = array<i32>} : memref<32x128xi32, #tpu.memory_space<vmem>>, vector<16xi32>,
      %mul3A_1116 = arith.constant 8 : i32
      %mul3A_1117 = arith.muli %add3A_947, %mul3A_1116 : i32
      %add3A_1118 = arith.constant 5 : i32
      %add3A_1119 = arith.addi %mul3A_1117, %add3A_1118 : i32
      %mul3A_1120 = arith.constant 16 : i32
      %mul3A_1121 = arith.muli %add3A_1119, %mul3A_1120 : i32
      %get3A_1122 = arith.index_cast %mul3A_1121 : i32 to index
      %get3A_1123 = tpu.vector_load %arg6[%get3A_1122] {strides = array<i32>} : memref<4096xi32, #tpu.memory_space<vmem>>, vector<16xi32>,
      %sub3A_1124 = vector.broadcast %mul3A_829 : i32 to vector<16xi32>
      %sub3A_1125 = arith.subi %get3A_1123, %sub3A_1124 : vector<16xi32>
      %ge3A_1126 = arith.constant 0 : i32
      %ge3A_1127 = vector.broadcast %ge3A_1126 : i32 to vector<16xi32>
      %ge3A_1128 = arith.cmpi sge, %sub3A_1125, %ge3A_1127 : vector<16xi32>
      %lt3A_1129 = arith.constant 512 : i32
      %lt3A_1130 = vector.broadcast %lt3A_1129 : i32 to vector<16xi32>
      %lt3A_1131 = arith.cmpi slt, %sub3A_1125, %lt3A_1130 : vector<16xi32>
      %and3A_1132 = arith.andi %ge3A_1128, %lt3A_1131 : vector<16xi1>
      %and3A_1133 = arith.constant 7 : i32
      %and3A_1134 = arith.andi %add3A_1119, %and3A_1133 : i32
      %mul3A_1135 = arith.constant 16 : i32
      %mul3A_1136 = arith.muli %and3A_1134, %mul3A_1135 : i32
      %add3A_1137 = arith.constant 1048576 : i32
      %add3A_1138 = arith.addi %add3A_1137, %mul3A_1136 : i32
      %add3A_1139 = vector.broadcast %add3A_1138 : i32 to vector<16xi32>
      %add3A_1140 = arith.addi %add3A_1139, %iota3A : vector<16xi32>
      %mul3A_1141 = arith.constant 2048 : i32
      %mul3A_1142 = vector.broadcast %mul3A_1141 : i32 to vector<16xi32>
      %mul3A_1143 = arith.muli %sub3A_1125, %mul3A_1142 : vector<16xi32>
      %get3A_1144 = arith.index_cast %mul3A_1121 : i32 to index
      %get3A_1145 = tpu.vector_load %arg5[%get3A_1144] {strides = array<i32>} : memref<4096xi32, #tpu.memory_space<vmem>>, vector<16xi32>,
      %add3A_1146 = arith.addi %mul3A_1143, %get3A_1145 : vector<16xi32>
      %select_n3A_1147 = arith.select %and3A_1132, %add3A_1146, %add3A_1140 : vector<16xi1>, vector<16xi32>
      %swap3A_1148 = arith.index_cast %add3A_947 : i32 to index
      %swap3A_1149 = arith.constant 80 : index
      %swap3A_1150 = tpu.vector_load %arg8[%swap3A_1148, %swap3A_1149] {strides = array<i32>} : memref<32x128xi32, #tpu.memory_space<vmem>>, vector<16xi32>,
      tpu.vector_store %arg8[%swap3A_1148, %swap3A_1149], %select_n3A_1147 {strides = array<i32>} : memref<32x128xi32, #tpu.memory_space<vmem>>, vector<16xi32>,
      %mul3A_1151 = arith.constant 8 : i32
      %mul3A_1152 = arith.muli %add3A_947, %mul3A_1151 : i32
      %add3A_1153 = arith.constant 6 : i32
      %add3A_1154 = arith.addi %mul3A_1152, %add3A_1153 : i32
      %mul3A_1155 = arith.constant 16 : i32
      %mul3A_1156 = arith.muli %add3A_1154, %mul3A_1155 : i32
      %get3A_1157 = arith.index_cast %mul3A_1156 : i32 to index
      %get3A_1158 = tpu.vector_load %arg6[%get3A_1157] {strides = array<i32>} : memref<4096xi32, #tpu.memory_space<vmem>>, vector<16xi32>,
      %sub3A_1159 = vector.broadcast %mul3A_829 : i32 to vector<16xi32>
      %sub3A_1160 = arith.subi %get3A_1158, %sub3A_1159 : vector<16xi32>
      %ge3A_1161 = arith.constant 0 : i32
      %ge3A_1162 = vector.broadcast %ge3A_1161 : i32 to vector<16xi32>
      %ge3A_1163 = arith.cmpi sge, %sub3A_1160, %ge3A_1162 : vector<16xi32>
      %lt3A_1164 = arith.constant 512 : i32
      %lt3A_1165 = vector.broadcast %lt3A_1164 : i32 to vector<16xi32>
      %lt3A_1166 = arith.cmpi slt, %sub3A_1160, %lt3A_1165 : vector<16xi32>
      %and3A_1167 = arith.andi %ge3A_1163, %lt3A_1166 : vector<16xi1>
      %and3A_1168 = arith.constant 7 : i32
      %and3A_1169 = arith.andi %add3A_1154, %and3A_1168 : i32
      %mul3A_1170 = arith.constant 16 : i32
      %mul3A_1171 = arith.muli %and3A_1169, %mul3A_1170 : i32
      %add3A_1172 = arith.constant 1048576 : i32
      %add3A_1173 = arith.addi %add3A_1172, %mul3A_1171 : i32
      %add3A_1174 = vector.broadcast %add3A_1173 : i32 to vector<16xi32>
      %add3A_1175 = arith.addi %add3A_1174, %iota3A : vector<16xi32>
      %mul3A_1176 = arith.constant 2048 : i32
      %mul3A_1177 = vector.broadcast %mul3A_1176 : i32 to vector<16xi32>
      %mul3A_1178 = arith.muli %sub3A_1160, %mul3A_1177 : vector<16xi32>
      %get3A_1179 = arith.index_cast %mul3A_1156 : i32 to index
      %get3A_1180 = tpu.vector_load %arg5[%get3A_1179] {strides = array<i32>} : memref<4096xi32, #tpu.memory_space<vmem>>, vector<16xi32>,
      %add3A_1181 = arith.addi %mul3A_1178, %get3A_1180 : vector<16xi32>
      %select_n3A_1182 = arith.select %and3A_1167, %add3A_1181, %add3A_1175 : vector<16xi1>, vector<16xi32>
      %swap3A_1183 = arith.index_cast %add3A_947 : i32 to index
      %swap3A_1184 = arith.constant 96 : index
      %swap3A_1185 = tpu.vector_load %arg8[%swap3A_1183, %swap3A_1184] {strides = array<i32>} : memref<32x128xi32, #tpu.memory_space<vmem>>, vector<16xi32>,
      tpu.vector_store %arg8[%swap3A_1183, %swap3A_1184], %select_n3A_1182 {strides = array<i32>} : memref<32x128xi32, #tpu.memory_space<vmem>>, vector<16xi32>,
      %mul3A_1186 = arith.constant 8 : i32
      %mul3A_1187 = arith.muli %add3A_947, %mul3A_1186 : i32
      %add3A_1188 = arith.constant 7 : i32
      %add3A_1189 = arith.addi %mul3A_1187, %add3A_1188 : i32
      %mul3A_1190 = arith.constant 16 : i32
      %mul3A_1191 = arith.muli %add3A_1189, %mul3A_1190 : i32
      %get3A_1192 = arith.index_cast %mul3A_1191 : i32 to index
      %get3A_1193 = tpu.vector_load %arg6[%get3A_1192] {strides = array<i32>} : memref<4096xi32, #tpu.memory_space<vmem>>, vector<16xi32>,
      %sub3A_1194 = vector.broadcast %mul3A_829 : i32 to vector<16xi32>
      %sub3A_1195 = arith.subi %get3A_1193, %sub3A_1194 : vector<16xi32>
      %ge3A_1196 = arith.constant 0 : i32
      %ge3A_1197 = vector.broadcast %ge3A_1196 : i32 to vector<16xi32>
      %ge3A_1198 = arith.cmpi sge, %sub3A_1195, %ge3A_1197 : vector<16xi32>
      %lt3A_1199 = arith.constant 512 : i32
      %lt3A_1200 = vector.broadcast %lt3A_1199 : i32 to vector<16xi32>
      %lt3A_1201 = arith.cmpi slt, %sub3A_1195, %lt3A_1200 : vector<16xi32>
      %and3A_1202 = arith.andi %ge3A_1198, %lt3A_1201 : vector<16xi1>
      %and3A_1203 = arith.constant 7 : i32
      %and3A_1204 = arith.andi %add3A_1189, %and3A_1203 : i32
      %mul3A_1205 = arith.constant 16 : i32
      %mul3A_1206 = arith.muli %and3A_1204, %mul3A_1205 : i32
      %add3A_1207 = arith.constant 1048576 : i32
      %add3A_1208 = arith.addi %add3A_1207, %mul3A_1206 : i32
      %add3A_1209 = vector.broadcast %add3A_1208 : i32 to vector<16xi32>
      %add3A_1210 = arith.addi %add3A_1209, %iota3A : vector<16xi32>
      %mul3A_1211 = arith.constant 2048 : i32
      %mul3A_1212 = vector.broadcast %mul3A_1211 : i32 to vector<16xi32>
      %mul3A_1213 = arith.muli %sub3A_1195, %mul3A_1212 : vector<16xi32>
      %get3A_1214 = arith.index_cast %mul3A_1191 : i32 to index
      %get3A_1215 = tpu.vector_load %arg5[%get3A_1214] {strides = array<i32>} : memref<4096xi32, #tpu.memory_space<vmem>>, vector<16xi32>,
      %add3A_1216 = arith.addi %mul3A_1213, %get3A_1215 : vector<16xi32>
      %select_n3A_1217 = arith.select %and3A_1202, %add3A_1216, %add3A_1210 : vector<16xi1>, vector<16xi32>
      %swap3A_1218 = arith.index_cast %add3A_947 : i32 to index
      %swap3A_1219 = arith.constant 112 : index
      %swap3A_1220 = tpu.vector_load %arg8[%swap3A_1218, %swap3A_1219] {strides = array<i32>} : memref<32x128xi32, #tpu.memory_space<vmem>>, vector<16xi32>,
      tpu.vector_store %arg8[%swap3A_1218, %swap3A_1219], %select_n3A_1217 {strides = array<i32>} : memref<32x128xi32, #tpu.memory_space<vmem>>, vector<16xi32>,
    }
    %scan3A_870 = arith.constant 32 : i32
    %run_scoped3A_871 = arith.constant 0 : i32
    %run_scoped3A_872 = arith.constant 0 : i32
    "tpu.region"() ({
      %run_scoped3A_943 = tpu.sem_alloc : memref<!tpu.dma_semaphore, #tpu.memory_space<semaphore_mem>>
      %dma_start3A_944 = arith.constant 0 : i32
      %dma_start3A_945 = tpu.memref_slice %arg7[%run_scoped3A_871, %dma_start3A_944] : memref<32x128xf32, #tpu.memory_space<vmem>> -> memref<1x128xf32, #tpu.memory_space<vmem>>
      %dma_start3A_946 = tpu.memref_squeeze %dma_start3A_945 : memref<1x128xf32, #tpu.memory_space<vmem>> -> memref<128xf32, #tpu.memory_space<vmem>>
      %dma_start3A_947 = arith.constant 0 : i32
      %dma_start3A_948 = tpu.memref_slice %arg8[%run_scoped3A_872, %dma_start3A_947] : memref<32x128xi32, #tpu.memory_space<vmem>> -> memref<1x128xi32, #tpu.memory_space<vmem>>
      %dma_start3A_949 = tpu.memref_squeeze %dma_start3A_948 : memref<1x128xi32, #tpu.memory_space<vmem>> -> memref<128xi32, #tpu.memory_space<vmem>>
      %dma_start3A_950 = arith.constant 0 : i32
      %dma_start3A_951 = tpu.memref_slice %arg10[%dma_start3A_950] : memref<1048704xf32, #tpu.memory_space<vmem_shared>> -> memref<1048704xf32, #tpu.memory_space<vmem_shared>>
      tpu.enqueue_indirect_dma source(%dma_start3A_946 : memref<128xf32, #tpu.memory_space<vmem>>) target(%dma_start3A_951 : memref<1048704xf32, #tpu.memory_space<vmem_shared>>) offsets(%dma_start3A_949 : memref<128xi32, #tpu.memory_space<vmem>>) semaphore(%run_scoped3A_943 : memref<!tpu.dma_semaphore, #tpu.memory_space<semaphore_mem>>) {add = true}
      %dma_wait3A_952 = arith.constant 0 : i32
      %dma_wait3A_953 = tpu.memref_slice %arg7[%run_scoped3A_871, %dma_wait3A_952] : memref<32x128xf32, #tpu.memory_space<vmem>> -> memref<1x128xf32, #tpu.memory_space<vmem>>
      %dma_wait3A_954 = tpu.memref_squeeze %dma_wait3A_953 : memref<1x128xf32, #tpu.memory_space<vmem>> -> memref<128xf32, #tpu.memory_space<vmem>>
      %dma_wait3A_955 = arith.constant 0 : i32
      %dma_wait3A_956 = tpu.memref_slice %arg8[%run_scoped3A_872, %dma_wait3A_955] : memref<32x128xi32, #tpu.memory_space<vmem>> -> memref<1x128xi32, #tpu.memory_space<vmem>>
      %dma_wait3A_957 = tpu.memref_squeeze %dma_wait3A_956 : memref<1x128xi32, #tpu.memory_space<vmem>> -> memref<128xi32, #tpu.memory_space<vmem>>
      %dma_wait3A_958 = arith.constant 0 : i32
      %dma_wait3A_959 = tpu.memref_slice %arg10[%dma_wait3A_958] : memref<1048704xf32, #tpu.memory_space<vmem_shared>> -> memref<1048704xf32, #tpu.memory_space<vmem_shared>>
      tpu.wait_indirect_dma semaphore(%run_scoped3A_943 : memref<!tpu.dma_semaphore, #tpu.memory_space<semaphore_mem>>) src(%dma_wait3A_954 : memref<128xf32, #tpu.memory_space<vmem>>) dst(%dma_wait3A_959 : memref<1048704xf32, #tpu.memory_space<vmem_shared>>)
      tpu.yield
    }) : () -> ()
    %run_scoped3A_873 = arith.constant 1 : i32
    %run_scoped3A_874 = arith.constant 1 : i32
    "tpu.region"() ({
      %run_scoped3A_943 = tpu.sem_alloc : memref<!tpu.dma_semaphore, #tpu.memory_space<semaphore_mem>>
      %dma_start3A_944 = arith.constant 0 : i32
      %dma_start3A_945 = tpu.memref_slice %arg7[%run_scoped3A_873, %dma_start3A_944] : memref<32x128xf32, #tpu.memory_space<vmem>> -> memref<1x128xf32, #tpu.memory_space<vmem>>
      %dma_start3A_946 = tpu.memref_squeeze %dma_start3A_945 : memref<1x128xf32, #tpu.memory_space<vmem>> -> memref<128xf32, #tpu.memory_space<vmem>>
      %dma_start3A_947 = arith.constant 0 : i32
      %dma_start3A_948 = tpu.memref_slice %arg8[%run_scoped3A_874, %dma_start3A_947] : memref<32x128xi32, #tpu.memory_space<vmem>> -> memref<1x128xi32, #tpu.memory_space<vmem>>
      %dma_start3A_949 = tpu.memref_squeeze %dma_start3A_948 : memref<1x128xi32, #tpu.memory_space<vmem>> -> memref<128xi32, #tpu.memory_space<vmem>>
      %dma_start3A_950 = arith.constant 0 : i32
      %dma_start3A_951 = tpu.memref_slice %arg10[%dma_start3A_950] : memref<1048704xf32, #tpu.memory_space<vmem_shared>> -> memref<1048704xf32, #tpu.memory_space<vmem_shared>>
      tpu.enqueue_indirect_dma source(%dma_start3A_946 : memref<128xf32, #tpu.memory_space<vmem>>) target(%dma_start3A_951 : memref<1048704xf32, #tpu.memory_space<vmem_shared>>) offsets(%dma_start3A_949 : memref<128xi32, #tpu.memory_space<vmem>>) semaphore(%run_scoped3A_943 : memref<!tpu.dma_semaphore, #tpu.memory_space<semaphore_mem>>) {add = true}
      %dma_wait3A_952 = arith.constant 0 : i32
      %dma_wait3A_953 = tpu.memref_slice %arg7[%run_scoped3A_873, %dma_wait3A_952] : memref<32x128xf32, #tpu.memory_space<vmem>> -> memref<1x128xf32, #tpu.memory_space<vmem>>
      %dma_wait3A_954 = tpu.memref_squeeze %dma_wait3A_953 : memref<1x128xf32, #tpu.memory_space<vmem>> -> memref<128xf32, #tpu.memory_space<vmem>>
      %dma_wait3A_955 = arith.constant 0 : i32
      %dma_wait3A_956 = tpu.memref_slice %arg8[%run_scoped3A_874, %dma_wait3A_955] : memref<32x128xi32, #tpu.memory_space<vmem>> -> memref<1x128xi32, #tpu.memory_space<vmem>>
      %dma_wait3A_957 = tpu.memref_squeeze %dma_wait3A_956 : memref<1x128xi32, #tpu.memory_space<vmem>> -> memref<128xi32, #tpu.memory_space<vmem>>
      %dma_wait3A_958 = arith.constant 0 : i32
      %dma_wait3A_959 = tpu.memref_slice %arg10[%dma_wait3A_958] : memref<1048704xf32, #tpu.memory_space<vmem_shared>> -> memref<1048704xf32, #tpu.memory_space<vmem_shared>>
      tpu.wait_indirect_dma semaphore(%run_scoped3A_943 : memref<!tpu.dma_semaphore, #tpu.memory_space<semaphore_mem>>) src(%dma_wait3A_954 : memref<128xf32, #tpu.memory_space<vmem>>) dst(%dma_wait3A_959 : memref<1048704xf32, #tpu.memory_space<vmem_shared>>)
      tpu.yield
    }) : () -> ()
    %run_scoped3A_875 = arith.constant 2 : i32
    %run_scoped3A_876 = arith.constant 2 : i32
    "tpu.region"() ({
      %run_scoped3A_943 = tpu.sem_alloc : memref<!tpu.dma_semaphore, #tpu.memory_space<semaphore_mem>>
      %dma_start3A_944 = arith.constant 0 : i32
      %dma_start3A_945 = tpu.memref_slice %arg7[%run_scoped3A_875, %dma_start3A_944] : memref<32x128xf32, #tpu.memory_space<vmem>> -> memref<1x128xf32, #tpu.memory_space<vmem>>
      %dma_start3A_946 = tpu.memref_squeeze %dma_start3A_945 : memref<1x128xf32, #tpu.memory_space<vmem>> -> memref<128xf32, #tpu.memory_space<vmem>>
      %dma_start3A_947 = arith.constant 0 : i32
      %dma_start3A_948 = tpu.memref_slice %arg8[%run_scoped3A_876, %dma_start3A_947] : memref<32x128xi32, #tpu.memory_space<vmem>> -> memref<1x128xi32, #tpu.memory_space<vmem>>
      %dma_start3A_949 = tpu.memref_squeeze %dma_start3A_948 : memref<1x128xi32, #tpu.memory_space<vmem>> -> memref<128xi32, #tpu.memory_space<vmem>>
      %dma_start3A_950 = arith.constant 0 : i32
      %dma_start3A_951 = tpu.memref_slice %arg10[%dma_start3A_950] : memref<1048704xf32, #tpu.memory_space<vmem_shared>> -> memref<1048704xf32, #tpu.memory_space<vmem_shared>>
      tpu.enqueue_indirect_dma source(%dma_start3A_946 : memref<128xf32, #tpu.memory_space<vmem>>) target(%dma_start3A_951 : memref<1048704xf32, #tpu.memory_space<vmem_shared>>) offsets(%dma_start3A_949 : memref<128xi32, #tpu.memory_space<vmem>>) semaphore(%run_scoped3A_943 : memref<!tpu.dma_semaphore, #tpu.memory_space<semaphore_mem>>) {add = true}
      %dma_wait3A_952 = arith.constant 0 : i32
      %dma_wait3A_953 = tpu.memref_slice %arg7[%run_scoped3A_875, %dma_wait3A_952] : memref<32x128xf32, #tpu.memory_space<vmem>> -> memref<1x128xf32, #tpu.memory_space<vmem>>
      %dma_wait3A_954 = tpu.memref_squeeze %dma_wait3A_953 : memref<1x128xf32, #tpu.memory_space<vmem>> -> memref<128xf32, #tpu.memory_space<vmem>>
      %dma_wait3A_955 = arith.constant 0 : i32
      %dma_wait3A_956 = tpu.memref_slice %arg8[%run_scoped3A_876, %dma_wait3A_955] : memref<32x128xi32, #tpu.memory_space<vmem>> -> memref<1x128xi32, #tpu.memory_space<vmem>>
      %dma_wait3A_957 = tpu.memref_squeeze %dma_wait3A_956 : memref<1x128xi32, #tpu.memory_space<vmem>> -> memref<128xi32, #tpu.memory_space<vmem>>
      %dma_wait3A_958 = arith.constant 0 : i32
      %dma_wait3A_959 = tpu.memref_slice %arg10[%dma_wait3A_958] : memref<1048704xf32, #tpu.memory_space<vmem_shared>> -> memref<1048704xf32, #tpu.memory_space<vmem_shared>>
      tpu.wait_indirect_dma semaphore(%run_scoped3A_943 : memref<!tpu.dma_semaphore, #tpu.memory_space<semaphore_mem>>) src(%dma_wait3A_954 : memref<128xf32, #tpu.memory_space<vmem>>) dst(%dma_wait3A_959 : memref<1048704xf32, #tpu.memory_space<vmem_shared>>)
      tpu.yield
    }) : () -> ()
    %run_scoped3A_877 = arith.constant 3 : i32
    %run_scoped3A_878 = arith.constant 3 : i32
    "tpu.region"() ({
      %run_scoped3A_943 = tpu.sem_alloc : memref<!tpu.dma_semaphore, #tpu.memory_space<semaphore_mem>>
      %dma_start3A_944 = arith.constant 0 : i32
      %dma_start3A_945 = tpu.memref_slice %arg7[%run_scoped3A_877, %dma_start3A_944] : memref<32x128xf32, #tpu.memory_space<vmem>> -> memref<1x128xf32, #tpu.memory_space<vmem>>
      %dma_start3A_946 = tpu.memref_squeeze %dma_start3A_945 : memref<1x128xf32, #tpu.memory_space<vmem>> -> memref<128xf32, #tpu.memory_space<vmem>>
      %dma_start3A_947 = arith.constant 0 : i32
      %dma_start3A_948 = tpu.memref_slice %arg8[%run_scoped3A_878, %dma_start3A_947] : memref<32x128xi32, #tpu.memory_space<vmem>> -> memref<1x128xi32, #tpu.memory_space<vmem>>
      %dma_start3A_949 = tpu.memref_squeeze %dma_start3A_948 : memref<1x128xi32, #tpu.memory_space<vmem>> -> memref<128xi32, #tpu.memory_space<vmem>>
      %dma_start3A_950 = arith.constant 0 : i32
      %dma_start3A_951 = tpu.memref_slice %arg10[%dma_start3A_950] : memref<1048704xf32, #tpu.memory_space<vmem_shared>> -> memref<1048704xf32, #tpu.memory_space<vmem_shared>>
      tpu.enqueue_indirect_dma source(%dma_start3A_946 : memref<128xf32, #tpu.memory_space<vmem>>) target(%dma_start3A_951 : memref<1048704xf32, #tpu.memory_space<vmem_shared>>) offsets(%dma_start3A_949 : memref<128xi32, #tpu.memory_space<vmem>>) semaphore(%run_scoped3A_943 : memref<!tpu.dma_semaphore, #tpu.memory_space<semaphore_mem>>) {add = true}
      %dma_wait3A_952 = arith.constant 0 : i32
      %dma_wait3A_953 = tpu.memref_slice %arg7[%run_scoped3A_877, %dma_wait3A_952] : memref<32x128xf32, #tpu.memory_space<vmem>> -> memref<1x128xf32, #tpu.memory_space<vmem>>
      %dma_wait3A_954 = tpu.memref_squeeze %dma_wait3A_953 : memref<1x128xf32, #tpu.memory_space<vmem>> -> memref<128xf32, #tpu.memory_space<vmem>>
      %dma_wait3A_955 = arith.constant 0 : i32
      %dma_wait3A_956 = tpu.memref_slice %arg8[%run_scoped3A_878, %dma_wait3A_955] : memref<32x128xi32, #tpu.memory_space<vmem>> -> memref<1x128xi32, #tpu.memory_space<vmem>>
      %dma_wait3A_957 = tpu.memref_squeeze %dma_wait3A_956 : memref<1x128xi32, #tpu.memory_space<vmem>> -> memref<128xi32, #tpu.memory_space<vmem>>
      %dma_wait3A_958 = arith.constant 0 : i32
      %dma_wait3A_959 = tpu.memref_slice %arg10[%dma_wait3A_958] : memref<1048704xf32, #tpu.memory_space<vmem_shared>> -> memref<1048704xf32, #tpu.memory_space<vmem_shared>>
      tpu.wait_indirect_dma semaphore(%run_scoped3A_943 : memref<!tpu.dma_semaphore, #tpu.memory_space<semaphore_mem>>) src(%dma_wait3A_954 : memref<128xf32, #tpu.memory_space<vmem>>) dst(%dma_wait3A_959 : memref<1048704xf32, #tpu.memory_space<vmem_shared>>)
      tpu.yield
    }) : () -> ()
    %run_scoped3A_879 = arith.constant 4 : i32
    %run_scoped3A_880 = arith.constant 4 : i32
    "tpu.region"() ({
      %run_scoped3A_943 = tpu.sem_alloc : memref<!tpu.dma_semaphore, #tpu.memory_space<semaphore_mem>>
      %dma_start3A_944 = arith.constant 0 : i32
      %dma_start3A_945 = tpu.memref_slice %arg7[%run_scoped3A_879, %dma_start3A_944] : memref<32x128xf32, #tpu.memory_space<vmem>> -> memref<1x128xf32, #tpu.memory_space<vmem>>
      %dma_start3A_946 = tpu.memref_squeeze %dma_start3A_945 : memref<1x128xf32, #tpu.memory_space<vmem>> -> memref<128xf32, #tpu.memory_space<vmem>>
      %dma_start3A_947 = arith.constant 0 : i32
      %dma_start3A_948 = tpu.memref_slice %arg8[%run_scoped3A_880, %dma_start3A_947] : memref<32x128xi32, #tpu.memory_space<vmem>> -> memref<1x128xi32, #tpu.memory_space<vmem>>
      %dma_start3A_949 = tpu.memref_squeeze %dma_start3A_948 : memref<1x128xi32, #tpu.memory_space<vmem>> -> memref<128xi32, #tpu.memory_space<vmem>>
      %dma_start3A_950 = arith.constant 0 : i32
      %dma_start3A_951 = tpu.memref_slice %arg10[%dma_start3A_950] : memref<1048704xf32, #tpu.memory_space<vmem_shared>> -> memref<1048704xf32, #tpu.memory_space<vmem_shared>>
      tpu.enqueue_indirect_dma source(%dma_start3A_946 : memref<128xf32, #tpu.memory_space<vmem>>) target(%dma_start3A_951 : memref<1048704xf32, #tpu.memory_space<vmem_shared>>) offsets(%dma_start3A_949 : memref<128xi32, #tpu.memory_space<vmem>>) semaphore(%run_scoped3A_943 : memref<!tpu.dma_semaphore, #tpu.memory_space<semaphore_mem>>) {add = true}
      %dma_wait3A_952 = arith.constant 0 : i32
      %dma_wait3A_953 = tpu.memref_slice %arg7[%run_scoped3A_879, %dma_wait3A_952] : memref<32x128xf32, #tpu.memory_space<vmem>> -> memref<1x128xf32, #tpu.memory_space<vmem>>
      %dma_wait3A_954 = tpu.memref_squeeze %dma_wait3A_953 : memref<1x128xf32, #tpu.memory_space<vmem>> -> memref<128xf32, #tpu.memory_space<vmem>>
      %dma_wait3A_955 = arith.constant 0 : i32
      %dma_wait3A_956 = tpu.memref_slice %arg8[%run_scoped3A_880, %dma_wait3A_955] : memref<32x128xi32, #tpu.memory_space<vmem>> -> memref<1x128xi32, #tpu.memory_space<vmem>>
      %dma_wait3A_957 = tpu.memref_squeeze %dma_wait3A_956 : memref<1x128xi32, #tpu.memory_space<vmem>> -> memref<128xi32, #tpu.memory_space<vmem>>
      %dma_wait3A_958 = arith.constant 0 : i32
      %dma_wait3A_959 = tpu.memref_slice %arg10[%dma_wait3A_958] : memref<1048704xf32, #tpu.memory_space<vmem_shared>> -> memref<1048704xf32, #tpu.memory_space<vmem_shared>>
      tpu.wait_indirect_dma semaphore(%run_scoped3A_943 : memref<!tpu.dma_semaphore, #tpu.memory_space<semaphore_mem>>) src(%dma_wait3A_954 : memref<128xf32, #tpu.memory_space<vmem>>) dst(%dma_wait3A_959 : memref<1048704xf32, #tpu.memory_space<vmem_shared>>)
      tpu.yield
    }) : () -> ()
    %run_scoped3A_881 = arith.constant 5 : i32
    %run_scoped3A_882 = arith.constant 5 : i32
    "tpu.region"() ({
      %run_scoped3A_943 = tpu.sem_alloc : memref<!tpu.dma_semaphore, #tpu.memory_space<semaphore_mem>>
      %dma_start3A_944 = arith.constant 0 : i32
      %dma_start3A_945 = tpu.memref_slice %arg7[%run_scoped3A_881, %dma_start3A_944] : memref<32x128xf32, #tpu.memory_space<vmem>> -> memref<1x128xf32, #tpu.memory_space<vmem>>
      %dma_start3A_946 = tpu.memref_squeeze %dma_start3A_945 : memref<1x128xf32, #tpu.memory_space<vmem>> -> memref<128xf32, #tpu.memory_space<vmem>>
      %dma_start3A_947 = arith.constant 0 : i32
      %dma_start3A_948 = tpu.memref_slice %arg8[%run_scoped3A_882, %dma_start3A_947] : memref<32x128xi32, #tpu.memory_space<vmem>> -> memref<1x128xi32, #tpu.memory_space<vmem>>
      %dma_start3A_949 = tpu.memref_squeeze %dma_start3A_948 : memref<1x128xi32, #tpu.memory_space<vmem>> -> memref<128xi32, #tpu.memory_space<vmem>>
      %dma_start3A_950 = arith.constant 0 : i32
      %dma_start3A_951 = tpu.memref_slice %arg10[%dma_start3A_950] : memref<1048704xf32, #tpu.memory_space<vmem_shared>> -> memref<1048704xf32, #tpu.memory_space<vmem_shared>>
      tpu.enqueue_indirect_dma source(%dma_start3A_946 : memref<128xf32, #tpu.memory_space<vmem>>) target(%dma_start3A_951 : memref<1048704xf32, #tpu.memory_space<vmem_shared>>) offsets(%dma_start3A_949 : memref<128xi32, #tpu.memory_space<vmem>>) semaphore(%run_scoped3A_943 : memref<!tpu.dma_semaphore, #tpu.memory_space<semaphore_mem>>) {add = true}
      %dma_wait3A_952 = arith.constant 0 : i32
      %dma_wait3A_953 = tpu.memref_slice %arg7[%run_scoped3A_881, %dma_wait3A_952] : memref<32x128xf32, #tpu.memory_space<vmem>> -> memref<1x128xf32, #tpu.memory_space<vmem>>
      %dma_wait3A_954 = tpu.memref_squeeze %dma_wait3A_953 : memref<1x128xf32, #tpu.memory_space<vmem>> -> memref<128xf32, #tpu.memory_space<vmem>>
      %dma_wait3A_955 = arith.constant 0 : i32
      %dma_wait3A_956 = tpu.memref_slice %arg8[%run_scoped3A_882, %dma_wait3A_955] : memref<32x128xi32, #tpu.memory_space<vmem>> -> memref<1x128xi32, #tpu.memory_space<vmem>>
      %dma_wait3A_957 = tpu.memref_squeeze %dma_wait3A_956 : memref<1x128xi32, #tpu.memory_space<vmem>> -> memref<128xi32, #tpu.memory_space<vmem>>
      %dma_wait3A_958 = arith.constant 0 : i32
      %dma_wait3A_959 = tpu.memref_slice %arg10[%dma_wait3A_958] : memref<1048704xf32, #tpu.memory_space<vmem_shared>> -> memref<1048704xf32, #tpu.memory_space<vmem_shared>>
      tpu.wait_indirect_dma semaphore(%run_scoped3A_943 : memref<!tpu.dma_semaphore, #tpu.memory_space<semaphore_mem>>) src(%dma_wait3A_954 : memref<128xf32, #tpu.memory_space<vmem>>) dst(%dma_wait3A_959 : memref<1048704xf32, #tpu.memory_space<vmem_shared>>)
      tpu.yield
    }) : () -> ()
    %run_scoped3A_883 = arith.constant 6 : i32
    %run_scoped3A_884 = arith.constant 6 : i32
    "tpu.region"() ({
      %run_scoped3A_943 = tpu.sem_alloc : memref<!tpu.dma_semaphore, #tpu.memory_space<semaphore_mem>>
      %dma_start3A_944 = arith.constant 0 : i32
      %dma_start3A_945 = tpu.memref_slice %arg7[%run_scoped3A_883, %dma_start3A_944] : memref<32x128xf32, #tpu.memory_space<vmem>> -> memref<1x128xf32, #tpu.memory_space<vmem>>
      %dma_start3A_946 = tpu.memref_squeeze %dma_start3A_945 : memref<1x128xf32, #tpu.memory_space<vmem>> -> memref<128xf32, #tpu.memory_space<vmem>>
      %dma_start3A_947 = arith.constant 0 : i32
      %dma_start3A_948 = tpu.memref_slice %arg8[%run_scoped3A_884, %dma_start3A_947] : memref<32x128xi32, #tpu.memory_space<vmem>> -> memref<1x128xi32, #tpu.memory_space<vmem>>
      %dma_start3A_949 = tpu.memref_squeeze %dma_start3A_948 : memref<1x128xi32, #tpu.memory_space<vmem>> -> memref<128xi32, #tpu.memory_space<vmem>>
      %dma_start3A_950 = arith.constant 0 : i32
      %dma_start3A_951 = tpu.memref_slice %arg10[%dma_start3A_950] : memref<1048704xf32, #tpu.memory_space<vmem_shared>> -> memref<1048704xf32, #tpu.memory_space<vmem_shared>>
      tpu.enqueue_indirect_dma source(%dma_start3A_946 : memref<128xf32, #tpu.memory_space<vmem>>) target(%dma_start3A_951 : memref<1048704xf32, #tpu.memory_space<vmem_shared>>) offsets(%dma_start3A_949 : memref<128xi32, #tpu.memory_space<vmem>>) semaphore(%run_scoped3A_943 : memref<!tpu.dma_semaphore, #tpu.memory_space<semaphore_mem>>) {add = true}
      %dma_wait3A_952 = arith.constant 0 : i32
      %dma_wait3A_953 = tpu.memref_slice %arg7[%run_scoped3A_883, %dma_wait3A_952] : memref<32x128xf32, #tpu.memory_space<vmem>> -> memref<1x128xf32, #tpu.memory_space<vmem>>
      %dma_wait3A_954 = tpu.memref_squeeze %dma_wait3A_953 : memref<1x128xf32, #tpu.memory_space<vmem>> -> memref<128xf32, #tpu.memory_space<vmem>>
      %dma_wait3A_955 = arith.constant 0 : i32
      %dma_wait3A_956 = tpu.memref_slice %arg8[%run_scoped3A_884, %dma_wait3A_955] : memref<32x128xi32, #tpu.memory_space<vmem>> -> memref<1x128xi32, #tpu.memory_space<vmem>>
      %dma_wait3A_957 = tpu.memref_squeeze %dma_wait3A_956 : memref<1x128xi32, #tpu.memory_space<vmem>> -> memref<128xi32, #tpu.memory_space<vmem>>
      %dma_wait3A_958 = arith.constant 0 : i32
      %dma_wait3A_959 = tpu.memref_slice %arg10[%dma_wait3A_958] : memref<1048704xf32, #tpu.memory_space<vmem_shared>> -> memref<1048704xf32, #tpu.memory_space<vmem_shared>>
      tpu.wait_indirect_dma semaphore(%run_scoped3A_943 : memref<!tpu.dma_semaphore, #tpu.memory_space<semaphore_mem>>) src(%dma_wait3A_954 : memref<128xf32, #tpu.memory_space<vmem>>) dst(%dma_wait3A_959 : memref<1048704xf32, #tpu.memory_space<vmem_shared>>)
      tpu.yield
    }) : () -> ()
    %run_scoped3A_885 = arith.constant 7 : i32
    %run_scoped3A_886 = arith.constant 7 : i32
    "tpu.region"() ({
      %run_scoped3A_943 = tpu.sem_alloc : memref<!tpu.dma_semaphore, #tpu.memory_space<semaphore_mem>>
      %dma_start3A_944 = arith.constant 0 : i32
      %dma_start3A_945 = tpu.memref_slice %arg7[%run_scoped3A_885, %dma_start3A_944] : memref<32x128xf32, #tpu.memory_space<vmem>> -> memref<1x128xf32, #tpu.memory_space<vmem>>
      %dma_start3A_946 = tpu.memref_squeeze %dma_start3A_945 : memref<1x128xf32, #tpu.memory_space<vmem>> -> memref<128xf32, #tpu.memory_space<vmem>>
      %dma_start3A_947 = arith.constant 0 : i32
      %dma_start3A_948 = tpu.memref_slice %arg8[%run_scoped3A_886, %dma_start3A_947] : memref<32x128xi32, #tpu.memory_space<vmem>> -> memref<1x128xi32, #tpu.memory_space<vmem>>
      %dma_start3A_949 = tpu.memref_squeeze %dma_start3A_948 : memref<1x128xi32, #tpu.memory_space<vmem>> -> memref<128xi32, #tpu.memory_space<vmem>>
      %dma_start3A_950 = arith.constant 0 : i32
      %dma_start3A_951 = tpu.memref_slice %arg10[%dma_start3A_950] : memref<1048704xf32, #tpu.memory_space<vmem_shared>> -> memref<1048704xf32, #tpu.memory_space<vmem_shared>>
      tpu.enqueue_indirect_dma source(%dma_start3A_946 : memref<128xf32, #tpu.memory_space<vmem>>) target(%dma_start3A_951 : memref<1048704xf32, #tpu.memory_space<vmem_shared>>) offsets(%dma_start3A_949 : memref<128xi32, #tpu.memory_space<vmem>>) semaphore(%run_scoped3A_943 : memref<!tpu.dma_semaphore, #tpu.memory_space<semaphore_mem>>) {add = true}
      %dma_wait3A_952 = arith.constant 0 : i32
      %dma_wait3A_953 = tpu.memref_slice %arg7[%run_scoped3A_885, %dma_wait3A_952] : memref<32x128xf32, #tpu.memory_space<vmem>> -> memref<1x128xf32, #tpu.memory_space<vmem>>
      %dma_wait3A_954 = tpu.memref_squeeze %dma_wait3A_953 : memref<1x128xf32, #tpu.memory_space<vmem>> -> memref<128xf32, #tpu.memory_space<vmem>>
      %dma_wait3A_955 = arith.constant 0 : i32
      %dma_wait3A_956 = tpu.memref_slice %arg8[%run_scoped3A_886, %dma_wait3A_955] : memref<32x128xi32, #tpu.memory_space<vmem>> -> memref<1x128xi32, #tpu.memory_space<vmem>>
      %dma_wait3A_957 = tpu.memref_squeeze %dma_wait3A_956 : memref<1x128xi32, #tpu.memory_space<vmem>> -> memref<128xi32, #tpu.memory_space<vmem>>
      %dma_wait3A_958 = arith.constant 0 : i32
      %dma_wait3A_959 = tpu.memref_slice %arg10[%dma_wait3A_958] : memref<1048704xf32, #tpu.memory_space<vmem_shared>> -> memref<1048704xf32, #tpu.memory_space<vmem_shared>>
      tpu.wait_indirect_dma semaphore(%run_scoped3A_943 : memref<!tpu.dma_semaphore, #tpu.memory_space<semaphore_mem>>) src(%dma_wait3A_954 : memref<128xf32, #tpu.memory_space<vmem>>) dst(%dma_wait3A_959 : memref<1048704xf32, #tpu.memory_space<vmem_shared>>)
      tpu.yield
    }) : () -> ()
    %run_scoped3A_887 = arith.constant 8 : i32
    %run_scoped3A_888 = arith.constant 8 : i32
    "tpu.region"() ({
      %run_scoped3A_943 = tpu.sem_alloc : memref<!tpu.dma_semaphore, #tpu.memory_space<semaphore_mem>>
      %dma_start3A_944 = arith.constant 0 : i32
      %dma_start3A_945 = tpu.memref_slice %arg7[%run_scoped3A_887, %dma_start3A_944] : memref<32x128xf32, #tpu.memory_space<vmem>> -> memref<1x128xf32, #tpu.memory_space<vmem>>
      %dma_start3A_946 = tpu.memref_squeeze %dma_start3A_945 : memref<1x128xf32, #tpu.memory_space<vmem>> -> memref<128xf32, #tpu.memory_space<vmem>>
      %dma_start3A_947 = arith.constant 0 : i32
      %dma_start3A_948 = tpu.memref_slice %arg8[%run_scoped3A_888, %dma_start3A_947] : memref<32x128xi32, #tpu.memory_space<vmem>> -> memref<1x128xi32, #tpu.memory_space<vmem>>
      %dma_start3A_949 = tpu.memref_squeeze %dma_start3A_948 : memref<1x128xi32, #tpu.memory_space<vmem>> -> memref<128xi32, #tpu.memory_space<vmem>>
      %dma_start3A_950 = arith.constant 0 : i32
      %dma_start3A_951 = tpu.memref_slice %arg10[%dma_start3A_950] : memref<1048704xf32, #tpu.memory_space<vmem_shared>> -> memref<1048704xf32, #tpu.memory_space<vmem_shared>>
      tpu.enqueue_indirect_dma source(%dma_start3A_946 : memref<128xf32, #tpu.memory_space<vmem>>) target(%dma_start3A_951 : memref<1048704xf32, #tpu.memory_space<vmem_shared>>) offsets(%dma_start3A_949 : memref<128xi32, #tpu.memory_space<vmem>>) semaphore(%run_scoped3A_943 : memref<!tpu.dma_semaphore, #tpu.memory_space<semaphore_mem>>) {add = true}
      %dma_wait3A_952 = arith.constant 0 : i32
      %dma_wait3A_953 = tpu.memref_slice %arg7[%run_scoped3A_887, %dma_wait3A_952] : memref<32x128xf32, #tpu.memory_space<vmem>> -> memref<1x128xf32, #tpu.memory_space<vmem>>
      %dma_wait3A_954 = tpu.memref_squeeze %dma_wait3A_953 : memref<1x128xf32, #tpu.memory_space<vmem>> -> memref<128xf32, #tpu.memory_space<vmem>>
      %dma_wait3A_955 = arith.constant 0 : i32
      %dma_wait3A_956 = tpu.memref_slice %arg8[%run_scoped3A_888, %dma_wait3A_955] : memref<32x128xi32, #tpu.memory_space<vmem>> -> memref<1x128xi32, #tpu.memory_space<vmem>>
      %dma_wait3A_957 = tpu.memref_squeeze %dma_wait3A_956 : memref<1x128xi32, #tpu.memory_space<vmem>> -> memref<128xi32, #tpu.memory_space<vmem>>
      %dma_wait3A_958 = arith.constant 0 : i32
      %dma_wait3A_959 = tpu.memref_slice %arg10[%dma_wait3A_958] : memref<1048704xf32, #tpu.memory_space<vmem_shared>> -> memref<1048704xf32, #tpu.memory_space<vmem_shared>>
      tpu.wait_indirect_dma semaphore(%run_scoped3A_943 : memref<!tpu.dma_semaphore, #tpu.memory_space<semaphore_mem>>) src(%dma_wait3A_954 : memref<128xf32, #tpu.memory_space<vmem>>) dst(%dma_wait3A_959 : memref<1048704xf32, #tpu.memory_space<vmem_shared>>)
      tpu.yield
    }) : () -> ()
    %run_scoped3A_889 = arith.constant 9 : i32
    %run_scoped3A_890 = arith.constant 9 : i32
    "tpu.region"() ({
      %run_scoped3A_943 = tpu.sem_alloc : memref<!tpu.dma_semaphore, #tpu.memory_space<semaphore_mem>>
      %dma_start3A_944 = arith.constant 0 : i32
      %dma_start3A_945 = tpu.memref_slice %arg7[%run_scoped3A_889, %dma_start3A_944] : memref<32x128xf32, #tpu.memory_space<vmem>> -> memref<1x128xf32, #tpu.memory_space<vmem>>
      %dma_start3A_946 = tpu.memref_squeeze %dma_start3A_945 : memref<1x128xf32, #tpu.memory_space<vmem>> -> memref<128xf32, #tpu.memory_space<vmem>>
      %dma_start3A_947 = arith.constant 0 : i32
      %dma_start3A_948 = tpu.memref_slice %arg8[%run_scoped3A_890, %dma_start3A_947] : memref<32x128xi32, #tpu.memory_space<vmem>> -> memref<1x128xi32, #tpu.memory_space<vmem>>
      %dma_start3A_949 = tpu.memref_squeeze %dma_start3A_948 : memref<1x128xi32, #tpu.memory_space<vmem>> -> memref<128xi32, #tpu.memory_space<vmem>>
      %dma_start3A_950 = arith.constant 0 : i32
      %dma_start3A_951 = tpu.memref_slice %arg10[%dma_start3A_950] : memref<1048704xf32, #tpu.memory_space<vmem_shared>> -> memref<1048704xf32, #tpu.memory_space<vmem_shared>>
      tpu.enqueue_indirect_dma source(%dma_start3A_946 : memref<128xf32, #tpu.memory_space<vmem>>) target(%dma_start3A_951 : memref<1048704xf32, #tpu.memory_space<vmem_shared>>) offsets(%dma_start3A_949 : memref<128xi32, #tpu.memory_space<vmem>>) semaphore(%run_scoped3A_943 : memref<!tpu.dma_semaphore, #tpu.memory_space<semaphore_mem>>) {add = true}
      %dma_wait3A_952 = arith.constant 0 : i32
      %dma_wait3A_953 = tpu.memref_slice %arg7[%run_scoped3A_889, %dma_wait3A_952] : memref<32x128xf32, #tpu.memory_space<vmem>> -> memref<1x128xf32, #tpu.memory_space<vmem>>
      %dma_wait3A_954 = tpu.memref_squeeze %dma_wait3A_953 : memref<1x128xf32, #tpu.memory_space<vmem>> -> memref<128xf32, #tpu.memory_space<vmem>>
      %dma_wait3A_955 = arith.constant 0 : i32
      %dma_wait3A_956 = tpu.memref_slice %arg8[%run_scoped3A_890, %dma_wait3A_955] : memref<32x128xi32, #tpu.memory_space<vmem>> -> memref<1x128xi32, #tpu.memory_space<vmem>>
      %dma_wait3A_957 = tpu.memref_squeeze %dma_wait3A_956 : memref<1x128xi32, #tpu.memory_space<vmem>> -> memref<128xi32, #tpu.memory_space<vmem>>
      %dma_wait3A_958 = arith.constant 0 : i32
      %dma_wait3A_959 = tpu.memref_slice %arg10[%dma_wait3A_958] : memref<1048704xf32, #tpu.memory_space<vmem_shared>> -> memref<1048704xf32, #tpu.memory_space<vmem_shared>>
      tpu.wait_indirect_dma semaphore(%run_scoped3A_943 : memref<!tpu.dma_semaphore, #tpu.memory_space<semaphore_mem>>) src(%dma_wait3A_954 : memref<128xf32, #tpu.memory_space<vmem>>) dst(%dma_wait3A_959 : memref<1048704xf32, #tpu.memory_space<vmem_shared>>)
      tpu.yield
    }) : () -> ()
    %run_scoped3A_891 = arith.constant 10 : i32
    %run_scoped3A_892 = arith.constant 10 : i32
    "tpu.region"() ({
      %run_scoped3A_943 = tpu.sem_alloc : memref<!tpu.dma_semaphore, #tpu.memory_space<semaphore_mem>>
      %dma_start3A_944 = arith.constant 0 : i32
      %dma_start3A_945 = tpu.memref_slice %arg7[%run_scoped3A_891, %dma_start3A_944] : memref<32x128xf32, #tpu.memory_space<vmem>> -> memref<1x128xf32, #tpu.memory_space<vmem>>
      %dma_start3A_946 = tpu.memref_squeeze %dma_start3A_945 : memref<1x128xf32, #tpu.memory_space<vmem>> -> memref<128xf32, #tpu.memory_space<vmem>>
      %dma_start3A_947 = arith.constant 0 : i32
      %dma_start3A_948 = tpu.memref_slice %arg8[%run_scoped3A_892, %dma_start3A_947] : memref<32x128xi32, #tpu.memory_space<vmem>> -> memref<1x128xi32, #tpu.memory_space<vmem>>
      %dma_start3A_949 = tpu.memref_squeeze %dma_start3A_948 : memref<1x128xi32, #tpu.memory_space<vmem>> -> memref<128xi32, #tpu.memory_space<vmem>>
      %dma_start3A_950 = arith.constant 0 : i32
      %dma_start3A_951 = tpu.memref_slice %arg10[%dma_start3A_950] : memref<1048704xf32, #tpu.memory_space<vmem_shared>> -> memref<1048704xf32, #tpu.memory_space<vmem_shared>>
      tpu.enqueue_indirect_dma source(%dma_start3A_946 : memref<128xf32, #tpu.memory_space<vmem>>) target(%dma_start3A_951 : memref<1048704xf32, #tpu.memory_space<vmem_shared>>) offsets(%dma_start3A_949 : memref<128xi32, #tpu.memory_space<vmem>>) semaphore(%run_scoped3A_943 : memref<!tpu.dma_semaphore, #tpu.memory_space<semaphore_mem>>) {add = true}
      %dma_wait3A_952 = arith.constant 0 : i32
      %dma_wait3A_953 = tpu.memref_slice %arg7[%run_scoped3A_891, %dma_wait3A_952] : memref<32x128xf32, #tpu.memory_space<vmem>> -> memref<1x128xf32, #tpu.memory_space<vmem>>
      %dma_wait3A_954 = tpu.memref_squeeze %dma_wait3A_953 : memref<1x128xf32, #tpu.memory_space<vmem>> -> memref<128xf32, #tpu.memory_space<vmem>>
      %dma_wait3A_955 = arith.constant 0 : i32
      %dma_wait3A_956 = tpu.memref_slice %arg8[%run_scoped3A_892, %dma_wait3A_955] : memref<32x128xi32, #tpu.memory_space<vmem>> -> memref<1x128xi32, #tpu.memory_space<vmem>>
      %dma_wait3A_957 = tpu.memref_squeeze %dma_wait3A_956 : memref<1x128xi32, #tpu.memory_space<vmem>> -> memref<128xi32, #tpu.memory_space<vmem>>
      %dma_wait3A_958 = arith.constant 0 : i32
      %dma_wait3A_959 = tpu.memref_slice %arg10[%dma_wait3A_958] : memref<1048704xf32, #tpu.memory_space<vmem_shared>> -> memref<1048704xf32, #tpu.memory_space<vmem_shared>>
      tpu.wait_indirect_dma semaphore(%run_scoped3A_943 : memref<!tpu.dma_semaphore, #tpu.memory_space<semaphore_mem>>) src(%dma_wait3A_954 : memref<128xf32, #tpu.memory_space<vmem>>) dst(%dma_wait3A_959 : memref<1048704xf32, #tpu.memory_space<vmem_shared>>)
      tpu.yield
    }) : () -> ()
    %run_scoped3A_893 = arith.constant 11 : i32
    %run_scoped3A_894 = arith.constant 11 : i32
    "tpu.region"() ({
      %run_scoped3A_943 = tpu.sem_alloc : memref<!tpu.dma_semaphore, #tpu.memory_space<semaphore_mem>>
      %dma_start3A_944 = arith.constant 0 : i32
      %dma_start3A_945 = tpu.memref_slice %arg7[%run_scoped3A_893, %dma_start3A_944] : memref<32x128xf32, #tpu.memory_space<vmem>> -> memref<1x128xf32, #tpu.memory_space<vmem>>
      %dma_start3A_946 = tpu.memref_squeeze %dma_start3A_945 : memref<1x128xf32, #tpu.memory_space<vmem>> -> memref<128xf32, #tpu.memory_space<vmem>>
      %dma_start3A_947 = arith.constant 0 : i32
      %dma_start3A_948 = tpu.memref_slice %arg8[%run_scoped3A_894, %dma_start3A_947] : memref<32x128xi32, #tpu.memory_space<vmem>> -> memref<1x128xi32, #tpu.memory_space<vmem>>
      %dma_start3A_949 = tpu.memref_squeeze %dma_start3A_948 : memref<1x128xi32, #tpu.memory_space<vmem>> -> memref<128xi32, #tpu.memory_space<vmem>>
      %dma_start3A_950 = arith.constant 0 : i32
      %dma_start3A_951 = tpu.memref_slice %arg10[%dma_start3A_950] : memref<1048704xf32, #tpu.memory_space<vmem_shared>> -> memref<1048704xf32, #tpu.memory_space<vmem_shared>>
      tpu.enqueue_indirect_dma source(%dma_start3A_946 : memref<128xf32, #tpu.memory_space<vmem>>) target(%dma_start3A_951 : memref<1048704xf32, #tpu.memory_space<vmem_shared>>) offsets(%dma_start3A_949 : memref<128xi32, #tpu.memory_space<vmem>>) semaphore(%run_scoped3A_943 : memref<!tpu.dma_semaphore, #tpu.memory_space<semaphore_mem>>) {add = true}
      %dma_wait3A_952 = arith.constant 0 : i32
      %dma_wait3A_953 = tpu.memref_slice %arg7[%run_scoped3A_893, %dma_wait3A_952] : memref<32x128xf32, #tpu.memory_space<vmem>> -> memref<1x128xf32, #tpu.memory_space<vmem>>
      %dma_wait3A_954 = tpu.memref_squeeze %dma_wait3A_953 : memref<1x128xf32, #tpu.memory_space<vmem>> -> memref<128xf32, #tpu.memory_space<vmem>>
      %dma_wait3A_955 = arith.constant 0 : i32
      %dma_wait3A_956 = tpu.memref_slice %arg8[%run_scoped3A_894, %dma_wait3A_955] : memref<32x128xi32, #tpu.memory_space<vmem>> -> memref<1x128xi32, #tpu.memory_space<vmem>>
      %dma_wait3A_957 = tpu.memref_squeeze %dma_wait3A_956 : memref<1x128xi32, #tpu.memory_space<vmem>> -> memref<128xi32, #tpu.memory_space<vmem>>
      %dma_wait3A_958 = arith.constant 0 : i32
      %dma_wait3A_959 = tpu.memref_slice %arg10[%dma_wait3A_958] : memref<1048704xf32, #tpu.memory_space<vmem_shared>> -> memref<1048704xf32, #tpu.memory_space<vmem_shared>>
      tpu.wait_indirect_dma semaphore(%run_scoped3A_943 : memref<!tpu.dma_semaphore, #tpu.memory_space<semaphore_mem>>) src(%dma_wait3A_954 : memref<128xf32, #tpu.memory_space<vmem>>) dst(%dma_wait3A_959 : memref<1048704xf32, #tpu.memory_space<vmem_shared>>)
      tpu.yield
    }) : () -> ()
    %run_scoped3A_895 = arith.constant 12 : i32
    %run_scoped3A_896 = arith.constant 12 : i32
    "tpu.region"() ({
      %run_scoped3A_943 = tpu.sem_alloc : memref<!tpu.dma_semaphore, #tpu.memory_space<semaphore_mem>>
      %dma_start3A_944 = arith.constant 0 : i32
      %dma_start3A_945 = tpu.memref_slice %arg7[%run_scoped3A_895, %dma_start3A_944] : memref<32x128xf32, #tpu.memory_space<vmem>> -> memref<1x128xf32, #tpu.memory_space<vmem>>
      %dma_start3A_946 = tpu.memref_squeeze %dma_start3A_945 : memref<1x128xf32, #tpu.memory_space<vmem>> -> memref<128xf32, #tpu.memory_space<vmem>>
      %dma_start3A_947 = arith.constant 0 : i32
      %dma_start3A_948 = tpu.memref_slice %arg8[%run_scoped3A_896, %dma_start3A_947] : memref<32x128xi32, #tpu.memory_space<vmem>> -> memref<1x128xi32, #tpu.memory_space<vmem>>
      %dma_start3A_949 = tpu.memref_squeeze %dma_start3A_948 : memref<1x128xi32, #tpu.memory_space<vmem>> -> memref<128xi32, #tpu.memory_space<vmem>>
      %dma_start3A_950 = arith.constant 0 : i32
      %dma_start3A_951 = tpu.memref_slice %arg10[%dma_start3A_950] : memref<1048704xf32, #tpu.memory_space<vmem_shared>> -> memref<1048704xf32, #tpu.memory_space<vmem_shared>>
      tpu.enqueue_indirect_dma source(%dma_start3A_946 : memref<128xf32, #tpu.memory_space<vmem>>) target(%dma_start3A_951 : memref<1048704xf32, #tpu.memory_space<vmem_shared>>) offsets(%dma_start3A_949 : memref<128xi32, #tpu.memory_space<vmem>>) semaphore(%run_scoped3A_943 : memref<!tpu.dma_semaphore, #tpu.memory_space<semaphore_mem>>) {add = true}
      %dma_wait3A_952 = arith.constant 0 : i32
      %dma_wait3A_953 = tpu.memref_slice %arg7[%run_scoped3A_895, %dma_wait3A_952] : memref<32x128xf32, #tpu.memory_space<vmem>> -> memref<1x128xf32, #tpu.memory_space<vmem>>
      %dma_wait3A_954 = tpu.memref_squeeze %dma_wait3A_953 : memref<1x128xf32, #tpu.memory_space<vmem>> -> memref<128xf32, #tpu.memory_space<vmem>>
      %dma_wait3A_955 = arith.constant 0 : i32
      %dma_wait3A_956 = tpu.memref_slice %arg8[%run_scoped3A_896, %dma_wait3A_955] : memref<32x128xi32, #tpu.memory_space<vmem>> -> memref<1x128xi32, #tpu.memory_space<vmem>>
      %dma_wait3A_957 = tpu.memref_squeeze %dma_wait3A_956 : memref<1x128xi32, #tpu.memory_space<vmem>> -> memref<128xi32, #tpu.memory_space<vmem>>
      %dma_wait3A_958 = arith.constant 0 : i32
      %dma_wait3A_959 = tpu.memref_slice %arg10[%dma_wait3A_958] : memref<1048704xf32, #tpu.memory_space<vmem_shared>> -> memref<1048704xf32, #tpu.memory_space<vmem_shared>>
      tpu.wait_indirect_dma semaphore(%run_scoped3A_943 : memref<!tpu.dma_semaphore, #tpu.memory_space<semaphore_mem>>) src(%dma_wait3A_954 : memref<128xf32, #tpu.memory_space<vmem>>) dst(%dma_wait3A_959 : memref<1048704xf32, #tpu.memory_space<vmem_shared>>)
      tpu.yield
    }) : () -> ()
    %run_scoped3A_897 = arith.constant 13 : i32
    %run_scoped3A_898 = arith.constant 13 : i32
    "tpu.region"() ({
      %run_scoped3A_943 = tpu.sem_alloc : memref<!tpu.dma_semaphore, #tpu.memory_space<semaphore_mem>>
      %dma_start3A_944 = arith.constant 0 : i32
      %dma_start3A_945 = tpu.memref_slice %arg7[%run_scoped3A_897, %dma_start3A_944] : memref<32x128xf32, #tpu.memory_space<vmem>> -> memref<1x128xf32, #tpu.memory_space<vmem>>
      %dma_start3A_946 = tpu.memref_squeeze %dma_start3A_945 : memref<1x128xf32, #tpu.memory_space<vmem>> -> memref<128xf32, #tpu.memory_space<vmem>>
      %dma_start3A_947 = arith.constant 0 : i32
      %dma_start3A_948 = tpu.memref_slice %arg8[%run_scoped3A_898, %dma_start3A_947] : memref<32x128xi32, #tpu.memory_space<vmem>> -> memref<1x128xi32, #tpu.memory_space<vmem>>
      %dma_start3A_949 = tpu.memref_squeeze %dma_start3A_948 : memref<1x128xi32, #tpu.memory_space<vmem>> -> memref<128xi32, #tpu.memory_space<vmem>>
      %dma_start3A_950 = arith.constant 0 : i32
      %dma_start3A_951 = tpu.memref_slice %arg10[%dma_start3A_950] : memref<1048704xf32, #tpu.memory_space<vmem_shared>> -> memref<1048704xf32, #tpu.memory_space<vmem_shared>>
      tpu.enqueue_indirect_dma source(%dma_start3A_946 : memref<128xf32, #tpu.memory_space<vmem>>) target(%dma_start3A_951 : memref<1048704xf32, #tpu.memory_space<vmem_shared>>) offsets(%dma_start3A_949 : memref<128xi32, #tpu.memory_space<vmem>>) semaphore(%run_scoped3A_943 : memref<!tpu.dma_semaphore, #tpu.memory_space<semaphore_mem>>) {add = true}
      %dma_wait3A_952 = arith.constant 0 : i32
      %dma_wait3A_953 = tpu.memref_slice %arg7[%run_scoped3A_897, %dma_wait3A_952] : memref<32x128xf32, #tpu.memory_space<vmem>> -> memref<1x128xf32, #tpu.memory_space<vmem>>
      %dma_wait3A_954 = tpu.memref_squeeze %dma_wait3A_953 : memref<1x128xf32, #tpu.memory_space<vmem>> -> memref<128xf32, #tpu.memory_space<vmem>>
      %dma_wait3A_955 = arith.constant 0 : i32
      %dma_wait3A_956 = tpu.memref_slice %arg8[%run_scoped3A_898, %dma_wait3A_955] : memref<32x128xi32, #tpu.memory_space<vmem>> -> memref<1x128xi32, #tpu.memory_space<vmem>>
      %dma_wait3A_957 = tpu.memref_squeeze %dma_wait3A_956 : memref<1x128xi32, #tpu.memory_space<vmem>> -> memref<128xi32, #tpu.memory_space<vmem>>
      %dma_wait3A_958 = arith.constant 0 : i32
      %dma_wait3A_959 = tpu.memref_slice %arg10[%dma_wait3A_958] : memref<1048704xf32, #tpu.memory_space<vmem_shared>> -> memref<1048704xf32, #tpu.memory_space<vmem_shared>>
      tpu.wait_indirect_dma semaphore(%run_scoped3A_943 : memref<!tpu.dma_semaphore, #tpu.memory_space<semaphore_mem>>) src(%dma_wait3A_954 : memref<128xf32, #tpu.memory_space<vmem>>) dst(%dma_wait3A_959 : memref<1048704xf32, #tpu.memory_space<vmem_shared>>)
      tpu.yield
    }) : () -> ()
    %run_scoped3A_899 = arith.constant 14 : i32
    %run_scoped3A_900 = arith.constant 14 : i32
    "tpu.region"() ({
      %run_scoped3A_943 = tpu.sem_alloc : memref<!tpu.dma_semaphore, #tpu.memory_space<semaphore_mem>>
      %dma_start3A_944 = arith.constant 0 : i32
      %dma_start3A_945 = tpu.memref_slice %arg7[%run_scoped3A_899, %dma_start3A_944] : memref<32x128xf32, #tpu.memory_space<vmem>> -> memref<1x128xf32, #tpu.memory_space<vmem>>
      %dma_start3A_946 = tpu.memref_squeeze %dma_start3A_945 : memref<1x128xf32, #tpu.memory_space<vmem>> -> memref<128xf32, #tpu.memory_space<vmem>>
      %dma_start3A_947 = arith.constant 0 : i32
      %dma_start3A_948 = tpu.memref_slice %arg8[%run_scoped3A_900, %dma_start3A_947] : memref<32x128xi32, #tpu.memory_space<vmem>> -> memref<1x128xi32, #tpu.memory_space<vmem>>
      %dma_start3A_949 = tpu.memref_squeeze %dma_start3A_948 : memref<1x128xi32, #tpu.memory_space<vmem>> -> memref<128xi32, #tpu.memory_space<vmem>>
      %dma_start3A_950 = arith.constant 0 : i32
      %dma_start3A_951 = tpu.memref_slice %arg10[%dma_start3A_950] : memref<1048704xf32, #tpu.memory_space<vmem_shared>> -> memref<1048704xf32, #tpu.memory_space<vmem_shared>>
      tpu.enqueue_indirect_dma source(%dma_start3A_946 : memref<128xf32, #tpu.memory_space<vmem>>) target(%dma_start3A_951 : memref<1048704xf32, #tpu.memory_space<vmem_shared>>) offsets(%dma_start3A_949 : memref<128xi32, #tpu.memory_space<vmem>>) semaphore(%run_scoped3A_943 : memref<!tpu.dma_semaphore, #tpu.memory_space<semaphore_mem>>) {add = true}
      %dma_wait3A_952 = arith.constant 0 : i32
      %dma_wait3A_953 = tpu.memref_slice %arg7[%run_scoped3A_899, %dma_wait3A_952] : memref<32x128xf32, #tpu.memory_space<vmem>> -> memref<1x128xf32, #tpu.memory_space<vmem>>
      %dma_wait3A_954 = tpu.memref_squeeze %dma_wait3A_953 : memref<1x128xf32, #tpu.memory_space<vmem>> -> memref<128xf32, #tpu.memory_space<vmem>>
      %dma_wait3A_955 = arith.constant 0 : i32
      %dma_wait3A_956 = tpu.memref_slice %arg8[%run_scoped3A_900, %dma_wait3A_955] : memref<32x128xi32, #tpu.memory_space<vmem>> -> memref<1x128xi32, #tpu.memory_space<vmem>>
      %dma_wait3A_957 = tpu.memref_squeeze %dma_wait3A_956 : memref<1x128xi32, #tpu.memory_space<vmem>> -> memref<128xi32, #tpu.memory_space<vmem>>
      %dma_wait3A_958 = arith.constant 0 : i32
      %dma_wait3A_959 = tpu.memref_slice %arg10[%dma_wait3A_958] : memref<1048704xf32, #tpu.memory_space<vmem_shared>> -> memref<1048704xf32, #tpu.memory_space<vmem_shared>>
      tpu.wait_indirect_dma semaphore(%run_scoped3A_943 : memref<!tpu.dma_semaphore, #tpu.memory_space<semaphore_mem>>) src(%dma_wait3A_954 : memref<128xf32, #tpu.memory_space<vmem>>) dst(%dma_wait3A_959 : memref<1048704xf32, #tpu.memory_space<vmem_shared>>)
      tpu.yield
    }) : () -> ()
    %run_scoped3A_901 = arith.constant 15 : i32
    %run_scoped3A_902 = arith.constant 15 : i32
    "tpu.region"() ({
      %run_scoped3A_943 = tpu.sem_alloc : memref<!tpu.dma_semaphore, #tpu.memory_space<semaphore_mem>>
      %dma_start3A_944 = arith.constant 0 : i32
      %dma_start3A_945 = tpu.memref_slice %arg7[%run_scoped3A_901, %dma_start3A_944] : memref<32x128xf32, #tpu.memory_space<vmem>> -> memref<1x128xf32, #tpu.memory_space<vmem>>
      %dma_start3A_946 = tpu.memref_squeeze %dma_start3A_945 : memref<1x128xf32, #tpu.memory_space<vmem>> -> memref<128xf32, #tpu.memory_space<vmem>>
      %dma_start3A_947 = arith.constant 0 : i32
      %dma_start3A_948 = tpu.memref_slice %arg8[%run_scoped3A_902, %dma_start3A_947] : memref<32x128xi32, #tpu.memory_space<vmem>> -> memref<1x128xi32, #tpu.memory_space<vmem>>
      %dma_start3A_949 = tpu.memref_squeeze %dma_start3A_948 : memref<1x128xi32, #tpu.memory_space<vmem>> -> memref<128xi32, #tpu.memory_space<vmem>>
      %dma_start3A_950 = arith.constant 0 : i32
      %dma_start3A_951 = tpu.memref_slice %arg10[%dma_start3A_950] : memref<1048704xf32, #tpu.memory_space<vmem_shared>> -> memref<1048704xf32, #tpu.memory_space<vmem_shared>>
      tpu.enqueue_indirect_dma source(%dma_start3A_946 : memref<128xf32, #tpu.memory_space<vmem>>) target(%dma_start3A_951 : memref<1048704xf32, #tpu.memory_space<vmem_shared>>) offsets(%dma_start3A_949 : memref<128xi32, #tpu.memory_space<vmem>>) semaphore(%run_scoped3A_943 : memref<!tpu.dma_semaphore, #tpu.memory_space<semaphore_mem>>) {add = true}
      %dma_wait3A_952 = arith.constant 0 : i32
      %dma_wait3A_953 = tpu.memref_slice %arg7[%run_scoped3A_901, %dma_wait3A_952] : memref<32x128xf32, #tpu.memory_space<vmem>> -> memref<1x128xf32, #tpu.memory_space<vmem>>
      %dma_wait3A_954 = tpu.memref_squeeze %dma_wait3A_953 : memref<1x128xf32, #tpu.memory_space<vmem>> -> memref<128xf32, #tpu.memory_space<vmem>>
      %dma_wait3A_955 = arith.constant 0 : i32
      %dma_wait3A_956 = tpu.memref_slice %arg8[%run_scoped3A_902, %dma_wait3A_955] : memref<32x128xi32, #tpu.memory_space<vmem>> -> memref<1x128xi32, #tpu.memory_space<vmem>>
      %dma_wait3A_957 = tpu.memref_squeeze %dma_wait3A_956 : memref<1x128xi32, #tpu.memory_space<vmem>> -> memref<128xi32, #tpu.memory_space<vmem>>
      %dma_wait3A_958 = arith.constant 0 : i32
      %dma_wait3A_959 = tpu.memref_slice %arg10[%dma_wait3A_958] : memref<1048704xf32, #tpu.memory_space<vmem_shared>> -> memref<1048704xf32, #tpu.memory_space<vmem_shared>>
      tpu.wait_indirect_dma semaphore(%run_scoped3A_943 : memref<!tpu.dma_semaphore, #tpu.memory_space<semaphore_mem>>) src(%dma_wait3A_954 : memref<128xf32, #tpu.memory_space<vmem>>) dst(%dma_wait3A_959 : memref<1048704xf32, #tpu.memory_space<vmem_shared>>)
      tpu.yield
    }) : () -> ()
    %run_scoped3A_903 = arith.constant 16 : i32
    %run_scoped3A_904 = arith.constant 16 : i32
    "tpu.region"() ({
      %run_scoped3A_943 = tpu.sem_alloc : memref<!tpu.dma_semaphore, #tpu.memory_space<semaphore_mem>>
      %dma_start3A_944 = arith.constant 0 : i32
      %dma_start3A_945 = tpu.memref_slice %arg7[%run_scoped3A_903, %dma_start3A_944] : memref<32x128xf32, #tpu.memory_space<vmem>> -> memref<1x128xf32, #tpu.memory_space<vmem>>
      %dma_start3A_946 = tpu.memref_squeeze %dma_start3A_945 : memref<1x128xf32, #tpu.memory_space<vmem>> -> memref<128xf32, #tpu.memory_space<vmem>>
      %dma_start3A_947 = arith.constant 0 : i32
      %dma_start3A_948 = tpu.memref_slice %arg8[%run_scoped3A_904, %dma_start3A_947] : memref<32x128xi32, #tpu.memory_space<vmem>> -> memref<1x128xi32, #tpu.memory_space<vmem>>
      %dma_start3A_949 = tpu.memref_squeeze %dma_start3A_948 : memref<1x128xi32, #tpu.memory_space<vmem>> -> memref<128xi32, #tpu.memory_space<vmem>>
      %dma_start3A_950 = arith.constant 0 : i32
      %dma_start3A_951 = tpu.memref_slice %arg10[%dma_start3A_950] : memref<1048704xf32, #tpu.memory_space<vmem_shared>> -> memref<1048704xf32, #tpu.memory_space<vmem_shared>>
      tpu.enqueue_indirect_dma source(%dma_start3A_946 : memref<128xf32, #tpu.memory_space<vmem>>) target(%dma_start3A_951 : memref<1048704xf32, #tpu.memory_space<vmem_shared>>) offsets(%dma_start3A_949 : memref<128xi32, #tpu.memory_space<vmem>>) semaphore(%run_scoped3A_943 : memref<!tpu.dma_semaphore, #tpu.memory_space<semaphore_mem>>) {add = true}
      %dma_wait3A_952 = arith.constant 0 : i32
      %dma_wait3A_953 = tpu.memref_slice %arg7[%run_scoped3A_903, %dma_wait3A_952] : memref<32x128xf32, #tpu.memory_space<vmem>> -> memref<1x128xf32, #tpu.memory_space<vmem>>
      %dma_wait3A_954 = tpu.memref_squeeze %dma_wait3A_953 : memref<1x128xf32, #tpu.memory_space<vmem>> -> memref<128xf32, #tpu.memory_space<vmem>>
      %dma_wait3A_955 = arith.constant 0 : i32
      %dma_wait3A_956 = tpu.memref_slice %arg8[%run_scoped3A_904, %dma_wait3A_955] : memref<32x128xi32, #tpu.memory_space<vmem>> -> memref<1x128xi32, #tpu.memory_space<vmem>>
      %dma_wait3A_957 = tpu.memref_squeeze %dma_wait3A_956 : memref<1x128xi32, #tpu.memory_space<vmem>> -> memref<128xi32, #tpu.memory_space<vmem>>
      %dma_wait3A_958 = arith.constant 0 : i32
      %dma_wait3A_959 = tpu.memref_slice %arg10[%dma_wait3A_958] : memref<1048704xf32, #tpu.memory_space<vmem_shared>> -> memref<1048704xf32, #tpu.memory_space<vmem_shared>>
      tpu.wait_indirect_dma semaphore(%run_scoped3A_943 : memref<!tpu.dma_semaphore, #tpu.memory_space<semaphore_mem>>) src(%dma_wait3A_954 : memref<128xf32, #tpu.memory_space<vmem>>) dst(%dma_wait3A_959 : memref<1048704xf32, #tpu.memory_space<vmem_shared>>)
      tpu.yield
    }) : () -> ()
    %run_scoped3A_905 = arith.constant 17 : i32
    %run_scoped3A_906 = arith.constant 17 : i32
    "tpu.region"() ({
      %run_scoped3A_943 = tpu.sem_alloc : memref<!tpu.dma_semaphore, #tpu.memory_space<semaphore_mem>>
      %dma_start3A_944 = arith.constant 0 : i32
      %dma_start3A_945 = tpu.memref_slice %arg7[%run_scoped3A_905, %dma_start3A_944] : memref<32x128xf32, #tpu.memory_space<vmem>> -> memref<1x128xf32, #tpu.memory_space<vmem>>
      %dma_start3A_946 = tpu.memref_squeeze %dma_start3A_945 : memref<1x128xf32, #tpu.memory_space<vmem>> -> memref<128xf32, #tpu.memory_space<vmem>>
      %dma_start3A_947 = arith.constant 0 : i32
      %dma_start3A_948 = tpu.memref_slice %arg8[%run_scoped3A_906, %dma_start3A_947] : memref<32x128xi32, #tpu.memory_space<vmem>> -> memref<1x128xi32, #tpu.memory_space<vmem>>
      %dma_start3A_949 = tpu.memref_squeeze %dma_start3A_948 : memref<1x128xi32, #tpu.memory_space<vmem>> -> memref<128xi32, #tpu.memory_space<vmem>>
      %dma_start3A_950 = arith.constant 0 : i32
      %dma_start3A_951 = tpu.memref_slice %arg10[%dma_start3A_950] : memref<1048704xf32, #tpu.memory_space<vmem_shared>> -> memref<1048704xf32, #tpu.memory_space<vmem_shared>>
      tpu.enqueue_indirect_dma source(%dma_start3A_946 : memref<128xf32, #tpu.memory_space<vmem>>) target(%dma_start3A_951 : memref<1048704xf32, #tpu.memory_space<vmem_shared>>) offsets(%dma_start3A_949 : memref<128xi32, #tpu.memory_space<vmem>>) semaphore(%run_scoped3A_943 : memref<!tpu.dma_semaphore, #tpu.memory_space<semaphore_mem>>) {add = true}
      %dma_wait3A_952 = arith.constant 0 : i32
      %dma_wait3A_953 = tpu.memref_slice %arg7[%run_scoped3A_905, %dma_wait3A_952] : memref<32x128xf32, #tpu.memory_space<vmem>> -> memref<1x128xf32, #tpu.memory_space<vmem>>
      %dma_wait3A_954 = tpu.memref_squeeze %dma_wait3A_953 : memref<1x128xf32, #tpu.memory_space<vmem>> -> memref<128xf32, #tpu.memory_space<vmem>>
      %dma_wait3A_955 = arith.constant 0 : i32
      %dma_wait3A_956 = tpu.memref_slice %arg8[%run_scoped3A_906, %dma_wait3A_955] : memref<32x128xi32, #tpu.memory_space<vmem>> -> memref<1x128xi32, #tpu.memory_space<vmem>>
      %dma_wait3A_957 = tpu.memref_squeeze %dma_wait3A_956 : memref<1x128xi32, #tpu.memory_space<vmem>> -> memref<128xi32, #tpu.memory_space<vmem>>
      %dma_wait3A_958 = arith.constant 0 : i32
      %dma_wait3A_959 = tpu.memref_slice %arg10[%dma_wait3A_958] : memref<1048704xf32, #tpu.memory_space<vmem_shared>> -> memref<1048704xf32, #tpu.memory_space<vmem_shared>>
      tpu.wait_indirect_dma semaphore(%run_scoped3A_943 : memref<!tpu.dma_semaphore, #tpu.memory_space<semaphore_mem>>) src(%dma_wait3A_954 : memref<128xf32, #tpu.memory_space<vmem>>) dst(%dma_wait3A_959 : memref<1048704xf32, #tpu.memory_space<vmem_shared>>)
      tpu.yield
    }) : () -> ()
    %run_scoped3A_907 = arith.constant 18 : i32
    %run_scoped3A_908 = arith.constant 18 : i32
    "tpu.region"() ({
      %run_scoped3A_943 = tpu.sem_alloc : memref<!tpu.dma_semaphore, #tpu.memory_space<semaphore_mem>>
      %dma_start3A_944 = arith.constant 0 : i32
      %dma_start3A_945 = tpu.memref_slice %arg7[%run_scoped3A_907, %dma_start3A_944] : memref<32x128xf32, #tpu.memory_space<vmem>> -> memref<1x128xf32, #tpu.memory_space<vmem>>
      %dma_start3A_946 = tpu.memref_squeeze %dma_start3A_945 : memref<1x128xf32, #tpu.memory_space<vmem>> -> memref<128xf32, #tpu.memory_space<vmem>>
      %dma_start3A_947 = arith.constant 0 : i32
      %dma_start3A_948 = tpu.memref_slice %arg8[%run_scoped3A_908, %dma_start3A_947] : memref<32x128xi32, #tpu.memory_space<vmem>> -> memref<1x128xi32, #tpu.memory_space<vmem>>
      %dma_start3A_949 = tpu.memref_squeeze %dma_start3A_948 : memref<1x128xi32, #tpu.memory_space<vmem>> -> memref<128xi32, #tpu.memory_space<vmem>>
      %dma_start3A_950 = arith.constant 0 : i32
      %dma_start3A_951 = tpu.memref_slice %arg10[%dma_start3A_950] : memref<1048704xf32, #tpu.memory_space<vmem_shared>> -> memref<1048704xf32, #tpu.memory_space<vmem_shared>>
      tpu.enqueue_indirect_dma source(%dma_start3A_946 : memref<128xf32, #tpu.memory_space<vmem>>) target(%dma_start3A_951 : memref<1048704xf32, #tpu.memory_space<vmem_shared>>) offsets(%dma_start3A_949 : memref<128xi32, #tpu.memory_space<vmem>>) semaphore(%run_scoped3A_943 : memref<!tpu.dma_semaphore, #tpu.memory_space<semaphore_mem>>) {add = true}
      %dma_wait3A_952 = arith.constant 0 : i32
      %dma_wait3A_953 = tpu.memref_slice %arg7[%run_scoped3A_907, %dma_wait3A_952] : memref<32x128xf32, #tpu.memory_space<vmem>> -> memref<1x128xf32, #tpu.memory_space<vmem>>
      %dma_wait3A_954 = tpu.memref_squeeze %dma_wait3A_953 : memref<1x128xf32, #tpu.memory_space<vmem>> -> memref<128xf32, #tpu.memory_space<vmem>>
      %dma_wait3A_955 = arith.constant 0 : i32
      %dma_wait3A_956 = tpu.memref_slice %arg8[%run_scoped3A_908, %dma_wait3A_955] : memref<32x128xi32, #tpu.memory_space<vmem>> -> memref<1x128xi32, #tpu.memory_space<vmem>>
      %dma_wait3A_957 = tpu.memref_squeeze %dma_wait3A_956 : memref<1x128xi32, #tpu.memory_space<vmem>> -> memref<128xi32, #tpu.memory_space<vmem>>
      %dma_wait3A_958 = arith.constant 0 : i32
      %dma_wait3A_959 = tpu.memref_slice %arg10[%dma_wait3A_958] : memref<1048704xf32, #tpu.memory_space<vmem_shared>> -> memref<1048704xf32, #tpu.memory_space<vmem_shared>>
      tpu.wait_indirect_dma semaphore(%run_scoped3A_943 : memref<!tpu.dma_semaphore, #tpu.memory_space<semaphore_mem>>) src(%dma_wait3A_954 : memref<128xf32, #tpu.memory_space<vmem>>) dst(%dma_wait3A_959 : memref<1048704xf32, #tpu.memory_space<vmem_shared>>)
      tpu.yield
    }) : () -> ()
    %run_scoped3A_909 = arith.constant 19 : i32
    %run_scoped3A_910 = arith.constant 19 : i32
    "tpu.region"() ({
      %run_scoped3A_943 = tpu.sem_alloc : memref<!tpu.dma_semaphore, #tpu.memory_space<semaphore_mem>>
      %dma_start3A_944 = arith.constant 0 : i32
      %dma_start3A_945 = tpu.memref_slice %arg7[%run_scoped3A_909, %dma_start3A_944] : memref<32x128xf32, #tpu.memory_space<vmem>> -> memref<1x128xf32, #tpu.memory_space<vmem>>
      %dma_start3A_946 = tpu.memref_squeeze %dma_start3A_945 : memref<1x128xf32, #tpu.memory_space<vmem>> -> memref<128xf32, #tpu.memory_space<vmem>>
      %dma_start3A_947 = arith.constant 0 : i32
      %dma_start3A_948 = tpu.memref_slice %arg8[%run_scoped3A_910, %dma_start3A_947] : memref<32x128xi32, #tpu.memory_space<vmem>> -> memref<1x128xi32, #tpu.memory_space<vmem>>
      %dma_start3A_949 = tpu.memref_squeeze %dma_start3A_948 : memref<1x128xi32, #tpu.memory_space<vmem>> -> memref<128xi32, #tpu.memory_space<vmem>>
      %dma_start3A_950 = arith.constant 0 : i32
      %dma_start3A_951 = tpu.memref_slice %arg10[%dma_start3A_950] : memref<1048704xf32, #tpu.memory_space<vmem_shared>> -> memref<1048704xf32, #tpu.memory_space<vmem_shared>>
      tpu.enqueue_indirect_dma source(%dma_start3A_946 : memref<128xf32, #tpu.memory_space<vmem>>) target(%dma_start3A_951 : memref<1048704xf32, #tpu.memory_space<vmem_shared>>) offsets(%dma_start3A_949 : memref<128xi32, #tpu.memory_space<vmem>>) semaphore(%run_scoped3A_943 : memref<!tpu.dma_semaphore, #tpu.memory_space<semaphore_mem>>) {add = true}
      %dma_wait3A_952 = arith.constant 0 : i32
      %dma_wait3A_953 = tpu.memref_slice %arg7[%run_scoped3A_909, %dma_wait3A_952] : memref<32x128xf32, #tpu.memory_space<vmem>> -> memref<1x128xf32, #tpu.memory_space<vmem>>
      %dma_wait3A_954 = tpu.memref_squeeze %dma_wait3A_953 : memref<1x128xf32, #tpu.memory_space<vmem>> -> memref<128xf32, #tpu.memory_space<vmem>>
      %dma_wait3A_955 = arith.constant 0 : i32
      %dma_wait3A_956 = tpu.memref_slice %arg8[%run_scoped3A_910, %dma_wait3A_955] : memref<32x128xi32, #tpu.memory_space<vmem>> -> memref<1x128xi32, #tpu.memory_space<vmem>>
      %dma_wait3A_957 = tpu.memref_squeeze %dma_wait3A_956 : memref<1x128xi32, #tpu.memory_space<vmem>> -> memref<128xi32, #tpu.memory_space<vmem>>
      %dma_wait3A_958 = arith.constant 0 : i32
      %dma_wait3A_959 = tpu.memref_slice %arg10[%dma_wait3A_958] : memref<1048704xf32, #tpu.memory_space<vmem_shared>> -> memref<1048704xf32, #tpu.memory_space<vmem_shared>>
      tpu.wait_indirect_dma semaphore(%run_scoped3A_943 : memref<!tpu.dma_semaphore, #tpu.memory_space<semaphore_mem>>) src(%dma_wait3A_954 : memref<128xf32, #tpu.memory_space<vmem>>) dst(%dma_wait3A_959 : memref<1048704xf32, #tpu.memory_space<vmem_shared>>)
      tpu.yield
    }) : () -> ()
    %run_scoped3A_911 = arith.constant 20 : i32
    %run_scoped3A_912 = arith.constant 20 : i32
    "tpu.region"() ({
      %run_scoped3A_943 = tpu.sem_alloc : memref<!tpu.dma_semaphore, #tpu.memory_space<semaphore_mem>>
      %dma_start3A_944 = arith.constant 0 : i32
      %dma_start3A_945 = tpu.memref_slice %arg7[%run_scoped3A_911, %dma_start3A_944] : memref<32x128xf32, #tpu.memory_space<vmem>> -> memref<1x128xf32, #tpu.memory_space<vmem>>
      %dma_start3A_946 = tpu.memref_squeeze %dma_start3A_945 : memref<1x128xf32, #tpu.memory_space<vmem>> -> memref<128xf32, #tpu.memory_space<vmem>>
      %dma_start3A_947 = arith.constant 0 : i32
      %dma_start3A_948 = tpu.memref_slice %arg8[%run_scoped3A_912, %dma_start3A_947] : memref<32x128xi32, #tpu.memory_space<vmem>> -> memref<1x128xi32, #tpu.memory_space<vmem>>
      %dma_start3A_949 = tpu.memref_squeeze %dma_start3A_948 : memref<1x128xi32, #tpu.memory_space<vmem>> -> memref<128xi32, #tpu.memory_space<vmem>>
      %dma_start3A_950 = arith.constant 0 : i32
      %dma_start3A_951 = tpu.memref_slice %arg10[%dma_start3A_950] : memref<1048704xf32, #tpu.memory_space<vmem_shared>> -> memref<1048704xf32, #tpu.memory_space<vmem_shared>>
      tpu.enqueue_indirect_dma source(%dma_start3A_946 : memref<128xf32, #tpu.memory_space<vmem>>) target(%dma_start3A_951 : memref<1048704xf32, #tpu.memory_space<vmem_shared>>) offsets(%dma_start3A_949 : memref<128xi32, #tpu.memory_space<vmem>>) semaphore(%run_scoped3A_943 : memref<!tpu.dma_semaphore, #tpu.memory_space<semaphore_mem>>) {add = true}
      %dma_wait3A_952 = arith.constant 0 : i32
      %dma_wait3A_953 = tpu.memref_slice %arg7[%run_scoped3A_911, %dma_wait3A_952] : memref<32x128xf32, #tpu.memory_space<vmem>> -> memref<1x128xf32, #tpu.memory_space<vmem>>
      %dma_wait3A_954 = tpu.memref_squeeze %dma_wait3A_953 : memref<1x128xf32, #tpu.memory_space<vmem>> -> memref<128xf32, #tpu.memory_space<vmem>>
      %dma_wait3A_955 = arith.constant 0 : i32
      %dma_wait3A_956 = tpu.memref_slice %arg8[%run_scoped3A_912, %dma_wait3A_955] : memref<32x128xi32, #tpu.memory_space<vmem>> -> memref<1x128xi32, #tpu.memory_space<vmem>>
      %dma_wait3A_957 = tpu.memref_squeeze %dma_wait3A_956 : memref<1x128xi32, #tpu.memory_space<vmem>> -> memref<128xi32, #tpu.memory_space<vmem>>
      %dma_wait3A_958 = arith.constant 0 : i32
      %dma_wait3A_959 = tpu.memref_slice %arg10[%dma_wait3A_958] : memref<1048704xf32, #tpu.memory_space<vmem_shared>> -> memref<1048704xf32, #tpu.memory_space<vmem_shared>>
      tpu.wait_indirect_dma semaphore(%run_scoped3A_943 : memref<!tpu.dma_semaphore, #tpu.memory_space<semaphore_mem>>) src(%dma_wait3A_954 : memref<128xf32, #tpu.memory_space<vmem>>) dst(%dma_wait3A_959 : memref<1048704xf32, #tpu.memory_space<vmem_shared>>)
      tpu.yield
    }) : () -> ()
    %run_scoped3A_913 = arith.constant 21 : i32
    %run_scoped3A_914 = arith.constant 21 : i32
    "tpu.region"() ({
      %run_scoped3A_943 = tpu.sem_alloc : memref<!tpu.dma_semaphore, #tpu.memory_space<semaphore_mem>>
      %dma_start3A_944 = arith.constant 0 : i32
      %dma_start3A_945 = tpu.memref_slice %arg7[%run_scoped3A_913, %dma_start3A_944] : memref<32x128xf32, #tpu.memory_space<vmem>> -> memref<1x128xf32, #tpu.memory_space<vmem>>
      %dma_start3A_946 = tpu.memref_squeeze %dma_start3A_945 : memref<1x128xf32, #tpu.memory_space<vmem>> -> memref<128xf32, #tpu.memory_space<vmem>>
      %dma_start3A_947 = arith.constant 0 : i32
      %dma_start3A_948 = tpu.memref_slice %arg8[%run_scoped3A_914, %dma_start3A_947] : memref<32x128xi32, #tpu.memory_space<vmem>> -> memref<1x128xi32, #tpu.memory_space<vmem>>
      %dma_start3A_949 = tpu.memref_squeeze %dma_start3A_948 : memref<1x128xi32, #tpu.memory_space<vmem>> -> memref<128xi32, #tpu.memory_space<vmem>>
      %dma_start3A_950 = arith.constant 0 : i32
      %dma_start3A_951 = tpu.memref_slice %arg10[%dma_start3A_950] : memref<1048704xf32, #tpu.memory_space<vmem_shared>> -> memref<1048704xf32, #tpu.memory_space<vmem_shared>>
      tpu.enqueue_indirect_dma source(%dma_start3A_946 : memref<128xf32, #tpu.memory_space<vmem>>) target(%dma_start3A_951 : memref<1048704xf32, #tpu.memory_space<vmem_shared>>) offsets(%dma_start3A_949 : memref<128xi32, #tpu.memory_space<vmem>>) semaphore(%run_scoped3A_943 : memref<!tpu.dma_semaphore, #tpu.memory_space<semaphore_mem>>) {add = true}
      %dma_wait3A_952 = arith.constant 0 : i32
      %dma_wait3A_953 = tpu.memref_slice %arg7[%run_scoped3A_913, %dma_wait3A_952] : memref<32x128xf32, #tpu.memory_space<vmem>> -> memref<1x128xf32, #tpu.memory_space<vmem>>
      %dma_wait3A_954 = tpu.memref_squeeze %dma_wait3A_953 : memref<1x128xf32, #tpu.memory_space<vmem>> -> memref<128xf32, #tpu.memory_space<vmem>>
      %dma_wait3A_955 = arith.constant 0 : i32
      %dma_wait3A_956 = tpu.memref_slice %arg8[%run_scoped3A_914, %dma_wait3A_955] : memref<32x128xi32, #tpu.memory_space<vmem>> -> memref<1x128xi32, #tpu.memory_space<vmem>>
      %dma_wait3A_957 = tpu.memref_squeeze %dma_wait3A_956 : memref<1x128xi32, #tpu.memory_space<vmem>> -> memref<128xi32, #tpu.memory_space<vmem>>
      %dma_wait3A_958 = arith.constant 0 : i32
      %dma_wait3A_959 = tpu.memref_slice %arg10[%dma_wait3A_958] : memref<1048704xf32, #tpu.memory_space<vmem_shared>> -> memref<1048704xf32, #tpu.memory_space<vmem_shared>>
      tpu.wait_indirect_dma semaphore(%run_scoped3A_943 : memref<!tpu.dma_semaphore, #tpu.memory_space<semaphore_mem>>) src(%dma_wait3A_954 : memref<128xf32, #tpu.memory_space<vmem>>) dst(%dma_wait3A_959 : memref<1048704xf32, #tpu.memory_space<vmem_shared>>)
      tpu.yield
    }) : () -> ()
    %run_scoped3A_915 = arith.constant 22 : i32
    %run_scoped3A_916 = arith.constant 22 : i32
    "tpu.region"() ({
      %run_scoped3A_943 = tpu.sem_alloc : memref<!tpu.dma_semaphore, #tpu.memory_space<semaphore_mem>>
      %dma_start3A_944 = arith.constant 0 : i32
      %dma_start3A_945 = tpu.memref_slice %arg7[%run_scoped3A_915, %dma_start3A_944] : memref<32x128xf32, #tpu.memory_space<vmem>> -> memref<1x128xf32, #tpu.memory_space<vmem>>
      %dma_start3A_946 = tpu.memref_squeeze %dma_start3A_945 : memref<1x128xf32, #tpu.memory_space<vmem>> -> memref<128xf32, #tpu.memory_space<vmem>>
      %dma_start3A_947 = arith.constant 0 : i32
      %dma_start3A_948 = tpu.memref_slice %arg8[%run_scoped3A_916, %dma_start3A_947] : memref<32x128xi32, #tpu.memory_space<vmem>> -> memref<1x128xi32, #tpu.memory_space<vmem>>
      %dma_start3A_949 = tpu.memref_squeeze %dma_start3A_948 : memref<1x128xi32, #tpu.memory_space<vmem>> -> memref<128xi32, #tpu.memory_space<vmem>>
      %dma_start3A_950 = arith.constant 0 : i32
      %dma_start3A_951 = tpu.memref_slice %arg10[%dma_start3A_950] : memref<1048704xf32, #tpu.memory_space<vmem_shared>> -> memref<1048704xf32, #tpu.memory_space<vmem_shared>>
      tpu.enqueue_indirect_dma source(%dma_start3A_946 : memref<128xf32, #tpu.memory_space<vmem>>) target(%dma_start3A_951 : memref<1048704xf32, #tpu.memory_space<vmem_shared>>) offsets(%dma_start3A_949 : memref<128xi32, #tpu.memory_space<vmem>>) semaphore(%run_scoped3A_943 : memref<!tpu.dma_semaphore, #tpu.memory_space<semaphore_mem>>) {add = true}
      %dma_wait3A_952 = arith.constant 0 : i32
      %dma_wait3A_953 = tpu.memref_slice %arg7[%run_scoped3A_915, %dma_wait3A_952] : memref<32x128xf32, #tpu.memory_space<vmem>> -> memref<1x128xf32, #tpu.memory_space<vmem>>
      %dma_wait3A_954 = tpu.memref_squeeze %dma_wait3A_953 : memref<1x128xf32, #tpu.memory_space<vmem>> -> memref<128xf32, #tpu.memory_space<vmem>>
      %dma_wait3A_955 = arith.constant 0 : i32
      %dma_wait3A_956 = tpu.memref_slice %arg8[%run_scoped3A_916, %dma_wait3A_955] : memref<32x128xi32, #tpu.memory_space<vmem>> -> memref<1x128xi32, #tpu.memory_space<vmem>>
      %dma_wait3A_957 = tpu.memref_squeeze %dma_wait3A_956 : memref<1x128xi32, #tpu.memory_space<vmem>> -> memref<128xi32, #tpu.memory_space<vmem>>
      %dma_wait3A_958 = arith.constant 0 : i32
      %dma_wait3A_959 = tpu.memref_slice %arg10[%dma_wait3A_958] : memref<1048704xf32, #tpu.memory_space<vmem_shared>> -> memref<1048704xf32, #tpu.memory_space<vmem_shared>>
      tpu.wait_indirect_dma semaphore(%run_scoped3A_943 : memref<!tpu.dma_semaphore, #tpu.memory_space<semaphore_mem>>) src(%dma_wait3A_954 : memref<128xf32, #tpu.memory_space<vmem>>) dst(%dma_wait3A_959 : memref<1048704xf32, #tpu.memory_space<vmem_shared>>)
      tpu.yield
    }) : () -> ()
    %run_scoped3A_917 = arith.constant 23 : i32
    %run_scoped3A_918 = arith.constant 23 : i32
    "tpu.region"() ({
      %run_scoped3A_943 = tpu.sem_alloc : memref<!tpu.dma_semaphore, #tpu.memory_space<semaphore_mem>>
      %dma_start3A_944 = arith.constant 0 : i32
      %dma_start3A_945 = tpu.memref_slice %arg7[%run_scoped3A_917, %dma_start3A_944] : memref<32x128xf32, #tpu.memory_space<vmem>> -> memref<1x128xf32, #tpu.memory_space<vmem>>
      %dma_start3A_946 = tpu.memref_squeeze %dma_start3A_945 : memref<1x128xf32, #tpu.memory_space<vmem>> -> memref<128xf32, #tpu.memory_space<vmem>>
      %dma_start3A_947 = arith.constant 0 : i32
      %dma_start3A_948 = tpu.memref_slice %arg8[%run_scoped3A_918, %dma_start3A_947] : memref<32x128xi32, #tpu.memory_space<vmem>> -> memref<1x128xi32, #tpu.memory_space<vmem>>
      %dma_start3A_949 = tpu.memref_squeeze %dma_start3A_948 : memref<1x128xi32, #tpu.memory_space<vmem>> -> memref<128xi32, #tpu.memory_space<vmem>>
      %dma_start3A_950 = arith.constant 0 : i32
      %dma_start3A_951 = tpu.memref_slice %arg10[%dma_start3A_950] : memref<1048704xf32, #tpu.memory_space<vmem_shared>> -> memref<1048704xf32, #tpu.memory_space<vmem_shared>>
      tpu.enqueue_indirect_dma source(%dma_start3A_946 : memref<128xf32, #tpu.memory_space<vmem>>) target(%dma_start3A_951 : memref<1048704xf32, #tpu.memory_space<vmem_shared>>) offsets(%dma_start3A_949 : memref<128xi32, #tpu.memory_space<vmem>>) semaphore(%run_scoped3A_943 : memref<!tpu.dma_semaphore, #tpu.memory_space<semaphore_mem>>) {add = true}
      %dma_wait3A_952 = arith.constant 0 : i32
      %dma_wait3A_953 = tpu.memref_slice %arg7[%run_scoped3A_917, %dma_wait3A_952] : memref<32x128xf32, #tpu.memory_space<vmem>> -> memref<1x128xf32, #tpu.memory_space<vmem>>
      %dma_wait3A_954 = tpu.memref_squeeze %dma_wait3A_953 : memref<1x128xf32, #tpu.memory_space<vmem>> -> memref<128xf32, #tpu.memory_space<vmem>>
      %dma_wait3A_955 = arith.constant 0 : i32
      %dma_wait3A_956 = tpu.memref_slice %arg8[%run_scoped3A_918, %dma_wait3A_955] : memref<32x128xi32, #tpu.memory_space<vmem>> -> memref<1x128xi32, #tpu.memory_space<vmem>>
      %dma_wait3A_957 = tpu.memref_squeeze %dma_wait3A_956 : memref<1x128xi32, #tpu.memory_space<vmem>> -> memref<128xi32, #tpu.memory_space<vmem>>
      %dma_wait3A_958 = arith.constant 0 : i32
      %dma_wait3A_959 = tpu.memref_slice %arg10[%dma_wait3A_958] : memref<1048704xf32, #tpu.memory_space<vmem_shared>> -> memref<1048704xf32, #tpu.memory_space<vmem_shared>>
      tpu.wait_indirect_dma semaphore(%run_scoped3A_943 : memref<!tpu.dma_semaphore, #tpu.memory_space<semaphore_mem>>) src(%dma_wait3A_954 : memref<128xf32, #tpu.memory_space<vmem>>) dst(%dma_wait3A_959 : memref<1048704xf32, #tpu.memory_space<vmem_shared>>)
      tpu.yield
    }) : () -> ()
    %run_scoped3A_919 = arith.constant 24 : i32
    %run_scoped3A_920 = arith.constant 24 : i32
    "tpu.region"() ({
      %run_scoped3A_943 = tpu.sem_alloc : memref<!tpu.dma_semaphore, #tpu.memory_space<semaphore_mem>>
      %dma_start3A_944 = arith.constant 0 : i32
      %dma_start3A_945 = tpu.memref_slice %arg7[%run_scoped3A_919, %dma_start3A_944] : memref<32x128xf32, #tpu.memory_space<vmem>> -> memref<1x128xf32, #tpu.memory_space<vmem>>
      %dma_start3A_946 = tpu.memref_squeeze %dma_start3A_945 : memref<1x128xf32, #tpu.memory_space<vmem>> -> memref<128xf32, #tpu.memory_space<vmem>>
      %dma_start3A_947 = arith.constant 0 : i32
      %dma_start3A_948 = tpu.memref_slice %arg8[%run_scoped3A_920, %dma_start3A_947] : memref<32x128xi32, #tpu.memory_space<vmem>> -> memref<1x128xi32, #tpu.memory_space<vmem>>
      %dma_start3A_949 = tpu.memref_squeeze %dma_start3A_948 : memref<1x128xi32, #tpu.memory_space<vmem>> -> memref<128xi32, #tpu.memory_space<vmem>>
      %dma_start3A_950 = arith.constant 0 : i32
      %dma_start3A_951 = tpu.memref_slice %arg10[%dma_start3A_950] : memref<1048704xf32, #tpu.memory_space<vmem_shared>> -> memref<1048704xf32, #tpu.memory_space<vmem_shared>>
      tpu.enqueue_indirect_dma source(%dma_start3A_946 : memref<128xf32, #tpu.memory_space<vmem>>) target(%dma_start3A_951 : memref<1048704xf32, #tpu.memory_space<vmem_shared>>) offsets(%dma_start3A_949 : memref<128xi32, #tpu.memory_space<vmem>>) semaphore(%run_scoped3A_943 : memref<!tpu.dma_semaphore, #tpu.memory_space<semaphore_mem>>) {add = true}
      %dma_wait3A_952 = arith.constant 0 : i32
      %dma_wait3A_953 = tpu.memref_slice %arg7[%run_scoped3A_919, %dma_wait3A_952] : memref<32x128xf32, #tpu.memory_space<vmem>> -> memref<1x128xf32, #tpu.memory_space<vmem>>
      %dma_wait3A_954 = tpu.memref_squeeze %dma_wait3A_953 : memref<1x128xf32, #tpu.memory_space<vmem>> -> memref<128xf32, #tpu.memory_space<vmem>>
      %dma_wait3A_955 = arith.constant 0 : i32
      %dma_wait3A_956 = tpu.memref_slice %arg8[%run_scoped3A_920, %dma_wait3A_955] : memref<32x128xi32, #tpu.memory_space<vmem>> -> memref<1x128xi32, #tpu.memory_space<vmem>>
      %dma_wait3A_957 = tpu.memref_squeeze %dma_wait3A_956 : memref<1x128xi32, #tpu.memory_space<vmem>> -> memref<128xi32, #tpu.memory_space<vmem>>
      %dma_wait3A_958 = arith.constant 0 : i32
      %dma_wait3A_959 = tpu.memref_slice %arg10[%dma_wait3A_958] : memref<1048704xf32, #tpu.memory_space<vmem_shared>> -> memref<1048704xf32, #tpu.memory_space<vmem_shared>>
      tpu.wait_indirect_dma semaphore(%run_scoped3A_943 : memref<!tpu.dma_semaphore, #tpu.memory_space<semaphore_mem>>) src(%dma_wait3A_954 : memref<128xf32, #tpu.memory_space<vmem>>) dst(%dma_wait3A_959 : memref<1048704xf32, #tpu.memory_space<vmem_shared>>)
      tpu.yield
    }) : () -> ()
    %run_scoped3A_921 = arith.constant 25 : i32
    %run_scoped3A_922 = arith.constant 25 : i32
    "tpu.region"() ({
      %run_scoped3A_943 = tpu.sem_alloc : memref<!tpu.dma_semaphore, #tpu.memory_space<semaphore_mem>>
      %dma_start3A_944 = arith.constant 0 : i32
      %dma_start3A_945 = tpu.memref_slice %arg7[%run_scoped3A_921, %dma_start3A_944] : memref<32x128xf32, #tpu.memory_space<vmem>> -> memref<1x128xf32, #tpu.memory_space<vmem>>
      %dma_start3A_946 = tpu.memref_squeeze %dma_start3A_945 : memref<1x128xf32, #tpu.memory_space<vmem>> -> memref<128xf32, #tpu.memory_space<vmem>>
      %dma_start3A_947 = arith.constant 0 : i32
      %dma_start3A_948 = tpu.memref_slice %arg8[%run_scoped3A_922, %dma_start3A_947] : memref<32x128xi32, #tpu.memory_space<vmem>> -> memref<1x128xi32, #tpu.memory_space<vmem>>
      %dma_start3A_949 = tpu.memref_squeeze %dma_start3A_948 : memref<1x128xi32, #tpu.memory_space<vmem>> -> memref<128xi32, #tpu.memory_space<vmem>>
      %dma_start3A_950 = arith.constant 0 : i32
      %dma_start3A_951 = tpu.memref_slice %arg10[%dma_start3A_950] : memref<1048704xf32, #tpu.memory_space<vmem_shared>> -> memref<1048704xf32, #tpu.memory_space<vmem_shared>>
      tpu.enqueue_indirect_dma source(%dma_start3A_946 : memref<128xf32, #tpu.memory_space<vmem>>) target(%dma_start3A_951 : memref<1048704xf32, #tpu.memory_space<vmem_shared>>) offsets(%dma_start3A_949 : memref<128xi32, #tpu.memory_space<vmem>>) semaphore(%run_scoped3A_943 : memref<!tpu.dma_semaphore, #tpu.memory_space<semaphore_mem>>) {add = true}
      %dma_wait3A_952 = arith.constant 0 : i32
      %dma_wait3A_953 = tpu.memref_slice %arg7[%run_scoped3A_921, %dma_wait3A_952] : memref<32x128xf32, #tpu.memory_space<vmem>> -> memref<1x128xf32, #tpu.memory_space<vmem>>
      %dma_wait3A_954 = tpu.memref_squeeze %dma_wait3A_953 : memref<1x128xf32, #tpu.memory_space<vmem>> -> memref<128xf32, #tpu.memory_space<vmem>>
      %dma_wait3A_955 = arith.constant 0 : i32
      %dma_wait3A_956 = tpu.memref_slice %arg8[%run_scoped3A_922, %dma_wait3A_955] : memref<32x128xi32, #tpu.memory_space<vmem>> -> memref<1x128xi32, #tpu.memory_space<vmem>>
      %dma_wait3A_957 = tpu.memref_squeeze %dma_wait3A_956 : memref<1x128xi32, #tpu.memory_space<vmem>> -> memref<128xi32, #tpu.memory_space<vmem>>
      %dma_wait3A_958 = arith.constant 0 : i32
      %dma_wait3A_959 = tpu.memref_slice %arg10[%dma_wait3A_958] : memref<1048704xf32, #tpu.memory_space<vmem_shared>> -> memref<1048704xf32, #tpu.memory_space<vmem_shared>>
      tpu.wait_indirect_dma semaphore(%run_scoped3A_943 : memref<!tpu.dma_semaphore, #tpu.memory_space<semaphore_mem>>) src(%dma_wait3A_954 : memref<128xf32, #tpu.memory_space<vmem>>) dst(%dma_wait3A_959 : memref<1048704xf32, #tpu.memory_space<vmem_shared>>)
      tpu.yield
    }) : () -> ()
    %run_scoped3A_923 = arith.constant 26 : i32
    %run_scoped3A_924 = arith.constant 26 : i32
    "tpu.region"() ({
      %run_scoped3A_943 = tpu.sem_alloc : memref<!tpu.dma_semaphore, #tpu.memory_space<semaphore_mem>>
      %dma_start3A_944 = arith.constant 0 : i32
      %dma_start3A_945 = tpu.memref_slice %arg7[%run_scoped3A_923, %dma_start3A_944] : memref<32x128xf32, #tpu.memory_space<vmem>> -> memref<1x128xf32, #tpu.memory_space<vmem>>
      %dma_start3A_946 = tpu.memref_squeeze %dma_start3A_945 : memref<1x128xf32, #tpu.memory_space<vmem>> -> memref<128xf32, #tpu.memory_space<vmem>>
      %dma_start3A_947 = arith.constant 0 : i32
      %dma_start3A_948 = tpu.memref_slice %arg8[%run_scoped3A_924, %dma_start3A_947] : memref<32x128xi32, #tpu.memory_space<vmem>> -> memref<1x128xi32, #tpu.memory_space<vmem>>
      %dma_start3A_949 = tpu.memref_squeeze %dma_start3A_948 : memref<1x128xi32, #tpu.memory_space<vmem>> -> memref<128xi32, #tpu.memory_space<vmem>>
      %dma_start3A_950 = arith.constant 0 : i32
      %dma_start3A_951 = tpu.memref_slice %arg10[%dma_start3A_950] : memref<1048704xf32, #tpu.memory_space<vmem_shared>> -> memref<1048704xf32, #tpu.memory_space<vmem_shared>>
      tpu.enqueue_indirect_dma source(%dma_start3A_946 : memref<128xf32, #tpu.memory_space<vmem>>) target(%dma_start3A_951 : memref<1048704xf32, #tpu.memory_space<vmem_shared>>) offsets(%dma_start3A_949 : memref<128xi32, #tpu.memory_space<vmem>>) semaphore(%run_scoped3A_943 : memref<!tpu.dma_semaphore, #tpu.memory_space<semaphore_mem>>) {add = true}
      %dma_wait3A_952 = arith.constant 0 : i32
      %dma_wait3A_953 = tpu.memref_slice %arg7[%run_scoped3A_923, %dma_wait3A_952] : memref<32x128xf32, #tpu.memory_space<vmem>> -> memref<1x128xf32, #tpu.memory_space<vmem>>
      %dma_wait3A_954 = tpu.memref_squeeze %dma_wait3A_953 : memref<1x128xf32, #tpu.memory_space<vmem>> -> memref<128xf32, #tpu.memory_space<vmem>>
      %dma_wait3A_955 = arith.constant 0 : i32
      %dma_wait3A_956 = tpu.memref_slice %arg8[%run_scoped3A_924, %dma_wait3A_955] : memref<32x128xi32, #tpu.memory_space<vmem>> -> memref<1x128xi32, #tpu.memory_space<vmem>>
      %dma_wait3A_957 = tpu.memref_squeeze %dma_wait3A_956 : memref<1x128xi32, #tpu.memory_space<vmem>> -> memref<128xi32, #tpu.memory_space<vmem>>
      %dma_wait3A_958 = arith.constant 0 : i32
      %dma_wait3A_959 = tpu.memref_slice %arg10[%dma_wait3A_958] : memref<1048704xf32, #tpu.memory_space<vmem_shared>> -> memref<1048704xf32, #tpu.memory_space<vmem_shared>>
      tpu.wait_indirect_dma semaphore(%run_scoped3A_943 : memref<!tpu.dma_semaphore, #tpu.memory_space<semaphore_mem>>) src(%dma_wait3A_954 : memref<128xf32, #tpu.memory_space<vmem>>) dst(%dma_wait3A_959 : memref<1048704xf32, #tpu.memory_space<vmem_shared>>)
      tpu.yield
    }) : () -> ()
    %run_scoped3A_925 = arith.constant 27 : i32
    %run_scoped3A_926 = arith.constant 27 : i32
    "tpu.region"() ({
      %run_scoped3A_943 = tpu.sem_alloc : memref<!tpu.dma_semaphore, #tpu.memory_space<semaphore_mem>>
      %dma_start3A_944 = arith.constant 0 : i32
      %dma_start3A_945 = tpu.memref_slice %arg7[%run_scoped3A_925, %dma_start3A_944] : memref<32x128xf32, #tpu.memory_space<vmem>> -> memref<1x128xf32, #tpu.memory_space<vmem>>
      %dma_start3A_946 = tpu.memref_squeeze %dma_start3A_945 : memref<1x128xf32, #tpu.memory_space<vmem>> -> memref<128xf32, #tpu.memory_space<vmem>>
      %dma_start3A_947 = arith.constant 0 : i32
      %dma_start3A_948 = tpu.memref_slice %arg8[%run_scoped3A_926, %dma_start3A_947] : memref<32x128xi32, #tpu.memory_space<vmem>> -> memref<1x128xi32, #tpu.memory_space<vmem>>
      %dma_start3A_949 = tpu.memref_squeeze %dma_start3A_948 : memref<1x128xi32, #tpu.memory_space<vmem>> -> memref<128xi32, #tpu.memory_space<vmem>>
      %dma_start3A_950 = arith.constant 0 : i32
      %dma_start3A_951 = tpu.memref_slice %arg10[%dma_start3A_950] : memref<1048704xf32, #tpu.memory_space<vmem_shared>> -> memref<1048704xf32, #tpu.memory_space<vmem_shared>>
      tpu.enqueue_indirect_dma source(%dma_start3A_946 : memref<128xf32, #tpu.memory_space<vmem>>) target(%dma_start3A_951 : memref<1048704xf32, #tpu.memory_space<vmem_shared>>) offsets(%dma_start3A_949 : memref<128xi32, #tpu.memory_space<vmem>>) semaphore(%run_scoped3A_943 : memref<!tpu.dma_semaphore, #tpu.memory_space<semaphore_mem>>) {add = true}
      %dma_wait3A_952 = arith.constant 0 : i32
      %dma_wait3A_953 = tpu.memref_slice %arg7[%run_scoped3A_925, %dma_wait3A_952] : memref<32x128xf32, #tpu.memory_space<vmem>> -> memref<1x128xf32, #tpu.memory_space<vmem>>
      %dma_wait3A_954 = tpu.memref_squeeze %dma_wait3A_953 : memref<1x128xf32, #tpu.memory_space<vmem>> -> memref<128xf32, #tpu.memory_space<vmem>>
      %dma_wait3A_955 = arith.constant 0 : i32
      %dma_wait3A_956 = tpu.memref_slice %arg8[%run_scoped3A_926, %dma_wait3A_955] : memref<32x128xi32, #tpu.memory_space<vmem>> -> memref<1x128xi32, #tpu.memory_space<vmem>>
      %dma_wait3A_957 = tpu.memref_squeeze %dma_wait3A_956 : memref<1x128xi32, #tpu.memory_space<vmem>> -> memref<128xi32, #tpu.memory_space<vmem>>
      %dma_wait3A_958 = arith.constant 0 : i32
      %dma_wait3A_959 = tpu.memref_slice %arg10[%dma_wait3A_958] : memref<1048704xf32, #tpu.memory_space<vmem_shared>> -> memref<1048704xf32, #tpu.memory_space<vmem_shared>>
      tpu.wait_indirect_dma semaphore(%run_scoped3A_943 : memref<!tpu.dma_semaphore, #tpu.memory_space<semaphore_mem>>) src(%dma_wait3A_954 : memref<128xf32, #tpu.memory_space<vmem>>) dst(%dma_wait3A_959 : memref<1048704xf32, #tpu.memory_space<vmem_shared>>)
      tpu.yield
    }) : () -> ()
    %run_scoped3A_927 = arith.constant 28 : i32
    %run_scoped3A_928 = arith.constant 28 : i32
    "tpu.region"() ({
      %run_scoped3A_943 = tpu.sem_alloc : memref<!tpu.dma_semaphore, #tpu.memory_space<semaphore_mem>>
      %dma_start3A_944 = arith.constant 0 : i32
      %dma_start3A_945 = tpu.memref_slice %arg7[%run_scoped3A_927, %dma_start3A_944] : memref<32x128xf32, #tpu.memory_space<vmem>> -> memref<1x128xf32, #tpu.memory_space<vmem>>
      %dma_start3A_946 = tpu.memref_squeeze %dma_start3A_945 : memref<1x128xf32, #tpu.memory_space<vmem>> -> memref<128xf32, #tpu.memory_space<vmem>>
      %dma_start3A_947 = arith.constant 0 : i32
      %dma_start3A_948 = tpu.memref_slice %arg8[%run_scoped3A_928, %dma_start3A_947] : memref<32x128xi32, #tpu.memory_space<vmem>> -> memref<1x128xi32, #tpu.memory_space<vmem>>
      %dma_start3A_949 = tpu.memref_squeeze %dma_start3A_948 : memref<1x128xi32, #tpu.memory_space<vmem>> -> memref<128xi32, #tpu.memory_space<vmem>>
      %dma_start3A_950 = arith.constant 0 : i32
      %dma_start3A_951 = tpu.memref_slice %arg10[%dma_start3A_950] : memref<1048704xf32, #tpu.memory_space<vmem_shared>> -> memref<1048704xf32, #tpu.memory_space<vmem_shared>>
      tpu.enqueue_indirect_dma source(%dma_start3A_946 : memref<128xf32, #tpu.memory_space<vmem>>) target(%dma_start3A_951 : memref<1048704xf32, #tpu.memory_space<vmem_shared>>) offsets(%dma_start3A_949 : memref<128xi32, #tpu.memory_space<vmem>>) semaphore(%run_scoped3A_943 : memref<!tpu.dma_semaphore, #tpu.memory_space<semaphore_mem>>) {add = true}
      %dma_wait3A_952 = arith.constant 0 : i32
      %dma_wait3A_953 = tpu.memref_slice %arg7[%run_scoped3A_927, %dma_wait3A_952] : memref<32x128xf32, #tpu.memory_space<vmem>> -> memref<1x128xf32, #tpu.memory_space<vmem>>
      %dma_wait3A_954 = tpu.memref_squeeze %dma_wait3A_953 : memref<1x128xf32, #tpu.memory_space<vmem>> -> memref<128xf32, #tpu.memory_space<vmem>>
      %dma_wait3A_955 = arith.constant 0 : i32
      %dma_wait3A_956 = tpu.memref_slice %arg8[%run_scoped3A_928, %dma_wait3A_955] : memref<32x128xi32, #tpu.memory_space<vmem>> -> memref<1x128xi32, #tpu.memory_space<vmem>>
      %dma_wait3A_957 = tpu.memref_squeeze %dma_wait3A_956 : memref<1x128xi32, #tpu.memory_space<vmem>> -> memref<128xi32, #tpu.memory_space<vmem>>
      %dma_wait3A_958 = arith.constant 0 : i32
      %dma_wait3A_959 = tpu.memref_slice %arg10[%dma_wait3A_958] : memref<1048704xf32, #tpu.memory_space<vmem_shared>> -> memref<1048704xf32, #tpu.memory_space<vmem_shared>>
      tpu.wait_indirect_dma semaphore(%run_scoped3A_943 : memref<!tpu.dma_semaphore, #tpu.memory_space<semaphore_mem>>) src(%dma_wait3A_954 : memref<128xf32, #tpu.memory_space<vmem>>) dst(%dma_wait3A_959 : memref<1048704xf32, #tpu.memory_space<vmem_shared>>)
      tpu.yield
    }) : () -> ()
    %run_scoped3A_929 = arith.constant 29 : i32
    %run_scoped3A_930 = arith.constant 29 : i32
    "tpu.region"() ({
      %run_scoped3A_943 = tpu.sem_alloc : memref<!tpu.dma_semaphore, #tpu.memory_space<semaphore_mem>>
      %dma_start3A_944 = arith.constant 0 : i32
      %dma_start3A_945 = tpu.memref_slice %arg7[%run_scoped3A_929, %dma_start3A_944] : memref<32x128xf32, #tpu.memory_space<vmem>> -> memref<1x128xf32, #tpu.memory_space<vmem>>
      %dma_start3A_946 = tpu.memref_squeeze %dma_start3A_945 : memref<1x128xf32, #tpu.memory_space<vmem>> -> memref<128xf32, #tpu.memory_space<vmem>>
      %dma_start3A_947 = arith.constant 0 : i32
      %dma_start3A_948 = tpu.memref_slice %arg8[%run_scoped3A_930, %dma_start3A_947] : memref<32x128xi32, #tpu.memory_space<vmem>> -> memref<1x128xi32, #tpu.memory_space<vmem>>
      %dma_start3A_949 = tpu.memref_squeeze %dma_start3A_948 : memref<1x128xi32, #tpu.memory_space<vmem>> -> memref<128xi32, #tpu.memory_space<vmem>>
      %dma_start3A_950 = arith.constant 0 : i32
      %dma_start3A_951 = tpu.memref_slice %arg10[%dma_start3A_950] : memref<1048704xf32, #tpu.memory_space<vmem_shared>> -> memref<1048704xf32, #tpu.memory_space<vmem_shared>>
      tpu.enqueue_indirect_dma source(%dma_start3A_946 : memref<128xf32, #tpu.memory_space<vmem>>) target(%dma_start3A_951 : memref<1048704xf32, #tpu.memory_space<vmem_shared>>) offsets(%dma_start3A_949 : memref<128xi32, #tpu.memory_space<vmem>>) semaphore(%run_scoped3A_943 : memref<!tpu.dma_semaphore, #tpu.memory_space<semaphore_mem>>) {add = true}
      %dma_wait3A_952 = arith.constant 0 : i32
      %dma_wait3A_953 = tpu.memref_slice %arg7[%run_scoped3A_929, %dma_wait3A_952] : memref<32x128xf32, #tpu.memory_space<vmem>> -> memref<1x128xf32, #tpu.memory_space<vmem>>
      %dma_wait3A_954 = tpu.memref_squeeze %dma_wait3A_953 : memref<1x128xf32, #tpu.memory_space<vmem>> -> memref<128xf32, #tpu.memory_space<vmem>>
      %dma_wait3A_955 = arith.constant 0 : i32
      %dma_wait3A_956 = tpu.memref_slice %arg8[%run_scoped3A_930, %dma_wait3A_955] : memref<32x128xi32, #tpu.memory_space<vmem>> -> memref<1x128xi32, #tpu.memory_space<vmem>>
      %dma_wait3A_957 = tpu.memref_squeeze %dma_wait3A_956 : memref<1x128xi32, #tpu.memory_space<vmem>> -> memref<128xi32, #tpu.memory_space<vmem>>
      %dma_wait3A_958 = arith.constant 0 : i32
      %dma_wait3A_959 = tpu.memref_slice %arg10[%dma_wait3A_958] : memref<1048704xf32, #tpu.memory_space<vmem_shared>> -> memref<1048704xf32, #tpu.memory_space<vmem_shared>>
      tpu.wait_indirect_dma semaphore(%run_scoped3A_943 : memref<!tpu.dma_semaphore, #tpu.memory_space<semaphore_mem>>) src(%dma_wait3A_954 : memref<128xf32, #tpu.memory_space<vmem>>) dst(%dma_wait3A_959 : memref<1048704xf32, #tpu.memory_space<vmem_shared>>)
      tpu.yield
    }) : () -> ()
    %run_scoped3A_931 = arith.constant 30 : i32
    %run_scoped3A_932 = arith.constant 30 : i32
    "tpu.region"() ({
      %run_scoped3A_943 = tpu.sem_alloc : memref<!tpu.dma_semaphore, #tpu.memory_space<semaphore_mem>>
      %dma_start3A_944 = arith.constant 0 : i32
      %dma_start3A_945 = tpu.memref_slice %arg7[%run_scoped3A_931, %dma_start3A_944] : memref<32x128xf32, #tpu.memory_space<vmem>> -> memref<1x128xf32, #tpu.memory_space<vmem>>
      %dma_start3A_946 = tpu.memref_squeeze %dma_start3A_945 : memref<1x128xf32, #tpu.memory_space<vmem>> -> memref<128xf32, #tpu.memory_space<vmem>>
      %dma_start3A_947 = arith.constant 0 : i32
      %dma_start3A_948 = tpu.memref_slice %arg8[%run_scoped3A_932, %dma_start3A_947] : memref<32x128xi32, #tpu.memory_space<vmem>> -> memref<1x128xi32, #tpu.memory_space<vmem>>
      %dma_start3A_949 = tpu.memref_squeeze %dma_start3A_948 : memref<1x128xi32, #tpu.memory_space<vmem>> -> memref<128xi32, #tpu.memory_space<vmem>>
      %dma_start3A_950 = arith.constant 0 : i32
      %dma_start3A_951 = tpu.memref_slice %arg10[%dma_start3A_950] : memref<1048704xf32, #tpu.memory_space<vmem_shared>> -> memref<1048704xf32, #tpu.memory_space<vmem_shared>>
      tpu.enqueue_indirect_dma source(%dma_start3A_946 : memref<128xf32, #tpu.memory_space<vmem>>) target(%dma_start3A_951 : memref<1048704xf32, #tpu.memory_space<vmem_shared>>) offsets(%dma_start3A_949 : memref<128xi32, #tpu.memory_space<vmem>>) semaphore(%run_scoped3A_943 : memref<!tpu.dma_semaphore, #tpu.memory_space<semaphore_mem>>) {add = true}
      %dma_wait3A_952 = arith.constant 0 : i32
      %dma_wait3A_953 = tpu.memref_slice %arg7[%run_scoped3A_931, %dma_wait3A_952] : memref<32x128xf32, #tpu.memory_space<vmem>> -> memref<1x128xf32, #tpu.memory_space<vmem>>
      %dma_wait3A_954 = tpu.memref_squeeze %dma_wait3A_953 : memref<1x128xf32, #tpu.memory_space<vmem>> -> memref<128xf32, #tpu.memory_space<vmem>>
      %dma_wait3A_955 = arith.constant 0 : i32
      %dma_wait3A_956 = tpu.memref_slice %arg8[%run_scoped3A_932, %dma_wait3A_955] : memref<32x128xi32, #tpu.memory_space<vmem>> -> memref<1x128xi32, #tpu.memory_space<vmem>>
      %dma_wait3A_957 = tpu.memref_squeeze %dma_wait3A_956 : memref<1x128xi32, #tpu.memory_space<vmem>> -> memref<128xi32, #tpu.memory_space<vmem>>
      %dma_wait3A_958 = arith.constant 0 : i32
      %dma_wait3A_959 = tpu.memref_slice %arg10[%dma_wait3A_958] : memref<1048704xf32, #tpu.memory_space<vmem_shared>> -> memref<1048704xf32, #tpu.memory_space<vmem_shared>>
      tpu.wait_indirect_dma semaphore(%run_scoped3A_943 : memref<!tpu.dma_semaphore, #tpu.memory_space<semaphore_mem>>) src(%dma_wait3A_954 : memref<128xf32, #tpu.memory_space<vmem>>) dst(%dma_wait3A_959 : memref<1048704xf32, #tpu.memory_space<vmem_shared>>)
      tpu.yield
    }) : () -> ()
    %run_scoped3A_933 = arith.constant 31 : i32
    %run_scoped3A_934 = arith.constant 31 : i32
    "tpu.region"() ({
      %run_scoped3A_943 = tpu.sem_alloc : memref<!tpu.dma_semaphore, #tpu.memory_space<semaphore_mem>>
      %dma_start3A_944 = arith.constant 0 : i32
      %dma_start3A_945 = tpu.memref_slice %arg7[%run_scoped3A_933, %dma_start3A_944] : memref<32x128xf32, #tpu.memory_space<vmem>> -> memref<1x128xf32, #tpu.memory_space<vmem>>
      %dma_start3A_946 = tpu.memref_squeeze %dma_start3A_945 : memref<1x128xf32, #tpu.memory_space<vmem>> -> memref<128xf32, #tpu.memory_space<vmem>>
      %dma_start3A_947 = arith.constant 0 : i32
      %dma_start3A_948 = tpu.memref_slice %arg8[%run_scoped3A_934, %dma_start3A_947] : memref<32x128xi32, #tpu.memory_space<vmem>> -> memref<1x128xi32, #tpu.memory_space<vmem>>
      %dma_start3A_949 = tpu.memref_squeeze %dma_start3A_948 : memref<1x128xi32, #tpu.memory_space<vmem>> -> memref<128xi32, #tpu.memory_space<vmem>>
      %dma_start3A_950 = arith.constant 0 : i32
      %dma_start3A_951 = tpu.memref_slice %arg10[%dma_start3A_950] : memref<1048704xf32, #tpu.memory_space<vmem_shared>> -> memref<1048704xf32, #tpu.memory_space<vmem_shared>>
      tpu.enqueue_indirect_dma source(%dma_start3A_946 : memref<128xf32, #tpu.memory_space<vmem>>) target(%dma_start3A_951 : memref<1048704xf32, #tpu.memory_space<vmem_shared>>) offsets(%dma_start3A_949 : memref<128xi32, #tpu.memory_space<vmem>>) semaphore(%run_scoped3A_943 : memref<!tpu.dma_semaphore, #tpu.memory_space<semaphore_mem>>) {add = true}
      %dma_wait3A_952 = arith.constant 0 : i32
      %dma_wait3A_953 = tpu.memref_slice %arg7[%run_scoped3A_933, %dma_wait3A_952] : memref<32x128xf32, #tpu.memory_space<vmem>> -> memref<1x128xf32, #tpu.memory_space<vmem>>
      %dma_wait3A_954 = tpu.memref_squeeze %dma_wait3A_953 : memref<1x128xf32, #tpu.memory_space<vmem>> -> memref<128xf32, #tpu.memory_space<vmem>>
      %dma_wait3A_955 = arith.constant 0 : i32
      %dma_wait3A_956 = tpu.memref_slice %arg8[%run_scoped3A_934, %dma_wait3A_955] : memref<32x128xi32, #tpu.memory_space<vmem>> -> memref<1x128xi32, #tpu.memory_space<vmem>>
      %dma_wait3A_957 = tpu.memref_squeeze %dma_wait3A_956 : memref<1x128xi32, #tpu.memory_space<vmem>> -> memref<128xi32, #tpu.memory_space<vmem>>
      %dma_wait3A_958 = arith.constant 0 : i32
      %dma_wait3A_959 = tpu.memref_slice %arg10[%dma_wait3A_958] : memref<1048704xf32, #tpu.memory_space<vmem_shared>> -> memref<1048704xf32, #tpu.memory_space<vmem_shared>>
      tpu.wait_indirect_dma semaphore(%run_scoped3A_943 : memref<!tpu.dma_semaphore, #tpu.memory_space<semaphore_mem>>) src(%dma_wait3A_954 : memref<128xf32, #tpu.memory_space<vmem>>) dst(%dma_wait3A_959 : memref<1048704xf32, #tpu.memory_space<vmem_shared>>)
      tpu.yield
    }) : () -> ()
    %barrier3A_935 = arith.constant 0 : index
    tpu.barrier barrier_id(%barrier3A_935)
    %mul3A_936 = arith.constant 2048 : i32
    %mul3A_937 = arith.muli %mul3A_829, %mul3A_936 : i32
    %mul3A_938 = arith.constant 65536 : i32
    %mul3A_939 = arith.muli %arg1, %mul3A_938 : i32
    %add3A_940 = arith.addi %mul3A_937, %mul3A_939 : i32
    %multiple_of3A_941 = tpu.assume_multiple %add3A_940, 64 : i32
    "tpu.region"() ({
      %run_scoped3A_943 = tpu.sem_alloc : memref<!tpu.dma_semaphore, #tpu.memory_space<semaphore_mem>>
      %dma_start3A_944 = tpu.memref_slice %arg4[%multiple_of3A_941] : memref<4194304xf32, #tpu.memory_space<hbm>> -> memref<65536xf32, #tpu.memory_space<hbm>>
      %dma_start3A_945 = tpu.memref_slice %arg10[%multiple_of3A_832] : memref<1048704xf32, #tpu.memory_space<vmem_shared>> -> memref<65536xf32, #tpu.memory_space<vmem_shared>>
      tpu.enqueue_dma source(%dma_start3A_945 : memref<65536xf32, #tpu.memory_space<vmem_shared>>) target(%dma_start3A_944 : memref<65536xf32, #tpu.memory_space<hbm>>) target_semaphore(%run_scoped3A_943 : memref<!tpu.dma_semaphore, #tpu.memory_space<semaphore_mem>>)
      %dma_wait3A_946 = tpu.memref_slice %arg4[%multiple_of3A_941] : memref<4194304xf32, #tpu.memory_space<hbm>> -> memref<65536xf32, #tpu.memory_space<hbm>>
      %dma_wait3A_947 = tpu.memref_slice %arg10[%multiple_of3A_832] : memref<1048704xf32, #tpu.memory_space<vmem_shared>> -> memref<65536xf32, #tpu.memory_space<vmem_shared>>
      tpu.wait_dma2 semaphore(%run_scoped3A_943 : memref<!tpu.dma_semaphore, #tpu.memory_space<semaphore_mem>>) src(%dma_wait3A_947 : memref<65536xf32, #tpu.memory_space<vmem_shared>>) dst(%dma_wait3A_946 : memref<65536xf32, #tpu.memory_space<hbm>>)
      tpu.yield
    }) : () -> ()
    %barrier3A_942 = arith.constant 0 : index
    tpu.barrier barrier_id(%barrier3A_942)
    return
  }
}

module attributes {stable_mosaic.version = 14 : i64} {
  func.func @_gcn_body(%arg0: memref<2048x2048xf32, #tpu.memory_space<vmem>>, %arg1: memref<2048x4xf32, #tpu.memory_space<vmem>>, %arg2: memref<4x64xf32, #tpu.memory_space<vmem>>, %arg3: memref<64xf32, #tpu.memory_space<vmem>>, %arg4: memref<64x64xf32, #tpu.memory_space<vmem>>, %arg5: memref<64xf32, #tpu.memory_space<vmem>>, %arg6: memref<64x64xf32, #tpu.memory_space<vmem>>, %arg7: memref<64xf32, #tpu.memory_space<vmem>>, %arg8: memref<2048x64xf32, #tpu.memory_space<vmem>>, %arg9: memref<64x2048xbf16, #tpu.memory_space<vmem>>) attributes {dimension_semantics = [], scalar_prefetch = 0 : i64, scratch_operands = 0 : i64, tpu.core_type = #tpu.core_type<tc>} {
    %get3A = arith.constant 0 : index
    %get3A_0 = arith.constant 0 : index
    %get3A_1 = vector.load %arg0[%get3A, %get3A_0] : memref<2048x2048xf32, #tpu.memory_space<vmem>>, vector<2048x2048xf32>
    %reduce_sum3A = arith.constant dense<0.000000e+00> : vector<2048xf32>
    %reduce_sum3A_2 = vector.multi_reduction <add>, %get3A_1, %reduce_sum3A [1] : vector<2048x2048xf32> to vector<2048xf32>
    %add3A = arith.constant 2.000000e+00 : f32
    %add3A_3 = vector.broadcast %add3A : f32 to vector<2048xf32>
    %add3A_4 = arith.addf %reduce_sum3A_2, %add3A_3 : vector<2048xf32>
    %gt3A = arith.constant 0.000000e+00 : f32
    %gt3A_5 = vector.broadcast %gt3A : f32 to vector<2048xf32>
    %gt3A_6 = arith.cmpf ogt, %add3A_4, %gt3A_5 : vector<2048xf32>
    %rsqrt3A = math.rsqrt %add3A_4 : vector<2048xf32>
    %jit3A = arith.constant 0.000000e+00 : f32
    %broadcast_in_dim3A = vector.broadcast %jit3A : f32 to vector<2048xf32>
    %select_n3A = arith.select %gt3A_6, %rsqrt3A, %broadcast_in_dim3A : vector<2048xi1>, vector<2048xf32>
    %broadcast_in_dim3A_7 = vector.shape_cast %select_n3A : vector<2048xf32> to vector<2048x1xf32>
    %mul3A = arith.constant 2.000000e+00 : f32
    %mul3A_8 = vector.broadcast %mul3A : f32 to vector<2048x1xf32>
    %mul3A_9 = arith.mulf %mul3A_8, %broadcast_in_dim3A_7 : vector<2048x1xf32>
    %mul3A_10 = arith.mulf %mul3A_9, %broadcast_in_dim3A_7 : vector<2048x1xf32>
    %get3A_11 = arith.constant 0 : index
    %get3A_12 = arith.constant 0 : index
    %get3A_13 = vector.load %arg1[%get3A_11, %get3A_12] : memref<2048x4xf32, #tpu.memory_space<vmem>>, vector<2048x4xf32>
    %get3A_14 = arith.constant 0 : index
    %get3A_15 = arith.constant 0 : index
    %get3A_16 = vector.load %arg2[%get3A_14, %get3A_15] : memref<4x64xf32, #tpu.memory_space<vmem>>, vector<4x64xf32>
    %dot_general3A = arith.constant dense<0.000000e+00> : vector<2048x64xf32>
    %dot_general3A_17 = tpu.matmul %get3A_13, %get3A_16, %dot_general3A {dimension_numbers = #tpu.dot_dimension_numbers<[1], [0], [0], [1], [0, 0, 1, 1], [], []>, transpose_lhs_hint = false} : vector<2048x4xf32>, vector<4x64xf32>, vector<2048x64xf32> -> vector<2048x64xf32>
    %mul3A_18 = vector.broadcast %broadcast_in_dim3A_7 : vector<2048x1xf32> to vector<2048x64xf32>
    %mul3A_19 = arith.mulf %dot_general3A_17, %mul3A_18 : vector<2048x64xf32>
    %dot_general3A_20 = arith.constant dense<0.000000e+00> : vector<2048x64xf32>
    %dot_general3A_21 = tpu.matmul %get3A_1, %mul3A_19, %dot_general3A_20 {dimension_numbers = #tpu.dot_dimension_numbers<[1], [0], [0], [1], [0, 0, 1, 1], [], []>, transpose_lhs_hint = false} : vector<2048x2048xf32>, vector<2048x64xf32>, vector<2048x64xf32> -> vector<2048x64xf32>
    %mul3A_22 = vector.broadcast %broadcast_in_dim3A_7 : vector<2048x1xf32> to vector<2048x64xf32>
    %mul3A_23 = arith.mulf %mul3A_22, %dot_general3A_21 : vector<2048x64xf32>
    %mul3A_24 = vector.broadcast %mul3A_10 : vector<2048x1xf32> to vector<2048x64xf32>
    %mul3A_25 = arith.mulf %mul3A_24, %dot_general3A_17 : vector<2048x64xf32>
    %add3A_26 = arith.addf %mul3A_23, %mul3A_25 : vector<2048x64xf32>
    %get3A_27 = arith.constant 0 : index
    %get3A_28 = vector.load %arg3[%get3A_27] : memref<64xf32, #tpu.memory_space<vmem>>, vector<64xf32>
    %broadcast_in_dim3A_29 = vector.shape_cast %get3A_28 : vector<64xf32> to vector<1x64xf32>
    %add3A_30 = vector.broadcast %broadcast_in_dim3A_29 : vector<1x64xf32> to vector<2048x64xf32>
    %add3A_31 = arith.addf %add3A_26, %add3A_30 : vector<2048x64xf32>
    %max3A = arith.constant 0.000000e+00 : f32
    %max3A_32 = vector.broadcast %max3A : f32 to vector<2048x64xf32>
    %max3A_33 = arith.maximumf %add3A_31, %max3A_32 : vector<2048x64xf32>
    %get3A_34 = arith.constant 0 : index
    %get3A_35 = arith.constant 0 : index
    %get3A_36 = vector.load %arg4[%get3A_34, %get3A_35] : memref<64x64xf32, #tpu.memory_space<vmem>>, vector<64x64xf32>
    %dot_general3A_37 = arith.constant dense<0.000000e+00> : vector<2048x64xf32>
    %dot_general3A_38 = tpu.matmul %max3A_33, %get3A_36, %dot_general3A_37 {dimension_numbers = #tpu.dot_dimension_numbers<[1], [0], [0], [1], [0, 0, 1, 1], [], []>, transpose_lhs_hint = false} : vector<2048x64xf32>, vector<64x64xf32>, vector<2048x64xf32> -> vector<2048x64xf32>
    %mul3A_39 = vector.broadcast %broadcast_in_dim3A_7 : vector<2048x1xf32> to vector<2048x64xf32>
    %mul3A_40 = arith.mulf %dot_general3A_38, %mul3A_39 : vector<2048x64xf32>
    %dot_general3A_41 = arith.constant dense<0.000000e+00> : vector<2048x64xf32>
    %dot_general3A_42 = tpu.matmul %get3A_1, %mul3A_40, %dot_general3A_41 {dimension_numbers = #tpu.dot_dimension_numbers<[1], [0], [0], [1], [0, 0, 1, 1], [], []>, transpose_lhs_hint = false} : vector<2048x2048xf32>, vector<2048x64xf32>, vector<2048x64xf32> -> vector<2048x64xf32>
    %mul3A_43 = vector.broadcast %broadcast_in_dim3A_7 : vector<2048x1xf32> to vector<2048x64xf32>
    %mul3A_44 = arith.mulf %mul3A_43, %dot_general3A_42 : vector<2048x64xf32>
    %mul3A_45 = vector.broadcast %mul3A_10 : vector<2048x1xf32> to vector<2048x64xf32>
    %mul3A_46 = arith.mulf %mul3A_45, %dot_general3A_38 : vector<2048x64xf32>
    %add3A_47 = arith.addf %mul3A_44, %mul3A_46 : vector<2048x64xf32>
    %get3A_48 = arith.constant 0 : index
    %get3A_49 = vector.load %arg5[%get3A_48] : memref<64xf32, #tpu.memory_space<vmem>>, vector<64xf32>
    %broadcast_in_dim3A_50 = vector.shape_cast %get3A_49 : vector<64xf32> to vector<1x64xf32>
    %add3A_51 = vector.broadcast %broadcast_in_dim3A_50 : vector<1x64xf32> to vector<2048x64xf32>
    %add3A_52 = arith.addf %add3A_47, %add3A_51 : vector<2048x64xf32>
    %max3A_53 = arith.constant 0.000000e+00 : f32
    %max3A_54 = vector.broadcast %max3A_53 : f32 to vector<2048x64xf32>
    %max3A_55 = arith.maximumf %add3A_52, %max3A_54 : vector<2048x64xf32>
    %get3A_56 = arith.constant 0 : index
    %get3A_57 = arith.constant 0 : index
    %get3A_58 = vector.load %arg6[%get3A_56, %get3A_57] : memref<64x64xf32, #tpu.memory_space<vmem>>, vector<64x64xf32>
    %dot_general3A_59 = arith.constant dense<0.000000e+00> : vector<2048x64xf32>
    %dot_general3A_60 = tpu.matmul %max3A_55, %get3A_58, %dot_general3A_59 {dimension_numbers = #tpu.dot_dimension_numbers<[1], [0], [0], [1], [0, 0, 1, 1], [], []>, transpose_lhs_hint = false} : vector<2048x64xf32>, vector<64x64xf32>, vector<2048x64xf32> -> vector<2048x64xf32>
    %mul3A_61 = vector.broadcast %broadcast_in_dim3A_7 : vector<2048x1xf32> to vector<2048x64xf32>
    %mul3A_62 = arith.mulf %dot_general3A_60, %mul3A_61 : vector<2048x64xf32>
    %dot_general3A_63 = arith.constant dense<0.000000e+00> : vector<2048x64xf32>
    %dot_general3A_64 = tpu.matmul %get3A_1, %mul3A_62, %dot_general3A_63 {dimension_numbers = #tpu.dot_dimension_numbers<[1], [0], [0], [1], [0, 0, 1, 1], [], []>, transpose_lhs_hint = false} : vector<2048x2048xf32>, vector<2048x64xf32>, vector<2048x64xf32> -> vector<2048x64xf32>
    %mul3A_65 = vector.broadcast %broadcast_in_dim3A_7 : vector<2048x1xf32> to vector<2048x64xf32>
    %mul3A_66 = arith.mulf %mul3A_65, %dot_general3A_64 : vector<2048x64xf32>
    %mul3A_67 = vector.broadcast %mul3A_10 : vector<2048x1xf32> to vector<2048x64xf32>
    %mul3A_68 = arith.mulf %mul3A_67, %dot_general3A_60 : vector<2048x64xf32>
    %add3A_69 = arith.addf %mul3A_66, %mul3A_68 : vector<2048x64xf32>
    %get3A_70 = arith.constant 0 : index
    %get3A_71 = vector.load %arg7[%get3A_70] : memref<64xf32, #tpu.memory_space<vmem>>, vector<64xf32>
    %broadcast_in_dim3A_72 = vector.shape_cast %get3A_71 : vector<64xf32> to vector<1x64xf32>
    %add3A_73 = vector.broadcast %broadcast_in_dim3A_72 : vector<1x64xf32> to vector<2048x64xf32>
    %add3A_74 = arith.addf %add3A_69, %add3A_73 : vector<2048x64xf32>
    %max3A_75 = arith.constant 0.000000e+00 : f32
    %max3A_76 = vector.broadcast %max3A_75 : f32 to vector<2048x64xf32>
    %max3A_77 = arith.maximumf %add3A_74, %max3A_76 : vector<2048x64xf32>
    %swap3A = arith.constant 0 : index
    %swap3A_78 = arith.constant 0 : index
    %swap3A_79 = vector.load %arg8[%swap3A, %swap3A_78] : memref<2048x64xf32, #tpu.memory_space<vmem>>, vector<2048x64xf32>
    tpu.vector_store %arg8[%swap3A, %swap3A_78], %max3A_77 {strides = array<i32>} : memref<2048x64xf32, #tpu.memory_space<vmem>>, vector<2048x64xf32>,
    %transpose3A = tpu.transpose %max3A_77, [1, 0] : vector<2048x64xf32> -> vector<64x2048xf32>
    %convert_element_type3A = arith.truncf %transpose3A : vector<64x2048xf32> to vector<64x2048xbf16>
    %swap3A_80 = arith.constant 0 : index
    %swap3A_81 = arith.constant 0 : index
    %swap3A_82 = vector.load %arg9[%swap3A_80, %swap3A_81] : memref<64x2048xbf16, #tpu.memory_space<vmem>>, vector<64x2048xbf16>
    tpu.vector_store %arg9[%swap3A_80, %swap3A_81], %convert_element_type3A {strides = array<i32>} : memref<64x2048xbf16, #tpu.memory_space<vmem>>, vector<64x2048xbf16>,
    return
  }
}

module attributes {stable_mosaic.version = 14 : i64} {
  func.func @_decode_body(%arg0: i32, %arg1: i32, %arg2: memref<256x64xf32, #tpu.memory_space<vmem>>, %arg3: memref<64x256xbf16, #tpu.memory_space<vmem>>, %arg4: memref<64x128xbf16, #tpu.memory_space<vmem>>, %arg5: memref<49x64xbf16, #tpu.memory_space<vmem>>, %arg6: memref<64xf32, #tpu.memory_space<vmem>>, %arg7: memref<1x1xf32, #tpu.memory_space<vmem>>, %arg8: memref<384x1232xbf16, #tpu.memory_space<vmem>>, %arg9: memref<1x1x128x256xf32, #tpu.memory_space<vmem>>, %arg10: memref<7x7x176x262xbf16, #tpu.memory_space<vmem>>) attributes {dimension_semantics = [#tpu.dimension_semantics<arbitrary>, #tpu.dimension_semantics<arbitrary>], iteration_bounds = array<i64: 8, 2>, scalar_prefetch = 0 : i64, scratch_operands = 1 : i64, tpu.core_type = #tpu.core_type<tc>, window_params = [{transform_indices = @transform_0, window_bounds = array<i64: 256, 64>}, {transform_indices = @transform_1, window_bounds = array<i64: 64, 256>}, {pipeline_mode = #tpu.pipeline_mode<synchronous>, transform_indices = @transform_2, window_bounds = array<i64: 64, 128>}, {pipeline_mode = #tpu.pipeline_mode<synchronous>, transform_indices = @transform_3, window_bounds = array<i64: 49, 64>}, {pipeline_mode = #tpu.pipeline_mode<synchronous>, transform_indices = @transform_4, window_bounds = array<i64: 64>}, {pipeline_mode = #tpu.pipeline_mode<synchronous>, transform_indices = @transform_5, window_bounds = array<i64: 1, 1>}, {pipeline_mode = #tpu.pipeline_mode<synchronous>, transform_indices = @transform_6, window_bounds = array<i64: 384, 1232>}, {transform_indices = @transform_7, window_bounds = array<i64: 1, 1, 128, 256>}]} {
    %mul3A = arith.constant 128 : i32
    %mul3A_0 = arith.muli %arg1, %mul3A : i32
    %sub3A = arith.constant 8 : i32
    %sub3A_1 = arith.subi %mul3A_0, %sub3A : i32
    %jit3A = arith.constant 0 : i32
    %jit3A_2 = arith.constant 112 : i32
    %max3A = arith.maxsi %jit3A, %sub3A_1 : i32
    %min3A = arith.minsi %jit3A_2, %max3A : i32
    %multiple_of3A = tpu.assume_multiple %min3A, 8 : i32
    %sub3A_3 = arith.subi %mul3A_0, %multiple_of3A : i32
    %add3A = arith.constant 3 : i32
    %add3A_4 = arith.addi %sub3A_3, %add3A : i32
    %get3A = arith.constant 0 : index
    %get3A_5 = arith.constant 0 : index
    %get3A_6 = vector.load %arg3[%get3A, %get3A_5] : memref<64x256xbf16, #tpu.memory_space<vmem>>, vector<64x256xbf16>
    %get3A_7 = arith.index_cast %multiple_of3A : i32 to index
    %get3A_8 = arith.constant 0 : index
    %get3A_9 = vector.load %arg2[%get3A_7, %get3A_8] : memref<256x64xf32, #tpu.memory_space<vmem>>, vector<144x64xf32>
    %transpose3A = tpu.transpose %get3A_9, [1, 0] : vector<144x64xf32> -> vector<64x144xf32>
    %convert_element_type3A = arith.truncf %transpose3A : vector<64x144xf32> to vector<64x144xbf16>
    %broadcast_in_dim3A = vector.shape_cast %convert_element_type3A : vector<64x144xbf16> to vector<64x144x1xbf16>
    %broadcast_in_dim3A_10 = vector.shape_cast %get3A_6 : vector<64x256xbf16> to vector<64x1x256xbf16>
    %sub3A_11 = vector.broadcast %broadcast_in_dim3A : vector<64x144x1xbf16> to vector<64x144x256xbf16>
    %sub3A_12 = vector.broadcast %broadcast_in_dim3A_10 : vector<64x1x256xbf16> to vector<64x144x256xbf16>
    %sub3A_13 = arith.subf %sub3A_11, %sub3A_12 : vector<64x144x256xbf16>
    %abs3A = math.absf %sub3A_13 : vector<64x144x256xbf16>
    %broadcast_in_dim3A_14 = vector.shape_cast %convert_element_type3A : vector<64x144xbf16> to vector<64x144x1xbf16>
    %broadcast_in_dim3A_15 = vector.shape_cast %get3A_6 : vector<64x256xbf16> to vector<64x1x256xbf16>
    %mul3A_16 = vector.broadcast %broadcast_in_dim3A_14 : vector<64x144x1xbf16> to vector<64x144x256xbf16>
    %mul3A_17 = vector.broadcast %broadcast_in_dim3A_15 : vector<64x1x256xbf16> to vector<64x144x256xbf16>
    %mul3A_18 = arith.mulf %mul3A_16, %mul3A_17 : vector<64x144x256xbf16>
    %concatenate3A = tpu.concatenate %abs3A, %mul3A_18 in 0 : vector<64x144x256xbf16>, vector<64x144x256xbf16> -> vector<128x144x256xbf16>
    %reshape3A = vector.shape_cast %concatenate3A : vector<128x144x256xbf16> to vector<128x36864xbf16>
    %get3A_19 = arith.constant 0 : index
    %get3A_20 = arith.constant 0 : index
    %get3A_21 = vector.load %arg4[%get3A_19, %get3A_20] : memref<64x128xbf16, #tpu.memory_space<vmem>>, vector<64x128xbf16>
    %dot_general3A = arith.constant dense<0.000000e+00> : vector<64x36864xf32>
    %dot_general3A_22 = tpu.matmul %get3A_21, %reshape3A, %dot_general3A {dimension_numbers = #tpu.dot_dimension_numbers<[1], [0], [0], [1], [0, 0, 1, 1], [], []>, transpose_lhs_hint = false} : vector<64x128xbf16>, vector<128x36864xbf16>, vector<64x36864xf32> -> vector<64x36864xf32>
    %get3A_23 = arith.constant 0 : index
    %get3A_24 = vector.load %arg6[%get3A_23] : memref<64xf32, #tpu.memory_space<vmem>>, vector<64xf32>
    %broadcast_in_dim3A_25 = vector.shape_cast %get3A_24 : vector<64xf32> to vector<64x1xf32>
    %add3A_26 = vector.broadcast %broadcast_in_dim3A_25 : vector<64x1xf32> to vector<64x36864xf32>
    %add3A_27 = arith.addf %dot_general3A_22, %add3A_26 : vector<64x36864xf32>
    %max3A_28 = arith.constant 0.000000e+00 : f32
    %max3A_29 = vector.broadcast %max3A_28 : f32 to vector<64x36864xf32>
    %max3A_30 = arith.maximumf %add3A_27, %max3A_29 : vector<64x36864xf32>
    %convert_element_type3A_31 = arith.truncf %max3A_30 : vector<64x36864xf32> to vector<64x36864xbf16>
    %get3A_32 = arith.constant 0 : index
    %get3A_33 = arith.constant 0 : index
    %get3A_34 = vector.load %arg5[%get3A_32, %get3A_33] : memref<49x64xbf16, #tpu.memory_space<vmem>>, vector<49x64xbf16>
    %dot_general3A_35 = arith.constant dense<0.000000e+00> : vector<49x36864xf32>
    %dot_general3A_36 = tpu.matmul %get3A_34, %convert_element_type3A_31, %dot_general3A_35 {dimension_numbers = #tpu.dot_dimension_numbers<[1], [0], [0], [1], [0, 0, 1, 1], [], []>, transpose_lhs_hint = false} : vector<49x64xbf16>, vector<64x36864xbf16>, vector<49x36864xf32> -> vector<49x36864xf32>
    %reshape3A_37 = vector.shape_cast %dot_general3A_36 : vector<49x36864xf32> to vector<7x7x144x256xf32>
    %convert_element_type3A_38 = arith.truncf %reshape3A_37 : vector<7x7x144x256xf32> to vector<7x7x144x256xbf16>
    %broadcast_in_dim3A_39 = arith.constant 0.000000e+00 : bf16
    %broadcast_in_dim3A_40 = vector.broadcast %broadcast_in_dim3A_39 : bf16 to vector<7x7x144x3xbf16>
    %broadcast_in_dim3A_41 = arith.constant 0.000000e+00 : bf16
    %broadcast_in_dim3A_42 = vector.broadcast %broadcast_in_dim3A_41 : bf16 to vector<7x7x16x262xbf16>
    %swap3A = arith.constant 0 : index
    %swap3A_43 = arith.constant 0 : index
    %swap3A_44 = arith.constant 0 : index
    %swap3A_45 = arith.constant 0 : index
    %swap3A_46 = vector.load %arg10[%swap3A, %swap3A_43, %swap3A_44, %swap3A_45] : memref<7x7x176x262xbf16, #tpu.memory_space<vmem>>, vector<7x7x16x262xbf16>
    tpu.vector_store %arg10[%swap3A, %swap3A_43, %swap3A_44, %swap3A_45], %broadcast_in_dim3A_42 {strides = array<i32>} : memref<7x7x176x262xbf16, #tpu.memory_space<vmem>>, vector<7x7x16x262xbf16>,
    %swap3A_47 = arith.constant 0 : index
    %swap3A_48 = arith.constant 0 : index
    %swap3A_49 = arith.constant 160 : index
    %swap3A_50 = arith.constant 0 : index
    %swap3A_51 = vector.load %arg10[%swap3A_47, %swap3A_48, %swap3A_49, %swap3A_50] : memref<7x7x176x262xbf16, #tpu.memory_space<vmem>>, vector<7x7x16x262xbf16>
    tpu.vector_store %arg10[%swap3A_47, %swap3A_48, %swap3A_49, %swap3A_50], %broadcast_in_dim3A_42 {strides = array<i32>} : memref<7x7x176x262xbf16, #tpu.memory_space<vmem>>, vector<7x7x16x262xbf16>,
    %concatenate3A_52 = tpu.concatenate %broadcast_in_dim3A_40, %convert_element_type3A_38, %broadcast_in_dim3A_40 in 3 : vector<7x7x144x3xbf16>, vector<7x7x144x256xbf16>, vector<7x7x144x3xbf16> -> vector<7x7x144x262xbf16>
    %swap3A_53 = arith.constant 0 : index
    %swap3A_54 = arith.constant 0 : index
    %swap3A_55 = arith.constant 16 : index
    %swap3A_56 = arith.constant 0 : index
    %swap3A_57 = vector.load %arg10[%swap3A_53, %swap3A_54, %swap3A_55, %swap3A_56] : memref<7x7x176x262xbf16, #tpu.memory_space<vmem>>, vector<7x7x144x262xbf16>
    tpu.vector_store %arg10[%swap3A_53, %swap3A_54, %swap3A_55, %swap3A_56], %concatenate3A_52 {strides = array<i32>} : memref<7x7x176x262xbf16, #tpu.memory_space<vmem>>, vector<7x7x144x262xbf16>,
    %sub3A_58 = arith.constant 3 : i32
    %sub3A_59 = arith.subi %add3A_4, %sub3A_58 : i32
    %jit3A_60 = arith.constant 8 : i32
    %div3A = arith.divsi %sub3A_59, %jit3A_60 : i32
    %sign3A = arith.constant 0 : i32
    %sign3A_61 = arith.cmpi sgt, %sub3A_59, %sign3A : i32
    %sign3A_62 = arith.extui %sign3A_61 : i1 to i32
    %sign3A_63 = arith.constant 0 : i32
    %sign3A_64 = arith.cmpi slt, %sub3A_59, %sign3A_63 : i32
    %sign3A_65 = arith.extui %sign3A_64 : i1 to i32
    %sign3A_66 = arith.subi %sign3A_62, %sign3A_65 : i32
    %sign3A_67 = arith.constant 0 : i32
    %sign3A_68 = arith.cmpi sgt, %jit3A_60, %sign3A_67 : i32
    %sign3A_69 = arith.extui %sign3A_68 : i1 to i32
    %sign3A_70 = arith.constant 0 : i32
    %sign3A_71 = arith.cmpi slt, %jit3A_60, %sign3A_70 : i32
    %sign3A_72 = arith.extui %sign3A_71 : i1 to i32
    %sign3A_73 = arith.subi %sign3A_69, %sign3A_72 : i32
    %ne3A = arith.cmpi ne, %sign3A_66, %sign3A_73 : i32
    %rem3A = arith.remsi %sub3A_59, %jit3A_60 : i32
    %ne3A_74 = arith.constant 0 : i32
    %ne3A_75 = arith.cmpi ne, %rem3A, %ne3A_74 : i32
    %and3A = arith.andi %ne3A, %ne3A_75 : i1
    %sub3A_76 = arith.constant 1 : i32
    %sub3A_77 = arith.subi %div3A, %sub3A_76 : i32
    %select_n3A = arith.select %and3A, %sub3A_77, %div3A : i32
    %mul3A_78 = arith.constant 128 : i32
    %mul3A_79 = arith.muli %select_n3A, %mul3A_78 : i32
    %multiple_of3A_80 = tpu.assume_multiple %mul3A_79, 16 : i32
    %get3A_81 = arith.index_cast %multiple_of3A_80 : i32 to index
    %get3A_82 = arith.constant 0 : index
    %get3A_83 = vector.load %arg8[%get3A_81, %get3A_82] : memref<384x1232xbf16, #tpu.memory_space<vmem>>, vector<128x1232xbf16>
    %broadcast_in_dim3A_84 = arith.constant 0.000000e+00 : f32
    %broadcast_in_dim3A_85 = vector.broadcast %broadcast_in_dim3A_84 : f32 to vector<128x256xf32>
    %broadcast_in_dim3A_86 = arith.constant 0.000000e+00 : f32
    %broadcast_in_dim3A_87 = vector.broadcast %broadcast_in_dim3A_86 : f32 to vector<128x256xf32>
    %get3A_88 = arith.constant 0 : index
    %get3A_89 = arith.constant 0 : index
    %get3A_90 = arith.constant 0 : index
    %get3A_91 = arith.constant 0 : index
    %get3A_92 = vector.load %arg10[%get3A_88, %get3A_89, %get3A_90, %get3A_91] : memref<7x7x176x262xbf16, #tpu.memory_space<vmem>>, vector<7x1x176x262xbf16>
    %get3A_93 = vector.shape_cast %get3A_92 : vector<7x1x176x262xbf16> to vector<7x176x262xbf16>
    %reshape3A_94 = vector.shape_cast %get3A_93 : vector<7x176x262xbf16> to vector<1232x262xbf16>
    %dot_general3A_95 = arith.constant dense<0.000000e+00> : vector<128x262xf32>
    %dot_general3A_96 = tpu.matmul %get3A_83, %reshape3A_94, %dot_general3A_95 {dimension_numbers = #tpu.dot_dimension_numbers<[1], [0], [0], [1], [0, 0, 1, 1], [], []>, transpose_lhs_hint = false} : vector<128x1232xbf16>, vector<1232x262xbf16>, vector<128x262xf32> -> vector<128x262xf32>
    %slice3A = vector.extract_strided_slice %dot_general3A_96 {offsets = [0, 0], sizes = [128, 256], strides = [1, 1]} : vector<128x262xf32> to vector<128x256xf32>
    %add3A_97 = arith.addf %broadcast_in_dim3A_85, %slice3A : vector<128x256xf32>
    %get3A_98 = arith.constant 0 : index
    %get3A_99 = arith.constant 0 : index
    %get3A_100 = arith.constant 0 : index
    %get3A_101 = arith.constant 0 : index
    %get3A_102 = vector.load %arg10[%get3A_98, %get3A_99, %get3A_100, %get3A_101] : memref<7x7x176x262xbf16, #tpu.memory_space<vmem>>, vector<1x7x176x262xbf16>
    %get3A_103 = vector.shape_cast %get3A_102 : vector<1x7x176x262xbf16> to vector<7x176x262xbf16>
    %reshape3A_104 = vector.shape_cast %get3A_103 : vector<7x176x262xbf16> to vector<1232x262xbf16>
    %dot_general3A_105 = arith.constant dense<0.000000e+00> : vector<128x262xf32>
    %dot_general3A_106 = tpu.matmul %get3A_83, %reshape3A_104, %dot_general3A_105 {dimension_numbers = #tpu.dot_dimension_numbers<[1], [0], [0], [1], [0, 0, 1, 1], [], []>, transpose_lhs_hint = false} : vector<128x1232xbf16>, vector<1232x262xbf16>, vector<128x262xf32> -> vector<128x262xf32>
    %slice3A_107 = vector.extract_strided_slice %dot_general3A_106 {offsets = [0, 0], sizes = [128, 256], strides = [1, 1]} : vector<128x262xf32> to vector<128x256xf32>
    %add3A_108 = arith.addf %broadcast_in_dim3A_87, %slice3A_107 : vector<128x256xf32>
    %get3A_109 = arith.constant 0 : index
    %get3A_110 = arith.constant 1 : index
    %get3A_111 = arith.constant 0 : index
    %get3A_112 = arith.constant 0 : index
    %get3A_113 = vector.load %arg10[%get3A_109, %get3A_110, %get3A_111, %get3A_112] : memref<7x7x176x262xbf16, #tpu.memory_space<vmem>>, vector<7x1x176x262xbf16>
    %get3A_114 = vector.shape_cast %get3A_113 : vector<7x1x176x262xbf16> to vector<7x176x262xbf16>
    %reshape3A_115 = vector.shape_cast %get3A_114 : vector<7x176x262xbf16> to vector<1232x262xbf16>
    %dot_general3A_116 = arith.constant dense<0.000000e+00> : vector<128x262xf32>
    %dot_general3A_117 = tpu.matmul %get3A_83, %reshape3A_115, %dot_general3A_116 {dimension_numbers = #tpu.dot_dimension_numbers<[1], [0], [0], [1], [0, 0, 1, 1], [], []>, transpose_lhs_hint = false} : vector<128x1232xbf16>, vector<1232x262xbf16>, vector<128x262xf32> -> vector<128x262xf32>
    %slice3A_118 = vector.extract_strided_slice %dot_general3A_117 {offsets = [0, 1], sizes = [128, 256], strides = [1, 1]} : vector<128x262xf32> to vector<128x256xf32>
    %add3A_119 = arith.addf %add3A_97, %slice3A_118 : vector<128x256xf32>
    %get3A_120 = arith.constant 1 : index
    %get3A_121 = arith.constant 0 : index
    %get3A_122 = arith.constant 0 : index
    %get3A_123 = arith.constant 0 : index
    %get3A_124 = vector.load %arg10[%get3A_120, %get3A_121, %get3A_122, %get3A_123] : memref<7x7x176x262xbf16, #tpu.memory_space<vmem>>, vector<1x7x176x262xbf16>
    %get3A_125 = vector.shape_cast %get3A_124 : vector<1x7x176x262xbf16> to vector<7x176x262xbf16>
    %reshape3A_126 = vector.shape_cast %get3A_125 : vector<7x176x262xbf16> to vector<1232x262xbf16>
    %dot_general3A_127 = arith.constant dense<0.000000e+00> : vector<128x262xf32>
    %dot_general3A_128 = tpu.matmul %get3A_83, %reshape3A_126, %dot_general3A_127 {dimension_numbers = #tpu.dot_dimension_numbers<[1], [0], [0], [1], [0, 0, 1, 1], [], []>, transpose_lhs_hint = false} : vector<128x1232xbf16>, vector<1232x262xbf16>, vector<128x262xf32> -> vector<128x262xf32>
    %slice3A_129 = vector.extract_strided_slice %dot_general3A_128 {offsets = [0, 1], sizes = [128, 256], strides = [1, 1]} : vector<128x262xf32> to vector<128x256xf32>
    %add3A_130 = arith.addf %add3A_108, %slice3A_129 : vector<128x256xf32>
    %get3A_131 = arith.constant 0 : index
    %get3A_132 = arith.constant 2 : index
    %get3A_133 = arith.constant 0 : index
    %get3A_134 = arith.constant 0 : index
    %get3A_135 = vector.load %arg10[%get3A_131, %get3A_132, %get3A_133, %get3A_134] : memref<7x7x176x262xbf16, #tpu.memory_space<vmem>>, vector<7x1x176x262xbf16>
    %get3A_136 = vector.shape_cast %get3A_135 : vector<7x1x176x262xbf16> to vector<7x176x262xbf16>
    %reshape3A_137 = vector.shape_cast %get3A_136 : vector<7x176x262xbf16> to vector<1232x262xbf16>
    %dot_general3A_138 = arith.constant dense<0.000000e+00> : vector<128x262xf32>
    %dot_general3A_139 = tpu.matmul %get3A_83, %reshape3A_137, %dot_general3A_138 {dimension_numbers = #tpu.dot_dimension_numbers<[1], [0], [0], [1], [0, 0, 1, 1], [], []>, transpose_lhs_hint = false} : vector<128x1232xbf16>, vector<1232x262xbf16>, vector<128x262xf32> -> vector<128x262xf32>
    %slice3A_140 = vector.extract_strided_slice %dot_general3A_139 {offsets = [0, 2], sizes = [128, 256], strides = [1, 1]} : vector<128x262xf32> to vector<128x256xf32>
    %add3A_141 = arith.addf %add3A_119, %slice3A_140 : vector<128x256xf32>
    %get3A_142 = arith.constant 2 : index
    %get3A_143 = arith.constant 0 : index
    %get3A_144 = arith.constant 0 : index
    %get3A_145 = arith.constant 0 : index
    %get3A_146 = vector.load %arg10[%get3A_142, %get3A_143, %get3A_144, %get3A_145] : memref<7x7x176x262xbf16, #tpu.memory_space<vmem>>, vector<1x7x176x262xbf16>
    %get3A_147 = vector.shape_cast %get3A_146 : vector<1x7x176x262xbf16> to vector<7x176x262xbf16>
    %reshape3A_148 = vector.shape_cast %get3A_147 : vector<7x176x262xbf16> to vector<1232x262xbf16>
    %dot_general3A_149 = arith.constant dense<0.000000e+00> : vector<128x262xf32>
    %dot_general3A_150 = tpu.matmul %get3A_83, %reshape3A_148, %dot_general3A_149 {dimension_numbers = #tpu.dot_dimension_numbers<[1], [0], [0], [1], [0, 0, 1, 1], [], []>, transpose_lhs_hint = false} : vector<128x1232xbf16>, vector<1232x262xbf16>, vector<128x262xf32> -> vector<128x262xf32>
    %slice3A_151 = vector.extract_strided_slice %dot_general3A_150 {offsets = [0, 2], sizes = [128, 256], strides = [1, 1]} : vector<128x262xf32> to vector<128x256xf32>
    %add3A_152 = arith.addf %add3A_130, %slice3A_151 : vector<128x256xf32>
    %get3A_153 = arith.constant 0 : index
    %get3A_154 = arith.constant 3 : index
    %get3A_155 = arith.constant 0 : index
    %get3A_156 = arith.constant 0 : index
    %get3A_157 = vector.load %arg10[%get3A_153, %get3A_154, %get3A_155, %get3A_156] : memref<7x7x176x262xbf16, #tpu.memory_space<vmem>>, vector<7x1x176x262xbf16>
    %get3A_158 = vector.shape_cast %get3A_157 : vector<7x1x176x262xbf16> to vector<7x176x262xbf16>
    %reshape3A_159 = vector.shape_cast %get3A_158 : vector<7x176x262xbf16> to vector<1232x262xbf16>
    %dot_general3A_160 = arith.constant dense<0.000000e+00> : vector<128x262xf32>
    %dot_general3A_161 = tpu.matmul %get3A_83, %reshape3A_159, %dot_general3A_160 {dimension_numbers = #tpu.dot_dimension_numbers<[1], [0], [0], [1], [0, 0, 1, 1], [], []>, transpose_lhs_hint = false} : vector<128x1232xbf16>, vector<1232x262xbf16>, vector<128x262xf32> -> vector<128x262xf32>
    %slice3A_162 = vector.extract_strided_slice %dot_general3A_161 {offsets = [0, 3], sizes = [128, 256], strides = [1, 1]} : vector<128x262xf32> to vector<128x256xf32>
    %add3A_163 = arith.addf %add3A_141, %slice3A_162 : vector<128x256xf32>
    %get3A_164 = arith.constant 3 : index
    %get3A_165 = arith.constant 0 : index
    %get3A_166 = arith.constant 0 : index
    %get3A_167 = arith.constant 0 : index
    %get3A_168 = vector.load %arg10[%get3A_164, %get3A_165, %get3A_166, %get3A_167] : memref<7x7x176x262xbf16, #tpu.memory_space<vmem>>, vector<1x7x176x262xbf16>
    %get3A_169 = vector.shape_cast %get3A_168 : vector<1x7x176x262xbf16> to vector<7x176x262xbf16>
    %reshape3A_170 = vector.shape_cast %get3A_169 : vector<7x176x262xbf16> to vector<1232x262xbf16>
    %dot_general3A_171 = arith.constant dense<0.000000e+00> : vector<128x262xf32>
    %dot_general3A_172 = tpu.matmul %get3A_83, %reshape3A_170, %dot_general3A_171 {dimension_numbers = #tpu.dot_dimension_numbers<[1], [0], [0], [1], [0, 0, 1, 1], [], []>, transpose_lhs_hint = false} : vector<128x1232xbf16>, vector<1232x262xbf16>, vector<128x262xf32> -> vector<128x262xf32>
    %slice3A_173 = vector.extract_strided_slice %dot_general3A_172 {offsets = [0, 3], sizes = [128, 256], strides = [1, 1]} : vector<128x262xf32> to vector<128x256xf32>
    %add3A_174 = arith.addf %add3A_152, %slice3A_173 : vector<128x256xf32>
    %get3A_175 = arith.constant 0 : index
    %get3A_176 = arith.constant 4 : index
    %get3A_177 = arith.constant 0 : index
    %get3A_178 = arith.constant 0 : index
    %get3A_179 = vector.load %arg10[%get3A_175, %get3A_176, %get3A_177, %get3A_178] : memref<7x7x176x262xbf16, #tpu.memory_space<vmem>>, vector<7x1x176x262xbf16>
    %get3A_180 = vector.shape_cast %get3A_179 : vector<7x1x176x262xbf16> to vector<7x176x262xbf16>
    %reshape3A_181 = vector.shape_cast %get3A_180 : vector<7x176x262xbf16> to vector<1232x262xbf16>
    %dot_general3A_182 = arith.constant dense<0.000000e+00> : vector<128x262xf32>
    %dot_general3A_183 = tpu.matmul %get3A_83, %reshape3A_181, %dot_general3A_182 {dimension_numbers = #tpu.dot_dimension_numbers<[1], [0], [0], [1], [0, 0, 1, 1], [], []>, transpose_lhs_hint = false} : vector<128x1232xbf16>, vector<1232x262xbf16>, vector<128x262xf32> -> vector<128x262xf32>
    %slice3A_184 = vector.extract_strided_slice %dot_general3A_183 {offsets = [0, 4], sizes = [128, 256], strides = [1, 1]} : vector<128x262xf32> to vector<128x256xf32>
    %add3A_185 = arith.addf %add3A_163, %slice3A_184 : vector<128x256xf32>
    %get3A_186 = arith.constant 4 : index
    %get3A_187 = arith.constant 0 : index
    %get3A_188 = arith.constant 0 : index
    %get3A_189 = arith.constant 0 : index
    %get3A_190 = vector.load %arg10[%get3A_186, %get3A_187, %get3A_188, %get3A_189] : memref<7x7x176x262xbf16, #tpu.memory_space<vmem>>, vector<1x7x176x262xbf16>
    %get3A_191 = vector.shape_cast %get3A_190 : vector<1x7x176x262xbf16> to vector<7x176x262xbf16>
    %reshape3A_192 = vector.shape_cast %get3A_191 : vector<7x176x262xbf16> to vector<1232x262xbf16>
    %dot_general3A_193 = arith.constant dense<0.000000e+00> : vector<128x262xf32>
    %dot_general3A_194 = tpu.matmul %get3A_83, %reshape3A_192, %dot_general3A_193 {dimension_numbers = #tpu.dot_dimension_numbers<[1], [0], [0], [1], [0, 0, 1, 1], [], []>, transpose_lhs_hint = false} : vector<128x1232xbf16>, vector<1232x262xbf16>, vector<128x262xf32> -> vector<128x262xf32>
    %slice3A_195 = vector.extract_strided_slice %dot_general3A_194 {offsets = [0, 4], sizes = [128, 256], strides = [1, 1]} : vector<128x262xf32> to vector<128x256xf32>
    %add3A_196 = arith.addf %add3A_174, %slice3A_195 : vector<128x256xf32>
    %get3A_197 = arith.constant 0 : index
    %get3A_198 = arith.constant 5 : index
    %get3A_199 = arith.constant 0 : index
    %get3A_200 = arith.constant 0 : index
    %get3A_201 = vector.load %arg10[%get3A_197, %get3A_198, %get3A_199, %get3A_200] : memref<7x7x176x262xbf16, #tpu.memory_space<vmem>>, vector<7x1x176x262xbf16>
    %get3A_202 = vector.shape_cast %get3A_201 : vector<7x1x176x262xbf16> to vector<7x176x262xbf16>
    %reshape3A_203 = vector.shape_cast %get3A_202 : vector<7x176x262xbf16> to vector<1232x262xbf16>
    %dot_general3A_204 = arith.constant dense<0.000000e+00> : vector<128x262xf32>
    %dot_general3A_205 = tpu.matmul %get3A_83, %reshape3A_203, %dot_general3A_204 {dimension_numbers = #tpu.dot_dimension_numbers<[1], [0], [0], [1], [0, 0, 1, 1], [], []>, transpose_lhs_hint = false} : vector<128x1232xbf16>, vector<1232x262xbf16>, vector<128x262xf32> -> vector<128x262xf32>
    %slice3A_206 = vector.extract_strided_slice %dot_general3A_205 {offsets = [0, 5], sizes = [128, 256], strides = [1, 1]} : vector<128x262xf32> to vector<128x256xf32>
    %add3A_207 = arith.addf %add3A_185, %slice3A_206 : vector<128x256xf32>
    %get3A_208 = arith.constant 5 : index
    %get3A_209 = arith.constant 0 : index
    %get3A_210 = arith.constant 0 : index
    %get3A_211 = arith.constant 0 : index
    %get3A_212 = vector.load %arg10[%get3A_208, %get3A_209, %get3A_210, %get3A_211] : memref<7x7x176x262xbf16, #tpu.memory_space<vmem>>, vector<1x7x176x262xbf16>
    %get3A_213 = vector.shape_cast %get3A_212 : vector<1x7x176x262xbf16> to vector<7x176x262xbf16>
    %reshape3A_214 = vector.shape_cast %get3A_213 : vector<7x176x262xbf16> to vector<1232x262xbf16>
    %dot_general3A_215 = arith.constant dense<0.000000e+00> : vector<128x262xf32>
    %dot_general3A_216 = tpu.matmul %get3A_83, %reshape3A_214, %dot_general3A_215 {dimension_numbers = #tpu.dot_dimension_numbers<[1], [0], [0], [1], [0, 0, 1, 1], [], []>, transpose_lhs_hint = false} : vector<128x1232xbf16>, vector<1232x262xbf16>, vector<128x262xf32> -> vector<128x262xf32>
    %slice3A_217 = vector.extract_strided_slice %dot_general3A_216 {offsets = [0, 5], sizes = [128, 256], strides = [1, 1]} : vector<128x262xf32> to vector<128x256xf32>
    %add3A_218 = arith.addf %add3A_196, %slice3A_217 : vector<128x256xf32>
    %get3A_219 = arith.constant 0 : index
    %get3A_220 = arith.constant 6 : index
    %get3A_221 = arith.constant 0 : index
    %get3A_222 = arith.constant 0 : index
    %get3A_223 = vector.load %arg10[%get3A_219, %get3A_220, %get3A_221, %get3A_222] : memref<7x7x176x262xbf16, #tpu.memory_space<vmem>>, vector<7x1x176x262xbf16>
    %get3A_224 = vector.shape_cast %get3A_223 : vector<7x1x176x262xbf16> to vector<7x176x262xbf16>
    %reshape3A_225 = vector.shape_cast %get3A_224 : vector<7x176x262xbf16> to vector<1232x262xbf16>
    %dot_general3A_226 = arith.constant dense<0.000000e+00> : vector<128x262xf32>
    %dot_general3A_227 = tpu.matmul %get3A_83, %reshape3A_225, %dot_general3A_226 {dimension_numbers = #tpu.dot_dimension_numbers<[1], [0], [0], [1], [0, 0, 1, 1], [], []>, transpose_lhs_hint = false} : vector<128x1232xbf16>, vector<1232x262xbf16>, vector<128x262xf32> -> vector<128x262xf32>
    %slice3A_228 = vector.extract_strided_slice %dot_general3A_227 {offsets = [0, 6], sizes = [128, 256], strides = [1, 1]} : vector<128x262xf32> to vector<128x256xf32>
    %add3A_229 = arith.addf %add3A_207, %slice3A_228 : vector<128x256xf32>
    %get3A_230 = arith.constant 6 : index
    %get3A_231 = arith.constant 0 : index
    %get3A_232 = arith.constant 0 : index
    %get3A_233 = arith.constant 0 : index
    %get3A_234 = vector.load %arg10[%get3A_230, %get3A_231, %get3A_232, %get3A_233] : memref<7x7x176x262xbf16, #tpu.memory_space<vmem>>, vector<1x7x176x262xbf16>
    %get3A_235 = vector.shape_cast %get3A_234 : vector<1x7x176x262xbf16> to vector<7x176x262xbf16>
    %reshape3A_236 = vector.shape_cast %get3A_235 : vector<7x176x262xbf16> to vector<1232x262xbf16>
    %dot_general3A_237 = arith.constant dense<0.000000e+00> : vector<128x262xf32>
    %dot_general3A_238 = tpu.matmul %get3A_83, %reshape3A_236, %dot_general3A_237 {dimension_numbers = #tpu.dot_dimension_numbers<[1], [0], [0], [1], [0, 0, 1, 1], [], []>, transpose_lhs_hint = false} : vector<128x1232xbf16>, vector<1232x262xbf16>, vector<128x262xf32> -> vector<128x262xf32>
    %slice3A_239 = vector.extract_strided_slice %dot_general3A_238 {offsets = [0, 6], sizes = [128, 256], strides = [1, 1]} : vector<128x262xf32> to vector<128x256xf32>
    %add3A_240 = arith.addf %add3A_218, %slice3A_239 : vector<128x256xf32>
    %get3A_241 = arith.constant 0 : index
    %get3A_242 = arith.constant 0 : index
    %get3A_243 = vector.load %arg7[%get3A_241, %get3A_242] : memref<1x1xf32, #tpu.memory_space<vmem>>, vector<1x1xf32>
    %get3A_244 = vector.extract %get3A_243[0, 0] : f32 from vector<1x1xf32>
    %add3A_245 = vector.broadcast %get3A_244 : f32 to vector<128x256xf32>
    %add3A_246 = arith.addf %add3A_229, %add3A_245 : vector<128x256xf32>
    %logistic3A = arith.negf %add3A_246 : vector<128x256xf32>
    %logistic3A_247 = math.exp %logistic3A : vector<128x256xf32>
    %logistic3A_248 = arith.constant 1.000000e+00 : f32
    %logistic3A_249 = vector.broadcast %logistic3A_248 : f32 to vector<128x256xf32>
    %logistic3A_250 = arith.addf %logistic3A_249, %logistic3A_247 : vector<128x256xf32>
    %logistic3A_251 = arith.divf %logistic3A_249, %logistic3A_250 : vector<128x256xf32>
    %add3A_252 = vector.broadcast %get3A_244 : f32 to vector<128x256xf32>
    %add3A_253 = arith.addf %add3A_240, %add3A_252 : vector<128x256xf32>
    %logistic3A_254 = arith.negf %add3A_253 : vector<128x256xf32>
    %logistic3A_255 = math.exp %logistic3A_254 : vector<128x256xf32>
    %logistic3A_256 = arith.constant 1.000000e+00 : f32
    %logistic3A_257 = vector.broadcast %logistic3A_256 : f32 to vector<128x256xf32>
    %logistic3A_258 = arith.addf %logistic3A_257, %logistic3A_255 : vector<128x256xf32>
    %logistic3A_259 = arith.divf %logistic3A_257, %logistic3A_258 : vector<128x256xf32>
    %add3A_260 = arith.addf %logistic3A_251, %logistic3A_259 : vector<128x256xf32>
    %mul3A_261 = arith.constant 5.000000e-01 : f32
    %mul3A_262 = vector.broadcast %mul3A_261 : f32 to vector<128x256xf32>
    %mul3A_263 = arith.mulf %mul3A_262, %add3A_260 : vector<128x256xf32>
    %swap3A_264 = arith.constant 0 : index
    %swap3A_265 = arith.constant 0 : index
    %swap3A_266 = arith.constant 0 : index
    %swap3A_267 = arith.constant 0 : index
    %swap3A_268 = vector.load %arg9[%swap3A_264, %swap3A_265, %swap3A_266, %swap3A_267] : memref<1x1x128x256xf32, #tpu.memory_space<vmem>>, vector<1x1x128x256xf32>
    %swap3A_269 = vector.shape_cast %swap3A_268 : vector<1x1x128x256xf32> to vector<128x256xf32>
    %swap3A_270 = vector.shape_cast %mul3A_263 : vector<128x256xf32> to vector<1x1x128x256xf32>
    tpu.vector_store %arg9[%swap3A_264, %swap3A_265, %swap3A_266, %swap3A_267], %swap3A_270 {strides = array<i32>} : memref<1x1x128x256xf32, #tpu.memory_space<vmem>>, vector<1x1x128x256xf32>,
    return
  }
  func.func @transform_0(%arg0: i32, %arg1: i32) -> (i32, i32) {
    %c0_i32 = arith.constant 0 : i32
    %c0_i32_0 = arith.constant 0 : i32
    return %arg0, %c0_i32 : i32, i32
  }
  func.func @transform_1(%arg0: i32, %arg1: i32) -> (i32, i32) {
    %c0_i32 = arith.constant 0 : i32
    %c0_i32_0 = arith.constant 0 : i32
    return %c0_i32, %arg0 : i32, i32
  }
  func.func @transform_2(%arg0: i32, %arg1: i32) -> (i32, i32) {
    %c0_i32 = arith.constant 0 : i32
    %c0_i32_0 = arith.constant 0 : i32
    %c0_i32_1 = arith.constant 0 : i32
    return %c0_i32, %c0_i32_0 : i32, i32
  }
  func.func @transform_3(%arg0: i32, %arg1: i32) -> (i32, i32) {
    %c0_i32 = arith.constant 0 : i32
    %c0_i32_0 = arith.constant 0 : i32
    %c0_i32_1 = arith.constant 0 : i32
    return %c0_i32, %c0_i32_0 : i32, i32
  }
  func.func @transform_4(%arg0: i32, %arg1: i32) -> i32 {
    %c0_i32 = arith.constant 0 : i32
    %c0_i32_0 = arith.constant 0 : i32
    return %c0_i32 : i32
  }
  func.func @transform_5(%arg0: i32, %arg1: i32) -> (i32, i32) {
    %c0_i32 = arith.constant 0 : i32
    %c0_i32_0 = arith.constant 0 : i32
    %c0_i32_1 = arith.constant 0 : i32
    return %c0_i32, %c0_i32_0 : i32, i32
  }
  func.func @transform_6(%arg0: i32, %arg1: i32) -> (i32, i32) {
    %c0_i32 = arith.constant 0 : i32
    %c0_i32_0 = arith.constant 0 : i32
    %c0_i32_1 = arith.constant 0 : i32
    return %c0_i32, %c0_i32_0 : i32, i32
  }
  func.func @transform_7(%arg0: i32, %arg1: i32) -> (i32, i32, i32, i32) {
    %c0_i32 = arith.constant 0 : i32
    %c0_i32_0 = arith.constant 0 : i32
    %c0_i32_1 = arith.constant 0 : i32
    return %arg0, %c0_i32, %arg1, %c0_i32_0 : i32, i32, i32, i32
  }
}

</mosaic_0001>

<sc_bundles>
// kernel: kernel.5.cloned.1.call-start
scs
__scs_entry_jumppad:
0x0: {  	(pc) =	sbr.rel $0x88, $3  }
0x1: {  	(tag) =	ssettag $0x0;
	lr =	simm.s32 $0x1  }
0x2: {  	[smem:$0x3F94] =	sst lr;
	_ =	strace $0xD0000000  }
0x3: {  	_ = 	snop  }
0x4: {  	_ = 	snop  }
0x5: {  	_ = 	snop  }
0x6: {  	_ = 	snop  }
0x7: {  	_ = 	snop  }
__scs_overlays_trampoline_lowered:
0x8: {  	[smem:$0x3FA3] =	sst s0  }
0x9: {  	[smem:$0x3FA4] =	sst s1  }
0xa: {  	[smem:$0x3FA5] =	sst s2  }
0xb: {  	[smem:$0x3FA6] =	sst s3  }
0xc: {  	[smem:$0x3FA7] =	sst s4  }
0xd: {  	[smem:$0x3FA8] =	sst s5  }
0xe: {  	[smem:$0x3FA9] =	sst s6  }
0xf: {  	[smem:$0x3FAA] =	sst s7  }
0x10: {  	[smem:$0x3FAB] =	sst s8  }
0x11: {  	[smem:$0x3FAC] =	sst s9;
	s0 =	simm.s32 @!p0 $0x0  }
0x12: {  	s1 =	sld [smem:$0x3F92];
	s0 =	simm.s32 @p0 $0x1  }
0x13: {  	[smem:$0x3FAD] =	sst s0;
	s0 =	simm.s32 @!p1 $0x0  }
0x14: {  	s2 =	sld [smem:$0x3F91];
	s0 =	simm.s32 @p1 $0x1  }
0x15: {  	[smem:$0x3FAE] =	sst s0;
	s0 =	simm.s32 @!p2 $0x0  }
0x16: {  	s3 =	sld [smem:$0x3FDB];
	s0 =	simm.s32 @p2 $0x1  }
0x17: {  	s4 =	simm.s32 $0x1BF5;
	[smem:$0x3FB0] =	sst s0  }
0x18: {  	s0 =	sld [smem:$0x3F93];
	_ =	swait.ge [sflag:s4], $0x0  }
0x19: {  	s7 =	sld [smem:$0x3F94]  }
0x1a: {  	s8 =	sadd.s32 $0xFFFFE003, lr  }
0x1b: {  	s9 =	sadd.s32 $0xFFFFFEF7, lr;
	s5 =	simm.s32 $0xFFFFFFFF;
	p2 =	slt.u32 s8, $0xFFFFF086  }
0x1c: {  	p1 =	slt.u32 s9, $0xF7A;
	s5 =	simm.s32 @!p2 $0x0  }
0x1d: {  	s5 =	simm.s32 @p1 $0x1;
	p0 =	seq.s32 s7, s2  }
0x1e: {  	s7 =	smul.u32 @!p0 $0xF7A, s2;
	p2 =	seq.s32 @!p0 s5, $0x0  }
0x1f: {  	s9 =	smul.u32 $0xF7A, s1;
	s8 =	simm.s32 @!p0 $0x1BF5;
	p2 =	por !p2, p0  }
0x20: {  	[sflag:s8] =	ssyncset.s32 @!p0 $0xFFFFF086;
	s6 =	sadd.s32 @!p0 s3, s7;
	s7 =	simm.s32 @!p0 $0x108  }
0x21: {  	s3 =	sadd.s32 s3, s9;
	s6 =	sadd.s32 @!p0 $0x88, s6;
	s7 =	simm.s32 @p2 $0x1082  }
0x22: {  	[simem:s7], [sflag:s8] =	dma.local @!p0 [hbm:s6], $0xF7A  }
0x23: {  	s9 =	sor.u32 $0xD0000000, s2;
	s6 =	simm.s32 $0x108;
	_ =	swait.ge @!p0 [sflag:s8], $0x0  }
0x24: {  	s3 =	sadd.s32 $0x88, s3;
	s6 =	simm.s32 @!p1 $0x1082;
	[sflag:s4] =	ssyncset.s32 $0xFFFFF086  }
0x25: {  	[simem:s6], [sflag:s4] =	dma.local [hbm:s3], $0xF7A  }
0x26: {  	[smem:$0x3F94] =	sst s1;
	(tag) =	ssettag s2;
	_ =	strace s9  }
0x27: {  	s1 =	sld [smem:$0x3FA4]  }
0x28: {  	s2 =	sld [smem:$0x3FA5]  }
0x29: {  	s4 =	sld [smem:$0x3FA7]  }
0x2a: {  	p0 =	seq.s32 s5, $0x0;
	s5 =	sld [smem:$0x3FA8]  }
0x2b: {  	s6 =	sld [smem:$0x3FA9]  }
0x2c: {  	s7 =	sld [smem:$0x3FAA]  }
0x2d: {  	s3 =	simm.s32 $0x108;
	s8 =	sld [smem:$0x3FAB]  }
0x2e: {  	s3 =	simm.s32 @!p0 $0x1082;
	s9 =	sld [smem:$0x3FAC]  }
0x2f: {  	lr =	sadd.s32 s0, s3;
	s0 =	sld [smem:$0x3FA3]  }
0x30: {  	s3 =	sld [smem:$0x3FA6]  }
0x31: {  	[smem:$0x3FAF] =	sst s10  }
0x32: {  	s10 =	sld [smem:$0x3FAD];
	_ =	sdelay $0x3  }
0x33: {  	p0 =	seq.s32 s10, $0x1;
	s10 =	sld [smem:$0x3FAF];
	_ =	sdelay $0x3  }
0x34: {  	[smem:$0x3FAF] =	sst s10  }
0x35: {  	s10 =	sld [smem:$0x3FAE];
	_ =	sdelay $0x3  }
0x36: {  	p1 =	seq.s32 s10, $0x1;
	s10 =	sld [smem:$0x3FAF];
	_ =	sdelay $0x3  }
0x37: {  	[smem:$0x3FAF] =	sst s10  }
0x38: {  	s10 =	sld [smem:$0x3FB0]  }
0x39: {  	_ = 	snop;
	(pc) =	sbr.ind lr, $3  }
0x3a: {  	_ = 	snop  }
0x3b: {  	_ = 	snop  }
0x3c: {  	p2 =	seq.s32 s10, $0x1;
	s10 =	sld [smem:$0x3FAF]  }
0x3d: {  	_ =	shalt  }
0x3e: {  	_ =	shalt  }
0x3f: {  	_ =	shalt  }
0x40: {  	_ =	shalt  }
0x41: {  	_ =	shalt  }
0x42: {  	_ =	shalt  }
0x43: {  	_ =	shalt  }
0x44: {  	_ =	shalt  }
0x45: {  	_ =	shalt  }
0x46: {  	_ =	shalt  }
0x47: {  	_ =	shalt  }
0x48: {  	_ =	shalt  }
0x49: {  	_ =	shalt  }
0x4a: {  	_ =	shalt  }
0x4b: {  	_ =	shalt  }
0x4c: {  	_ =	shalt  }
0x4d: {  	_ =	shalt  }
0x4e: {  	_ =	shalt  }
0x4f: {  	_ =	shalt  }
0x50: {  	_ =	shalt  }
0x51: {  	_ =	shalt  }
0x52: {  	_ =	shalt  }
0x53: {  	_ =	shalt  }
0x54: {  	_ =	shalt  }
0x55: {  	_ =	shalt  }
0x56: {  	_ =	shalt  }
0x57: {  	_ =	shalt  }
0x58: {  	_ =	shalt  }
0x59: {  	_ =	shalt  }
0x5a: {  	_ =	shalt  }
0x5b: {  	_ =	shalt  }
0x5c: {  	_ =	shalt  }
0x5d: {  	_ =	shalt  }
0x5e: {  	_ =	shalt  }
0x5f: {  	_ =	shalt  }
0x60: {  	_ =	shalt  }
0x61: {  	_ =	shalt  }
0x62: {  	_ =	shalt  }
0x63: {  	_ =	shalt  }
0x64: {  	_ =	shalt  }
0x65: {  	_ =	shalt  }
0x66: {  	_ =	shalt  }
0x67: {  	_ =	shalt  }
0x68: {  	_ =	shalt  }
0x69: {  	_ =	shalt  }
0x6a: {  	_ =	shalt  }
0x6b: {  	_ =	shalt  }
0x6c: {  	_ =	shalt  }
0x6d: {  	_ =	shalt  }
0x6e: {  	_ =	shalt  }
0x6f: {  	_ =	shalt  }
0x70: {  	_ =	shalt  }
0x71: {  	_ =	shalt  }
0x72: {  	_ =	shalt  }
0x73: {  	_ =	shalt  }
0x74: {  	_ =	shalt  }
0x75: {  	_ =	shalt  }
0x76: {  	_ =	shalt  }
0x77: {  	_ =	shalt  }
0x78: {  	_ =	shalt  }
0x79: {  	_ =	shalt  }
0x7a: {  	_ =	shalt  }
0x7b: {  	_ =	shalt  }
0x7c: {  	_ =	shalt  }
0x7d: {  	_ =	shalt  }
0x7e: {  	_ =	shalt  }
0x7f: {  	_ =	shalt  }
0x80: {  	_ =	shalt  }
0x81: {  	_ =	shalt  }
0x82: {  	_ =	shalt  }
0x83: {  	_ =	shalt  }
0x84: {  	_ =	shalt  }
0x85: {  	_ =	shalt  }
0x86: {  	_ =	shalt  }
0x87: {  	_ =	shalt  }
.Lfunc_end0:
.L_simem_size_0:
called_computation_lowered:
.L_overlay_start_0:
0x88: {  	s2 =	sld [smem:$0x3FD9]  }
0x89: {  	s3 =	sld [smem:$0x3FFE];
	_ =	sdelay $0x1  }
0x8a: {  	s1 =	srdreg.scid  }
0x8b: {  	s0 =	sand.u32 $0x1, s1  }
0x8c: {  	s17 =	sshll.u32 s0, $0xA;
	s2 =	sadd.s32 s3, s2  }
0x8d: {  	s2 =	sadd.s32 s2, s17  }
0x8e: {  	[smem:$0x3FBB] =	sst s2  }
0x8f: {  	_ = 	snop  }
0x90: {  	s2 =	sld [smem:$0x3FC8]  }
0x91: {  	s18 =	sld [smem:$0x3FC7];
	(tm) =	ssettm $0x1  }
0x92: {  	s4 =	sld [smem:$0x3FFB];
	_ =	sdelay $0x3  }
0x93: {  	_ =	strace s4  }
0x94: {  	s4 =	sld [smem:$0x3FFC];
	_ =	sdelay $0x3  }
0x95: {  	_ =	strace s4  }
0x96: {  	s4 =	sld [smem:$0x3FFD];
	_ =	sdelay $0x3  }
0x97: {  	_ =	strace s4  }
0x98: {  	_ =	strace $0x8FFFFFFF  }
0x99: {  	s19 =	sld [smem:$0x3FDB];
	_ =	sdelay $0x1  }
0x9a: {  	s5 =	simm.s32 $_scs_section_size  }
0x9b: {  	s6 =	simm.s32 $_size__tile_overlayer_lowered;
	s7 =	simm.s32 $_tile_overlayer_lowered  }
0x9c: {  	s22 =	simm.s32 $0x1BFF;
	s21 =	sshll.u32 s7, $0x1;
	s4 =	sadd.s32 s5, s19  }
0x9d: {  	s8 =	simm.s32 $0x0;
	s20 =	sshll.u32 s6, $0x1;
	s6 =	sadd.s32 s21, s4  }
0x9e: {  	[timem:s8], [sflag:s22] =	dma.local [hbm:s6], s20  }
0x9f: {  	_ =	swait.ge [sflag:s22], s20  }
0xa0: {  	s5 =	ssub.s32 $0x0, s20;
	[sflag:s22] =	ssyncset.done $0x0  }
0xa1: {  	[sflag:s22] =	ssyncadd.s32 s5;
	_ =	sdelay $0x1  }
0xa2: {  	s23 =	simm.s32 $0x1B8B  }
0xa3: {  	_ =	swait.ge [sflag:s23], $0x1  }
0xa4: {  	[sflag:s23] =	ssyncset.done $0x0  }
0xa5: {  	s25 =	simm.s32 $0x1B8E;
	s24 =	sld [smem:$0x3FFE];
	[sflag:s23] =	ssyncadd.s32 $0xFFFFFFFF  }
0xa6: {  	s26 =	simm.s32 $execute0_lowered;
	[smem:$0x3FD2] =	sst s25  }
0xa7: {  	s6 =	sshll.u32 s26, $0x1;
	_ =	strace $0x80000046;
	[dreg:$0x1] =	wrdreg $0xFFFFFFFF  }
0xa8: {  	s28 =	simm.s32 $_size_execute0_lowered;
	s4 =	sadd.s32 s4, s6;
	[dreg:$0x0] =	wrdreg $0x0  }
0xa9: {  	s6 =	sshll.u32 s28, $0x1;
	[dreg:$0x2] =	wrdreg s4  }
0xaa: {  	[dreg:$0x3] =	wrdreg s6  }
0xab: {  	[dreg:$0x4] =	wrdreg $0xC0  }
0xac: {  	_ =	task [dreg:s8], $0x5FFFF  }
0xad: {  	[dreg:$0x1] =	wrdreg $0xFFFFFFFF  }
0xae: {  	[dreg:$0x0] =	wrdreg $0x60  }
0xaf: {  	[dreg:$0x2] =	wrdreg s2  }
0xb0: {  	[dreg:$0x3] =	wrdreg s18  }
0xb1: {  	[dreg:$0x4] =	wrdreg s24  }
0xb2: {  	[dreg:$0x5] =	wrdreg $0x80000  }
0xb3: {  	[dreg:$0x6] =	wrdreg $0x9  }
0xb4: {  	_ =	task.clear_ibuf [dreg:s8], $0x7FFFF;
	_ =	strace $0x90000046  }
0xb5: {  	s29 =	simm.s32 $0x9;
	_ =	strace $0x80000048  }
0xb6: {  	_ =	swait.ge [sflag:s29], $0x1  }
0xb7: {  	[sflag:s29] =	ssyncadd.s32 $0xFFFFFFFF  }
0xb8: {  	_ =	strace $0x90000048  }
0xb9: {  	_ =	sfence  }
0xba: {  	s30 =	sld [smem:$0x0];
	_ =	sdelay $0x2  }
0xbb: {  	s31 =	sshll.u32 s1, $0xD;
	s1 =	sshrl.u32 s1, $0x2  }
0xbc: {  	s3 =	sand.u32 $0x4000, s31;
	s1 =	sadd.s32 s1, s30  }
0xbd: {  	s0 =	sor.u32 s3, s0;
	s1 =	sshll.u32 s1, $0x11  }
0xbe: {  	s0 =	sor.u32 s1, s0  }
0xbf: {  	s0 =	sadd.s32 $0x8F2B, s0  }
0xc0: {  	[sflag:s0] =	ssyncadd.remote.s32 $0x1  }
0xc1: {  	_ =	sfence.sel $0xFFFF  }
0xc2: {  	[dreg:$0x0] =	wrdreg $0xFFFFFFFF;
	(pc) =	sbr.abs _section_cstart, $3  }
0xc3: {  	[dreg:$0x1] =	wrdreg $0xFFFFFFFF  }
0xc4: {  	_ =	task.clear_ibuf [dreg:s8], $0x2FFFF;
	_ =	strace $0x9FFFFFFF  }
0xc5: {  	(tm) =	ssettm $0x7FFFFFFF  }
tec
execute0_lowered:
.L_overlay_start_1:
0x0: {  	(tag) =	ssettag $0x1  }
0x1: {  	s0 =	rddreg [dreg:$0x0]  }
0x2: {  	s3 =	rddreg [dreg:$0x1]  }
0x3: {  	s4 =	rddreg [dreg:$0x2]  }
0x4: {  	s1 =	rddreg [dreg:$0x3];
	s2 =	simm.s32 $0x0;
	s5 =	srdreg.scid  }
0x5: {  	s10 =	stileid.u32;
	[smem:$0x7FF] =	sst s2  }
0x6: {  	s6 =	sand.u32 $0x1, s5;
	s8 =	sshll.u32 s10, $0xA;
	s9 =	sshll.u32 s10, $0x9  }
0x7: {  	_ =	strace $0x80000047;
	s5 =	ssub.s32 $0x2, s6;
	s0 =	sadd.s32 s0, s8  }
0x8: {  	s7 =	sshrl.u32 s5, $0x1;
	[dreg:$0x5] =	wrdreg s0;
	s0 =	sadd.s32 $0x10, s0  }
0x9: {  	s7 =	ssub.s32 s5, s7;
	s5 =	sadd.s32 s3, s9;
	[dreg:$0x6] =	wrdreg s0  }
0xa: {  	s8 =	sadd.s32 $0x10, s5;
	[smem:$0x7F8] =	sst s5  }
0xb: {  	s9 =	sadd.s32 $0x20, s5;
	[dreg:$0x7] =	wrdreg s8  }
0xc: {  	s11 =	sadd.s32 $0x30, s5;
	[dreg:$0x8] =	wrdreg s9  }
0xd: {  	s12 =	sadd.s32 $0x40, s5;
	[dreg:$0x9] =	wrdreg s11  }
0xe: {  	s13 =	sadd.s32 $0x50, s5;
	[dreg:$0xa] =	wrdreg s12  }
0xf: {  	s14 =	sadd.s32 $0x60, s5;
	[dreg:$0xb] =	wrdreg s13  }
0x10: {  	s15 =	sadd.s32 $0x70, s5;
	[dreg:$0xc] =	wrdreg s14  }
0x11: {  	s16 =	sadd.s32 $0x80, s5;
	[dreg:$0xd] =	wrdreg s15  }
0x12: {  	s17 =	sadd.s32 $0x90, s5;
	[dreg:$0xe] =	wrdreg s16  }
0x13: {  	s18 =	sadd.s32 $0xA0, s5;
	[dreg:$0xf] =	wrdreg s17  }
0x14: {  	s23 =	sadd.s32 $0xB0, s5;
	[dreg:$0x10] =	wrdreg s18  }
0x15: {  	s28 =	simm.s32 $0x2600;
	s24 =	sadd.s32 $0xC0, s5;
	[dreg:$0x11] =	wrdreg s23  }
0x16: {  	s29 =	simm.s32 $0x2680;
	s25 =	sadd.s32 $0xD0, s5;
	[dreg:$0x12] =	wrdreg s24  }
0x17: {  	s30 =	simm.s32 $0x2700;
	s26 =	smax.u32 s7, $0x1;
	[dreg:$0x15] =	wrdreg s25  }
0x18: {  	s31 =	simm.s32 $0x2780;
	s2 =	sadd.s32 $0xE0, s5;
	[dreg:$0x16] =	wrdreg s26  }
0x19: {  	s4 =	sadd.s32 $0x1800, s4;
	s3 =	sadd.s32 $0xF0, s5;
	[dreg:$0x17] =	wrdreg s2  }
0x1a: {  	s20 =	sshll.u32 s10, $0x10;
	s7 =	sadd.s32 $0x100, s5;
	[dreg:$0x18] =	wrdreg s3  }
0x1b: {  	s19 =	sshllo.u32 s6, $0x1;
	s10 =	sadd.s32 $0x120, s5;
	[dreg:$0x19] =	wrdreg s7  }
0x1c: {  	s21 =	sshll.u32 s6, $0x15;
	[dreg:$0x1b] =	wrdreg s10;
	s11 =	sadd.s32 $0x130, s5  }
0x1d: {  	s6 =	sshll.u32 s6, $0xA;
	s12 =	sadd.s32 $0x140, s5;
	[dreg:$0x1c] =	wrdreg s11  }
0x1e: {  	s22 =	sshll.u32 s19, $0x14;
	s13 =	sadd.s32 $0x150, s5;
	[dreg:$0x1d] =	wrdreg s12  }
0x1f: {  	s0 =	simm.s32 $0x2B00;
	s14 =	sadd.s32 $0x160, s5;
	[dreg:$0x1e] =	wrdreg s13  }
0x20: {  	s8 =	sor.u32 s20, s21;
	s15 =	sadd.s32 $0x170, s5;
	[dreg:$0x1f] =	wrdreg s14  }
0x21: {  	s9 =	sor.u32 s20, s22;
	s16 =	sadd.s32 $0x180, s5;
	[smem:$0x7F0] =	sst s15  }
0x22: {  	s17 =	sadd.s32 $0x190, s5;
	s18 =	sadd.s32 $0x1A0, s5;
	[smem:$0x7F1] =	sst s16  }
0x23: {  	s21 =	sadd.s32 $0x1D0, s5;
	s22 =	sadd.s32 $0x1E0, s5;
	[smem:$0x7F2] =	sst s17  }
0x24: {  	s23 =	sadd.s32 $0x1F0, s5;
	s3 =	simm.s32 $0x2B80;
	[smem:$0x7F3] =	sst s18  }
0x25: {  	s10 =	simm.s32 $0x2C80;
	s2 =	simm.s32 $0x2D00;
	[smem:$0x7F6] =	sst s21  }
0x26: {  	s7 =	simm.s32 $0x0;
	s8 =	sshrl.u32 s8, $0x3;
	[smem:$0x7F7] =	sst s22  }
0x27: {  	s9 =	sshrl.u32 s9, $0x3;
	[smem:$0x7F9] =	sst s23;
	s18 =	simm.s32 $0x80  }
0x28: {  	s14 =	simm.s32 $0x2280;
	s21 =	simm.s32 $0x2300;
	s23 =	simm.s32 $0x2380  }
0x29: {  	s15 =	simm.s32 $0x2880;
	s16 =	simm.s32 $0x2900;
	s8 =	sadd.s32 s4, s8  }
0x2a: {  	s17 =	simm.s32 $0x2980;
	s4 =	sadd.s32 s4, s9;
	[dreg:$0x13] =	wrdreg s8  }
0x2b: {  	s11 =	simm.s32 $0x2A00;
	s9 =	sadd.s32 $0x110, s5;
	[dreg:$0x14] =	wrdreg s4  }
0x2c: {  	s8 =	sshll.u32 s19, $0x9;
	[dreg:$0x1a] =	wrdreg s9;
	s19 =	sadd.s32 $0x1B0, s5  }
0x2d: {  	v10 =	vlaneseq.u32;
	s4 =	sadd.s32 s20, s1;
	s20 =	sadd.s32 $0x1C0, s5;
	[smem:$0x7F4] =	sst s19  }
0x2e: {  	v0 =	vor.u32 $0x100010, v10;
	s22 =	simm.s32 $0x2A80;
	s13 =	simm.s32 $0x2E00;
	[smem:$0x7F5] =	sst s20  }
0x2f: {  	v1 =	vor.u32 $0x100020, v10;
	s5 =	simm.s32 $0x2800;
	s24 =	sadd.s32 $0x4000, s4;
	[smem:$0x7FC] =	sst s4  }
0x30: {  	v2 =	vor.u32 $0x100030, v10;
	s9 =	simm.s32 $0x2C00;
	s25 =	sadd.s32 $0x8000, s4;
	[smem:$0x7FA] =	sst s24  }
0x31: {  	v4 =	vor.u32 $0x100040, v10;
	v6 =	vor.u32 $0x100000, v10;
	s26 =	sadd.s32 $0xC000, s4;
	s20 =	simm.s32 $0x2;
	[smem:$0x7FB] =	sst s25  }
0x32: {  	v8 =	vimm.f32 $0.0e+00;
	v7 =	vor.u32 $0x100050, v10;
	v9 =	vor.u32 $0x100060, v10;
	s4 =	simm.s32 $0x2500;
	s19 =	simm.s32 $0x1;
	[smem:$0x7FD] =	sst s26  }
0x33: {  	v10 =	vor.u32 $0x100070, v10;
	v3 =	vmov s6;
	v5 =	vmov s8;
	s24 =	simm.s32 $0x2400;
	s25 =	simm.s32 $0x2480;
	s26 =	simm.s32 $0x2580  }
.LBB2_1:
0x34: {  	[smem:$0x7EF] =	sst s7  }
0x35: {  	s6 =	rddreg [dreg:$0x5];
	s7 =	simm.s32 $0x100;
	s12 =	simm.s32 $0x0  }
0x36: {  	[tilespmem:s12], [sflag:$0x2] =	stream.strided.gather [hbm4b:s6+s18], $0x1000, s7, s18, $0x38;
	[tilespmem:$0x18008] =	vst v63  }
0x37: {  	_ =	swait.ge [sflag:s20], $0x1000  }
0x38: {  	[sflag:s20] =	ssyncset.done $0x0  }
0x39: {  	s8 =	simm.s32 $0x1000;
	s6 =	rddreg [dreg:$0x6];
	[sflag:s20] =	ssyncadd.s32 $0xFFFFF000  }
0x3a: {  	[tilespmem:s8], [sflag:$0x2] =	stream.strided.gather [hbm4b:s6+s18], $0x1000, s7, s18, $0x38;
	[tilespmem:$0x18008] =	vst v63  }
0x3b: {  	_ =	swait.ge [sflag:s20], $0x1000  }
0x3c: {  	s7 =	sld [smem:$0x7F8]  }
0x3d: {  	[sflag:s20] =	ssyncset.done $0x0  }
0x3e: {  	s8 =	simm.s32 $0x2000;
	[sflag:s20] =	ssyncadd.s32 $0xFFFFF000  }
0x3f: {  	[tilespmem:s8], [sflag:$0x1] =	stream.linear.gather [hbm4b:s7+s12], $0x80, $0x38;
	[tilespmem:$0x18008] =	vst v63  }
0x40: {  	s7 =	rddreg [dreg:$0x7];
	s8 =	simm.s32 $0x2080  }
0x41: {  	[tilespmem:s8], [sflag:$0x1] =	stream.linear.gather [hbm4b:s7+s12], $0x80, $0x38;
	[tilespmem:$0x18008] =	vst v63  }
0x42: {  	s6 =	rddreg [dreg:$0x8];
	s8 =	simm.s32 $0x2100  }
0x43: {  	[tilespmem:s8], [sflag:$0x1] =	stream.linear.gather [hbm4b:s6+s12], $0x80, $0x38;
	[tilespmem:$0x18008] =	vst v63  }
0x44: {  	s7 =	simm.s32 $0x2180;
	s8 =	rddreg [dreg:$0x9]  }
0x45: {  	[tilespmem:s7], [sflag:$0x1] =	stream.linear.gather [hbm4b:s8+s12], $0x80, $0x38;
	[tilespmem:$0x18008] =	vst v63  }
0x46: {  	s7 =	rddreg [dreg:$0xa];
	s8 =	simm.s32 $0x2200  }
0x47: {  	[tilespmem:s8], [sflag:$0x1] =	stream.linear.gather [hbm4b:s7+s12], $0x80, $0x38;
	[tilespmem:$0x18008] =	vst v63  }
0x48: {  	s7 =	rddreg [dreg:$0xb]  }
0x49: {  	s8 =	rddreg [dreg:$0xc]  }
0x4a: {  	[tilespmem:s14], [sflag:$0x1] =	stream.linear.gather [hbm4b:s7+s12], $0x80, $0x38;
	[tilespmem:$0x18008] =	vst v63  }
0x4b: {  	s14 =	rddreg [dreg:$0xd]  }
0x4c: {  	s7 =	rddreg [dreg:$0x15]  }
0x4d: {  	[tilespmem:s21], [sflag:$0x1] =	stream.linear.gather [hbm4b:s8+s12], $0x80, $0x38;
	[tilespmem:$0x18008] =	vst v63  }
0x4e: {  	s21 =	rddreg [dreg:$0xe]  }
0x4f: {  	s8 =	rddreg [dreg:$0x17]  }
0x50: {  	[tilespmem:s23], [sflag:$0x1] =	stream.linear.gather [hbm4b:s14+s12], $0x80, $0x38;
	[tilespmem:$0x18008] =	vst v63  }
0x51: {  	s23 =	rddreg [dreg:$0xf]  }
0x52: {  	s14 =	rddreg [dreg:$0x18]  }
0x53: {  	[tilespmem:s24], [sflag:$0x1] =	stream.linear.gather [hbm4b:s21+s12], $0x80, $0x38;
	[tilespmem:$0x18008] =	vst v63  }
0x54: {  	s24 =	rddreg [dreg:$0x10]  }
0x55: {  	s21 =	rddreg [dreg:$0x19]  }
0x56: {  	[tilespmem:s25], [sflag:$0x1] =	stream.linear.gather [hbm4b:s23+s12], $0x80, $0x38;
	[tilespmem:$0x18008] =	vst v63  }
0x57: {  	s25 =	rddreg [dreg:$0x11]  }
0x58: {  	s23 =	rddreg [dreg:$0x1a]  }
0x59: {  	[tilespmem:s4], [sflag:$0x1] =	stream.linear.gather [hbm4b:s24+s12], $0x80, $0x38;
	[tilespmem:$0x18008] =	vst v63  }
0x5a: {  	s4 =	rddreg [dreg:$0x12]  }
0x5b: {  	[tilespmem:s26], [sflag:$0x1] =	stream.linear.gather [hbm4b:s25+s12], $0x80, $0x38;
	[tilespmem:$0x18008] =	vst v63  }
0x5c: {  	s24 =	rddreg [dreg:$0x1b]  }
0x5d: {  	[tilespmem:s28], [sflag:$0x1] =	stream.linear.gather [hbm4b:s4+s12], $0x80, $0x38;
	[tilespmem:$0x18008] =	vst v63  }
0x5e: {  	s25 =	rddreg [dreg:$0x1c]  }
0x5f: {  	[tilespmem:s29], [sflag:$0x1] =	stream.linear.gather [hbm4b:s7+s12], $0x80, $0x38;
	[tilespmem:$0x18008] =	vst v63  }
0x60: {  	s26 =	rddreg [dreg:$0x1d]  }
0x61: {  	[tilespmem:s30], [sflag:$0x1] =	stream.linear.gather [hbm4b:s8+s12], $0x80, $0x38;
	[tilespmem:$0x18008] =	vst v63  }
0x62: {  	s4 =	rddreg [dreg:$0x1e]  }
0x63: {  	[tilespmem:s31], [sflag:$0x1] =	stream.linear.gather [hbm4b:s14+s12], $0x80, $0x38;
	[tilespmem:$0x18008] =	vst v63  }
0x64: {  	s7 =	sld [smem:$0x7F0]  }
0x65: {  	[tilespmem:s5], [sflag:$0x1] =	stream.linear.gather [hbm4b:s21+s12], $0x80, $0x38;
	[tilespmem:$0x18008] =	vst v63  }
0x66: {  	s8 =	sld [smem:$0x7F1]  }
0x67: {  	[tilespmem:s15], [sflag:$0x1] =	stream.linear.gather [hbm4b:s23+s12], $0x80, $0x38;
	[tilespmem:$0x18008] =	vst v63  }
0x68: {  	s14 =	sld [smem:$0x7F3]  }
0x69: {  	[tilespmem:s16], [sflag:$0x1] =	stream.linear.gather [hbm4b:s24+s12], $0x80, $0x38;
	[tilespmem:$0x18008] =	vst v63  }
0x6a: {  	s5 =	rddreg [dreg:$0x1f]  }
0x6b: {  	[tilespmem:s17], [sflag:$0x1] =	stream.linear.gather [hbm4b:s25+s12], $0x80, $0x38;
	[tilespmem:$0x18008] =	vst v63  }
0x6c: {  	s21 =	sld [smem:$0x7F6]  }
0x6d: {  	[tilespmem:s11], [sflag:$0x1] =	stream.linear.gather [hbm4b:s26+s12], $0x80, $0x38;
	[tilespmem:$0x18008] =	vst v63  }
0x6e: {  	s15 =	sld [smem:$0x7F4]  }
0x6f: {  	[tilespmem:s22], [sflag:$0x1] =	stream.linear.gather [hbm4b:s4+s12], $0x80, $0x38;
	[tilespmem:$0x18008] =	vst v63  }
0x70: {  	s6 =	simm.s32 $0x0;
	s23 =	sld [smem:$0x7F7]  }
0x71: {  	[tilespmem:s0], [sflag:$0x1] =	stream.linear.gather [hbm4b:s5+s12], $0x80, $0x38;
	[tilespmem:$0x18008] =	vst v63  }
0x72: {  	s28 =	simm.s32 $0x2680;
	s29 =	simm.s32 $0x2700;
	s17 =	sld [smem:$0x7F5]  }
0x73: {  	[tilespmem:s3], [sflag:$0x1] =	stream.linear.gather [hbm4b:s7+s12], $0x80, $0x38;
	[tilespmem:$0x18008] =	vst v63  }
0x74: {  	s30 =	simm.s32 $0x2780;
	s31 =	simm.s32 $0x2800;
	s11 =	sld [smem:$0x7F2]  }
0x75: {  	[tilespmem:s9], [sflag:$0x1] =	stream.linear.gather [hbm4b:s8+s12], $0x80, $0x38;
	[tilespmem:$0x18008] =	vst v63  }
0x76: {  	s16 =	simm.s32 $0x2D80;
	s24 =	simm.s32 $0x2F00;
	s25 =	sld [smem:$0x7F9]  }
0x77: {  	[tilespmem:s10], [sflag:$0x1] =	stream.linear.gather [hbm4b:s11+s12], $0x80, $0x38;
	[tilespmem:$0x18008] =	vst v63  }
0x78: {  	s26 =	simm.s32 $0x2F80;
	s22 =	simm.s32 $0x2E80;
	s4 =	simm.s32 $0x2580  }
0x79: {  	[tilespmem:s2], [sflag:$0x1] =	stream.linear.gather [hbm4b:s14+s12], $0x80, $0x38;
	[tilespmem:$0x18008] =	vst v63  }
0x7a: {  	s5 =	simm.s32 $0x2880;
	s0 =	simm.s32 $0x2B80;
	s7 =	simm.s32 $0x100  }
0x7b: {  	[tilespmem:s16], [sflag:$0x1] =	stream.linear.gather [hbm4b:s15+s12], $0x80, $0x38;
	[tilespmem:$0x18008] =	vst v63  }
0x7c: {  	s3 =	simm.s32 $0x2C00;
	s9 =	simm.s32 $0x2C80;
	s10 =	simm.s32 $0x2D00  }
0x7d: {  	[tilespmem:s13], [sflag:$0x1] =	stream.linear.gather [hbm4b:s17+s12], $0x80, $0x38;
	[tilespmem:$0x18008] =	vst v63  }
0x7e: {  	s14 =	simm.s32 $0x2300;
	s2 =	simm.s32 $0x2E00;
	s15 =	simm.s32 $0x2900  }
0x7f: {  	[tilespmem:s22], [sflag:$0x1] =	stream.linear.gather [hbm4b:s21+s12], $0x80, $0x38;
	[tilespmem:$0x18008] =	vst v63  }
0x80: {  	s16 =	simm.s32 $0x2980;
	s13 =	simm.s32 $0x2280;
	s21 =	simm.s32 $0x2380  }
0x81: {  	[tilespmem:s24], [sflag:$0x1] =	stream.linear.gather [hbm4b:s23+s12], $0x80, $0x38;
	[tilespmem:$0x18008] =	vst v63  }
0x82: {  	s22 =	simm.s32 $0x2B00;
	s23 =	simm.s32 $0x2400;
	s24 =	simm.s32 $0x2480  }
0x83: {  	[tilespmem:s26], [sflag:$0x1] =	stream.linear.gather [hbm4b:s25+s12], $0x80, $0x38;
	[tilespmem:$0x18008] =	vst v63  }
0x84: {  	s12 =	simm.s32 $0x2200;
	s25 =	simm.s32 $0x2500;
	s26 =	simm.s32 $0x2600  }
.LBB2_2:
0x85: {  	p0 =	sne.s32 s7, $0xFF00;
	[tilespmem:s6+$0x4030] =	vst v8;
	s8 =	smov.u32 s7;
	s7 =	sadd.s32 $0x100, s7  }
.Ltmp0:
0x86: {  	[tilespmem:s6+$0x4020] =	vst v8;
	(pc) =	sbr.rel @p0 .LBB2_2-.Ltmp0, $3  }
0x87: {  	[tilespmem:s6+$0x4000] =	vst v8  }
0x88: {  	[tilespmem:s6+$0x4010] =	vst v8;
	_ =	sdelay $0x1  }
0x89: {  	s6 =	sshra.s32 s8, $0x2  }
0x8a: {  	[tilespmem:s6+$0x4030] =	vst v8  }
0x8b: {  	[tilespmem:s6+$0x4020] =	vst v8  }
0x8c: {  	[tilespmem:s6+$0x4000] =	vst v8  }
0x8d: {  	[tilespmem:s6+$0x4010] =	vst v8  }
0x8e: {  	_ =	swait.ge [sflag:s19], $0x80  }
0x8f: {  	[sflag:s19] =	ssyncset.done $0x0  }
0x90: {  	[sflag:s19] =	ssyncadd.s32 $0xFFFFFF80  }
0x91: {  	_ =	swait.ge [sflag:s19], $0x80  }
0x92: {  	[sflag:s19] =	ssyncset.done $0x0  }
0x93: {  	[sflag:s19] =	ssyncadd.s32 $0xFFFFFF80  }
0x94: {  	_ =	swait.ge [sflag:s19], $0x80  }
0x95: {  	[sflag:s19] =	ssyncset.done $0x0  }
0x96: {  	[sflag:s19] =	ssyncadd.s32 $0xFFFFFF80  }
0x97: {  	_ =	swait.ge [sflag:s19], $0x80  }
0x98: {  	[sflag:s19] =	ssyncset.done $0x0  }
0x99: {  	[sflag:s19] =	ssyncadd.s32 $0xFFFFFF80  }
0x9a: {  	_ =	swait.ge [sflag:s19], $0x80  }
0x9b: {  	[sflag:s19] =	ssyncset.done $0x0  }
0x9c: {  	[sflag:s19] =	ssyncadd.s32 $0xFFFFFF80  }
0x9d: {  	_ =	swait.ge [sflag:s19], $0x80  }
0x9e: {  	[sflag:s19] =	ssyncset.done $0x0  }
0x9f: {  	[sflag:s19] =	ssyncadd.s32 $0xFFFFFF80  }
0xa0: {  	_ =	swait.ge [sflag:s19], $0x80  }
0xa1: {  	[sflag:s19] =	ssyncset.done $0x0  }
0xa2: {  	[sflag:s19] =	ssyncadd.s32 $0xFFFFFF80  }
0xa3: {  	_ =	swait.ge [sflag:s19], $0x80  }
0xa4: {  	[sflag:s19] =	ssyncset.done $0x0  }
0xa5: {  	[sflag:s19] =	ssyncadd.s32 $0xFFFFFF80  }
0xa6: {  	_ =	swait.ge [sflag:s19], $0x80  }
0xa7: {  	[sflag:s19] =	ssyncset.done $0x0  }
0xa8: {  	[sflag:s19] =	ssyncadd.s32 $0xFFFFFF80  }
0xa9: {  	_ =	swait.ge [sflag:s19], $0x80  }
0xaa: {  	[sflag:s19] =	ssyncset.done $0x0  }
0xab: {  	[sflag:s19] =	ssyncadd.s32 $0xFFFFFF80  }
0xac: {  	_ =	swait.ge [sflag:s19], $0x80  }
0xad: {  	[sflag:s19] =	ssyncset.done $0x0  }
0xae: {  	[sflag:s19] =	ssyncadd.s32 $0xFFFFFF80  }
0xaf: {  	_ =	swait.ge [sflag:s19], $0x80  }
0xb0: {  	[sflag:s19] =	ssyncset.done $0x0  }
0xb1: {  	[sflag:s19] =	ssyncadd.s32 $0xFFFFFF80  }
0xb2: {  	_ =	swait.ge [sflag:s19], $0x80  }
0xb3: {  	[sflag:s19] =	ssyncset.done $0x0  }
0xb4: {  	[sflag:s19] =	ssyncadd.s32 $0xFFFFFF80  }
0xb5: {  	_ =	swait.ge [sflag:s19], $0x80  }
0xb6: {  	[sflag:s19] =	ssyncset.done $0x0  }
0xb7: {  	[sflag:s19] =	ssyncadd.s32 $0xFFFFFF80  }
0xb8: {  	_ =	swait.ge [sflag:s19], $0x80  }
0xb9: {  	[sflag:s19] =	ssyncset.done $0x0  }
0xba: {  	[sflag:s19] =	ssyncadd.s32 $0xFFFFFF80  }
0xbb: {  	_ =	swait.ge [sflag:s19], $0x80  }
0xbc: {  	[sflag:s19] =	ssyncset.done $0x0  }
0xbd: {  	[sflag:s19] =	ssyncadd.s32 $0xFFFFFF80  }
0xbe: {  	_ =	swait.ge [sflag:s19], $0x80  }
0xbf: {  	[sflag:s19] =	ssyncset.done $0x0  }
0xc0: {  	[sflag:s19] =	ssyncadd.s32 $0xFFFFFF80  }
0xc1: {  	_ =	swait.ge [sflag:s19], $0x80  }
0xc2: {  	[sflag:s19] =	ssyncset.done $0x0  }
0xc3: {  	[sflag:s19] =	ssyncadd.s32 $0xFFFFFF80  }
0xc4: {  	_ =	swait.ge [sflag:s19], $0x80  }
0xc5: {  	[sflag:s19] =	ssyncset.done $0x0  }
0xc6: {  	[sflag:s19] =	ssyncadd.s32 $0xFFFFFF80  }
0xc7: {  	_ =	swait.ge [sflag:s19], $0x80  }
0xc8: {  	[sflag:s19] =	ssyncset.done $0x0  }
0xc9: {  	[sflag:s19] =	ssyncadd.s32 $0xFFFFFF80  }
0xca: {  	_ =	swait.ge [sflag:s19], $0x80  }
0xcb: {  	[sflag:s19] =	ssyncset.done $0x0  }
0xcc: {  	[sflag:s19] =	ssyncadd.s32 $0xFFFFFF80  }
0xcd: {  	_ =	swait.ge [sflag:s19], $0x80  }
0xce: {  	[sflag:s19] =	ssyncset.done $0x0  }
0xcf: {  	[sflag:s19] =	ssyncadd.s32 $0xFFFFFF80  }
0xd0: {  	_ =	swait.ge [sflag:s19], $0x80  }
0xd1: {  	[sflag:s19] =	ssyncset.done $0x0  }
0xd2: {  	[sflag:s19] =	ssyncadd.s32 $0xFFFFFF80  }
0xd3: {  	_ =	swait.ge [sflag:s19], $0x80  }
0xd4: {  	[sflag:s19] =	ssyncset.done $0x0  }
0xd5: {  	[sflag:s19] =	ssyncadd.s32 $0xFFFFFF80  }
0xd6: {  	_ =	swait.ge [sflag:s19], $0x80  }
0xd7: {  	[sflag:s19] =	ssyncset.done $0x0  }
0xd8: {  	[sflag:s19] =	ssyncadd.s32 $0xFFFFFF80  }
0xd9: {  	_ =	swait.ge [sflag:s19], $0x80  }
0xda: {  	[sflag:s19] =	ssyncset.done $0x0  }
0xdb: {  	[sflag:s19] =	ssyncadd.s32 $0xFFFFFF80  }
0xdc: {  	_ =	swait.ge [sflag:s19], $0x80  }
0xdd: {  	[sflag:s19] =	ssyncset.done $0x0  }
0xde: {  	[sflag:s19] =	ssyncadd.s32 $0xFFFFFF80  }
0xdf: {  	_ =	swait.ge [sflag:s19], $0x80  }
0xe0: {  	[sflag:s19] =	ssyncset.done $0x0  }
0xe1: {  	[sflag:s19] =	ssyncadd.s32 $0xFFFFFF80  }
0xe2: {  	_ =	swait.ge [sflag:s19], $0x80  }
0xe3: {  	[sflag:s19] =	ssyncset.done $0x0  }
0xe4: {  	[sflag:s19] =	ssyncadd.s32 $0xFFFFFF80  }
0xe5: {  	_ =	swait.ge [sflag:s19], $0x80  }
0xe6: {  	[sflag:s19] =	ssyncset.done $0x0  }
0xe7: {  	[sflag:s19] =	ssyncadd.s32 $0xFFFFFF80  }
0xe8: {  	_ =	swait.ge [sflag:s19], $0x80  }
0xe9: {  	[sflag:s19] =	ssyncset.done $0x0  }
0xea: {  	[sflag:s19] =	ssyncadd.s32 $0xFFFFFF80  }
0xeb: {  	_ =	swait.ge [sflag:s19], $0x80  }
0xec: {  	s8 =	sld [smem:$0x7FC]  }
0xed: {  	[sflag:s19] =	ssyncset.done $0x0  }
0xee: {  	s7 =	simm.s32 $0x4000;
	s11 =	sld [smem:$0x7FA];
	[sflag:s19] =	ssyncadd.s32 $0xFFFFFF80  }
0xef: {  	[spmem:s8] =	stream.linear.scatter [tilespmem:s7], [sflag:$0x1], $0x4000, $0x38;
	[tilespmem:$0x18008] =	vst v63  }
0xf0: {  	s8 =	sld [smem:$0x7FB]  }
0xf1: {  	[spmem:s11] =	stream.linear.scatter [tilespmem:s7], [sflag:$0x1], $0x4000, $0x38;
	[tilespmem:$0x18008] =	vst v63  }
0xf2: {  	s11 =	sld [smem:$0x7FD]  }
0xf3: {  	[spmem:s8] =	stream.linear.scatter [tilespmem:s7], [sflag:$0x1], $0x4000, $0x38;
	[tilespmem:$0x18008] =	vst v63  }
0xf4: {  	_ = 	snop  }
0xf5: {  	[spmem:s11] =	stream.linear.scatter [tilespmem:s7], [sflag:$0x1], $0x4000, $0x38;
	[tilespmem:$0x18008] =	vst v63  }
0xf6: {  	_ =	swait.ge [sflag:s19], $0x4000  }
0xf7: {  	[sflag:s19] =	ssyncset.done $0x0  }
0xf8: {  	[sflag:s19] =	ssyncadd.s32 $0xFFFFC000  }
0xf9: {  	_ =	swait.ge [sflag:s19], $0x4000  }
0xfa: {  	[sflag:s19] =	ssyncset.done $0x0  }
0xfb: {  	[sflag:s19] =	ssyncadd.s32 $0xFFFFC000  }
0xfc: {  	_ =	swait.ge [sflag:s19], $0x4000  }
0xfd: {  	[sflag:s19] =	ssyncset.done $0x0  }
0xfe: {  	[sflag:s19] =	ssyncadd.s32 $0xFFFFC000  }
0xff: {  	_ =	swait.ge [sflag:s19], $0x4000  }
0x100: {  	[sflag:s19] =	ssyncset.done $0x0  }
0x101: {  	[sflag:s19] =	ssyncadd.s32 $0xFFFFC000  }
0x102: {  	s6 =	simm.s32 $0x0;
	[bflag:$0x0] =	sbarrier.arrive $0xFFFF  }
0x103: {  	v11 =	vld [tilespmem:s6+$0x1070]  }
0x104: {  	v12 =	vld [tilespmem:s6+$0x1000]  }
0x105: {  	v13 =	vld [tilespmem:s6+$0x70]  }
0x106: {  	v14 =	vld [tilespmem:s6+$0x1010]  }
0x107: {  	v20 =	vld [tilespmem:s6+$0x1060]  }
0x108: {  	v15 =	vld [tilespmem:s6+$0x1020]  }
0x109: {  	v19 =	vld [tilespmem:s6+$0x1050]  }
0x10a: {  	v16 =	vld [tilespmem:s6+$0x1030]  }
0x10b: {  	v17 =	vld [tilespmem:s6+$0x1040];
	v11 =	vsub.s32 v11, v3;
	v12 =	vsub.s32 v12, v3  }
0x10c: {  	v22 =	vld [tilespmem:s6+$0x0];
	v20 =	vsub.s32 v20, v3;
	v18 =	vshll.u32 v11, $0xB;
	vm0 =	vlt.u32 v11, $0x200  }
0x10d: {  	v21 =	vshll.u32 v12, $0xB;
	vm6 =	vlt.u32 v12, $0x200;
	v12 =	vsub.s32 v15, v3  }
0x10e: {  	v15 =	vsub.s32 v19, v3;
	vm5 =	vlt.u32 v20, $0x200;
	v11 =	vadd.s32 v13, v18  }
0x10f: {  	v24 =	vld [tilespmem:s6+$0x10];
	v13 =	vsub.s32 v14, v3;
	vm1 =	vlt.u32 v12, $0x200;
	v11 =	vsel vm0, v11, v10  }
0x110: {  	vm0 =	vlt.u32 v13, $0x200;
	v23 =	vshll.u32 v13, $0xB;
	v13 =	vsub.s32 v16, v3;
	v16 =	vld [tilespmem:s6+$0x20]  }
0x111: {  	v14 =	vsub.s32 v17, v3;
	v17 =	vld [tilespmem:s6+$0x30];
	vm4 =	vlt.u32 v15, $0x200;
	v21 =	vadd.s32 v22, v21  }
0x112: {  	v18 =	vld [tilespmem:s6+$0x40];
	vm3 =	vlt.u32 v14, $0x200;
	v21 =	vsel vm6, v21, v6;
	[tilespmem:s6+$0x3070] =	vst v11;
	v11 =	vshll.u32 v12, $0xB  }
0x113: {  	v19 =	vld [tilespmem:s6+$0x50];
	vm2 =	vlt.u32 v13, $0x200;
	v12 =	vshll.u32 v13, $0xB;
	v13 =	vshll.u32 v14, $0xB  }
0x114: {  	s17 =	simm.s32 $0x2A80;
	s8 =	simm.s32 $0x400;
	s7 =	simm.s32 $0x80;
	v14 =	vshll.u32 v15, $0xB;
	v15 =	vshll.u32 v20, $0xB;
	v22 =	vadd.s32 v24, v23;
	v20 =	vld [tilespmem:s6+$0x60]  }
.LBB2_4:
0x115: {  	p0 =	sne.s32 s8, $0x3E00;
	v23 =	vld [tilespmem:s7+$0x1070];
	[tilespmem:s6+$0x3000] =	vst v21;
	v21 =	vsel vm0, v22, v0;
	v11 =	vadd.s32 v16, v11  }
0x116: {  	v16 =	vld [tilespmem:s7+$0x1000];
	[tilespmem:s6+$0x3010] =	vst v21;
	v11 =	vsel vm1, v11, v1;
	v12 =	vadd.s32 v17, v12  }
0x117: {  	v17 =	vld [tilespmem:s7+$0x70];
	[tilespmem:s6+$0x3020] =	vst v11;
	v11 =	vsel vm2, v12, v2;
	v12 =	vadd.s32 v18, v13  }
0x118: {  	v13 =	vld [tilespmem:s7+$0x1010];
	[tilespmem:s6+$0x3030] =	vst v11;
	v11 =	vsel vm3, v12, v4;
	v12 =	vadd.s32 v19, v14  }
0x119: {  	v14 =	vld [tilespmem:s7+$0x1020];
	[tilespmem:s6+$0x3040] =	vst v11;
	v11 =	vsel vm4, v12, v7;
	v12 =	vadd.s32 v20, v15  }
0x11a: {  	v15 =	vld [tilespmem:s7+$0x1030];
	v18 =	vsub.s32 v23, v3;
	[tilespmem:s6+$0x3050] =	vst v11;
	v11 =	vsel vm5, v12, v9  }
0x11b: {  	v12 =	vsub.s32 v16, v3;
	v19 =	vld [tilespmem:s7+$0x1040];
	v16 =	vshll.u32 v18, $0xB;
	[tilespmem:s6+$0x3060] =	vst v11;
	s6 =	smov.u32 s7  }
0x11c: {  	vm0 =	vlt.u32 v18, $0x200;
	v20 =	vshll.u32 v12, $0xB;
	v21 =	vld [tilespmem:s6+$0x1050];
	v11 =	vadd.s32 v17, v16  }
0x11d: {  	vm6 =	vlt.u32 v12, $0x200;
	v12 =	vsub.s32 v13, v3;
	v22 =	vld [tilespmem:s6+$0x1060];
	v11 =	vsel vm0, v11, v10  }
0x11e: {  	v23 =	vld [tilespmem:s6+$0x0];
	vm0 =	vlt.u32 v12, $0x200;
	v24 =	vshll.u32 v12, $0xB;
	v12 =	vsub.s32 v14, v3;
	[tilespmem:s6+$0x3070] =	vst v11  }
0x11f: {  	v25 =	vld [tilespmem:s6+$0x10];
	vm1 =	vlt.u32 v12, $0x200;
	v11 =	vshll.u32 v12, $0xB;
	v12 =	vsub.s32 v15, v3  }
.Ltmp1:
0x120: {  	v16 =	vld [tilespmem:s6+$0x20];
	vm2 =	vlt.u32 v12, $0x200;
	v12 =	vshll.u32 v12, $0xB;
	v13 =	vsub.s32 v19, v3;
	(pc) =	sbr.rel @p0 .LBB2_4-.Ltmp1, $4  }
0x121: {  	v17 =	vld [tilespmem:s6+$0x30];
	vm3 =	vlt.u32 v13, $0x200;
	v13 =	vshll.u32 v13, $0xB;
	v14 =	vsub.s32 v21, v3  }
0x122: {  	v18 =	vld [tilespmem:s6+$0x40];
	vm4 =	vlt.u32 v14, $0x200;
	v14 =	vshll.u32 v14, $0xB;
	v15 =	vsub.s32 v22, v3  }
0x123: {  	v20 =	vadd.s32 v23, v20;
	v19 =	vld [tilespmem:s6+$0x50];
	vm5 =	vlt.u32 v15, $0x200;
	v15 =	vshll.u32 v15, $0xB  }
0x124: {  	s7 =	sshra.s32 s8, $0x2;
	s8 =	sadd.s32 $0x200, s8;
	v21 =	vsel vm6, v20, v6;
	v22 =	vadd.s32 v25, v24;
	v20 =	vld [tilespmem:s6+$0x60]  }
0x125: {  	v23 =	vld [tilespmem:s7+$0x1070];
	[tilespmem:s6+$0x3000] =	vst v21;
	v21 =	vsel vm0, v22, v0;
	v11 =	vadd.s32 v16, v11  }
0x126: {  	v22 =	vld [tilespmem:s7+$0x1000];
	[tilespmem:s6+$0x3010] =	vst v21;
	v11 =	vsel vm1, v11, v1;
	v12 =	vadd.s32 v17, v12  }
0x127: {  	v16 =	vld [tilespmem:s7+$0x70];
	[tilespmem:s6+$0x3020] =	vst v11;
	v11 =	vsel vm2, v12, v2;
	v13 =	vadd.s32 v18, v13  }
0x128: {  	v12 =	vld [tilespmem:s7+$0x1010];
	[tilespmem:s6+$0x3030] =	vst v11;
	v11 =	vsel vm3, v13, v4;
	v14 =	vadd.s32 v19, v14  }
0x129: {  	v13 =	vld [tilespmem:s7+$0x1020];
	[tilespmem:s6+$0x3040] =	vst v11;
	v11 =	vsel vm4, v14, v7;
	v15 =	vadd.s32 v20, v15  }
0x12a: {  	v14 =	vld [tilespmem:s7+$0x1030];
	[tilespmem:s6+$0x3050] =	vst v11;
	v11 =	vsel vm5, v15, v9  }
0x12b: {  	v17 =	vsub.s32 v23, v3;
	v15 =	vld [tilespmem:s7+$0x1040];
	[tilespmem:s6+$0x3060] =	vst v11  }
0x12c: {  	v11 =	vshll.u32 v17, $0xB;
	v18 =	vld [tilespmem:s7+$0x1050]  }
0x12d: {  	vm0 =	vlt.u32 v17, $0x200;
	v11 =	vadd.s32 v16, v11;
	v16 =	vld [tilespmem:s7+$0x1060]  }
0x12e: {  	v19 =	vsub.s32 v22, v3;
	v17 =	vld [tilespmem:s7+$0x0];
	v11 =	vsel vm0, v11, v10  }
0x12f: {  	vm0 =	vlt.u32 v19, $0x200;
	v12 =	vsub.s32 v12, v3;
	[tilespmem:s7+$0x3070] =	vst v11;
	v11 =	vshll.u32 v19, $0xB;
	v19 =	vld [tilespmem:s7+$0x10]  }
0x130: {  	v20 =	vld [tilespmem:s7+$0x20];
	vm1 =	vlt.u32 v12, $0x200;
	v12 =	vshll.u32 v12, $0xB;
	v13 =	vsub.s32 v13, v3  }
0x131: {  	v21 =	vld [tilespmem:s7+$0x30];
	vm2 =	vlt.u32 v13, $0x200;
	v13 =	vshll.u32 v13, $0xB;
	v14 =	vsub.s32 v14, v3  }
0x132: {  	v22 =	vld [tilespmem:s7+$0x40];
	vm3 =	vlt.u32 v14, $0x200;
	v14 =	vshll.u32 v14, $0xB;
	v15 =	vsub.s32 v15, v3  }
0x133: {  	vm4 =	vlt.u32 v15, $0x200;
	v15 =	vshll.u32 v15, $0xB;
	v11 =	vadd.s32 v17, v11;
	v17 =	vld [tilespmem:s7+$0x50]  }
0x134: {  	v18 =	vsub.s32 v18, v3;
	v11 =	vsel vm0, v11, v6;
	v12 =	vadd.s32 v19, v12;
	v19 =	vld [tilespmem:s7+$0x60]  }
0x135: {  	vm0 =	vlt.u32 v18, $0x200;
	[tilespmem:s7+$0x3000] =	vst v11;
	v11 =	vsel vm1, v12, v0;
	v12 =	vadd.s32 v20, v13  }
0x136: {  	v13 =	vshll.u32 v18, $0xB;
	[tilespmem:s7+$0x3010] =	vst v11;
	v11 =	vsel vm2, v12, v1;
	v12 =	vadd.s32 v21, v14  }
0x137: {  	v14 =	vsub.s32 v16, v3;
	[tilespmem:s7+$0x3020] =	vst v11;
	v11 =	vsel vm3, v12, v2;
	v12 =	vadd.s32 v22, v15  }
0x138: {  	v15 =	vshll.u32 v14, $0xB;
	[tilespmem:s7+$0x3030] =	vst v11;
	v11 =	vsel vm4, v12, v4;
	v12 =	vadd.s32 v17, v13  }
0x139: {  	vm1 =	vlt.u32 v14, $0x200;
	[tilespmem:s7+$0x3040] =	vst v11;
	v11 =	vsel vm0, v12, v7;
	v12 =	vadd.s32 v19, v15  }
0x13a: {  	[tilespmem:s7+$0x3050] =	vst v11;
	v11 =	vsel vm1, v12, v9  }
0x13b: {  	s8 =	simm.s32 $0x3000;
	s11 =	simm.s32 $0x2000;
	[tilespmem:s7+$0x3060] =	vst v11  }
0x13c: {  	[spmem:s1] =	stream.indirect.scatter.add.f32 [tilespmem:s11], [sflag:$0x2], $0x1, s8, s18, $0xb8;
	[tilespmem:$0x18008] =	vst v63  }
0x13d: {  	_ =	swait.ge [sflag:s20], $0x80  }
0x13e: {  	[sflag:s20] =	ssyncset.done $0x0  }
0x13f: {  	s8 =	simm.s32 $0x3080;
	s11 =	simm.s32 $0x2080;
	[sflag:s20] =	ssyncadd.s32 $0xFFFFFF80  }
0x140: {  	[spmem:s1] =	stream.indirect.scatter.add.f32 [tilespmem:s11], [sflag:$0x2], $0x1, s8, s18, $0xb8;
	[tilespmem:$0x18008] =	vst v63  }
0x141: {  	_ =	swait.ge [sflag:s20], $0x80  }
0x142: {  	[sflag:s20] =	ssyncset.done $0x0  }
0x143: {  	s8 =	simm.s32 $0x2100;
	s11 =	simm.s32 $0x3100;
	[sflag:s20] =	ssyncadd.s32 $0xFFFFFF80  }
0x144: {  	[spmem:s1] =	stream.indirect.scatter.add.f32 [tilespmem:s8], [sflag:$0x2], $0x1, s11, s18, $0xb8;
	[tilespmem:$0x18008] =	vst v63  }
0x145: {  	_ =	swait.ge [sflag:s20], $0x80  }
0x146: {  	[sflag:s20] =	ssyncset.done $0x0  }
0x147: {  	s7 =	simm.s32 $0x3180;
	s11 =	simm.s32 $0x2180;
	[sflag:s20] =	ssyncadd.s32 $0xFFFFFF80  }
0x148: {  	[spmem:s1] =	stream.indirect.scatter.add.f32 [tilespmem:s11], [sflag:$0x2], $0x1, s7, s18, $0xb8;
	[tilespmem:$0x18008] =	vst v63  }
0x149: {  	_ =	swait.ge [sflag:s20], $0x80  }
0x14a: {  	[sflag:s20] =	ssyncset.done $0x0  }
0x14b: {  	s8 =	simm.s32 $0x3200;
	[sflag:s20] =	ssyncadd.s32 $0xFFFFFF80  }
0x14c: {  	[spmem:s1] =	stream.indirect.scatter.add.f32 [tilespmem:s12], [sflag:$0x2], $0x1, s8, s18, $0xb8;
	[tilespmem:$0x18008] =	vst v63  }
0x14d: {  	_ =	swait.ge [sflag:s20], $0x80  }
0x14e: {  	[sflag:s20] =	ssyncset.done $0x0  }
0x14f: {  	s12 =	simm.s32 $0x3280;
	[sflag:s20] =	ssyncadd.s32 $0xFFFFFF80  }
0x150: {  	[spmem:s1] =	stream.indirect.scatter.add.f32 [tilespmem:s13], [sflag:$0x2], $0x1, s12, s18, $0xb8;
	[tilespmem:$0x18008] =	vst v63  }
0x151: {  	_ =	swait.ge [sflag:s20], $0x80  }
0x152: {  	[sflag:s20] =	ssyncset.done $0x0  }
0x153: {  	s13 =	simm.s32 $0x3300;
	[sflag:s20] =	ssyncadd.s32 $0xFFFFFF80  }
0x154: {  	[spmem:s1] =	stream.indirect.scatter.add.f32 [tilespmem:s14], [sflag:$0x2], $0x1, s13, s18, $0xb8;
	[tilespmem:$0x18008] =	vst v63  }
0x155: {  	_ =	swait.ge [sflag:s20], $0x80  }
0x156: {  	[sflag:s20] =	ssyncset.done $0x0  }
0x157: {  	s14 =	simm.s32 $0x3380;
	[sflag:s20] =	ssyncadd.s32 $0xFFFFFF80  }
0x158: {  	[spmem:s1] =	stream.indirect.scatter.add.f32 [tilespmem:s21], [sflag:$0x2], $0x1, s14, s18, $0xb8;
	[tilespmem:$0x18008] =	vst v63  }
0x159: {  	_ =	swait.ge [sflag:s20], $0x80  }
0x15a: {  	[sflag:s20] =	ssyncset.done $0x0  }
0x15b: {  	s7 =	simm.s32 $0x3400;
	[sflag:s20] =	ssyncadd.s32 $0xFFFFFF80  }
0x15c: {  	[spmem:s1] =	stream.indirect.scatter.add.f32 [tilespmem:s23], [sflag:$0x2], $0x1, s7, s18, $0xb8;
	[tilespmem:$0x18008] =	vst v63  }
0x15d: {  	_ =	swait.ge [sflag:s20], $0x80  }
0x15e: {  	[sflag:s20] =	ssyncset.done $0x0  }
0x15f: {  	s8 =	simm.s32 $0x3480;
	[sflag:s20] =	ssyncadd.s32 $0xFFFFFF80  }
0x160: {  	[spmem:s1] =	stream.indirect.scatter.add.f32 [tilespmem:s24], [sflag:$0x2], $0x1, s8, s18, $0xb8;
	[tilespmem:$0x18008] =	vst v63  }
0x161: {  	_ =	swait.ge [sflag:s20], $0x80  }
0x162: {  	[sflag:s20] =	ssyncset.done $0x0  }
0x163: {  	s12 =	simm.s32 $0x3500;
	[sflag:s20] =	ssyncadd.s32 $0xFFFFFF80  }
0x164: {  	[spmem:s1] =	stream.indirect.scatter.add.f32 [tilespmem:s25], [sflag:$0x2], $0x1, s12, s18, $0xb8;
	[tilespmem:$0x18008] =	vst v63  }
0x165: {  	_ =	swait.ge [sflag:s20], $0x80  }
0x166: {  	[sflag:s20] =	ssyncset.done $0x0  }
0x167: {  	s13 =	simm.s32 $0x3580;
	[sflag:s20] =	ssyncadd.s32 $0xFFFFFF80  }
0x168: {  	[spmem:s1] =	stream.indirect.scatter.add.f32 [tilespmem:s4], [sflag:$0x2], $0x1, s13, s18, $0xb8;
	[tilespmem:$0x18008] =	vst v63  }
0x169: {  	_ =	swait.ge [sflag:s20], $0x80  }
0x16a: {  	[sflag:s20] =	ssyncset.done $0x0  }
0x16b: {  	s14 =	simm.s32 $0x3600;
	[sflag:s20] =	ssyncadd.s32 $0xFFFFFF80  }
0x16c: {  	[spmem:s1] =	stream.indirect.scatter.add.f32 [tilespmem:s26], [sflag:$0x2], $0x1, s14, s18, $0xb8;
	[tilespmem:$0x18008] =	vst v63  }
0x16d: {  	_ =	swait.ge [sflag:s20], $0x80  }
0x16e: {  	[sflag:s20] =	ssyncset.done $0x0  }
0x16f: {  	s21 =	simm.s32 $0x3680;
	[sflag:s20] =	ssyncadd.s32 $0xFFFFFF80  }
0x170: {  	[spmem:s1] =	stream.indirect.scatter.add.f32 [tilespmem:s28], [sflag:$0x2], $0x1, s21, s18, $0xb8;
	[tilespmem:$0x18008] =	vst v63  }
0x171: {  	_ =	swait.ge [sflag:s20], $0x80  }
0x172: {  	[sflag:s20] =	ssyncset.done $0x0  }
0x173: {  	s23 =	simm.s32 $0x3700;
	[sflag:s20] =	ssyncadd.s32 $0xFFFFFF80  }
0x174: {  	[spmem:s1] =	stream.indirect.scatter.add.f32 [tilespmem:s29], [sflag:$0x2], $0x1, s23, s18, $0xb8;
	[tilespmem:$0x18008] =	vst v63  }
0x175: {  	_ =	swait.ge [sflag:s20], $0x80  }
0x176: {  	[sflag:s20] =	ssyncset.done $0x0  }
0x177: {  	s24 =	simm.s32 $0x3780;
	[sflag:s20] =	ssyncadd.s32 $0xFFFFFF80  }
0x178: {  	[spmem:s1] =	stream.indirect.scatter.add.f32 [tilespmem:s30], [sflag:$0x2], $0x1, s24, s18, $0xb8;
	[tilespmem:$0x18008] =	vst v63  }
0x179: {  	_ =	swait.ge [sflag:s20], $0x80  }
0x17a: {  	[sflag:s20] =	ssyncset.done $0x0  }
0x17b: {  	s25 =	simm.s32 $0x3800;
	[sflag:s20] =	ssyncadd.s32 $0xFFFFFF80  }
0x17c: {  	[spmem:s1] =	stream.indirect.scatter.add.f32 [tilespmem:s31], [sflag:$0x2], $0x1, s25, s18, $0xb8;
	[tilespmem:$0x18008] =	vst v63  }
0x17d: {  	_ =	swait.ge [sflag:s20], $0x80  }
0x17e: {  	[sflag:s20] =	ssyncset.done $0x0  }
0x17f: {  	s26 =	simm.s32 $0x3880;
	[sflag:s20] =	ssyncadd.s32 $0xFFFFFF80  }
0x180: {  	[spmem:s1] =	stream.indirect.scatter.add.f32 [tilespmem:s5], [sflag:$0x2], $0x1, s26, s18, $0xb8;
	[tilespmem:$0x18008] =	vst v63  }
0x181: {  	_ =	swait.ge [sflag:s20], $0x80  }
0x182: {  	[sflag:s20] =	ssyncset.done $0x0  }
0x183: {  	s28 =	simm.s32 $0x3900;
	[sflag:s20] =	ssyncadd.s32 $0xFFFFFF80  }
0x184: {  	[spmem:s1] =	stream.indirect.scatter.add.f32 [tilespmem:s15], [sflag:$0x2], $0x1, s28, s18, $0xb8;
	[tilespmem:$0x18008] =	vst v63  }
0x185: {  	_ =	swait.ge [sflag:s20], $0x80  }
0x186: {  	[sflag:s20] =	ssyncset.done $0x0  }
0x187: {  	s29 =	simm.s32 $0x3980;
	[sflag:s20] =	ssyncadd.s32 $0xFFFFFF80  }
0x188: {  	[spmem:s1] =	stream.indirect.scatter.add.f32 [tilespmem:s16], [sflag:$0x2], $0x1, s29, s18, $0xb8;
	[tilespmem:$0x18008] =	vst v63  }
0x189: {  	_ =	swait.ge [sflag:s20], $0x80  }
0x18a: {  	[sflag:s20] =	ssyncset.done $0x0  }
0x18b: {  	s30 =	simm.s32 $0x3A00;
	s31 =	simm.s32 $0x2A00;
	[sflag:s20] =	ssyncadd.s32 $0xFFFFFF80  }
0x18c: {  	[spmem:s1] =	stream.indirect.scatter.add.f32 [tilespmem:s31], [sflag:$0x2], $0x1, s30, s18, $0xb8;
	[tilespmem:$0x18008] =	vst v63  }
0x18d: {  	_ =	swait.ge [sflag:s20], $0x80  }
0x18e: {  	[sflag:s20] =	ssyncset.done $0x0  }
0x18f: {  	s5 =	simm.s32 $0x3A80;
	[sflag:s20] =	ssyncadd.s32 $0xFFFFFF80  }
0x190: {  	[spmem:s1] =	stream.indirect.scatter.add.f32 [tilespmem:s17], [sflag:$0x2], $0x1, s5, s18, $0xb8;
	[tilespmem:$0x18008] =	vst v63  }
0x191: {  	_ =	swait.ge [sflag:s20], $0x80  }
0x192: {  	[sflag:s20] =	ssyncset.done $0x0  }
0x193: {  	s6 =	simm.s32 $0x3B00;
	[sflag:s20] =	ssyncadd.s32 $0xFFFFFF80  }
0x194: {  	[spmem:s1] =	stream.indirect.scatter.add.f32 [tilespmem:s22], [sflag:$0x2], $0x1, s6, s18, $0xb8;
	[tilespmem:$0x18008] =	vst v63  }
0x195: {  	_ =	swait.ge [sflag:s20], $0x80  }
0x196: {  	[sflag:s20] =	ssyncset.done $0x0  }
0x197: {  	s7 =	simm.s32 $0x3B80;
	[sflag:s20] =	ssyncadd.s32 $0xFFFFFF80  }
0x198: {  	[spmem:s1] =	stream.indirect.scatter.add.f32 [tilespmem:s0], [sflag:$0x2], $0x1, s7, s18, $0xb8;
	[tilespmem:$0x18008] =	vst v63  }
0x199: {  	_ =	swait.ge [sflag:s20], $0x80  }
0x19a: {  	[sflag:s20] =	ssyncset.done $0x0  }
0x19b: {  	s8 =	simm.s32 $0x3C00;
	[sflag:s20] =	ssyncadd.s32 $0xFFFFFF80  }
0x19c: {  	[spmem:s1] =	stream.indirect.scatter.add.f32 [tilespmem:s3], [sflag:$0x2], $0x1, s8, s18, $0xb8;
	[tilespmem:$0x18008] =	vst v63  }
0x19d: {  	_ =	swait.ge [sflag:s20], $0x80  }
0x19e: {  	[sflag:s20] =	ssyncset.done $0x0  }
0x19f: {  	s12 =	simm.s32 $0x3C80;
	[sflag:s20] =	ssyncadd.s32 $0xFFFFFF80  }
0x1a0: {  	[spmem:s1] =	stream.indirect.scatter.add.f32 [tilespmem:s9], [sflag:$0x2], $0x1, s12, s18, $0xb8;
	[tilespmem:$0x18008] =	vst v63  }
0x1a1: {  	_ =	swait.ge [sflag:s20], $0x80  }
0x1a2: {  	[sflag:s20] =	ssyncset.done $0x0  }
0x1a3: {  	s13 =	simm.s32 $0x3D00;
	[sflag:s20] =	ssyncadd.s32 $0xFFFFFF80  }
0x1a4: {  	[spmem:s1] =	stream.indirect.scatter.add.f32 [tilespmem:s10], [sflag:$0x2], $0x1, s13, s18, $0xb8;
	[tilespmem:$0x18008] =	vst v63  }
0x1a5: {  	_ =	swait.ge [sflag:s20], $0x80  }
0x1a6: {  	[sflag:s20] =	ssyncset.done $0x0  }
0x1a7: {  	s14 =	simm.s32 $0x3D80;
	s12 =	simm.s32 $0x2D80;
	[sflag:s20] =	ssyncadd.s32 $0xFFFFFF80  }
0x1a8: {  	[spmem:s1] =	stream.indirect.scatter.add.f32 [tilespmem:s12], [sflag:$0x2], $0x1, s14, s18, $0xb8;
	[tilespmem:$0x18008] =	vst v63  }
0x1a9: {  	_ =	swait.ge [sflag:s20], $0x80  }
0x1aa: {  	[sflag:s20] =	ssyncset.done $0x0  }
0x1ab: {  	s15 =	simm.s32 $0x3E00;
	[sflag:s20] =	ssyncadd.s32 $0xFFFFFF80  }
0x1ac: {  	[spmem:s1] =	stream.indirect.scatter.add.f32 [tilespmem:s2], [sflag:$0x2], $0x1, s15, s18, $0xb8;
	[tilespmem:$0x18008] =	vst v63  }
0x1ad: {  	_ =	swait.ge [sflag:s20], $0x80  }
0x1ae: {  	[sflag:s20] =	ssyncset.done $0x0  }
0x1af: {  	s16 =	simm.s32 $0x2E80;
	s17 =	simm.s32 $0x3E80;
	[sflag:s20] =	ssyncadd.s32 $0xFFFFFF80  }
0x1b0: {  	[spmem:s1] =	stream.indirect.scatter.add.f32 [tilespmem:s16], [sflag:$0x2], $0x1, s17, s18, $0xb8;
	[tilespmem:$0x18008] =	vst v63  }
0x1b1: {  	_ =	swait.ge [sflag:s20], $0x80  }
0x1b2: {  	[sflag:s20] =	ssyncset.done $0x0  }
0x1b3: {  	s21 =	simm.s32 $0x2F00;
	s22 =	simm.s32 $0x3F00;
	[sflag:s20] =	ssyncadd.s32 $0xFFFFFF80  }
0x1b4: {  	[spmem:s1] =	stream.indirect.scatter.add.f32 [tilespmem:s21], [sflag:$0x2], $0x1, s22, s18, $0xb8;
	[tilespmem:$0x18008] =	vst v63  }
0x1b5: {  	_ =	swait.ge [sflag:s20], $0x80  }
0x1b6: {  	[sflag:s20] =	ssyncset.done $0x0  }
0x1b7: {  	s23 =	simm.s32 $0x2F80;
	s24 =	simm.s32 $0x3F80;
	[sflag:s20] =	ssyncadd.s32 $0xFFFFFF80  }
0x1b8: {  	[spmem:s1] =	stream.indirect.scatter.add.f32 [tilespmem:s23], [sflag:$0x2], $0x1, s24, s18, $0xb8;
	[tilespmem:$0x18008] =	vst v63  }
0x1b9: {  	_ =	swait.ge [sflag:s20], $0x80  }
0x1ba: {  	[sflag:s20] =	ssyncset.done $0x0  }
0x1bb: {  	[sflag:s20] =	ssyncadd.s32 $0xFFFFFF80  }
0x1bc: {  	[bflag:$0x0] =	sbarrier.arrive $0xFFFF  }
0x1bd: {  	s26 =	sld [smem:$0x7FC]  }
0x1be: {  	s25 =	stileid.u32  }
0x1bf: {  	s6 =	sshll.u32 s25, $0x6  }
0x1c0: {  	s6 =	sor.u32 $0x1C02, s6;
	s8 =	rddreg [dreg:$0x13];
	s7 =	sshrl.u32 s26, $0x3  }
0x1c1: {  	[hbm:s8], [sflag:s6] =	dma.local [spmem:s7], $0x2000  }
0x1c2: {  	_ =	swait.ge [sflag:s20], $0x2000  }
0x1c3: {  	[sflag:s20] =	ssyncset.done $0x0  }
0x1c4: {  	[sflag:s20] =	ssyncadd.s32 $0xFFFFE000  }
0x1c5: {  	[bflag:$0x0] =	sbarrier.arrive $0xFFFF  }
0x1c6: {  	s28 =	simm.s32 $0x4000;
	s29 =	sld [smem:$0x7FA]  }
0x1c7: {  	[spmem:s26] =	stream.linear.scatter [tilespmem:s28], [sflag:$0x1], $0x4000, $0x38;
	[tilespmem:$0x18008] =	vst v63  }
0x1c8: {  	s30 =	sld [smem:$0x7FB]  }
0x1c9: {  	[spmem:s29] =	stream.linear.scatter [tilespmem:s28], [sflag:$0x1], $0x4000, $0x38;
	[tilespmem:$0x18008] =	vst v63  }
0x1ca: {  	s31 =	sld [smem:$0x7FD]  }
0x1cb: {  	[spmem:s30] =	stream.linear.scatter [tilespmem:s28], [sflag:$0x1], $0x4000, $0x38;
	[tilespmem:$0x18008] =	vst v63  }
0x1cc: {  	_ = 	snop  }
0x1cd: {  	[spmem:s31] =	stream.linear.scatter [tilespmem:s28], [sflag:$0x1], $0x4000, $0x38;
	[tilespmem:$0x18008] =	vst v63  }
0x1ce: {  	_ =	swait.ge [sflag:s19], $0x4000  }
0x1cf: {  	[sflag:s19] =	ssyncset.done $0x0  }
0x1d0: {  	[sflag:s19] =	ssyncadd.s32 $0xFFFFC000  }
0x1d1: {  	_ =	swait.ge [sflag:s19], $0x4000  }
0x1d2: {  	[sflag:s19] =	ssyncset.done $0x0  }
0x1d3: {  	[sflag:s19] =	ssyncadd.s32 $0xFFFFC000  }
0x1d4: {  	_ =	swait.ge [sflag:s19], $0x4000  }
0x1d5: {  	[sflag:s19] =	ssyncset.done $0x0  }
0x1d6: {  	[sflag:s19] =	ssyncadd.s32 $0xFFFFC000  }
0x1d7: {  	_ =	swait.ge [sflag:s19], $0x4000  }
0x1d8: {  	[sflag:s19] =	ssyncset.done $0x0  }
0x1d9: {  	[sflag:s19] =	ssyncadd.s32 $0xFFFFC000  }
0x1da: {  	s8 =	simm.s32 $0x0;
	[bflag:$0x0] =	sbarrier.arrive $0xFFFF  }
0x1db: {  	v11 =	vld [tilespmem:s8+$0x1070]  }
0x1dc: {  	v12 =	vld [tilespmem:s8+$0x1000]  }
0x1dd: {  	v13 =	vld [tilespmem:s8+$0x70]  }
0x1de: {  	v14 =	vld [tilespmem:s8+$0x1010]  }
0x1df: {  	v20 =	vld [tilespmem:s8+$0x1060]  }
0x1e0: {  	v15 =	vld [tilespmem:s8+$0x1020]  }
0x1e1: {  	v19 =	vld [tilespmem:s8+$0x1050]  }
0x1e2: {  	v16 =	vld [tilespmem:s8+$0x1030]  }
0x1e3: {  	v17 =	vld [tilespmem:s8+$0x1040];
	v11 =	vsub.s32 v11, v5;
	v12 =	vsub.s32 v12, v5  }
0x1e4: {  	v22 =	vld [tilespmem:s8+$0x0];
	v20 =	vsub.s32 v20, v5;
	v18 =	vshll.u32 v11, $0xB;
	vm0 =	vlt.u32 v11, $0x200  }
0x1e5: {  	v21 =	vshll.u32 v12, $0xB;
	vm6 =	vlt.u32 v12, $0x200;
	v12 =	vsub.s32 v15, v5  }
0x1e6: {  	v15 =	vsub.s32 v19, v5;
	vm5 =	vlt.u32 v20, $0x200;
	v11 =	vadd.s32 v13, v18  }
0x1e7: {  	v24 =	vld [tilespmem:s8+$0x10];
	v13 =	vsub.s32 v14, v5;
	vm1 =	vlt.u32 v12, $0x200;
	v11 =	vsel vm0, v11, v10  }
0x1e8: {  	vm0 =	vlt.u32 v13, $0x200;
	v23 =	vshll.u32 v13, $0xB;
	v13 =	vsub.s32 v16, v5;
	v16 =	vld [tilespmem:s8+$0x20]  }
0x1e9: {  	v14 =	vsub.s32 v17, v5;
	v17 =	vld [tilespmem:s8+$0x30];
	vm4 =	vlt.u32 v15, $0x200;
	v21 =	vadd.s32 v22, v21  }
0x1ea: {  	v18 =	vld [tilespmem:s8+$0x40];
	vm3 =	vlt.u32 v14, $0x200;
	v21 =	vsel vm6, v21, v6;
	[tilespmem:s8+$0x3070] =	vst v11;
	v11 =	vshll.u32 v12, $0xB  }
0x1eb: {  	v19 =	vld [tilespmem:s8+$0x50];
	vm2 =	vlt.u32 v13, $0x200;
	v12 =	vshll.u32 v13, $0xB;
	v13 =	vshll.u32 v14, $0xB  }
0x1ec: {  	s9 =	simm.s32 $0x80;
	s10 =	simm.s32 $0x400;
	v14 =	vshll.u32 v15, $0xB;
	v15 =	vshll.u32 v20, $0xB;
	v22 =	vadd.s32 v24, v23;
	v20 =	vld [tilespmem:s8+$0x60]  }
.LBB2_6:
0x1ed: {  	p0 =	sne.s32 s10, $0x3E00;
	v23 =	vld [tilespmem:s9+$0x1070];
	[tilespmem:s8+$0x3000] =	vst v21;
	v21 =	vsel vm0, v22, v0;
	v11 =	vadd.s32 v16, v11  }
0x1ee: {  	v16 =	vld [tilespmem:s9+$0x1000];
	[tilespmem:s8+$0x3010] =	vst v21;
	v11 =	vsel vm1, v11, v1;
	v12 =	vadd.s32 v17, v12  }
0x1ef: {  	v17 =	vld [tilespmem:s9+$0x70];
	[tilespmem:s8+$0x3020] =	vst v11;
	v11 =	vsel vm2, v12, v2;
	v12 =	vadd.s32 v18, v13  }
0x1f0: {  	v13 =	vld [tilespmem:s9+$0x1010];
	[tilespmem:s8+$0x3030] =	vst v11;
	v11 =	vsel vm3, v12, v4;
	v12 =	vadd.s32 v19, v14  }
0x1f1: {  	v14 =	vld [tilespmem:s9+$0x1020];
	[tilespmem:s8+$0x3040] =	vst v11;
	v11 =	vsel vm4, v12, v7;
	v12 =	vadd.s32 v20, v15  }
0x1f2: {  	v15 =	vld [tilespmem:s9+$0x1030];
	v18 =	vsub.s32 v23, v5;
	[tilespmem:s8+$0x3050] =	vst v11;
	v11 =	vsel vm5, v12, v9  }
0x1f3: {  	v12 =	vsub.s32 v16, v5;
	v19 =	vld [tilespmem:s9+$0x1040];
	v16 =	vshll.u32 v18, $0xB;
	[tilespmem:s8+$0x3060] =	vst v11;
	s8 =	smov.u32 s9  }
0x1f4: {  	vm0 =	vlt.u32 v18, $0x200;
	v20 =	vshll.u32 v12, $0xB;
	v21 =	vld [tilespmem:s8+$0x1050];
	v11 =	vadd.s32 v17, v16  }
0x1f5: {  	vm6 =	vlt.u32 v12, $0x200;
	v12 =	vsub.s32 v13, v5;
	v22 =	vld [tilespmem:s8+$0x1060];
	v11 =	vsel vm0, v11, v10  }
0x1f6: {  	v23 =	vld [tilespmem:s8+$0x0];
	vm0 =	vlt.u32 v12, $0x200;
	v24 =	vshll.u32 v12, $0xB;
	v12 =	vsub.s32 v14, v5;
	[tilespmem:s8+$0x3070] =	vst v11  }
0x1f7: {  	v25 =	vld [tilespmem:s8+$0x10];
	vm1 =	vlt.u32 v12, $0x200;
	v11 =	vshll.u32 v12, $0xB;
	v12 =	vsub.s32 v15, v5  }
.Ltmp2:
0x1f8: {  	v16 =	vld [tilespmem:s8+$0x20];
	vm2 =	vlt.u32 v12, $0x200;
	v12 =	vshll.u32 v12, $0xB;
	v13 =	vsub.s32 v19, v5;
	(pc) =	sbr.rel @p0 .LBB2_6-.Ltmp2, $4  }
0x1f9: {  	v17 =	vld [tilespmem:s8+$0x30];
	vm3 =	vlt.u32 v13, $0x200;
	v13 =	vshll.u32 v13, $0xB;
	v14 =	vsub.s32 v21, v5  }
0x1fa: {  	v18 =	vld [tilespmem:s8+$0x40];
	vm4 =	vlt.u32 v14, $0x200;
	v14 =	vshll.u32 v14, $0xB;
	v15 =	vsub.s32 v22, v5  }
0x1fb: {  	v20 =	vadd.s32 v23, v20;
	v19 =	vld [tilespmem:s8+$0x50];
	vm5 =	vlt.u32 v15, $0x200;
	v15 =	vshll.u32 v15, $0xB  }
0x1fc: {  	s9 =	sshra.s32 s10, $0x2;
	s10 =	sadd.s32 $0x200, s10;
	v21 =	vsel vm6, v20, v6;
	v22 =	vadd.s32 v25, v24;
	v20 =	vld [tilespmem:s8+$0x60]  }
0x1fd: {  	v23 =	vld [tilespmem:s9+$0x1070];
	[tilespmem:s8+$0x3000] =	vst v21;
	v39 =	vsel vm0, v22, v0;
	v11 =	vadd.s32 v16, v11  }
0x1fe: {  	v40 =	vld [tilespmem:s9+$0x1000];
	[tilespmem:s8+$0x3010] =	vst v39;
	v11 =	vsel vm1, v11, v1;
	v12 =	vadd.s32 v17, v12  }
0x1ff: {  	v41 =	vld [tilespmem:s9+$0x70];
	[tilespmem:s8+$0x3020] =	vst v11;
	v11 =	vsel vm2, v12, v2;
	v13 =	vadd.s32 v18, v13  }
0x200: {  	v42 =	vld [tilespmem:s9+$0x1010];
	[tilespmem:s8+$0x3030] =	vst v11;
	v11 =	vsel vm3, v13, v4;
	v14 =	vadd.s32 v19, v14  }
0x201: {  	v43 =	vld [tilespmem:s9+$0x1020];
	[tilespmem:s8+$0x3040] =	vst v11;
	v11 =	vsel vm4, v14, v7;
	v15 =	vadd.s32 v20, v15  }
0x202: {  	v44 =	vld [tilespmem:s9+$0x1030];
	[tilespmem:s8+$0x3050] =	vst v11;
	v11 =	vsel vm5, v15, v9  }
0x203: {  	v45 =	vld [tilespmem:s9+$0x1040];
	[tilespmem:s8+$0x3060] =	vst v11  }
0x204: {  	v11 =	vsub.s32 v23, v5;
	v47 =	vld [tilespmem:s9+$0x1050]  }
0x205: {  	v50 =	vsub.s32 v40, v5;
	v46 =	vshll.u32 v11, $0xB;
	v49 =	vld [tilespmem:s9+$0x0]  }
0x206: {  	vm8 =	vlt.u32 v11, $0x200;
	v51 =	vld [tilespmem:s9+$0x10];
	v11 =	vadd.s32 v41, v46;
	v12 =	vsub.s32 v42, v5  }
0x207: {  	vm9 =	vlt.u32 v50, $0x200;
	v52 =	vld [tilespmem:s9+$0x20];
	v11 =	vsel vm8, v11, v10;
	vm10 =	vlt.u32 v12, $0x200  }
0x208: {  	v21 =	vld [tilespmem:s9+$0x30];
	v12 =	vshll.u32 v12, $0xB;
	v13 =	vsub.s32 v43, v5;
	[tilespmem:s9+$0x3070] =	vst v11;
	v11 =	vshll.u32 v50, $0xB  }
0x209: {  	v48 =	vld [tilespmem:s9+$0x1060];
	vm11 =	vlt.u32 v13, $0x200;
	v13 =	vshll.u32 v13, $0xB;
	v14 =	vsub.s32 v44, v5  }
0x20a: {  	v53 =	vld [tilespmem:s9+$0x40];
	vm12 =	vlt.u32 v14, $0x200;
	v14 =	vshll.u32 v14, $0xB;
	v15 =	vsub.s32 v45, v5  }
0x20b: {  	v54 =	vld [tilespmem:s9+$0x50];
	vm13 =	vlt.u32 v15, $0x200;
	v15 =	vshll.u32 v15, $0xB;
	v11 =	vadd.s32 v49, v11  }
0x20c: {  	v55 =	vld [tilespmem:s9+$0x60];
	v18 =	vsub.s32 v47, v5;
	v12 =	vadd.s32 v51, v12;
	v11 =	vsel vm9, v11, v6  }
0x20d: {  	v56 =	vadd.s32 v52, v13;
	v58 =	vadd.s32 v21, v14;
	[tilespmem:s9+$0x3000] =	vst v11;
	v11 =	vsel vm10, v12, v0  }
0x20e: {  	v59 =	vsub.s32 v48, v5;
	vm14 =	vlt.u32 v18, $0x200;
	[tilespmem:s9+$0x3010] =	vst v11;
	v11 =	vsel vm11, v56, v1  }
0x20f: {  	v57 =	vshll.u32 v18, $0xB;
	v60 =	vadd.s32 v53, v15;
	[tilespmem:s9+$0x3020] =	vst v11;
	v11 =	vsel vm12, v58, v2  }
0x210: {  	v61 =	vshll.u32 v59, $0xB;
	v62 =	vadd.s32 v54, v57;
	[tilespmem:s9+$0x3030] =	vst v11;
	v11 =	vsel vm13, v60, v4  }
0x211: {  	vm15 =	vlt.u32 v59, $0x200;
	v63 =	vadd.s32 v55, v61;
	[tilespmem:s9+$0x3040] =	vst v11;
	v11 =	vsel vm14, v62, v7  }
0x212: {  	[tilespmem:s9+$0x3050] =	vst v11;
	v11 =	vsel vm15, v63, v9  }
0x213: {  	s2 =	simm.s32 $0x2000;
	s0 =	simm.s32 $0x3000;
	[tilespmem:s9+$0x3060] =	vst v11  }
0x214: {  	[spmem:s1] =	stream.indirect.scatter.add.f32 [tilespmem:s2], [sflag:$0x2], $0x1, s0, s18, $0xb8;
	[tilespmem:$0x18008] =	vst v63  }
0x215: {  	_ =	swait.ge [sflag:s20], $0x80  }
0x216: {  	[sflag:s20] =	ssyncset.done $0x0  }
0x217: {  	s16 =	simm.s32 $0x2080;
	s17 =	simm.s32 $0x3080;
	[sflag:s20] =	ssyncadd.s32 $0xFFFFFF80  }
0x218: {  	[spmem:s1] =	stream.indirect.scatter.add.f32 [tilespmem:s16], [sflag:$0x2], $0x1, s17, s18, $0xb8;
	[tilespmem:$0x18008] =	vst v63  }
0x219: {  	_ =	swait.ge [sflag:s20], $0x80  }
0x21a: {  	[sflag:s20] =	ssyncset.done $0x0  }
0x21b: {  	s21 =	simm.s32 $0x2100;
	s22 =	simm.s32 $0x3100;
	[sflag:s20] =	ssyncadd.s32 $0xFFFFFF80  }
0x21c: {  	[spmem:s1] =	stream.indirect.scatter.add.f32 [tilespmem:s21], [sflag:$0x2], $0x1, s22, s18, $0xb8;
	[tilespmem:$0x18008] =	vst v63  }
0x21d: {  	_ =	swait.ge [sflag:s20], $0x80  }
0x21e: {  	[sflag:s20] =	ssyncset.done $0x0  }
0x21f: {  	s23 =	simm.s32 $0x3180;
	[sflag:s20] =	ssyncadd.s32 $0xFFFFFF80  }
0x220: {  	[spmem:s1] =	stream.indirect.scatter.add.f32 [tilespmem:s11], [sflag:$0x2], $0x1, s23, s18, $0xb8;
	[tilespmem:$0x18008] =	vst v63  }
0x221: {  	_ =	swait.ge [sflag:s20], $0x80  }
0x222: {  	[sflag:s20] =	ssyncset.done $0x0  }
0x223: {  	s24 =	simm.s32 $0x2200;
	s25 =	simm.s32 $0x3200;
	[sflag:s20] =	ssyncadd.s32 $0xFFFFFF80  }
0x224: {  	[spmem:s1] =	stream.indirect.scatter.add.f32 [tilespmem:s24], [sflag:$0x2], $0x1, s25, s18, $0xb8;
	[tilespmem:$0x18008] =	vst v63  }
0x225: {  	_ =	swait.ge [sflag:s20], $0x80  }
0x226: {  	[sflag:s20] =	ssyncset.done $0x0  }
0x227: {  	s14 =	simm.s32 $0x2280;
	s26 =	simm.s32 $0x3280;
	[sflag:s20] =	ssyncadd.s32 $0xFFFFFF80  }
0x228: {  	[spmem:s1] =	stream.indirect.scatter.add.f32 [tilespmem:s14], [sflag:$0x2], $0x1, s26, s18, $0xb8;
	[tilespmem:$0x18008] =	vst v63  }
0x229: {  	_ =	swait.ge [sflag:s20], $0x80  }
0x22a: {  	[sflag:s20] =	ssyncset.done $0x0  }
0x22b: {  	s2 =	simm.s32 $0x3300;
	s21 =	simm.s32 $0x2300;
	[sflag:s20] =	ssyncadd.s32 $0xFFFFFF80  }
0x22c: {  	[spmem:s1] =	stream.indirect.scatter.add.f32 [tilespmem:s21], [sflag:$0x2], $0x1, s2, s18, $0xb8;
	[tilespmem:$0x18008] =	vst v63  }
0x22d: {  	_ =	swait.ge [sflag:s20], $0x80  }
0x22e: {  	[sflag:s20] =	ssyncset.done $0x0  }
0x22f: {  	s3 =	simm.s32 $0x3380;
	s23 =	simm.s32 $0x2380;
	[sflag:s20] =	ssyncadd.s32 $0xFFFFFF80  }
0x230: {  	[spmem:s1] =	stream.indirect.scatter.add.f32 [tilespmem:s23], [sflag:$0x2], $0x1, s3, s18, $0xb8;
	[tilespmem:$0x18008] =	vst v63  }
0x231: {  	_ =	swait.ge [sflag:s20], $0x80  }
0x232: {  	[sflag:s20] =	ssyncset.done $0x0  }
0x233: {  	s4 =	simm.s32 $0x3400;
	s24 =	simm.s32 $0x2400;
	[sflag:s20] =	ssyncadd.s32 $0xFFFFFF80  }
0x234: {  	[spmem:s1] =	stream.indirect.scatter.add.f32 [tilespmem:s24], [sflag:$0x2], $0x1, s4, s18, $0xb8;
	[tilespmem:$0x18008] =	vst v63  }
0x235: {  	_ =	swait.ge [sflag:s20], $0x80  }
0x236: {  	[sflag:s20] =	ssyncset.done $0x0  }
0x237: {  	s5 =	simm.s32 $0x3480;
	s25 =	simm.s32 $0x2480;
	[sflag:s20] =	ssyncadd.s32 $0xFFFFFF80  }
0x238: {  	[spmem:s1] =	stream.indirect.scatter.add.f32 [tilespmem:s25], [sflag:$0x2], $0x1, s5, s18, $0xb8;
	[tilespmem:$0x18008] =	vst v63  }
0x239: {  	_ =	swait.ge [sflag:s20], $0x80  }
0x23a: {  	[sflag:s20] =	ssyncset.done $0x0  }
0x23b: {  	s8 =	simm.s32 $0x3500;
	s4 =	simm.s32 $0x2500;
	[sflag:s20] =	ssyncadd.s32 $0xFFFFFF80  }
0x23c: {  	[spmem:s1] =	stream.indirect.scatter.add.f32 [tilespmem:s4], [sflag:$0x2], $0x1, s8, s18, $0xb8;
	[tilespmem:$0x18008] =	vst v63  }
0x23d: {  	_ =	swait.ge [sflag:s20], $0x80  }
0x23e: {  	[sflag:s20] =	ssyncset.done $0x0  }
0x23f: {  	s9 =	simm.s32 $0x3580;
	s26 =	simm.s32 $0x2580;
	[sflag:s20] =	ssyncadd.s32 $0xFFFFFF80  }
0x240: {  	[spmem:s1] =	stream.indirect.scatter.add.f32 [tilespmem:s26], [sflag:$0x2], $0x1, s9, s18, $0xb8;
	[tilespmem:$0x18008] =	vst v63  }
0x241: {  	_ =	swait.ge [sflag:s20], $0x80  }
0x242: {  	[sflag:s20] =	ssyncset.done $0x0  }
0x243: {  	s28 =	simm.s32 $0x2600;
	s10 =	simm.s32 $0x3600;
	[sflag:s20] =	ssyncadd.s32 $0xFFFFFF80  }
0x244: {  	[spmem:s1] =	stream.indirect.scatter.add.f32 [tilespmem:s28], [sflag:$0x2], $0x1, s10, s18, $0xb8;
	[tilespmem:$0x18008] =	vst v63  }
0x245: {  	_ =	swait.ge [sflag:s20], $0x80  }
0x246: {  	[sflag:s20] =	ssyncset.done $0x0  }
0x247: {  	s29 =	simm.s32 $0x2680;
	s11 =	simm.s32 $0x3680;
	[sflag:s20] =	ssyncadd.s32 $0xFFFFFF80  }
0x248: {  	[spmem:s1] =	stream.indirect.scatter.add.f32 [tilespmem:s29], [sflag:$0x2], $0x1, s11, s18, $0xb8;
	[tilespmem:$0x18008] =	vst v63  }
0x249: {  	_ =	swait.ge [sflag:s20], $0x80  }
0x24a: {  	[sflag:s20] =	ssyncset.done $0x0  }
0x24b: {  	s30 =	simm.s32 $0x2700;
	s13 =	simm.s32 $0x3700;
	[sflag:s20] =	ssyncadd.s32 $0xFFFFFF80  }
0x24c: {  	[spmem:s1] =	stream.indirect.scatter.add.f32 [tilespmem:s30], [sflag:$0x2], $0x1, s13, s18, $0xb8;
	[tilespmem:$0x18008] =	vst v63  }
0x24d: {  	_ =	swait.ge [sflag:s20], $0x80  }
0x24e: {  	[sflag:s20] =	ssyncset.done $0x0  }
0x24f: {  	s31 =	simm.s32 $0x2780;
	s15 =	simm.s32 $0x3780;
	[sflag:s20] =	ssyncadd.s32 $0xFFFFFF80  }
0x250: {  	[spmem:s1] =	stream.indirect.scatter.add.f32 [tilespmem:s31], [sflag:$0x2], $0x1, s15, s18, $0xb8;
	[tilespmem:$0x18008] =	vst v63  }
0x251: {  	_ =	swait.ge [sflag:s20], $0x80  }
0x252: {  	[sflag:s20] =	ssyncset.done $0x0  }
0x253: {  	s16 =	simm.s32 $0x3800;
	s5 =	simm.s32 $0x2800;
	[sflag:s20] =	ssyncadd.s32 $0xFFFFFF80  }
0x254: {  	[spmem:s1] =	stream.indirect.scatter.add.f32 [tilespmem:s5], [sflag:$0x2], $0x1, s16, s18, $0xb8;
	[tilespmem:$0x18008] =	vst v63  }
0x255: {  	_ =	swait.ge [sflag:s20], $0x80  }
0x256: {  	[sflag:s20] =	ssyncset.done $0x0  }
0x257: {  	s17 =	simm.s32 $0x3880;
	s15 =	simm.s32 $0x2880;
	[sflag:s20] =	ssyncadd.s32 $0xFFFFFF80  }
0x258: {  	[spmem:s1] =	stream.indirect.scatter.add.f32 [tilespmem:s15], [sflag:$0x2], $0x1, s17, s18, $0xb8;
	[tilespmem:$0x18008] =	vst v63  }
0x259: {  	_ =	swait.ge [sflag:s20], $0x80  }
0x25a: {  	[sflag:s20] =	ssyncset.done $0x0  }
0x25b: {  	s22 =	simm.s32 $0x3900;
	s16 =	simm.s32 $0x2900;
	[sflag:s20] =	ssyncadd.s32 $0xFFFFFF80  }
0x25c: {  	[spmem:s1] =	stream.indirect.scatter.add.f32 [tilespmem:s16], [sflag:$0x2], $0x1, s22, s18, $0xb8;
	[tilespmem:$0x18008] =	vst v63  }
0x25d: {  	_ =	swait.ge [sflag:s20], $0x80  }
0x25e: {  	[sflag:s20] =	ssyncset.done $0x0  }
0x25f: {  	s2 =	simm.s32 $0x3980;
	s17 =	simm.s32 $0x2980;
	[sflag:s20] =	ssyncadd.s32 $0xFFFFFF80  }
0x260: {  	[spmem:s1] =	stream.indirect.scatter.add.f32 [tilespmem:s17], [sflag:$0x2], $0x1, s2, s18, $0xb8;
	[tilespmem:$0x18008] =	vst v63  }
0x261: {  	_ =	swait.ge [sflag:s20], $0x80  }
0x262: {  	[sflag:s20] =	ssyncset.done $0x0  }
0x263: {  	s3 =	simm.s32 $0x3A00;
	s11 =	simm.s32 $0x2A00;
	[sflag:s20] =	ssyncadd.s32 $0xFFFFFF80  }
0x264: {  	[spmem:s1] =	stream.indirect.scatter.add.f32 [tilespmem:s11], [sflag:$0x2], $0x1, s3, s18, $0xb8;
	[tilespmem:$0x18008] =	vst v63  }
0x265: {  	_ =	swait.ge [sflag:s20], $0x80  }
0x266: {  	[sflag:s20] =	ssyncset.done $0x0  }
0x267: {  	s8 =	simm.s32 $0x3A80;
	s22 =	simm.s32 $0x2A80;
	[sflag:s20] =	ssyncadd.s32 $0xFFFFFF80  }
0x268: {  	[spmem:s1] =	stream.indirect.scatter.add.f32 [tilespmem:s22], [sflag:$0x2], $0x1, s8, s18, $0xb8;
	[tilespmem:$0x18008] =	vst v63  }
0x269: {  	_ =	swait.ge [sflag:s20], $0x80  }
0x26a: {  	[sflag:s20] =	ssyncset.done $0x0  }
0x26b: {  	s0 =	simm.s32 $0x2B00;
	s9 =	simm.s32 $0x3B00;
	[sflag:s20] =	ssyncadd.s32 $0xFFFFFF80  }
0x26c: {  	[spmem:s1] =	stream.indirect.scatter.add.f32 [tilespmem:s0], [sflag:$0x2], $0x1, s9, s18, $0xb8;
	[tilespmem:$0x18008] =	vst v63  }
0x26d: {  	_ =	swait.ge [sflag:s20], $0x80  }
0x26e: {  	[sflag:s20] =	ssyncset.done $0x0  }
0x26f: {  	s10 =	simm.s32 $0x3B80;
	s3 =	simm.s32 $0x2B80;
	[sflag:s20] =	ssyncadd.s32 $0xFFFFFF80  }
0x270: {  	[spmem:s1] =	stream.indirect.scatter.add.f32 [tilespmem:s3], [sflag:$0x2], $0x1, s10, s18, $0xb8;
	[tilespmem:$0x18008] =	vst v63  }
0x271: {  	_ =	swait.ge [sflag:s20], $0x80  }
0x272: {  	[sflag:s20] =	ssyncset.done $0x0  }
0x273: {  	s13 =	simm.s32 $0x3C00;
	s9 =	simm.s32 $0x2C00;
	[sflag:s20] =	ssyncadd.s32 $0xFFFFFF80  }
0x274: {  	[spmem:s1] =	stream.indirect.scatter.add.f32 [tilespmem:s9], [sflag:$0x2], $0x1, s13, s18, $0xb8;
	[tilespmem:$0x18008] =	vst v63  }
0x275: {  	_ =	swait.ge [sflag:s20], $0x80  }
0x276: {  	[sflag:s20] =	ssyncset.done $0x0  }
0x277: {  	s8 =	simm.s32 $0x3C80;
	s10 =	simm.s32 $0x2C80;
	[sflag:s20] =	ssyncadd.s32 $0xFFFFFF80  }
0x278: {  	[spmem:s1] =	stream.indirect.scatter.add.f32 [tilespmem:s10], [sflag:$0x2], $0x1, s8, s18, $0xb8;
	[tilespmem:$0x18008] =	vst v63  }
0x279: {  	_ =	swait.ge [sflag:s20], $0x80  }
0x27a: {  	[sflag:s20] =	ssyncset.done $0x0  }
0x27b: {  	s2 =	simm.s32 $0x2D00;
	s13 =	simm.s32 $0x3D00;
	[sflag:s20] =	ssyncadd.s32 $0xFFFFFF80  }
0x27c: {  	[spmem:s1] =	stream.indirect.scatter.add.f32 [tilespmem:s2], [sflag:$0x2], $0x1, s13, s18, $0xb8;
	[tilespmem:$0x18008] =	vst v63  }
0x27d: {  	_ =	swait.ge [sflag:s20], $0x80  }
0x27e: {  	[sflag:s20] =	ssyncset.done $0x0  }
0x27f: {  	s13 =	simm.s32 $0x3D80;
	[sflag:s20] =	ssyncadd.s32 $0xFFFFFF80  }
0x280: {  	[spmem:s1] =	stream.indirect.scatter.add.f32 [tilespmem:s12], [sflag:$0x2], $0x1, s13, s18, $0xb8;
	[tilespmem:$0x18008] =	vst v63  }
0x281: {  	_ =	swait.ge [sflag:s20], $0x80  }
0x282: {  	[sflag:s20] =	ssyncset.done $0x0  }
0x283: {  	s13 =	simm.s32 $0x2E00;
	s12 =	simm.s32 $0x3E00;
	[sflag:s20] =	ssyncadd.s32 $0xFFFFFF80  }
0x284: {  	[spmem:s1] =	stream.indirect.scatter.add.f32 [tilespmem:s13], [sflag:$0x2], $0x1, s12, s18, $0xb8;
	[tilespmem:$0x18008] =	vst v63  }
0x285: {  	_ =	swait.ge [sflag:s20], $0x80  }
0x286: {  	[sflag:s20] =	ssyncset.done $0x0  }
0x287: {  	s8 =	simm.s32 $0x2E80;
	s12 =	simm.s32 $0x3E80;
	[sflag:s20] =	ssyncadd.s32 $0xFFFFFF80  }
0x288: {  	[spmem:s1] =	stream.indirect.scatter.add.f32 [tilespmem:s8], [sflag:$0x2], $0x1, s12, s18, $0xb8;
	[tilespmem:$0x18008] =	vst v63  }
0x289: {  	_ =	swait.ge [sflag:s20], $0x80  }
0x28a: {  	[sflag:s20] =	ssyncset.done $0x0  }
0x28b: {  	s8 =	simm.s32 $0x2F00;
	s12 =	simm.s32 $0x3F00;
	[sflag:s20] =	ssyncadd.s32 $0xFFFFFF80  }
0x28c: {  	[spmem:s1] =	stream.indirect.scatter.add.f32 [tilespmem:s8], [sflag:$0x2], $0x1, s12, s18, $0xb8;
	[tilespmem:$0x18008] =	vst v63  }
0x28d: {  	_ =	swait.ge [sflag:s20], $0x80  }
0x28e: {  	[sflag:s20] =	ssyncset.done $0x0  }
0x28f: {  	s8 =	simm.s32 $0x2F80;
	s12 =	simm.s32 $0x3F80;
	[sflag:s20] =	ssyncadd.s32 $0xFFFFFF80  }
0x290: {  	[spmem:s1] =	stream.indirect.scatter.add.f32 [tilespmem:s8], [sflag:$0x2], $0x1, s12, s18, $0xb8;
	[tilespmem:$0x18008] =	vst v63  }
0x291: {  	_ =	swait.ge [sflag:s20], $0x80  }
0x292: {  	[sflag:s20] =	ssyncset.done $0x0  }
0x293: {  	[sflag:s20] =	ssyncadd.s32 $0xFFFFFF80  }
0x294: {  	[bflag:$0x0] =	sbarrier.arrive $0xFFFF  }
0x295: {  	s12 =	rddreg [dreg:$0x14]  }
0x296: {  	[hbm:s12], [sflag:s6] =	dma.local [spmem:s7], $0x2000  }
0x297: {  	_ =	swait.ge [sflag:s20], $0x2000  }
0x298: {  	s8 =	sld [smem:$0x7EF];
	_ =	sdelay $0x2  }
0x299: {  	s12 =	rddreg [dreg:$0x16];
	s7 =	sadd.s32 $0x1, s8  }
0x29a: {  	p0 =	sne.s32 s7, s12  }
.Ltmp3:
0x29b: {  	_ = 	snop;
	(pc) =	sbr.rel @p0 .LBB2_1-.Ltmp3, $3  }
0x29c: {  	[sflag:s20] =	ssyncset.done $0x0  }
0x29d: {  	[sflag:s20] =	ssyncadd.s32 $0xFFFFE000  }
0x29e: {  	[bflag:$0x0] =	sbarrier.arrive $0xFFFF;
	_ =	sdelay $0x1  }
0x29f: {  	_ =	sfence.sel $0x180000  }
0x2a0: {  	[bflag:$0x0] =	sbarrier.arrive $0xFFFF  }
0x2a1: {  	_ =	strace $0x90000047  }
0x2a2: {  	s0 =	stileid.u32;
	[bflag:$0x2] =	sbarrier.arrive $0xFFFF  }
0x2a3: {  	p0 =	sne.s32 s0, $0x0;
	s0 =	rddreg [dreg:$0x4]  }
0x2a4: {  	s0 =	sadd.s32 @!p0 $0x100000, s0  }
0x2a5: {  	[sflag:s0] =	ssyncadd.tile.s32 @!p0 $0x1;
	_ =	shalt  }
.Lfunc_end2:
_tile_overlayer_lowered:
.L_overlay_start_2:
0x2a6: {  	(tag) =	ssettag $0x2  }
0x2a7: {  	s0 =	rddreg [dreg:$0x0];
	s2 =	stileid.u32  }
0x2a8: {  	s1 =	rddreg [dreg:$0x1];
	p0 =	sne.s32 s2, $0x0  }
0x2a9: {  	s3 =	rddreg [dreg:$0x2];
	[bflag:$0x3] =	sbarrier.arrive $0xFFFF;
	s2 =	simm.s32 @!p0 $0x1C02  }
0x2aa: {  	[timem:s3], [sflag:s2] =	dma.local @!p0 [hbm:s0], s1  }
0x2ab: {  	s0 =	simm.s32 @!p0 $0x2  }
0x2ac: {  	_ =	swait.ge @!p0 [sflag:s0], s1  }
0x2ad: {  	s1 =	ssub.s32 @!p0 $0x0, s1;
	[sflag:s0] =	ssyncset.done @!p0 $0x0  }
0x2ae: {  	[sflag:s0] =	ssyncadd.s32 @!p0 s1  }
0x2af: {  	[bflag:$0x3] =	sbarrier.arrive $0xFFFF  }
0x2b0: {  	_ =	shalt  }

</sc_bundles>
